<compile_context>
chip_gen: v7x
topology: tpu7x:2x2x1
jax: 0.10.2.dev20260603
libtpu: 0.0.44.dev20260713+nightly
codegen_flags: <defaults>
</compile_context>

<pallas_src>
import functools

import jax
import jax.numpy as jnp
from jax import lax
from jax.experimental import pallas as pl
from jax.experimental.pallas import tpu as pltpu
from jax.experimental.pallas import tpu_sc as plsc

N = 50000
NP = 50176
E = 800000
EP = 802816
NBLK = 1024
GRID = NP // NBLK
RPT = NP // 16
B = 128
KI = 2

_mesh = plsc.VectorSubcoreMesh(core_axis_name="c", subcore_axis_name="s")


def _make_sc_agg(C, D, gather, ki):
    partial = C == 1
    cpc = 1 if partial else C // 2
    ne_tile = EP // 32 if partial else EP // 16
    outer = ne_tile // (ki * B)
    S = 128 // D

    def body(*refs):
        if gather:
            (epk2, g_h, out_h, agg, src_i, dst_i, gbuf,
             sem, ssem) = refs
        else:
            epk2, out_h, agg, src_i, dst_i, gbuf, sem, ssem = refs
        cid = lax.axis_index("c")
        sid = lax.axis_index("s")
        row0 = sid * RPT
        nz_full, nz_rem = divmod(RPT, ki * B)

        def fill_gbuf0(val16):
            def fbody(i, _):
                rr = i // (D // 16)
                cc = i % (D // 16)
                gbuf[0, rr, pl.ds(cc * 16, 16)] = val16
                return 0

            lax.fori_loop(0, ki * B * (D // 16), fbody, 0)

        for r in range(cpc):
            chunk = cid * cpc + r
            if partial:
                er0 = (cid * 16 + sid) * (ne_tile // B)
            else:
                er0 = sid * (ne_tile // B)

            fill_gbuf0(jnp.zeros((16,), jnp.float32))
            for z in range(nz_full):
                pltpu.sync_copy(
                    gbuf.at[0],
                    agg.at[pl.ds(row0 + z * ki * B, ki * B), :])
            if nz_rem:
                pltpu.sync_copy(
                    gbuf.at[0, pl.ds(0, nz_rem), :],
                    agg.at[pl.ds(row0 + nz_full * ki * B, nz_rem), :])
            if not gather:
                fill_gbuf0(jnp.ones((16,), jnp.float32))
            plsc.subcore_barrier()

            if gather:

                def fire_gathers(o, p):
                    eb = er0 + o * ki
                    pltpu.sync_copy(epk2.at[pl.ds(eb, ki), :],
                                    src_i.at[p])

                    gchunk = 0 if partial else chunk

                    def adj(k, _):
                        j = k // (B // 16)
                        kk = k % (B // 16)
                        pk = src_i[p, j, pl.ds(kk * 16, 16)]
                        dst_i[p, j, pl.ds(kk * 16, 16)] = (pk >> 16) & 0xFFFF
                        src_i[p, j, pl.ds(kk * 16, 16)] = (
                            (pk & 0xFFFF) * S + gchunk)
                        return 0

                    lax.fori_loop(0, ki * (B // 16), adj, 0)
                    for j in range(ki):
                        pltpu.async_copy(
                            g_h.at[src_i.at[p, j]],
                            gbuf.at[p, pl.ds(j * B, B), :],
                            sem,
                        )

                def wait_gathers(p):
                    pltpu.make_async_copy(
                        g_h.at[pl.ds(0, ki * B), :], gbuf.at[p], sem).wait()

                def fire_scatters(o, p):
                    for j in range(ki):
                        pltpu.async_copy(
                            gbuf.at[p, pl.ds(j * B, B), :],
                            agg.at[dst_i.at[p, j]],
                            ssem,
                            add=True,
                        )

                def wait_scatters(p):
                    pltpu.make_async_copy(
                        g_h.at[pl.ds(0, ki * B), :], gbuf.at[p], ssem).wait()

                fire_gathers(0, 0)

                def outer_body(o, _):
                    p = lax.rem(o, 2)

                    @pl.when(o >= 1)
                    def _():
                        wait_scatters(1 - p)

                    @pl.when(o + 1 < outer)
                    def _():
                        fire_gathers(o + 1, 1 - p)

                    wait_gathers(p)
                    fire_scatters(o, p)
                    return 0

                lax.fori_loop(0, outer, outer_body, 0)
                wait_scatters(lax.rem(outer - 1, 2))
            else:
                def load_dst(o, p):
                    eb = er0 + o * ki
                    pltpu.sync_copy(epk2.at[pl.ds(eb, ki), :], dst_i.at[p])

                    def adj(k, _):
                        j = k // (B // 16)
                        kk = k % (B // 16)
                        pk = dst_i[p, j, pl.ds(kk * 16, 16)]
                        dst_i[p, j, pl.ds(kk * 16, 16)] = (pk >> 16) & 0xFFFF
                        return 0

                    lax.fori_loop(0, ki * (B // 16), adj, 0)

                def drain_scatters():
                    pltpu.make_async_copy(
                        out_h.at[pl.ds(0, ki * B), pl.ds(0, D)],
                        gbuf.at[0], ssem).wait()

                load_dst(0, 0)

                def outer_body(o, _):
                    p = lax.rem(o, 2)
                    for j in range(ki):
                        pltpu.async_copy(
                            gbuf.at[0, pl.ds(j * B, B), :],
                            agg.at[dst_i.at[p, j]],
                            ssem,
                            add=True,
                        )

                    @pl.when(o >= 1)
                    def _():
                        drain_scatters()

                    @pl.when(o + 1 < outer)
                    def _():
                        load_dst(o + 1, 1 - p)
                    return 0

                lax.fori_loop(0, outer, outer_body, 0)
                drain_scatters()
            plsc.subcore_barrier()

            out_col = ((cid if partial else chunk)) * D
            pltpu.sync_copy(
                agg.at[pl.ds(row0, RPT), :],
                out_h.at[pl.ds(row0, RPT), pl.ds(out_col, D)],
            )

    return functools.partial(
        pl.kernel,
        out_type=jax.ShapeDtypeStruct((NP, 128), jnp.float32),
        mesh=_mesh,
        scratch_types=[
            pltpu.VMEM_SHARED((NP, D), jnp.float32),
            pltpu.VMEM((2, ki, B), jnp.int32),
            pltpu.VMEM((2, ki, B), jnp.int32),
            pltpu.VMEM((2, ki * B, D), jnp.float32),
            pltpu.SemaphoreType.DMA,
            pltpu.SemaphoreType.DMA,
        ],
        compiler_params=pltpu.CompilerParams(use_tc_tiling_on_sc=False),
    )(body)


_sc_deg = _make_sc_agg(1, 16, gather=False, ki=7)
_sc_agg1 = _make_sc_agg(1, 16, gather=True, ki=7)
_sc_agg2 = _make_sc_agg(2, 32, gather=True, ki=2)
_sc_agg4 = _make_sc_agg(4, 32, gather=True, ki=2)


def _tc_prep(degf, x_pad):

    def body(degf_ref, x_ref, out_ref):
        deg = degf_ref[:, 0:1] + degf_ref[:, 16:17] + 1.0
        dv = lax.rsqrt(deg)
        g0 = dv * x_ref[...]
        out_ref[...] = jnp.concatenate(
            [g0, jnp.broadcast_to(dv, (NBLK, 112))], axis=1)

    return pl.pallas_call(
        body,
        grid=(GRID,),
        in_specs=[
            pl.BlockSpec((NBLK, 128), lambda n: (n, 0)),
            pl.BlockSpec((NBLK, 16), lambda n: (n, 0)),
        ],
        out_specs=pl.BlockSpec((NBLK, 128), lambda n: (n, 0)),
        out_shape=jax.ShapeDtypeStruct((NP, 128), jnp.float32),
    )(degf, x_pad)


def _tc_layer1(aggf, f0, w, b):

    def body(agg_ref, f0_ref, w_ref, b_ref, out_ref):
        dv = f0_ref[:, 16:17]
        p = dv * (agg_ref[:, 0:16] + agg_ref[:, 16:32] + f0_ref[:, 0:16])
        h = jnp.dot(p, w_ref[...], preferred_element_type=jnp.float32)
        h = jnp.maximum(h + b_ref[...], 0.0)
        g = dv * h
        out_ref[...] = jnp.concatenate(
            [g, jnp.broadcast_to(dv, (NBLK, 64))], axis=1)

    return pl.pallas_call(
        body,
        grid=(GRID,),
        in_specs=[
            pl.BlockSpec((NBLK, 128), lambda n: (n, 0)),
            pl.BlockSpec((NBLK, 128), lambda n: (n, 0)),
            pl.BlockSpec((16, 64), lambda n: (0, 0)),
            pl.BlockSpec((1, 64), lambda n: (0, 0)),
        ],
        out_specs=pl.BlockSpec((NBLK, 128), lambda n: (n, 0)),
        out_shape=jax.ShapeDtypeStruct((NP, 128), jnp.float32),
    )(aggf, f0, w, b)


def _tc_layer2(aggf, f1, w, b):

    def body(agg_ref, f1_ref, w_ref, b_ref, out_ref):
        dv = f1_ref[:, 64:65]
        p = dv * (agg_ref[:, 0:64] + f1_ref[:, 0:64])
        h = jnp.dot(p, w_ref[...], preferred_element_type=jnp.float32)
        h = jnp.maximum(h + b_ref[...], 0.0)
        out_ref[...] = dv * h

    return pl.pallas_call(
        body,
        grid=(GRID,),
        in_specs=[
            pl.BlockSpec((NBLK, 128), lambda n: (n, 0)),
            pl.BlockSpec((NBLK, 128), lambda n: (n, 0)),
            pl.BlockSpec((64, 128), lambda n: (0, 0)),
            pl.BlockSpec((1, 128), lambda n: (0, 0)),
        ],
        out_specs=pl.BlockSpec((NBLK, 128), lambda n: (n, 0)),
        out_shape=jax.ShapeDtypeStruct((NP, 128), jnp.float32),
    )(aggf, f1, w, b)


def _tc_layer3_head(f1, aggf, f2, w3, b3, fw1, fb1, fw2, fb2):

    def body(f1_ref, agg_ref, f2_ref, w3_ref, b3_ref, fw1_ref, fb1_ref,
             fw2_ref, fb2_ref, out_ref):
        dv = f1_ref[:, 64:65]
        p = dv * (agg_ref[...] + f2_ref[...])
        h = jnp.dot(p, w3_ref[...], preferred_element_type=jnp.float32)
        h = jnp.maximum(h + b3_ref[...], 0.0)
        z = jnp.dot(h, fw1_ref[...], preferred_element_type=jnp.float32)
        z = jnp.maximum(z + fb1_ref[...], 0.0)
        o = jnp.dot(z, fw2_ref[...], preferred_element_type=jnp.float32)
        out_ref[...] = o + fb2_ref[...]

    return pl.pallas_call(
        body,
        grid=(GRID,),
        in_specs=[
            pl.BlockSpec((NBLK, 128), lambda n: (n, 0)),
            pl.BlockSpec((NBLK, 128), lambda n: (n, 0)),
            pl.BlockSpec((NBLK, 128), lambda n: (n, 0)),
            pl.BlockSpec((128, 128), lambda n: (0, 0)),
            pl.BlockSpec((1, 128), lambda n: (0, 0)),
            pl.BlockSpec((128, 64), lambda n: (0, 0)),
            pl.BlockSpec((1, 64), lambda n: (0, 0)),
            pl.BlockSpec((64, 8), lambda n: (0, 0)),
            pl.BlockSpec((1, 8), lambda n: (0, 0)),
        ],
        out_specs=pl.BlockSpec((NBLK, 8), lambda n: (n, 0)),
        out_shape=jax.ShapeDtypeStruct((NP, 8), jnp.float32),
    )(f1, aggf, f2, w3, b3, fw1, fb1, fw2, fb2)


def kernel(x, edge_index, W1, b1, W2, b2, W3, b3, fW1, fb1, fW2, fb2):
    epk = (edge_index[1] << 16) | edge_index[0]
    fill = jnp.full((EP - E,), ((NP - 1) << 16) | (NP - 1), jnp.int32)
    epk2 = jnp.concatenate([epk, fill]).reshape(EP // B, B)
    x_pad = jnp.zeros((NP, 16), jnp.float32).at[:N, :3].set(x)
    w1p = jnp.zeros((16, 64), jnp.float32).at[:3].set(W1)
    fw2p = jnp.zeros((64, 8), jnp.float32).at[:, :2].set(fW2)
    fb2p = jnp.zeros((8,), jnp.float32).at[:2].set(fb2)

    degf = _sc_deg(epk2)
    f0 = _tc_prep(degf, x_pad)

    agg0 = _sc_agg1(epk2, f0.reshape(NP * 8, 16))
    f1 = _tc_layer1(agg0, f0, w1p, b1.reshape(1, 64))

    agg1 = _sc_agg2(epk2, f1.reshape(NP * 4, 32))
    f2 = _tc_layer2(agg1, f1, W2, b2.reshape(1, 128))

    agg2 = _sc_agg4(epk2, f2.reshape(NP * 4, 32))
    outp = _tc_layer3_head(f1, agg2, f2,
                           W3, b3.reshape(1, 128),
                           fW1, fb1.reshape(1, 64),
                           fw2p, fb2p.reshape(1, 8))
    return outp[:N, :2]

# --- scband reference (transcript-rebuilt; emitter-appended) ---
"""Pipeline reference for scband-gnnmodel-32890859553002 (READ-ONLY COPY).

The authoritative reference and input builder live on the scoring server;
editing this copy changes nothing except your own understanding.
"""

import jax, jax.numpy as jnp
import numpy as np

N_NODES = 50000
N_EDGES = 800000


def gcn_conv(x, edge_index, W, b, n_nodes):
    src = edge_index[0]
    dst = edge_index[1]
    loop = jnp.arange(n_nodes, dtype=src.dtype)
    src = jnp.concatenate([src, loop])
    dst = jnp.concatenate([dst, loop])
    h = x @ W
    deg = jax.ops.segment_sum(jnp.ones_like(dst, dtype=h.dtype), dst, num_segments=n_nodes)
    dinv = jnp.where(deg > 0, jax.lax.rsqrt(jnp.maximum(deg, 1e-12)), 0.0)
    norm = dinv[src] * dinv[dst]
    msg = h[src] * norm[:, None]
    out = jax.ops.segment_sum(msg, dst, num_segments=n_nodes)
    return out + b


def setup_inputs(seed: int = 0) -> dict:
    key = jax.random.key(seed)
    ks = jax.random.split(key, 12)

    def glorot(k, fan_in, fan_out):
        s = jnp.sqrt(6.0 / (fan_in + fan_out))
        return jax.random.uniform(k, (fan_in, fan_out), dtype=jnp.float32, minval=-s, maxval=s)

    x = jax.random.normal(ks[0], (N_NODES, 3), dtype=jnp.float32)
    edge_index = jax.random.randint(ks[1], (2, N_EDGES), 0, N_NODES, dtype=jnp.int32)
    return {
        "x": x,
        "edge_index": edge_index,
        "W1": glorot(ks[2], 3, 64),
        "b1": jnp.zeros((64,), dtype=jnp.float32),
        "W2": glorot(ks[3], 64, 128),
        "b2": jnp.zeros((128,), dtype=jnp.float32),
        "W3": glorot(ks[4], 128, 128),
        "b3": jnp.zeros((128,), dtype=jnp.float32),
        "fW1": glorot(ks[5], 128, 64),
        "fb1": jnp.zeros((64,), dtype=jnp.float32),
        "fW2": glorot(ks[6], 64, 2),
        "fb2": jnp.zeros((2,), dtype=jnp.float32),
    }


def reference(x, edge_index, W1, b1, W2, b2, W3, b3, fW1, fb1, fW2, fb2):
    # Dropout layers are identity at inference (eval mode).
    n = x.shape[0]
    h = jax.nn.relu(gcn_conv(x, edge_index, W1, b1, n))
    h = jax.nn.relu(gcn_conv(h, edge_index, W2, b2, n))
    h = jax.nn.relu(gcn_conv(h, edge_index, W3, b3, n))
    h = jax.nn.relu(h @ fW1 + fb1)
    out = h @ fW2 + fb2
    return out

if __name__ == "__main__":
    import jax
    _d = setup_inputs()
    print(jax.jit(kernel)(*tuple(_d.values())))

</pallas_src>

<mosaic_0001>
#map = affine_map<(d0, d1) -> (0, 0)>
module attributes {stable_mosaic.version = 14 : i64} {
  func.func @body(%arg0: i32, %arg1: i32, %arg2: memref<6272x128xi32, #tpu.memory_space<hbm>>, %arg3: memref<200704x32xf32, #tpu.memory_space<hbm>>, %arg4: memref<50176x128xf32, #tpu.memory_space<hbm>>, %arg5: memref<50176x32xf32, #tpu.memory_space<vmem_shared>>, %arg6: memref<2x2x128xi32, #tpu.memory_space<vmem>>, %arg7: memref<2x2x128xi32, #tpu.memory_space<vmem>>, %arg8: memref<2x256x32xf32, #tpu.memory_space<vmem>>, %arg9: memref<!tpu.dma_semaphore, #tpu.memory_space<semaphore_mem>>, %arg10: memref<!tpu.dma_semaphore, #tpu.memory_space<semaphore_mem>>) attributes {dimension_semantics = [#tpu.dimension_semantics<core_parallel>, #tpu.dimension_semantics<subcore_parallel>], iteration_bounds = array<i64: 2, 16>, scalar_prefetch = 0 : i64, scratch_operands = 6 : i64, tpu.core_type = #tpu.core_type<sc_vector_subcore>, window_params = [{transform_indices = #map}, {transform_indices = #map}, {transform_indices = #map}]} {
    %mul3A = arith.constant 3136 : i32
    %mul3A_0 = arith.muli %arg1, %mul3A : i32
    %mul3A_1 = arith.constant 2 : i32
    %mul3A_2 = arith.muli %arg0, %mul3A_1 : i32
    %add3A = arith.constant 0 : i32
    %add3A_3 = arith.addi %mul3A_2, %add3A : i32
    %mul3A_4 = arith.constant 392 : i32
    %mul3A_5 = arith.muli %arg1, %mul3A_4 : i32
    %broadcast_in_dim3A = arith.constant 0.000000e+00 : f32
    %broadcast_in_dim3A_6 = vector.broadcast %broadcast_in_dim3A : f32 to vector<16xf32>
    %scan3A = arith.constant 0 : i32
    %scan3A_7 = arith.constant 0 : i32
    %scan3A_8 = arith.constant 512 : i32
    %scan3A_9 = arith.addi %scan3A_7, %scan3A_8 : i32
    %scan3A_10 = arith.constant 1 : i32
    %scan3A_11 = scf.for %scan3A_229 = %scan3A_7 to %scan3A_9 step %scan3A_10 iter_args(%scan3A_230 = %scan3A) -> (i32)  : i32 {
      %jit3A = arith.constant 2 : i32
      %div3A = arith.divsi %scan3A_229, %jit3A : i32
      %sign3A = arith.constant 0 : i32
      %sign3A_231 = arith.cmpi sgt, %scan3A_229, %sign3A : i32
      %sign3A_232 = arith.extui %sign3A_231 : i1 to i32
      %sign3A_233 = arith.constant 0 : i32
      %sign3A_234 = arith.cmpi slt, %scan3A_229, %sign3A_233 : i32
      %sign3A_235 = arith.extui %sign3A_234 : i1 to i32
      %sign3A_236 = arith.subi %sign3A_232, %sign3A_235 : i32
      %sign3A_237 = arith.constant 0 : i32
      %sign3A_238 = arith.cmpi sgt, %jit3A, %sign3A_237 : i32
      %sign3A_239 = arith.extui %sign3A_238 : i1 to i32
      %sign3A_240 = arith.constant 0 : i32
      %sign3A_241 = arith.cmpi slt, %jit3A, %sign3A_240 : i32
      %sign3A_242 = arith.extui %sign3A_241 : i1 to i32
      %sign3A_243 = arith.subi %sign3A_239, %sign3A_242 : i32
      %ne3A = arith.cmpi ne, %sign3A_236, %sign3A_243 : i32
      %rem3A_244 = arith.remsi %scan3A_229, %jit3A : i32
      %ne3A_245 = arith.constant 0 : i32
      %ne3A_246 = arith.cmpi ne, %rem3A_244, %ne3A_245 : i32
      %and3A = arith.andi %ne3A, %ne3A_246 : i1
      %sub3A = arith.constant 1 : i32
      %sub3A_247 = arith.subi %div3A, %sub3A : i32
      %select_n3A = arith.select %and3A, %sub3A_247, %div3A : i32
      %jit3A_248 = arith.constant 2 : i32
      %eq3A = arith.constant 0 : i32
      %eq3A_249 = arith.cmpi eq, %jit3A_248, %eq3A : i32
      %jit3A_250 = arith.constant 1 : i32
      %select_n3A_251 = arith.select %eq3A_249, %jit3A_250, %jit3A_248 : i32
      %rem3A_252 = arith.remsi %scan3A_229, %select_n3A_251 : i32
      %ne3A_253 = arith.constant 0 : i32
      %ne3A_254 = arith.cmpi ne, %rem3A_252, %ne3A_253 : i32
      %lt3A = arith.constant 0 : i32
      %lt3A_255 = arith.cmpi slt, %rem3A_252, %lt3A : i32
      %lt3A_256 = arith.constant 0 : i32
      %lt3A_257 = arith.cmpi slt, %select_n3A_251, %lt3A_256 : i32
      %ne3A_258 = arith.xori %lt3A_255, %lt3A_257 : i1
      %and3A_259 = arith.andi %ne3A_258, %ne3A_254 : i1
      %add3A_260 = arith.addi %rem3A_252, %select_n3A_251 : i32
      %select_n3A_261 = arith.select %and3A_259, %add3A_260, %rem3A_252 : i32
      %mul3A_262 = arith.constant 16 : i32
      %mul3A_263 = arith.muli %select_n3A_261, %mul3A_262 : i32
      %swap3A = arith.constant 0 : i32
      %swap3A_264 = arith.index_cast %swap3A : i32 to index
      %swap3A_265 = arith.index_cast %select_n3A : i32 to index
      %swap3A_266 = arith.index_cast %mul3A_263 : i32 to index
      %swap3A_267 = tpu.vector_load %arg8[%swap3A_264, %swap3A_265, %swap3A_266] {strides = array<i32>} : memref<2x256x32xf32, #tpu.memory_space<vmem>>, vector<1x1x16xf32>,
      %swap3A_268 = vector.shape_cast %swap3A_267 : vector<1x1x16xf32> to vector<16xf32>
      %swap3A_269 = vector.shape_cast %broadcast_in_dim3A_6 : vector<16xf32> to vector<1x1x16xf32>
      tpu.vector_store %arg8[%swap3A_264, %swap3A_265, %swap3A_266], %swap3A_269 {strides = array<i32>} : memref<2x256x32xf32, #tpu.memory_space<vmem>>, vector<1x1x16xf32>,
      %scan3A_270 = arith.constant 0 : i32
      scf.yield %scan3A_270 : i32
    }
    %scan3A_12 = arith.constant 512 : i32
    %add3A_13 = arith.constant 0 : i32
    %add3A_14 = arith.addi %mul3A_0, %add3A_13 : i32
    %run_scoped3A = arith.constant 0 : i32
    "tpu.region"() ({
      %run_scoped3A_229 = tpu.sem_alloc : memref<!tpu.dma_semaphore, #tpu.memory_space<semaphore_mem>>
      %dma_start3A_230 = arith.constant 0 : i32
      %dma_start3A_231 = arith.constant 0 : i32
      %dma_start3A_232 = tpu.memref_slice %arg8[%run_scoped3A, %dma_start3A_230, %dma_start3A_231] : memref<2x256x32xf32, #tpu.memory_space<vmem>> -> memref<1x256x32xf32, #tpu.memory_space<vmem>>
      %dma_start3A_233 = tpu.memref_squeeze %dma_start3A_232 : memref<1x256x32xf32, #tpu.memory_space<vmem>> -> memref<256x32xf32, #tpu.memory_space<vmem>>
      %dma_start3A_234 = arith.constant 0 : i32
      %dma_start3A_235 = tpu.memref_slice %arg5[%add3A_14, %dma_start3A_234] : memref<50176x32xf32, #tpu.memory_space<vmem_shared>> -> memref<256x32xf32, #tpu.memory_space<vmem_shared>>
      %dma_start3A_236 = arith.constant 0 : i32
      %dma_start3A_237 = tpu.memref_slice %arg5[%add3A_14, %dma_start3A_236] : memref<50176x32xf32, #tpu.memory_space<vmem_shared>> -> memref<256x32xf32, #tpu.memory_space<vmem_shared>>
      %dma_start3A_238 = arith.constant 0 : i32
      %dma_start3A_239 = arith.constant 0 : i32
      %dma_start3A_240 = tpu.memref_slice %arg8[%run_scoped3A, %dma_start3A_238, %dma_start3A_239] : memref<2x256x32xf32, #tpu.memory_space<vmem>> -> memref<1x256x32xf32, #tpu.memory_space<vmem>>
      %dma_start3A_241 = tpu.memref_squeeze %dma_start3A_240 : memref<1x256x32xf32, #tpu.memory_space<vmem>> -> memref<256x32xf32, #tpu.memory_space<vmem>>
      tpu.enqueue_dma source(%dma_start3A_241 : memref<256x32xf32, #tpu.memory_space<vmem>>) target(%dma_start3A_237 : memref<256x32xf32, #tpu.memory_space<vmem_shared>>) target_semaphore(%run_scoped3A_229 : memref<!tpu.dma_semaphore, #tpu.memory_space<semaphore_mem>>)
      %dma_wait3A_242 = arith.constant 0 : i32
      %dma_wait3A_243 = arith.constant 0 : i32
      %dma_wait3A_244 = tpu.memref_slice %arg8[%run_scoped3A, %dma_wait3A_242, %dma_wait3A_243] : memref<2x256x32xf32, #tpu.memory_space<vmem>> -> memref<1x256x32xf32, #tpu.memory_space<vmem>>
      %dma_wait3A_245 = tpu.memref_squeeze %dma_wait3A_244 : memref<1x256x32xf32, #tpu.memory_space<vmem>> -> memref<256x32xf32, #tpu.memory_space<vmem>>
      %dma_wait3A_246 = arith.constant 0 : i32
      %dma_wait3A_247 = tpu.memref_slice %arg5[%add3A_14, %dma_wait3A_246] : memref<50176x32xf32, #tpu.memory_space<vmem_shared>> -> memref<256x32xf32, #tpu.memory_space<vmem_shared>>
      %dma_wait3A_248 = arith.constant 0 : i32
      %dma_wait3A_249 = tpu.memref_slice %arg5[%add3A_14, %dma_wait3A_248] : memref<50176x32xf32, #tpu.memory_space<vmem_shared>> -> memref<256x32xf32, #tpu.memory_space<vmem_shared>>
      %dma_wait3A_250 = arith.constant 0 : i32
      %dma_wait3A_251 = arith.constant 0 : i32
      %dma_wait3A_252 = tpu.memref_slice %arg8[%run_scoped3A, %dma_wait3A_250, %dma_wait3A_251] : memref<2x256x32xf32, #tpu.memory_space<vmem>> -> memref<1x256x32xf32, #tpu.memory_space<vmem>>
      %dma_wait3A_253 = tpu.memref_squeeze %dma_wait3A_252 : memref<1x256x32xf32, #tpu.memory_space<vmem>> -> memref<256x32xf32, #tpu.memory_space<vmem>>
      tpu.wait_dma2 semaphore(%run_scoped3A_229 : memref<!tpu.dma_semaphore, #tpu.memory_space<semaphore_mem>>) src(%dma_wait3A_253 : memref<256x32xf32, #tpu.memory_space<vmem>>) dst(%dma_wait3A_249 : memref<256x32xf32, #tpu.memory_space<vmem_shared>>)
      tpu.yield
    }) : () -> ()
    %add3A_15 = arith.constant 256 : i32
    %add3A_16 = arith.addi %mul3A_0, %add3A_15 : i32
    %run_scoped3A_17 = arith.constant 0 : i32
    "tpu.region"() ({
      %run_scoped3A_229 = tpu.sem_alloc : memref<!tpu.dma_semaphore, #tpu.memory_space<semaphore_mem>>
      %dma_start3A_230 = arith.constant 0 : i32
      %dma_start3A_231 = arith.constant 0 : i32
      %dma_start3A_232 = tpu.memref_slice %arg8[%run_scoped3A_17, %dma_start3A_230, %dma_start3A_231] : memref<2x256x32xf32, #tpu.memory_space<vmem>> -> memref<1x256x32xf32, #tpu.memory_space<vmem>>
      %dma_start3A_233 = tpu.memref_squeeze %dma_start3A_232 : memref<1x256x32xf32, #tpu.memory_space<vmem>> -> memref<256x32xf32, #tpu.memory_space<vmem>>
      %dma_start3A_234 = arith.constant 0 : i32
      %dma_start3A_235 = tpu.memref_slice %arg5[%add3A_16, %dma_start3A_234] : memref<50176x32xf32, #tpu.memory_space<vmem_shared>> -> memref<256x32xf32, #tpu.memory_space<vmem_shared>>
      %dma_start3A_236 = arith.constant 0 : i32
      %dma_start3A_237 = tpu.memref_slice %arg5[%add3A_16, %dma_start3A_236] : memref<50176x32xf32, #tpu.memory_space<vmem_shared>> -> memref<256x32xf32, #tpu.memory_space<vmem_shared>>
      %dma_start3A_238 = arith.constant 0 : i32
      %dma_start3A_239 = arith.constant 0 : i32
      %dma_start3A_240 = tpu.memref_slice %arg8[%run_scoped3A_17, %dma_start3A_238, %dma_start3A_239] : memref<2x256x32xf32, #tpu.memory_space<vmem>> -> memref<1x256x32xf32, #tpu.memory_space<vmem>>
      %dma_start3A_241 = tpu.memref_squeeze %dma_start3A_240 : memref<1x256x32xf32, #tpu.memory_space<vmem>> -> memref<256x32xf32, #tpu.memory_space<vmem>>
      tpu.enqueue_dma source(%dma_start3A_241 : memref<256x32xf32, #tpu.memory_space<vmem>>) target(%dma_start3A_237 : memref<256x32xf32, #tpu.memory_space<vmem_shared>>) target_semaphore(%run_scoped3A_229 : memref<!tpu.dma_semaphore, #tpu.memory_space<semaphore_mem>>)
      %dma_wait3A_242 = arith.constant 0 : i32
      %dma_wait3A_243 = arith.constant 0 : i32
      %dma_wait3A_244 = tpu.memref_slice %arg8[%run_scoped3A_17, %dma_wait3A_242, %dma_wait3A_243] : memref<2x256x32xf32, #tpu.memory_space<vmem>> -> memref<1x256x32xf32, #tpu.memory_space<vmem>>
      %dma_wait3A_245 = tpu.memref_squeeze %dma_wait3A_244 : memref<1x256x32xf32, #tpu.memory_space<vmem>> -> memref<256x32xf32, #tpu.memory_space<vmem>>
      %dma_wait3A_246 = arith.constant 0 : i32
      %dma_wait3A_247 = tpu.memref_slice %arg5[%add3A_16, %dma_wait3A_246] : memref<50176x32xf32, #tpu.memory_space<vmem_shared>> -> memref<256x32xf32, #tpu.memory_space<vmem_shared>>
      %dma_wait3A_248 = arith.constant 0 : i32
      %dma_wait3A_249 = tpu.memref_slice %arg5[%add3A_16, %dma_wait3A_248] : memref<50176x32xf32, #tpu.memory_space<vmem_shared>> -> memref<256x32xf32, #tpu.memory_space<vmem_shared>>
      %dma_wait3A_250 = arith.constant 0 : i32
      %dma_wait3A_251 = arith.constant 0 : i32
      %dma_wait3A_252 = tpu.memref_slice %arg8[%run_scoped3A_17, %dma_wait3A_250, %dma_wait3A_251] : memref<2x256x32xf32, #tpu.memory_space<vmem>> -> memref<1x256x32xf32, #tpu.memory_space<vmem>>
      %dma_wait3A_253 = tpu.memref_squeeze %dma_wait3A_252 : memref<1x256x32xf32, #tpu.memory_space<vmem>> -> memref<256x32xf32, #tpu.memory_space<vmem>>
      tpu.wait_dma2 semaphore(%run_scoped3A_229 : memref<!tpu.dma_semaphore, #tpu.memory_space<semaphore_mem>>) src(%dma_wait3A_253 : memref<256x32xf32, #tpu.memory_space<vmem>>) dst(%dma_wait3A_249 : memref<256x32xf32, #tpu.memory_space<vmem_shared>>)
      tpu.yield
    }) : () -> ()
    %add3A_18 = arith.constant 512 : i32
    %add3A_19 = arith.addi %mul3A_0, %add3A_18 : i32
    %run_scoped3A_20 = arith.constant 0 : i32
    "tpu.region"() ({
      %run_scoped3A_229 = tpu.sem_alloc : memref<!tpu.dma_semaphore, #tpu.memory_space<semaphore_mem>>
      %dma_start3A_230 = arith.constant 0 : i32
      %dma_start3A_231 = arith.constant 0 : i32
      %dma_start3A_232 = tpu.memref_slice %arg8[%run_scoped3A_20, %dma_start3A_230, %dma_start3A_231] : memref<2x256x32xf32, #tpu.memory_space<vmem>> -> memref<1x256x32xf32, #tpu.memory_space<vmem>>
      %dma_start3A_233 = tpu.memref_squeeze %dma_start3A_232 : memref<1x256x32xf32, #tpu.memory_space<vmem>> -> memref<256x32xf32, #tpu.memory_space<vmem>>
      %dma_start3A_234 = arith.constant 0 : i32
      %dma_start3A_235 = tpu.memref_slice %arg5[%add3A_19, %dma_start3A_234] : memref<50176x32xf32, #tpu.memory_space<vmem_shared>> -> memref<256x32xf32, #tpu.memory_space<vmem_shared>>
      %dma_start3A_236 = arith.constant 0 : i32
      %dma_start3A_237 = tpu.memref_slice %arg5[%add3A_19, %dma_start3A_236] : memref<50176x32xf32, #tpu.memory_space<vmem_shared>> -> memref<256x32xf32, #tpu.memory_space<vmem_shared>>
      %dma_start3A_238 = arith.constant 0 : i32
      %dma_start3A_239 = arith.constant 0 : i32
      %dma_start3A_240 = tpu.memref_slice %arg8[%run_scoped3A_20, %dma_start3A_238, %dma_start3A_239] : memref<2x256x32xf32, #tpu.memory_space<vmem>> -> memref<1x256x32xf32, #tpu.memory_space<vmem>>
      %dma_start3A_241 = tpu.memref_squeeze %dma_start3A_240 : memref<1x256x32xf32, #tpu.memory_space<vmem>> -> memref<256x32xf32, #tpu.memory_space<vmem>>
      tpu.enqueue_dma source(%dma_start3A_241 : memref<256x32xf32, #tpu.memory_space<vmem>>) target(%dma_start3A_237 : memref<256x32xf32, #tpu.memory_space<vmem_shared>>) target_semaphore(%run_scoped3A_229 : memref<!tpu.dma_semaphore, #tpu.memory_space<semaphore_mem>>)
      %dma_wait3A_242 = arith.constant 0 : i32
      %dma_wait3A_243 = arith.constant 0 : i32
      %dma_wait3A_244 = tpu.memref_slice %arg8[%run_scoped3A_20, %dma_wait3A_242, %dma_wait3A_243] : memref<2x256x32xf32, #tpu.memory_space<vmem>> -> memref<1x256x32xf32, #tpu.memory_space<vmem>>
      %dma_wait3A_245 = tpu.memref_squeeze %dma_wait3A_244 : memref<1x256x32xf32, #tpu.memory_space<vmem>> -> memref<256x32xf32, #tpu.memory_space<vmem>>
      %dma_wait3A_246 = arith.constant 0 : i32
      %dma_wait3A_247 = tpu.memref_slice %arg5[%add3A_19, %dma_wait3A_246] : memref<50176x32xf32, #tpu.memory_space<vmem_shared>> -> memref<256x32xf32, #tpu.memory_space<vmem_shared>>
      %dma_wait3A_248 = arith.constant 0 : i32
      %dma_wait3A_249 = tpu.memref_slice %arg5[%add3A_19, %dma_wait3A_248] : memref<50176x32xf32, #tpu.memory_space<vmem_shared>> -> memref<256x32xf32, #tpu.memory_space<vmem_shared>>
      %dma_wait3A_250 = arith.constant 0 : i32
      %dma_wait3A_251 = arith.constant 0 : i32
      %dma_wait3A_252 = tpu.memref_slice %arg8[%run_scoped3A_20, %dma_wait3A_250, %dma_wait3A_251] : memref<2x256x32xf32, #tpu.memory_space<vmem>> -> memref<1x256x32xf32, #tpu.memory_space<vmem>>
      %dma_wait3A_253 = tpu.memref_squeeze %dma_wait3A_252 : memref<1x256x32xf32, #tpu.memory_space<vmem>> -> memref<256x32xf32, #tpu.memory_space<vmem>>
      tpu.wait_dma2 semaphore(%run_scoped3A_229 : memref<!tpu.dma_semaphore, #tpu.memory_space<semaphore_mem>>) src(%dma_wait3A_253 : memref<256x32xf32, #tpu.memory_space<vmem>>) dst(%dma_wait3A_249 : memref<256x32xf32, #tpu.memory_space<vmem_shared>>)
      tpu.yield
    }) : () -> ()
    %add3A_21 = arith.constant 768 : i32
    %add3A_22 = arith.addi %mul3A_0, %add3A_21 : i32
    %run_scoped3A_23 = arith.constant 0 : i32
    "tpu.region"() ({
      %run_scoped3A_229 = tpu.sem_alloc : memref<!tpu.dma_semaphore, #tpu.memory_space<semaphore_mem>>
      %dma_start3A_230 = arith.constant 0 : i32
      %dma_start3A_231 = arith.constant 0 : i32
      %dma_start3A_232 = tpu.memref_slice %arg8[%run_scoped3A_23, %dma_start3A_230, %dma_start3A_231] : memref<2x256x32xf32, #tpu.memory_space<vmem>> -> memref<1x256x32xf32, #tpu.memory_space<vmem>>
      %dma_start3A_233 = tpu.memref_squeeze %dma_start3A_232 : memref<1x256x32xf32, #tpu.memory_space<vmem>> -> memref<256x32xf32, #tpu.memory_space<vmem>>
      %dma_start3A_234 = arith.constant 0 : i32
      %dma_start3A_235 = tpu.memref_slice %arg5[%add3A_22, %dma_start3A_234] : memref<50176x32xf32, #tpu.memory_space<vmem_shared>> -> memref<256x32xf32, #tpu.memory_space<vmem_shared>>
      %dma_start3A_236 = arith.constant 0 : i32
      %dma_start3A_237 = tpu.memref_slice %arg5[%add3A_22, %dma_start3A_236] : memref<50176x32xf32, #tpu.memory_space<vmem_shared>> -> memref<256x32xf32, #tpu.memory_space<vmem_shared>>
      %dma_start3A_238 = arith.constant 0 : i32
      %dma_start3A_239 = arith.constant 0 : i32
      %dma_start3A_240 = tpu.memref_slice %arg8[%run_scoped3A_23, %dma_start3A_238, %dma_start3A_239] : memref<2x256x32xf32, #tpu.memory_space<vmem>> -> memref<1x256x32xf32, #tpu.memory_space<vmem>>
      %dma_start3A_241 = tpu.memref_squeeze %dma_start3A_240 : memref<1x256x32xf32, #tpu.memory_space<vmem>> -> memref<256x32xf32, #tpu.memory_space<vmem>>
      tpu.enqueue_dma source(%dma_start3A_241 : memref<256x32xf32, #tpu.memory_space<vmem>>) target(%dma_start3A_237 : memref<256x32xf32, #tpu.memory_space<vmem_shared>>) target_semaphore(%run_scoped3A_229 : memref<!tpu.dma_semaphore, #tpu.memory_space<semaphore_mem>>)
      %dma_wait3A_242 = arith.constant 0 : i32
      %dma_wait3A_243 = arith.constant 0 : i32
      %dma_wait3A_244 = tpu.memref_slice %arg8[%run_scoped3A_23, %dma_wait3A_242, %dma_wait3A_243] : memref<2x256x32xf32, #tpu.memory_space<vmem>> -> memref<1x256x32xf32, #tpu.memory_space<vmem>>
      %dma_wait3A_245 = tpu.memref_squeeze %dma_wait3A_244 : memref<1x256x32xf32, #tpu.memory_space<vmem>> -> memref<256x32xf32, #tpu.memory_space<vmem>>
      %dma_wait3A_246 = arith.constant 0 : i32
      %dma_wait3A_247 = tpu.memref_slice %arg5[%add3A_22, %dma_wait3A_246] : memref<50176x32xf32, #tpu.memory_space<vmem_shared>> -> memref<256x32xf32, #tpu.memory_space<vmem_shared>>
      %dma_wait3A_248 = arith.constant 0 : i32
      %dma_wait3A_249 = tpu.memref_slice %arg5[%add3A_22, %dma_wait3A_248] : memref<50176x32xf32, #tpu.memory_space<vmem_shared>> -> memref<256x32xf32, #tpu.memory_space<vmem_shared>>
      %dma_wait3A_250 = arith.constant 0 : i32
      %dma_wait3A_251 = arith.constant 0 : i32
      %dma_wait3A_252 = tpu.memref_slice %arg8[%run_scoped3A_23, %dma_wait3A_250, %dma_wait3A_251] : memref<2x256x32xf32, #tpu.memory_space<vmem>> -> memref<1x256x32xf32, #tpu.memory_space<vmem>>
      %dma_wait3A_253 = tpu.memref_squeeze %dma_wait3A_252 : memref<1x256x32xf32, #tpu.memory_space<vmem>> -> memref<256x32xf32, #tpu.memory_space<vmem>>
      tpu.wait_dma2 semaphore(%run_scoped3A_229 : memref<!tpu.dma_semaphore, #tpu.memory_space<semaphore_mem>>) src(%dma_wait3A_253 : memref<256x32xf32, #tpu.memory_space<vmem>>) dst(%dma_wait3A_249 : memref<256x32xf32, #tpu.memory_space<vmem_shared>>)
      tpu.yield
    }) : () -> ()
    %add3A_24 = arith.constant 1024 : i32
    %add3A_25 = arith.addi %mul3A_0, %add3A_24 : i32
    %run_scoped3A_26 = arith.constant 0 : i32
    "tpu.region"() ({
      %run_scoped3A_229 = tpu.sem_alloc : memref<!tpu.dma_semaphore, #tpu.memory_space<semaphore_mem>>
      %dma_start3A_230 = arith.constant 0 : i32
      %dma_start3A_231 = arith.constant 0 : i32
      %dma_start3A_232 = tpu.memref_slice %arg8[%run_scoped3A_26, %dma_start3A_230, %dma_start3A_231] : memref<2x256x32xf32, #tpu.memory_space<vmem>> -> memref<1x256x32xf32, #tpu.memory_space<vmem>>
      %dma_start3A_233 = tpu.memref_squeeze %dma_start3A_232 : memref<1x256x32xf32, #tpu.memory_space<vmem>> -> memref<256x32xf32, #tpu.memory_space<vmem>>
      %dma_start3A_234 = arith.constant 0 : i32
      %dma_start3A_235 = tpu.memref_slice %arg5[%add3A_25, %dma_start3A_234] : memref<50176x32xf32, #tpu.memory_space<vmem_shared>> -> memref<256x32xf32, #tpu.memory_space<vmem_shared>>
      %dma_start3A_236 = arith.constant 0 : i32
      %dma_start3A_237 = tpu.memref_slice %arg5[%add3A_25, %dma_start3A_236] : memref<50176x32xf32, #tpu.memory_space<vmem_shared>> -> memref<256x32xf32, #tpu.memory_space<vmem_shared>>
      %dma_start3A_238 = arith.constant 0 : i32
      %dma_start3A_239 = arith.constant 0 : i32
      %dma_start3A_240 = tpu.memref_slice %arg8[%run_scoped3A_26, %dma_start3A_238, %dma_start3A_239] : memref<2x256x32xf32, #tpu.memory_space<vmem>> -> memref<1x256x32xf32, #tpu.memory_space<vmem>>
      %dma_start3A_241 = tpu.memref_squeeze %dma_start3A_240 : memref<1x256x32xf32, #tpu.memory_space<vmem>> -> memref<256x32xf32, #tpu.memory_space<vmem>>
      tpu.enqueue_dma source(%dma_start3A_241 : memref<256x32xf32, #tpu.memory_space<vmem>>) target(%dma_start3A_237 : memref<256x32xf32, #tpu.memory_space<vmem_shared>>) target_semaphore(%run_scoped3A_229 : memref<!tpu.dma_semaphore, #tpu.memory_space<semaphore_mem>>)
      %dma_wait3A_242 = arith.constant 0 : i32
      %dma_wait3A_243 = arith.constant 0 : i32
      %dma_wait3A_244 = tpu.memref_slice %arg8[%run_scoped3A_26, %dma_wait3A_242, %dma_wait3A_243] : memref<2x256x32xf32, #tpu.memory_space<vmem>> -> memref<1x256x32xf32, #tpu.memory_space<vmem>>
      %dma_wait3A_245 = tpu.memref_squeeze %dma_wait3A_244 : memref<1x256x32xf32, #tpu.memory_space<vmem>> -> memref<256x32xf32, #tpu.memory_space<vmem>>
      %dma_wait3A_246 = arith.constant 0 : i32
      %dma_wait3A_247 = tpu.memref_slice %arg5[%add3A_25, %dma_wait3A_246] : memref<50176x32xf32, #tpu.memory_space<vmem_shared>> -> memref<256x32xf32, #tpu.memory_space<vmem_shared>>
      %dma_wait3A_248 = arith.constant 0 : i32
      %dma_wait3A_249 = tpu.memref_slice %arg5[%add3A_25, %dma_wait3A_248] : memref<50176x32xf32, #tpu.memory_space<vmem_shared>> -> memref<256x32xf32, #tpu.memory_space<vmem_shared>>
      %dma_wait3A_250 = arith.constant 0 : i32
      %dma_wait3A_251 = arith.constant 0 : i32
      %dma_wait3A_252 = tpu.memref_slice %arg8[%run_scoped3A_26, %dma_wait3A_250, %dma_wait3A_251] : memref<2x256x32xf32, #tpu.memory_space<vmem>> -> memref<1x256x32xf32, #tpu.memory_space<vmem>>
      %dma_wait3A_253 = tpu.memref_squeeze %dma_wait3A_252 : memref<1x256x32xf32, #tpu.memory_space<vmem>> -> memref<256x32xf32, #tpu.memory_space<vmem>>
      tpu.wait_dma2 semaphore(%run_scoped3A_229 : memref<!tpu.dma_semaphore, #tpu.memory_space<semaphore_mem>>) src(%dma_wait3A_253 : memref<256x32xf32, #tpu.memory_space<vmem>>) dst(%dma_wait3A_249 : memref<256x32xf32, #tpu.memory_space<vmem_shared>>)
      tpu.yield
    }) : () -> ()
    %add3A_27 = arith.constant 1280 : i32
    %add3A_28 = arith.addi %mul3A_0, %add3A_27 : i32
    %run_scoped3A_29 = arith.constant 0 : i32
    "tpu.region"() ({
      %run_scoped3A_229 = tpu.sem_alloc : memref<!tpu.dma_semaphore, #tpu.memory_space<semaphore_mem>>
      %dma_start3A_230 = arith.constant 0 : i32
      %dma_start3A_231 = arith.constant 0 : i32
      %dma_start3A_232 = tpu.memref_slice %arg8[%run_scoped3A_29, %dma_start3A_230, %dma_start3A_231] : memref<2x256x32xf32, #tpu.memory_space<vmem>> -> memref<1x256x32xf32, #tpu.memory_space<vmem>>
      %dma_start3A_233 = tpu.memref_squeeze %dma_start3A_232 : memref<1x256x32xf32, #tpu.memory_space<vmem>> -> memref<256x32xf32, #tpu.memory_space<vmem>>
      %dma_start3A_234 = arith.constant 0 : i32
      %dma_start3A_235 = tpu.memref_slice %arg5[%add3A_28, %dma_start3A_234] : memref<50176x32xf32, #tpu.memory_space<vmem_shared>> -> memref<256x32xf32, #tpu.memory_space<vmem_shared>>
      %dma_start3A_236 = arith.constant 0 : i32
      %dma_start3A_237 = tpu.memref_slice %arg5[%add3A_28, %dma_start3A_236] : memref<50176x32xf32, #tpu.memory_space<vmem_shared>> -> memref<256x32xf32, #tpu.memory_space<vmem_shared>>
      %dma_start3A_238 = arith.constant 0 : i32
      %dma_start3A_239 = arith.constant 0 : i32
      %dma_start3A_240 = tpu.memref_slice %arg8[%run_scoped3A_29, %dma_start3A_238, %dma_start3A_239] : memref<2x256x32xf32, #tpu.memory_space<vmem>> -> memref<1x256x32xf32, #tpu.memory_space<vmem>>
      %dma_start3A_241 = tpu.memref_squeeze %dma_start3A_240 : memref<1x256x32xf32, #tpu.memory_space<vmem>> -> memref<256x32xf32, #tpu.memory_space<vmem>>
      tpu.enqueue_dma source(%dma_start3A_241 : memref<256x32xf32, #tpu.memory_space<vmem>>) target(%dma_start3A_237 : memref<256x32xf32, #tpu.memory_space<vmem_shared>>) target_semaphore(%run_scoped3A_229 : memref<!tpu.dma_semaphore, #tpu.memory_space<semaphore_mem>>)
      %dma_wait3A_242 = arith.constant 0 : i32
      %dma_wait3A_243 = arith.constant 0 : i32
      %dma_wait3A_244 = tpu.memref_slice %arg8[%run_scoped3A_29, %dma_wait3A_242, %dma_wait3A_243] : memref<2x256x32xf32, #tpu.memory_space<vmem>> -> memref<1x256x32xf32, #tpu.memory_space<vmem>>
      %dma_wait3A_245 = tpu.memref_squeeze %dma_wait3A_244 : memref<1x256x32xf32, #tpu.memory_space<vmem>> -> memref<256x32xf32, #tpu.memory_space<vmem>>
      %dma_wait3A_246 = arith.constant 0 : i32
      %dma_wait3A_247 = tpu.memref_slice %arg5[%add3A_28, %dma_wait3A_246] : memref<50176x32xf32, #tpu.memory_space<vmem_shared>> -> memref<256x32xf32, #tpu.memory_space<vmem_shared>>
      %dma_wait3A_248 = arith.constant 0 : i32
      %dma_wait3A_249 = tpu.memref_slice %arg5[%add3A_28, %dma_wait3A_248] : memref<50176x32xf32, #tpu.memory_space<vmem_shared>> -> memref<256x32xf32, #tpu.memory_space<vmem_shared>>
      %dma_wait3A_250 = arith.constant 0 : i32
      %dma_wait3A_251 = arith.constant 0 : i32
      %dma_wait3A_252 = tpu.memref_slice %arg8[%run_scoped3A_29, %dma_wait3A_250, %dma_wait3A_251] : memref<2x256x32xf32, #tpu.memory_space<vmem>> -> memref<1x256x32xf32, #tpu.memory_space<vmem>>
      %dma_wait3A_253 = tpu.memref_squeeze %dma_wait3A_252 : memref<1x256x32xf32, #tpu.memory_space<vmem>> -> memref<256x32xf32, #tpu.memory_space<vmem>>
      tpu.wait_dma2 semaphore(%run_scoped3A_229 : memref<!tpu.dma_semaphore, #tpu.memory_space<semaphore_mem>>) src(%dma_wait3A_253 : memref<256x32xf32, #tpu.memory_space<vmem>>) dst(%dma_wait3A_249 : memref<256x32xf32, #tpu.memory_space<vmem_shared>>)
      tpu.yield
    }) : () -> ()
    %add3A_30 = arith.constant 1536 : i32
    %add3A_31 = arith.addi %mul3A_0, %add3A_30 : i32
    %run_scoped3A_32 = arith.constant 0 : i32
    "tpu.region"() ({
      %run_scoped3A_229 = tpu.sem_alloc : memref<!tpu.dma_semaphore, #tpu.memory_space<semaphore_mem>>
      %dma_start3A_230 = arith.constant 0 : i32
      %dma_start3A_231 = arith.constant 0 : i32
      %dma_start3A_232 = tpu.memref_slice %arg8[%run_scoped3A_32, %dma_start3A_230, %dma_start3A_231] : memref<2x256x32xf32, #tpu.memory_space<vmem>> -> memref<1x256x32xf32, #tpu.memory_space<vmem>>
      %dma_start3A_233 = tpu.memref_squeeze %dma_start3A_232 : memref<1x256x32xf32, #tpu.memory_space<vmem>> -> memref<256x32xf32, #tpu.memory_space<vmem>>
      %dma_start3A_234 = arith.constant 0 : i32
      %dma_start3A_235 = tpu.memref_slice %arg5[%add3A_31, %dma_start3A_234] : memref<50176x32xf32, #tpu.memory_space<vmem_shared>> -> memref<256x32xf32, #tpu.memory_space<vmem_shared>>
      %dma_start3A_236 = arith.constant 0 : i32
      %dma_start3A_237 = tpu.memref_slice %arg5[%add3A_31, %dma_start3A_236] : memref<50176x32xf32, #tpu.memory_space<vmem_shared>> -> memref<256x32xf32, #tpu.memory_space<vmem_shared>>
      %dma_start3A_238 = arith.constant 0 : i32
      %dma_start3A_239 = arith.constant 0 : i32
      %dma_start3A_240 = tpu.memref_slice %arg8[%run_scoped3A_32, %dma_start3A_238, %dma_start3A_239] : memref<2x256x32xf32, #tpu.memory_space<vmem>> -> memref<1x256x32xf32, #tpu.memory_space<vmem>>
      %dma_start3A_241 = tpu.memref_squeeze %dma_start3A_240 : memref<1x256x32xf32, #tpu.memory_space<vmem>> -> memref<256x32xf32, #tpu.memory_space<vmem>>
      tpu.enqueue_dma source(%dma_start3A_241 : memref<256x32xf32, #tpu.memory_space<vmem>>) target(%dma_start3A_237 : memref<256x32xf32, #tpu.memory_space<vmem_shared>>) target_semaphore(%run_scoped3A_229 : memref<!tpu.dma_semaphore, #tpu.memory_space<semaphore_mem>>)
      %dma_wait3A_242 = arith.constant 0 : i32
      %dma_wait3A_243 = arith.constant 0 : i32
      %dma_wait3A_244 = tpu.memref_slice %arg8[%run_scoped3A_32, %dma_wait3A_242, %dma_wait3A_243] : memref<2x256x32xf32, #tpu.memory_space<vmem>> -> memref<1x256x32xf32, #tpu.memory_space<vmem>>
      %dma_wait3A_245 = tpu.memref_squeeze %dma_wait3A_244 : memref<1x256x32xf32, #tpu.memory_space<vmem>> -> memref<256x32xf32, #tpu.memory_space<vmem>>
      %dma_wait3A_246 = arith.constant 0 : i32
      %dma_wait3A_247 = tpu.memref_slice %arg5[%add3A_31, %dma_wait3A_246] : memref<50176x32xf32, #tpu.memory_space<vmem_shared>> -> memref<256x32xf32, #tpu.memory_space<vmem_shared>>
      %dma_wait3A_248 = arith.constant 0 : i32
      %dma_wait3A_249 = tpu.memref_slice %arg5[%add3A_31, %dma_wait3A_248] : memref<50176x32xf32, #tpu.memory_space<vmem_shared>> -> memref<256x32xf32, #tpu.memory_space<vmem_shared>>
      %dma_wait3A_250 = arith.constant 0 : i32
      %dma_wait3A_251 = arith.constant 0 : i32
      %dma_wait3A_252 = tpu.memref_slice %arg8[%run_scoped3A_32, %dma_wait3A_250, %dma_wait3A_251] : memref<2x256x32xf32, #tpu.memory_space<vmem>> -> memref<1x256x32xf32, #tpu.memory_space<vmem>>
      %dma_wait3A_253 = tpu.memref_squeeze %dma_wait3A_252 : memref<1x256x32xf32, #tpu.memory_space<vmem>> -> memref<256x32xf32, #tpu.memory_space<vmem>>
      tpu.wait_dma2 semaphore(%run_scoped3A_229 : memref<!tpu.dma_semaphore, #tpu.memory_space<semaphore_mem>>) src(%dma_wait3A_253 : memref<256x32xf32, #tpu.memory_space<vmem>>) dst(%dma_wait3A_249 : memref<256x32xf32, #tpu.memory_space<vmem_shared>>)
      tpu.yield
    }) : () -> ()
    %add3A_33 = arith.constant 1792 : i32
    %add3A_34 = arith.addi %mul3A_0, %add3A_33 : i32
    %run_scoped3A_35 = arith.constant 0 : i32
    "tpu.region"() ({
      %run_scoped3A_229 = tpu.sem_alloc : memref<!tpu.dma_semaphore, #tpu.memory_space<semaphore_mem>>
      %dma_start3A_230 = arith.constant 0 : i32
      %dma_start3A_231 = arith.constant 0 : i32
      %dma_start3A_232 = tpu.memref_slice %arg8[%run_scoped3A_35, %dma_start3A_230, %dma_start3A_231] : memref<2x256x32xf32, #tpu.memory_space<vmem>> -> memref<1x256x32xf32, #tpu.memory_space<vmem>>
      %dma_start3A_233 = tpu.memref_squeeze %dma_start3A_232 : memref<1x256x32xf32, #tpu.memory_space<vmem>> -> memref<256x32xf32, #tpu.memory_space<vmem>>
      %dma_start3A_234 = arith.constant 0 : i32
      %dma_start3A_235 = tpu.memref_slice %arg5[%add3A_34, %dma_start3A_234] : memref<50176x32xf32, #tpu.memory_space<vmem_shared>> -> memref<256x32xf32, #tpu.memory_space<vmem_shared>>
      %dma_start3A_236 = arith.constant 0 : i32
      %dma_start3A_237 = tpu.memref_slice %arg5[%add3A_34, %dma_start3A_236] : memref<50176x32xf32, #tpu.memory_space<vmem_shared>> -> memref<256x32xf32, #tpu.memory_space<vmem_shared>>
      %dma_start3A_238 = arith.constant 0 : i32
      %dma_start3A_239 = arith.constant 0 : i32
      %dma_start3A_240 = tpu.memref_slice %arg8[%run_scoped3A_35, %dma_start3A_238, %dma_start3A_239] : memref<2x256x32xf32, #tpu.memory_space<vmem>> -> memref<1x256x32xf32, #tpu.memory_space<vmem>>
      %dma_start3A_241 = tpu.memref_squeeze %dma_start3A_240 : memref<1x256x32xf32, #tpu.memory_space<vmem>> -> memref<256x32xf32, #tpu.memory_space<vmem>>
      tpu.enqueue_dma source(%dma_start3A_241 : memref<256x32xf32, #tpu.memory_space<vmem>>) target(%dma_start3A_237 : memref<256x32xf32, #tpu.memory_space<vmem_shared>>) target_semaphore(%run_scoped3A_229 : memref<!tpu.dma_semaphore, #tpu.memory_space<semaphore_mem>>)
      %dma_wait3A_242 = arith.constant 0 : i32
      %dma_wait3A_243 = arith.constant 0 : i32
      %dma_wait3A_244 = tpu.memref_slice %arg8[%run_scoped3A_35, %dma_wait3A_242, %dma_wait3A_243] : memref<2x256x32xf32, #tpu.memory_space<vmem>> -> memref<1x256x32xf32, #tpu.memory_space<vmem>>
      %dma_wait3A_245 = tpu.memref_squeeze %dma_wait3A_244 : memref<1x256x32xf32, #tpu.memory_space<vmem>> -> memref<256x32xf32, #tpu.memory_space<vmem>>
      %dma_wait3A_246 = arith.constant 0 : i32
      %dma_wait3A_247 = tpu.memref_slice %arg5[%add3A_34, %dma_wait3A_246] : memref<50176x32xf32, #tpu.memory_space<vmem_shared>> -> memref<256x32xf32, #tpu.memory_space<vmem_shared>>
      %dma_wait3A_248 = arith.constant 0 : i32
      %dma_wait3A_249 = tpu.memref_slice %arg5[%add3A_34, %dma_wait3A_248] : memref<50176x32xf32, #tpu.memory_space<vmem_shared>> -> memref<256x32xf32, #tpu.memory_space<vmem_shared>>
      %dma_wait3A_250 = arith.constant 0 : i32
      %dma_wait3A_251 = arith.constant 0 : i32
      %dma_wait3A_252 = tpu.memref_slice %arg8[%run_scoped3A_35, %dma_wait3A_250, %dma_wait3A_251] : memref<2x256x32xf32, #tpu.memory_space<vmem>> -> memref<1x256x32xf32, #tpu.memory_space<vmem>>
      %dma_wait3A_253 = tpu.memref_squeeze %dma_wait3A_252 : memref<1x256x32xf32, #tpu.memory_space<vmem>> -> memref<256x32xf32, #tpu.memory_space<vmem>>
      tpu.wait_dma2 semaphore(%run_scoped3A_229 : memref<!tpu.dma_semaphore, #tpu.memory_space<semaphore_mem>>) src(%dma_wait3A_253 : memref<256x32xf32, #tpu.memory_space<vmem>>) dst(%dma_wait3A_249 : memref<256x32xf32, #tpu.memory_space<vmem_shared>>)
      tpu.yield
    }) : () -> ()
    %add3A_36 = arith.constant 2048 : i32
    %add3A_37 = arith.addi %mul3A_0, %add3A_36 : i32
    %run_scoped3A_38 = arith.constant 0 : i32
    "tpu.region"() ({
      %run_scoped3A_229 = tpu.sem_alloc : memref<!tpu.dma_semaphore, #tpu.memory_space<semaphore_mem>>
      %dma_start3A_230 = arith.constant 0 : i32
      %dma_start3A_231 = arith.constant 0 : i32
      %dma_start3A_232 = tpu.memref_slice %arg8[%run_scoped3A_38, %dma_start3A_230, %dma_start3A_231] : memref<2x256x32xf32, #tpu.memory_space<vmem>> -> memref<1x256x32xf32, #tpu.memory_space<vmem>>
      %dma_start3A_233 = tpu.memref_squeeze %dma_start3A_232 : memref<1x256x32xf32, #tpu.memory_space<vmem>> -> memref<256x32xf32, #tpu.memory_space<vmem>>
      %dma_start3A_234 = arith.constant 0 : i32
      %dma_start3A_235 = tpu.memref_slice %arg5[%add3A_37, %dma_start3A_234] : memref<50176x32xf32, #tpu.memory_space<vmem_shared>> -> memref<256x32xf32, #tpu.memory_space<vmem_shared>>
      %dma_start3A_236 = arith.constant 0 : i32
      %dma_start3A_237 = tpu.memref_slice %arg5[%add3A_37, %dma_start3A_236] : memref<50176x32xf32, #tpu.memory_space<vmem_shared>> -> memref<256x32xf32, #tpu.memory_space<vmem_shared>>
      %dma_start3A_238 = arith.constant 0 : i32
      %dma_start3A_239 = arith.constant 0 : i32
      %dma_start3A_240 = tpu.memref_slice %arg8[%run_scoped3A_38, %dma_start3A_238, %dma_start3A_239] : memref<2x256x32xf32, #tpu.memory_space<vmem>> -> memref<1x256x32xf32, #tpu.memory_space<vmem>>
      %dma_start3A_241 = tpu.memref_squeeze %dma_start3A_240 : memref<1x256x32xf32, #tpu.memory_space<vmem>> -> memref<256x32xf32, #tpu.memory_space<vmem>>
      tpu.enqueue_dma source(%dma_start3A_241 : memref<256x32xf32, #tpu.memory_space<vmem>>) target(%dma_start3A_237 : memref<256x32xf32, #tpu.memory_space<vmem_shared>>) target_semaphore(%run_scoped3A_229 : memref<!tpu.dma_semaphore, #tpu.memory_space<semaphore_mem>>)
      %dma_wait3A_242 = arith.constant 0 : i32
      %dma_wait3A_243 = arith.constant 0 : i32
      %dma_wait3A_244 = tpu.memref_slice %arg8[%run_scoped3A_38, %dma_wait3A_242, %dma_wait3A_243] : memref<2x256x32xf32, #tpu.memory_space<vmem>> -> memref<1x256x32xf32, #tpu.memory_space<vmem>>
      %dma_wait3A_245 = tpu.memref_squeeze %dma_wait3A_244 : memref<1x256x32xf32, #tpu.memory_space<vmem>> -> memref<256x32xf32, #tpu.memory_space<vmem>>
      %dma_wait3A_246 = arith.constant 0 : i32
      %dma_wait3A_247 = tpu.memref_slice %arg5[%add3A_37, %dma_wait3A_246] : memref<50176x32xf32, #tpu.memory_space<vmem_shared>> -> memref<256x32xf32, #tpu.memory_space<vmem_shared>>
      %dma_wait3A_248 = arith.constant 0 : i32
      %dma_wait3A_249 = tpu.memref_slice %arg5[%add3A_37, %dma_wait3A_248] : memref<50176x32xf32, #tpu.memory_space<vmem_shared>> -> memref<256x32xf32, #tpu.memory_space<vmem_shared>>
      %dma_wait3A_250 = arith.constant 0 : i32
      %dma_wait3A_251 = arith.constant 0 : i32
      %dma_wait3A_252 = tpu.memref_slice %arg8[%run_scoped3A_38, %dma_wait3A_250, %dma_wait3A_251] : memref<2x256x32xf32, #tpu.memory_space<vmem>> -> memref<1x256x32xf32, #tpu.memory_space<vmem>>
      %dma_wait3A_253 = tpu.memref_squeeze %dma_wait3A_252 : memref<1x256x32xf32, #tpu.memory_space<vmem>> -> memref<256x32xf32, #tpu.memory_space<vmem>>
      tpu.wait_dma2 semaphore(%run_scoped3A_229 : memref<!tpu.dma_semaphore, #tpu.memory_space<semaphore_mem>>) src(%dma_wait3A_253 : memref<256x32xf32, #tpu.memory_space<vmem>>) dst(%dma_wait3A_249 : memref<256x32xf32, #tpu.memory_space<vmem_shared>>)
      tpu.yield
    }) : () -> ()
    %add3A_39 = arith.constant 2304 : i32
    %add3A_40 = arith.addi %mul3A_0, %add3A_39 : i32
    %run_scoped3A_41 = arith.constant 0 : i32
    "tpu.region"() ({
      %run_scoped3A_229 = tpu.sem_alloc : memref<!tpu.dma_semaphore, #tpu.memory_space<semaphore_mem>>
      %dma_start3A_230 = arith.constant 0 : i32
      %dma_start3A_231 = arith.constant 0 : i32
      %dma_start3A_232 = tpu.memref_slice %arg8[%run_scoped3A_41, %dma_start3A_230, %dma_start3A_231] : memref<2x256x32xf32, #tpu.memory_space<vmem>> -> memref<1x256x32xf32, #tpu.memory_space<vmem>>
      %dma_start3A_233 = tpu.memref_squeeze %dma_start3A_232 : memref<1x256x32xf32, #tpu.memory_space<vmem>> -> memref<256x32xf32, #tpu.memory_space<vmem>>
      %dma_start3A_234 = arith.constant 0 : i32
      %dma_start3A_235 = tpu.memref_slice %arg5[%add3A_40, %dma_start3A_234] : memref<50176x32xf32, #tpu.memory_space<vmem_shared>> -> memref<256x32xf32, #tpu.memory_space<vmem_shared>>
      %dma_start3A_236 = arith.constant 0 : i32
      %dma_start3A_237 = tpu.memref_slice %arg5[%add3A_40, %dma_start3A_236] : memref<50176x32xf32, #tpu.memory_space<vmem_shared>> -> memref<256x32xf32, #tpu.memory_space<vmem_shared>>
      %dma_start3A_238 = arith.constant 0 : i32
      %dma_start3A_239 = arith.constant 0 : i32
      %dma_start3A_240 = tpu.memref_slice %arg8[%run_scoped3A_41, %dma_start3A_238, %dma_start3A_239] : memref<2x256x32xf32, #tpu.memory_space<vmem>> -> memref<1x256x32xf32, #tpu.memory_space<vmem>>
      %dma_start3A_241 = tpu.memref_squeeze %dma_start3A_240 : memref<1x256x32xf32, #tpu.memory_space<vmem>> -> memref<256x32xf32, #tpu.memory_space<vmem>>
      tpu.enqueue_dma source(%dma_start3A_241 : memref<256x32xf32, #tpu.memory_space<vmem>>) target(%dma_start3A_237 : memref<256x32xf32, #tpu.memory_space<vmem_shared>>) target_semaphore(%run_scoped3A_229 : memref<!tpu.dma_semaphore, #tpu.memory_space<semaphore_mem>>)
      %dma_wait3A_242 = arith.constant 0 : i32
      %dma_wait3A_243 = arith.constant 0 : i32
      %dma_wait3A_244 = tpu.memref_slice %arg8[%run_scoped3A_41, %dma_wait3A_242, %dma_wait3A_243] : memref<2x256x32xf32, #tpu.memory_space<vmem>> -> memref<1x256x32xf32, #tpu.memory_space<vmem>>
      %dma_wait3A_245 = tpu.memref_squeeze %dma_wait3A_244 : memref<1x256x32xf32, #tpu.memory_space<vmem>> -> memref<256x32xf32, #tpu.memory_space<vmem>>
      %dma_wait3A_246 = arith.constant 0 : i32
      %dma_wait3A_247 = tpu.memref_slice %arg5[%add3A_40, %dma_wait3A_246] : memref<50176x32xf32, #tpu.memory_space<vmem_shared>> -> memref<256x32xf32, #tpu.memory_space<vmem_shared>>
      %dma_wait3A_248 = arith.constant 0 : i32
      %dma_wait3A_249 = tpu.memref_slice %arg5[%add3A_40, %dma_wait3A_248] : memref<50176x32xf32, #tpu.memory_space<vmem_shared>> -> memref<256x32xf32, #tpu.memory_space<vmem_shared>>
      %dma_wait3A_250 = arith.constant 0 : i32
      %dma_wait3A_251 = arith.constant 0 : i32
      %dma_wait3A_252 = tpu.memref_slice %arg8[%run_scoped3A_41, %dma_wait3A_250, %dma_wait3A_251] : memref<2x256x32xf32, #tpu.memory_space<vmem>> -> memref<1x256x32xf32, #tpu.memory_space<vmem>>
      %dma_wait3A_253 = tpu.memref_squeeze %dma_wait3A_252 : memref<1x256x32xf32, #tpu.memory_space<vmem>> -> memref<256x32xf32, #tpu.memory_space<vmem>>
      tpu.wait_dma2 semaphore(%run_scoped3A_229 : memref<!tpu.dma_semaphore, #tpu.memory_space<semaphore_mem>>) src(%dma_wait3A_253 : memref<256x32xf32, #tpu.memory_space<vmem>>) dst(%dma_wait3A_249 : memref<256x32xf32, #tpu.memory_space<vmem_shared>>)
      tpu.yield
    }) : () -> ()
    %add3A_42 = arith.constant 2560 : i32
    %add3A_43 = arith.addi %mul3A_0, %add3A_42 : i32
    %run_scoped3A_44 = arith.constant 0 : i32
    "tpu.region"() ({
      %run_scoped3A_229 = tpu.sem_alloc : memref<!tpu.dma_semaphore, #tpu.memory_space<semaphore_mem>>
      %dma_start3A_230 = arith.constant 0 : i32
      %dma_start3A_231 = arith.constant 0 : i32
      %dma_start3A_232 = tpu.memref_slice %arg8[%run_scoped3A_44, %dma_start3A_230, %dma_start3A_231] : memref<2x256x32xf32, #tpu.memory_space<vmem>> -> memref<1x256x32xf32, #tpu.memory_space<vmem>>
      %dma_start3A_233 = tpu.memref_squeeze %dma_start3A_232 : memref<1x256x32xf32, #tpu.memory_space<vmem>> -> memref<256x32xf32, #tpu.memory_space<vmem>>
      %dma_start3A_234 = arith.constant 0 : i32
      %dma_start3A_235 = tpu.memref_slice %arg5[%add3A_43, %dma_start3A_234] : memref<50176x32xf32, #tpu.memory_space<vmem_shared>> -> memref<256x32xf32, #tpu.memory_space<vmem_shared>>
      %dma_start3A_236 = arith.constant 0 : i32
      %dma_start3A_237 = tpu.memref_slice %arg5[%add3A_43, %dma_start3A_236] : memref<50176x32xf32, #tpu.memory_space<vmem_shared>> -> memref<256x32xf32, #tpu.memory_space<vmem_shared>>
      %dma_start3A_238 = arith.constant 0 : i32
      %dma_start3A_239 = arith.constant 0 : i32
      %dma_start3A_240 = tpu.memref_slice %arg8[%run_scoped3A_44, %dma_start3A_238, %dma_start3A_239] : memref<2x256x32xf32, #tpu.memory_space<vmem>> -> memref<1x256x32xf32, #tpu.memory_space<vmem>>
      %dma_start3A_241 = tpu.memref_squeeze %dma_start3A_240 : memref<1x256x32xf32, #tpu.memory_space<vmem>> -> memref<256x32xf32, #tpu.memory_space<vmem>>
      tpu.enqueue_dma source(%dma_start3A_241 : memref<256x32xf32, #tpu.memory_space<vmem>>) target(%dma_start3A_237 : memref<256x32xf32, #tpu.memory_space<vmem_shared>>) target_semaphore(%run_scoped3A_229 : memref<!tpu.dma_semaphore, #tpu.memory_space<semaphore_mem>>)
      %dma_wait3A_242 = arith.constant 0 : i32
      %dma_wait3A_243 = arith.constant 0 : i32
      %dma_wait3A_244 = tpu.memref_slice %arg8[%run_scoped3A_44, %dma_wait3A_242, %dma_wait3A_243] : memref<2x256x32xf32, #tpu.memory_space<vmem>> -> memref<1x256x32xf32, #tpu.memory_space<vmem>>
      %dma_wait3A_245 = tpu.memref_squeeze %dma_wait3A_244 : memref<1x256x32xf32, #tpu.memory_space<vmem>> -> memref<256x32xf32, #tpu.memory_space<vmem>>
      %dma_wait3A_246 = arith.constant 0 : i32
      %dma_wait3A_247 = tpu.memref_slice %arg5[%add3A_43, %dma_wait3A_246] : memref<50176x32xf32, #tpu.memory_space<vmem_shared>> -> memref<256x32xf32, #tpu.memory_space<vmem_shared>>
      %dma_wait3A_248 = arith.constant 0 : i32
      %dma_wait3A_249 = tpu.memref_slice %arg5[%add3A_43, %dma_wait3A_248] : memref<50176x32xf32, #tpu.memory_space<vmem_shared>> -> memref<256x32xf32, #tpu.memory_space<vmem_shared>>
      %dma_wait3A_250 = arith.constant 0 : i32
      %dma_wait3A_251 = arith.constant 0 : i32
      %dma_wait3A_252 = tpu.memref_slice %arg8[%run_scoped3A_44, %dma_wait3A_250, %dma_wait3A_251] : memref<2x256x32xf32, #tpu.memory_space<vmem>> -> memref<1x256x32xf32, #tpu.memory_space<vmem>>
      %dma_wait3A_253 = tpu.memref_squeeze %dma_wait3A_252 : memref<1x256x32xf32, #tpu.memory_space<vmem>> -> memref<256x32xf32, #tpu.memory_space<vmem>>
      tpu.wait_dma2 semaphore(%run_scoped3A_229 : memref<!tpu.dma_semaphore, #tpu.memory_space<semaphore_mem>>) src(%dma_wait3A_253 : memref<256x32xf32, #tpu.memory_space<vmem>>) dst(%dma_wait3A_249 : memref<256x32xf32, #tpu.memory_space<vmem_shared>>)
      tpu.yield
    }) : () -> ()
    %add3A_45 = arith.constant 2816 : i32
    %add3A_46 = arith.addi %mul3A_0, %add3A_45 : i32
    %run_scoped3A_47 = arith.constant 0 : i32
    "tpu.region"() ({
      %run_scoped3A_229 = tpu.sem_alloc : memref<!tpu.dma_semaphore, #tpu.memory_space<semaphore_mem>>
      %dma_start3A_230 = arith.constant 0 : i32
      %dma_start3A_231 = arith.constant 0 : i32
      %dma_start3A_232 = tpu.memref_slice %arg8[%run_scoped3A_47, %dma_start3A_230, %dma_start3A_231] : memref<2x256x32xf32, #tpu.memory_space<vmem>> -> memref<1x256x32xf32, #tpu.memory_space<vmem>>
      %dma_start3A_233 = tpu.memref_squeeze %dma_start3A_232 : memref<1x256x32xf32, #tpu.memory_space<vmem>> -> memref<256x32xf32, #tpu.memory_space<vmem>>
      %dma_start3A_234 = arith.constant 0 : i32
      %dma_start3A_235 = tpu.memref_slice %arg5[%add3A_46, %dma_start3A_234] : memref<50176x32xf32, #tpu.memory_space<vmem_shared>> -> memref<256x32xf32, #tpu.memory_space<vmem_shared>>
      %dma_start3A_236 = arith.constant 0 : i32
      %dma_start3A_237 = tpu.memref_slice %arg5[%add3A_46, %dma_start3A_236] : memref<50176x32xf32, #tpu.memory_space<vmem_shared>> -> memref<256x32xf32, #tpu.memory_space<vmem_shared>>
      %dma_start3A_238 = arith.constant 0 : i32
      %dma_start3A_239 = arith.constant 0 : i32
      %dma_start3A_240 = tpu.memref_slice %arg8[%run_scoped3A_47, %dma_start3A_238, %dma_start3A_239] : memref<2x256x32xf32, #tpu.memory_space<vmem>> -> memref<1x256x32xf32, #tpu.memory_space<vmem>>
      %dma_start3A_241 = tpu.memref_squeeze %dma_start3A_240 : memref<1x256x32xf32, #tpu.memory_space<vmem>> -> memref<256x32xf32, #tpu.memory_space<vmem>>
      tpu.enqueue_dma source(%dma_start3A_241 : memref<256x32xf32, #tpu.memory_space<vmem>>) target(%dma_start3A_237 : memref<256x32xf32, #tpu.memory_space<vmem_shared>>) target_semaphore(%run_scoped3A_229 : memref<!tpu.dma_semaphore, #tpu.memory_space<semaphore_mem>>)
      %dma_wait3A_242 = arith.constant 0 : i32
      %dma_wait3A_243 = arith.constant 0 : i32
      %dma_wait3A_244 = tpu.memref_slice %arg8[%run_scoped3A_47, %dma_wait3A_242, %dma_wait3A_243] : memref<2x256x32xf32, #tpu.memory_space<vmem>> -> memref<1x256x32xf32, #tpu.memory_space<vmem>>
      %dma_wait3A_245 = tpu.memref_squeeze %dma_wait3A_244 : memref<1x256x32xf32, #tpu.memory_space<vmem>> -> memref<256x32xf32, #tpu.memory_space<vmem>>
      %dma_wait3A_246 = arith.constant 0 : i32
      %dma_wait3A_247 = tpu.memref_slice %arg5[%add3A_46, %dma_wait3A_246] : memref<50176x32xf32, #tpu.memory_space<vmem_shared>> -> memref<256x32xf32, #tpu.memory_space<vmem_shared>>
      %dma_wait3A_248 = arith.constant 0 : i32
      %dma_wait3A_249 = tpu.memref_slice %arg5[%add3A_46, %dma_wait3A_248] : memref<50176x32xf32, #tpu.memory_space<vmem_shared>> -> memref<256x32xf32, #tpu.memory_space<vmem_shared>>
      %dma_wait3A_250 = arith.constant 0 : i32
      %dma_wait3A_251 = arith.constant 0 : i32
      %dma_wait3A_252 = tpu.memref_slice %arg8[%run_scoped3A_47, %dma_wait3A_250, %dma_wait3A_251] : memref<2x256x32xf32, #tpu.memory_space<vmem>> -> memref<1x256x32xf32, #tpu.memory_space<vmem>>
      %dma_wait3A_253 = tpu.memref_squeeze %dma_wait3A_252 : memref<1x256x32xf32, #tpu.memory_space<vmem>> -> memref<256x32xf32, #tpu.memory_space<vmem>>
      tpu.wait_dma2 semaphore(%run_scoped3A_229 : memref<!tpu.dma_semaphore, #tpu.memory_space<semaphore_mem>>) src(%dma_wait3A_253 : memref<256x32xf32, #tpu.memory_space<vmem>>) dst(%dma_wait3A_249 : memref<256x32xf32, #tpu.memory_space<vmem_shared>>)
      tpu.yield
    }) : () -> ()
    %add3A_48 = arith.constant 3072 : i32
    %add3A_49 = arith.addi %mul3A_0, %add3A_48 : i32
    %run_scoped3A_50 = arith.constant 0 : i32
    "tpu.region"() ({
      %run_scoped3A_229 = tpu.sem_alloc : memref<!tpu.dma_semaphore, #tpu.memory_space<semaphore_mem>>
      %dma_start3A_230 = arith.constant 0 : i32
      %dma_start3A_231 = arith.constant 0 : i32
      %dma_start3A_232 = tpu.memref_slice %arg8[%run_scoped3A_50, %dma_start3A_230, %dma_start3A_231] : memref<2x256x32xf32, #tpu.memory_space<vmem>> -> memref<1x64x32xf32, #tpu.memory_space<vmem>>
      %dma_start3A_233 = tpu.memref_squeeze %dma_start3A_232 : memref<1x64x32xf32, #tpu.memory_space<vmem>> -> memref<64x32xf32, #tpu.memory_space<vmem>>
      %dma_start3A_234 = arith.constant 0 : i32
      %dma_start3A_235 = tpu.memref_slice %arg5[%add3A_49, %dma_start3A_234] : memref<50176x32xf32, #tpu.memory_space<vmem_shared>> -> memref<64x32xf32, #tpu.memory_space<vmem_shared>>
      %dma_start3A_236 = arith.constant 0 : i32
      %dma_start3A_237 = tpu.memref_slice %arg5[%add3A_49, %dma_start3A_236] : memref<50176x32xf32, #tpu.memory_space<vmem_shared>> -> memref<64x32xf32, #tpu.memory_space<vmem_shared>>
      %dma_start3A_238 = arith.constant 0 : i32
      %dma_start3A_239 = arith.constant 0 : i32
      %dma_start3A_240 = tpu.memref_slice %arg8[%run_scoped3A_50, %dma_start3A_238, %dma_start3A_239] : memref<2x256x32xf32, #tpu.memory_space<vmem>> -> memref<1x64x32xf32, #tpu.memory_space<vmem>>
      %dma_start3A_241 = tpu.memref_squeeze %dma_start3A_240 : memref<1x64x32xf32, #tpu.memory_space<vmem>> -> memref<64x32xf32, #tpu.memory_space<vmem>>
      tpu.enqueue_dma source(%dma_start3A_241 : memref<64x32xf32, #tpu.memory_space<vmem>>) target(%dma_start3A_237 : memref<64x32xf32, #tpu.memory_space<vmem_shared>>) target_semaphore(%run_scoped3A_229 : memref<!tpu.dma_semaphore, #tpu.memory_space<semaphore_mem>>)
      %dma_wait3A_242 = arith.constant 0 : i32
      %dma_wait3A_243 = arith.constant 0 : i32
      %dma_wait3A_244 = tpu.memref_slice %arg8[%run_scoped3A_50, %dma_wait3A_242, %dma_wait3A_243] : memref<2x256x32xf32, #tpu.memory_space<vmem>> -> memref<1x64x32xf32, #tpu.memory_space<vmem>>
      %dma_wait3A_245 = tpu.memref_squeeze %dma_wait3A_244 : memref<1x64x32xf32, #tpu.memory_space<vmem>> -> memref<64x32xf32, #tpu.memory_space<vmem>>
      %dma_wait3A_246 = arith.constant 0 : i32
      %dma_wait3A_247 = tpu.memref_slice %arg5[%add3A_49, %dma_wait3A_246] : memref<50176x32xf32, #tpu.memory_space<vmem_shared>> -> memref<64x32xf32, #tpu.memory_space<vmem_shared>>
      %dma_wait3A_248 = arith.constant 0 : i32
      %dma_wait3A_249 = tpu.memref_slice %arg5[%add3A_49, %dma_wait3A_248] : memref<50176x32xf32, #tpu.memory_space<vmem_shared>> -> memref<64x32xf32, #tpu.memory_space<vmem_shared>>
      %dma_wait3A_250 = arith.constant 0 : i32
      %dma_wait3A_251 = arith.constant 0 : i32
      %dma_wait3A_252 = tpu.memref_slice %arg8[%run_scoped3A_50, %dma_wait3A_250, %dma_wait3A_251] : memref<2x256x32xf32, #tpu.memory_space<vmem>> -> memref<1x64x32xf32, #tpu.memory_space<vmem>>
      %dma_wait3A_253 = tpu.memref_squeeze %dma_wait3A_252 : memref<1x64x32xf32, #tpu.memory_space<vmem>> -> memref<64x32xf32, #tpu.memory_space<vmem>>
      tpu.wait_dma2 semaphore(%run_scoped3A_229 : memref<!tpu.dma_semaphore, #tpu.memory_space<semaphore_mem>>) src(%dma_wait3A_253 : memref<64x32xf32, #tpu.memory_space<vmem>>) dst(%dma_wait3A_249 : memref<64x32xf32, #tpu.memory_space<vmem_shared>>)
      tpu.yield
    }) : () -> ()
    %barrier3A = arith.constant 0 : index
    tpu.barrier barrier_id(%barrier3A)
    %add3A_51 = arith.constant 0 : i32
    %add3A_52 = arith.addi %mul3A_5, %add3A_51 : i32
    %run_scoped3A_53 = arith.constant 0 : i32
    "tpu.region"() ({
      %run_scoped3A_229 = tpu.sem_alloc : memref<!tpu.dma_semaphore, #tpu.memory_space<semaphore_mem>>
      %dma_start3A_230 = arith.constant 0 : i32
      %dma_start3A_231 = arith.constant 0 : i32
      %dma_start3A_232 = tpu.memref_slice %arg6[%run_scoped3A_53, %dma_start3A_230, %dma_start3A_231] : memref<2x2x128xi32, #tpu.memory_space<vmem>> -> memref<1x2x128xi32, #tpu.memory_space<vmem>>
      %dma_start3A_233 = tpu.memref_squeeze %dma_start3A_232 : memref<1x2x128xi32, #tpu.memory_space<vmem>> -> memref<2x128xi32, #tpu.memory_space<vmem>>
      %dma_start3A_234 = arith.constant 0 : i32
      %dma_start3A_235 = tpu.memref_slice %arg2[%add3A_52, %dma_start3A_234] : memref<6272x128xi32, #tpu.memory_space<hbm>> -> memref<2x128xi32, #tpu.memory_space<hbm>>
      %dma_start3A_236 = arith.constant 0 : i32
      %dma_start3A_237 = arith.constant 0 : i32
      %dma_start3A_238 = tpu.memref_slice %arg6[%run_scoped3A_53, %dma_start3A_236, %dma_start3A_237] : memref<2x2x128xi32, #tpu.memory_space<vmem>> -> memref<1x2x128xi32, #tpu.memory_space<vmem>>
      %dma_start3A_239 = tpu.memref_squeeze %dma_start3A_238 : memref<1x2x128xi32, #tpu.memory_space<vmem>> -> memref<2x128xi32, #tpu.memory_space<vmem>>
      %dma_start3A_240 = arith.constant 0 : i32
      %dma_start3A_241 = tpu.memref_slice %arg2[%add3A_52, %dma_start3A_240] : memref<6272x128xi32, #tpu.memory_space<hbm>> -> memref<2x128xi32, #tpu.memory_space<hbm>>
      tpu.enqueue_dma source(%dma_start3A_241 : memref<2x128xi32, #tpu.memory_space<hbm>>) target(%dma_start3A_239 : memref<2x128xi32, #tpu.memory_space<vmem>>) target_semaphore(%run_scoped3A_229 : memref<!tpu.dma_semaphore, #tpu.memory_space<semaphore_mem>>)
      %dma_wait3A_242 = arith.constant 0 : i32
      %dma_wait3A_243 = arith.constant 0 : i32
      %dma_wait3A_244 = tpu.memref_slice %arg6[%run_scoped3A_53, %dma_wait3A_242, %dma_wait3A_243] : memref<2x2x128xi32, #tpu.memory_space<vmem>> -> memref<1x2x128xi32, #tpu.memory_space<vmem>>
      %dma_wait3A_245 = tpu.memref_squeeze %dma_wait3A_244 : memref<1x2x128xi32, #tpu.memory_space<vmem>> -> memref<2x128xi32, #tpu.memory_space<vmem>>
      %dma_wait3A_246 = arith.constant 0 : i32
      %dma_wait3A_247 = tpu.memref_slice %arg2[%add3A_52, %dma_wait3A_246] : memref<6272x128xi32, #tpu.memory_space<hbm>> -> memref<2x128xi32, #tpu.memory_space<hbm>>
      %dma_wait3A_248 = arith.constant 0 : i32
      %dma_wait3A_249 = arith.constant 0 : i32
      %dma_wait3A_250 = tpu.memref_slice %arg6[%run_scoped3A_53, %dma_wait3A_248, %dma_wait3A_249] : memref<2x2x128xi32, #tpu.memory_space<vmem>> -> memref<1x2x128xi32, #tpu.memory_space<vmem>>
      %dma_wait3A_251 = tpu.memref_squeeze %dma_wait3A_250 : memref<1x2x128xi32, #tpu.memory_space<vmem>> -> memref<2x128xi32, #tpu.memory_space<vmem>>
      %dma_wait3A_252 = arith.constant 0 : i32
      %dma_wait3A_253 = tpu.memref_slice %arg2[%add3A_52, %dma_wait3A_252] : memref<6272x128xi32, #tpu.memory_space<hbm>> -> memref<2x128xi32, #tpu.memory_space<hbm>>
      tpu.wait_dma2 semaphore(%run_scoped3A_229 : memref<!tpu.dma_semaphore, #tpu.memory_space<semaphore_mem>>) src(%dma_wait3A_253 : memref<2x128xi32, #tpu.memory_space<hbm>>) dst(%dma_wait3A_251 : memref<2x128xi32, #tpu.memory_space<vmem>>)
      tpu.yield
    }) : () -> ()
    %scan3A_54 = arith.constant 0 : i32
    %scan3A_55 = arith.constant 0 : i32
    %scan3A_56 = arith.constant 16 : i32
    %scan3A_57 = arith.addi %scan3A_55, %scan3A_56 : i32
    %scan3A_58 = arith.constant 1 : i32
    %scan3A_59 = scf.for %scan3A_229 = %scan3A_55 to %scan3A_57 step %scan3A_58 iter_args(%scan3A_230 = %scan3A_54) -> (i32)  : i32 {
      %jit3A = arith.constant 8 : i32
      %div3A = arith.divsi %scan3A_229, %jit3A : i32
      %sign3A = arith.constant 0 : i32
      %sign3A_231 = arith.cmpi sgt, %scan3A_229, %sign3A : i32
      %sign3A_232 = arith.extui %sign3A_231 : i1 to i32
      %sign3A_233 = arith.constant 0 : i32
      %sign3A_234 = arith.cmpi slt, %scan3A_229, %sign3A_233 : i32
      %sign3A_235 = arith.extui %sign3A_234 : i1 to i32
      %sign3A_236 = arith.subi %sign3A_232, %sign3A_235 : i32
      %sign3A_237 = arith.constant 0 : i32
      %sign3A_238 = arith.cmpi sgt, %jit3A, %sign3A_237 : i32
      %sign3A_239 = arith.extui %sign3A_238 : i1 to i32
      %sign3A_240 = arith.constant 0 : i32
      %sign3A_241 = arith.cmpi slt, %jit3A, %sign3A_240 : i32
      %sign3A_242 = arith.extui %sign3A_241 : i1 to i32
      %sign3A_243 = arith.subi %sign3A_239, %sign3A_242 : i32
      %ne3A = arith.cmpi ne, %sign3A_236, %sign3A_243 : i32
      %rem3A_244 = arith.remsi %scan3A_229, %jit3A : i32
      %ne3A_245 = arith.constant 0 : i32
      %ne3A_246 = arith.cmpi ne, %rem3A_244, %ne3A_245 : i32
      %and3A = arith.andi %ne3A, %ne3A_246 : i1
      %sub3A = arith.constant 1 : i32
      %sub3A_247 = arith.subi %div3A, %sub3A : i32
      %select_n3A = arith.select %and3A, %sub3A_247, %div3A : i32
      %jit3A_248 = arith.constant 8 : i32
      %eq3A = arith.constant 0 : i32
      %eq3A_249 = arith.cmpi eq, %jit3A_248, %eq3A : i32
      %jit3A_250 = arith.constant 1 : i32
      %select_n3A_251 = arith.select %eq3A_249, %jit3A_250, %jit3A_248 : i32
      %rem3A_252 = arith.remsi %scan3A_229, %select_n3A_251 : i32
      %ne3A_253 = arith.constant 0 : i32
      %ne3A_254 = arith.cmpi ne, %rem3A_252, %ne3A_253 : i32
      %lt3A = arith.constant 0 : i32
      %lt3A_255 = arith.cmpi slt, %rem3A_252, %lt3A : i32
      %lt3A_256 = arith.constant 0 : i32
      %lt3A_257 = arith.cmpi slt, %select_n3A_251, %lt3A_256 : i32
      %ne3A_258 = arith.xori %lt3A_255, %lt3A_257 : i1
      %and3A_259 = arith.andi %ne3A_258, %ne3A_254 : i1
      %add3A_260 = arith.addi %rem3A_252, %select_n3A_251 : i32
      %select_n3A_261 = arith.select %and3A_259, %add3A_260, %rem3A_252 : i32
      %mul3A_262 = arith.constant 16 : i32
      %mul3A_263 = arith.muli %select_n3A_261, %mul3A_262 : i32
      %get3A = arith.constant 0 : i32
      %get3A_264 = arith.index_cast %get3A : i32 to index
      %get3A_265 = arith.index_cast %select_n3A : i32 to index
      %get3A_266 = arith.index_cast %mul3A_263 : i32 to index
      %get3A_267 = tpu.vector_load %arg6[%get3A_264, %get3A_265, %get3A_266] {strides = array<i32>} : memref<2x2x128xi32, #tpu.memory_space<vmem>>, vector<1x1x16xi32>,
      %get3A_268 = vector.shape_cast %get3A_267 : vector<1x1x16xi32> to vector<16xi32>
      %shift_right_arithmetic3A = arith.constant 16 : i32
      %shift_right_arithmetic3A_269 = vector.broadcast %shift_right_arithmetic3A : i32 to vector<16xi32>
      %shift_right_arithmetic3A_270 = arith.shrsi %get3A_268, %shift_right_arithmetic3A_269 : vector<16xi32>
      %and3A_271 = arith.constant 65535 : i32
      %and3A_272 = vector.broadcast %and3A_271 : i32 to vector<16xi32>
      %and3A_273 = arith.andi %shift_right_arithmetic3A_270, %and3A_272 : vector<16xi32>
      %mul3A_274 = arith.constant 16 : i32
      %mul3A_275 = arith.muli %select_n3A_261, %mul3A_274 : i32
      %swap3A = arith.constant 0 : i32
      %swap3A_276 = arith.index_cast %swap3A : i32 to index
      %swap3A_277 = arith.index_cast %select_n3A : i32 to index
      %swap3A_278 = arith.index_cast %mul3A_275 : i32 to index
      %swap3A_279 = tpu.vector_load %arg7[%swap3A_276, %swap3A_277, %swap3A_278] {strides = array<i32>} : memref<2x2x128xi32, #tpu.memory_space<vmem>>, vector<1x1x16xi32>,
      %swap3A_280 = vector.shape_cast %swap3A_279 : vector<1x1x16xi32> to vector<16xi32>
      %swap3A_281 = vector.shape_cast %and3A_273 : vector<16xi32> to vector<1x1x16xi32>
      tpu.vector_store %arg7[%swap3A_276, %swap3A_277, %swap3A_278], %swap3A_281 {strides = array<i32>} : memref<2x2x128xi32, #tpu.memory_space<vmem>>, vector<1x1x16xi32>,
      %and3A_282 = arith.constant 65535 : i32
      %and3A_283 = vector.broadcast %and3A_282 : i32 to vector<16xi32>
      %and3A_284 = arith.andi %get3A_268, %and3A_283 : vector<16xi32>
      %mul3A_285 = arith.constant 4 : i32
      %mul3A_286 = vector.broadcast %mul3A_285 : i32 to vector<16xi32>
      %mul3A_287 = arith.muli %and3A_284, %mul3A_286 : vector<16xi32>
      %add3A_288 = vector.broadcast %add3A_3 : i32 to vector<16xi32>
      %add3A_289 = arith.addi %mul3A_287, %add3A_288 : vector<16xi32>
      %mul3A_290 = arith.constant 16 : i32
      %mul3A_291 = arith.muli %select_n3A_261, %mul3A_290 : i32
      %swap3A_292 = arith.constant 0 : i32
      %swap3A_293 = arith.index_cast %swap3A_292 : i32 to index
      %swap3A_294 = arith.index_cast %select_n3A : i32 to index
      %swap3A_295 = arith.index_cast %mul3A_291 : i32 to index
      %swap3A_296 = tpu.vector_load %arg6[%swap3A_293, %swap3A_294, %swap3A_295] {strides = array<i32>} : memref<2x2x128xi32, #tpu.memory_space<vmem>>, vector<1x1x16xi32>,
      %swap3A_297 = vector.shape_cast %swap3A_296 : vector<1x1x16xi32> to vector<16xi32>
      %swap3A_298 = vector.shape_cast %add3A_289 : vector<16xi32> to vector<1x1x16xi32>
      tpu.vector_store %arg6[%swap3A_293, %swap3A_294, %swap3A_295], %swap3A_298 {strides = array<i32>} : memref<2x2x128xi32, #tpu.memory_space<vmem>>, vector<1x1x16xi32>,
      %scan3A_299 = arith.constant 0 : i32
      scf.yield %scan3A_299 : i32
    }
    %scan3A_60 = arith.constant 16 : i32
    %dma_start3A = arith.constant 0 : i32
    %dma_start3A_61 = arith.constant 0 : i32
    %dma_start3A_62 = arith.constant 0 : i32
    %dma_start3A_63 = arith.constant 0 : i32
    %dma_start3A_64 = arith.constant 0 : i32
    %dma_start3A_65 = tpu.memref_slice %arg8[%dma_start3A_62, %dma_start3A_63, %dma_start3A_64] : memref<2x256x32xf32, #tpu.memory_space<vmem>> -> memref<1x128x32xf32, #tpu.memory_space<vmem>>
    %dma_start3A_66 = tpu.memref_squeeze %dma_start3A_65 : memref<1x128x32xf32, #tpu.memory_space<vmem>> -> memref<128x32xf32, #tpu.memory_space<vmem>>
    %dma_start3A_67 = arith.constant 0 : i32
    %dma_start3A_68 = tpu.memref_slice %arg6[%dma_start3A, %dma_start3A_61, %dma_start3A_67] : memref<2x2x128xi32, #tpu.memory_space<vmem>> -> memref<1x1x128xi32, #tpu.memory_space<vmem>>
    %dma_start3A_69 = tpu.memref_squeeze %dma_start3A_68 : memref<1x1x128xi32, #tpu.memory_space<vmem>> -> memref<128xi32, #tpu.memory_space<vmem>>
    %dma_start3A_70 = arith.constant 0 : i32
    %dma_start3A_71 = arith.constant 0 : i32
    %dma_start3A_72 = tpu.memref_slice %arg3[%dma_start3A_70, %dma_start3A_71] : memref<200704x32xf32, #tpu.memory_space<hbm>> -> memref<200704x32xf32, #tpu.memory_space<hbm>>
    tpu.enqueue_indirect_dma source(%dma_start3A_72 : memref<200704x32xf32, #tpu.memory_space<hbm>>) target(%dma_start3A_66 : memref<128x32xf32, #tpu.memory_space<vmem>>) offsets(%dma_start3A_69 : memref<128xi32, #tpu.memory_space<vmem>>) semaphore(%arg9 : memref<!tpu.dma_semaphore, #tpu.memory_space<semaphore_mem>>)
    %dma_start3A_73 = arith.constant 0 : i32
    %dma_start3A_74 = arith.constant 1 : i32
    %dma_start3A_75 = arith.constant 0 : i32
    %dma_start3A_76 = arith.constant 128 : i32
    %dma_start3A_77 = arith.constant 0 : i32
    %dma_start3A_78 = tpu.memref_slice %arg8[%dma_start3A_75, %dma_start3A_76, %dma_start3A_77] : memref<2x256x32xf32, #tpu.memory_space<vmem>> -> memref<1x128x32xf32, #tpu.memory_space<vmem>>
    %dma_start3A_79 = tpu.memref_squeeze %dma_start3A_78 : memref<1x128x32xf32, #tpu.memory_space<vmem>> -> memref<128x32xf32, #tpu.memory_space<vmem>>
    %dma_start3A_80 = arith.constant 0 : i32
    %dma_start3A_81 = tpu.memref_slice %arg6[%dma_start3A_73, %dma_start3A_74, %dma_start3A_80] : memref<2x2x128xi32, #tpu.memory_space<vmem>> -> memref<1x1x128xi32, #tpu.memory_space<vmem>>
    %dma_start3A_82 = tpu.memref_squeeze %dma_start3A_81 : memref<1x1x128xi32, #tpu.memory_space<vmem>> -> memref<128xi32, #tpu.memory_space<vmem>>
    %dma_start3A_83 = arith.constant 0 : i32
    %dma_start3A_84 = arith.constant 0 : i32
    %dma_start3A_85 = tpu.memref_slice %arg3[%dma_start3A_83, %dma_start3A_84] : memref<200704x32xf32, #tpu.memory_space<hbm>> -> memref<200704x32xf32, #tpu.memory_space<hbm>>
    tpu.enqueue_indirect_dma source(%dma_start3A_85 : memref<200704x32xf32, #tpu.memory_space<hbm>>) target(%dma_start3A_79 : memref<128x32xf32, #tpu.memory_space<vmem>>) offsets(%dma_start3A_82 : memref<128xi32, #tpu.memory_space<vmem>>) semaphore(%arg9 : memref<!tpu.dma_semaphore, #tpu.memory_space<semaphore_mem>>)
    %scan3A_86 = arith.constant 0 : i32
    %scan3A_87 = arith.constant 0 : i32
    %scan3A_88 = arith.constant 196 : i32
    %scan3A_89 = arith.addi %scan3A_87, %scan3A_88 : i32
    %scan3A_90 = arith.constant 1 : i32
    %scan3A_91 = scf.for %scan3A_229 = %scan3A_87 to %scan3A_89 step %scan3A_90 iter_args(%scan3A_230 = %scan3A_86) -> (i32)  : i32 {
      %rem3A_231 = arith.constant 2 : i32
      %rem3A_232 = arith.remsi %scan3A_229, %rem3A_231 : i32
      %ge3A = arith.constant 1 : i32
      %ge3A_233 = arith.cmpi sge, %scan3A_229, %ge3A : i32
      %convert_element_type3A = arith.extui %ge3A_233 : i1 to i32
      %cond3A = arith.constant 0 : i32
      %cond3A_234 = arith.cmpi ne, %convert_element_type3A, %cond3A : i32
      scf.if %cond3A_234 {
        %sub3A = arith.constant 1 : i32
        %sub3A_278 = arith.subi %sub3A, %rem3A_232 : i32
        %dma_wait3A_279 = arith.constant 0 : i32
        %dma_wait3A_280 = arith.constant 0 : i32
        %dma_wait3A_281 = tpu.memref_slice %arg8[%sub3A_278, %dma_wait3A_279, %dma_wait3A_280] : memref<2x256x32xf32, #tpu.memory_space<vmem>> -> memref<1x256x32xf32, #tpu.memory_space<vmem>>
        %dma_wait3A_282 = tpu.memref_squeeze %dma_wait3A_281 : memref<1x256x32xf32, #tpu.memory_space<vmem>> -> memref<256x32xf32, #tpu.memory_space<vmem>>
        %dma_wait3A_283 = arith.constant 0 : i32
        %dma_wait3A_284 = arith.constant 0 : i32
        %dma_wait3A_285 = tpu.memref_slice %arg3[%dma_wait3A_283, %dma_wait3A_284] : memref<200704x32xf32, #tpu.memory_space<hbm>> -> memref<256x32xf32, #tpu.memory_space<hbm>>
        %dma_wait3A_286 = arith.constant 0 : i32
        %dma_wait3A_287 = arith.constant 0 : i32
        %dma_wait3A_288 = tpu.memref_slice %arg8[%sub3A_278, %dma_wait3A_286, %dma_wait3A_287] : memref<2x256x32xf32, #tpu.memory_space<vmem>> -> memref<1x256x32xf32, #tpu.memory_space<vmem>>
        %dma_wait3A_289 = tpu.memref_squeeze %dma_wait3A_288 : memref<1x256x32xf32, #tpu.memory_space<vmem>> -> memref<256x32xf32, #tpu.memory_space<vmem>>
        %dma_wait3A_290 = arith.constant 0 : i32
        %dma_wait3A_291 = arith.constant 0 : i32
        %dma_wait3A_292 = tpu.memref_slice %arg3[%dma_wait3A_290, %dma_wait3A_291] : memref<200704x32xf32, #tpu.memory_space<hbm>> -> memref<256x32xf32, #tpu.memory_space<hbm>>
        tpu.wait_dma2 semaphore(%arg10 : memref<!tpu.dma_semaphore, #tpu.memory_space<semaphore_mem>>) src(%dma_wait3A_292 : memref<256x32xf32, #tpu.memory_space<hbm>>) dst(%dma_wait3A_289 : memref<256x32xf32, #tpu.memory_space<vmem>>)
      } else {
      }
      %add3A_235 = arith.constant 1 : i32
      %add3A_236 = arith.addi %scan3A_229, %add3A_235 : i32
      %lt3A = arith.constant 196 : i32
      %lt3A_237 = arith.cmpi slt, %add3A_236, %lt3A : i32
      %convert_element_type3A_238 = arith.extui %lt3A_237 : i1 to i32
      %cond3A_239 = arith.constant 0 : i32
      %cond3A_240 = arith.cmpi ne, %convert_element_type3A_238, %cond3A_239 : i32
      scf.if %cond3A_240 {
        %add3A_278 = arith.constant 1 : i32
        %add3A_279 = arith.addi %scan3A_229, %add3A_278 : i32
        %sub3A = arith.constant 1 : i32
        %sub3A_280 = arith.subi %sub3A, %rem3A_232 : i32
        %mul3A_281 = arith.constant 2 : i32
        %mul3A_282 = arith.muli %add3A_279, %mul3A_281 : i32
        %add3A_283 = arith.addi %mul3A_5, %mul3A_282 : i32
        "tpu.region"() ({
          %run_scoped3A_313 = tpu.sem_alloc : memref<!tpu.dma_semaphore, #tpu.memory_space<semaphore_mem>>
          %dma_start3A_314 = arith.constant 0 : i32
          %dma_start3A_315 = arith.constant 0 : i32
          %dma_start3A_316 = tpu.memref_slice %arg6[%sub3A_280, %dma_start3A_314, %dma_start3A_315] : memref<2x2x128xi32, #tpu.memory_space<vmem>> -> memref<1x2x128xi32, #tpu.memory_space<vmem>>
          %dma_start3A_317 = tpu.memref_squeeze %dma_start3A_316 : memref<1x2x128xi32, #tpu.memory_space<vmem>> -> memref<2x128xi32, #tpu.memory_space<vmem>>
          %dma_start3A_318 = arith.constant 0 : i32
          %dma_start3A_319 = tpu.memref_slice %arg2[%add3A_283, %dma_start3A_318] : memref<6272x128xi32, #tpu.memory_space<hbm>> -> memref<2x128xi32, #tpu.memory_space<hbm>>
          %dma_start3A_320 = arith.constant 0 : i32
          %dma_start3A_321 = arith.constant 0 : i32
          %dma_start3A_322 = tpu.memref_slice %arg6[%sub3A_280, %dma_start3A_320, %dma_start3A_321] : memref<2x2x128xi32, #tpu.memory_space<vmem>> -> memref<1x2x128xi32, #tpu.memory_space<vmem>>
          %dma_start3A_323 = tpu.memref_squeeze %dma_start3A_322 : memref<1x2x128xi32, #tpu.memory_space<vmem>> -> memref<2x128xi32, #tpu.memory_space<vmem>>
          %dma_start3A_324 = arith.constant 0 : i32
          %dma_start3A_325 = tpu.memref_slice %arg2[%add3A_283, %dma_start3A_324] : memref<6272x128xi32, #tpu.memory_space<hbm>> -> memref<2x128xi32, #tpu.memory_space<hbm>>
          tpu.enqueue_dma source(%dma_start3A_325 : memref<2x128xi32, #tpu.memory_space<hbm>>) target(%dma_start3A_323 : memref<2x128xi32, #tpu.memory_space<vmem>>) target_semaphore(%run_scoped3A_313 : memref<!tpu.dma_semaphore, #tpu.memory_space<semaphore_mem>>)
          %dma_wait3A_326 = arith.constant 0 : i32
          %dma_wait3A_327 = arith.constant 0 : i32
          %dma_wait3A_328 = tpu.memref_slice %arg6[%sub3A_280, %dma_wait3A_326, %dma_wait3A_327] : memref<2x2x128xi32, #tpu.memory_space<vmem>> -> memref<1x2x128xi32, #tpu.memory_space<vmem>>
          %dma_wait3A_329 = tpu.memref_squeeze %dma_wait3A_328 : memref<1x2x128xi32, #tpu.memory_space<vmem>> -> memref<2x128xi32, #tpu.memory_space<vmem>>
          %dma_wait3A_330 = arith.constant 0 : i32
          %dma_wait3A_331 = tpu.memref_slice %arg2[%add3A_283, %dma_wait3A_330] : memref<6272x128xi32, #tpu.memory_space<hbm>> -> memref<2x128xi32, #tpu.memory_space<hbm>>
          %dma_wait3A_332 = arith.constant 0 : i32
          %dma_wait3A_333 = arith.constant 0 : i32
          %dma_wait3A_334 = tpu.memref_slice %arg6[%sub3A_280, %dma_wait3A_332, %dma_wait3A_333] : memref<2x2x128xi32, #tpu.memory_space<vmem>> -> memref<1x2x128xi32, #tpu.memory_space<vmem>>
          %dma_wait3A_335 = tpu.memref_squeeze %dma_wait3A_334 : memref<1x2x128xi32, #tpu.memory_space<vmem>> -> memref<2x128xi32, #tpu.memory_space<vmem>>
          %dma_wait3A_336 = arith.constant 0 : i32
          %dma_wait3A_337 = tpu.memref_slice %arg2[%add3A_283, %dma_wait3A_336] : memref<6272x128xi32, #tpu.memory_space<hbm>> -> memref<2x128xi32, #tpu.memory_space<hbm>>
          tpu.wait_dma2 semaphore(%run_scoped3A_313 : memref<!tpu.dma_semaphore, #tpu.memory_space<semaphore_mem>>) src(%dma_wait3A_337 : memref<2x128xi32, #tpu.memory_space<hbm>>) dst(%dma_wait3A_335 : memref<2x128xi32, #tpu.memory_space<vmem>>)
          tpu.yield
        }) : () -> ()
        %scan3A_284 = arith.constant 0 : i32
        %scan3A_285 = arith.constant 0 : i32
        %scan3A_286 = arith.constant 16 : i32
        %scan3A_287 = arith.addi %scan3A_285, %scan3A_286 : i32
        %scan3A_288 = arith.constant 1 : i32
        %scan3A_289 = scf.for %scan3A_313 = %scan3A_285 to %scan3A_287 step %scan3A_288 iter_args(%scan3A_314 = %scan3A_284) -> (i32)  : i32 {
          %jit3A = arith.constant 8 : i32
          %div3A = arith.divsi %scan3A_313, %jit3A : i32
          %sign3A = arith.constant 0 : i32
          %sign3A_315 = arith.cmpi sgt, %scan3A_313, %sign3A : i32
          %sign3A_316 = arith.extui %sign3A_315 : i1 to i32
          %sign3A_317 = arith.constant 0 : i32
          %sign3A_318 = arith.cmpi slt, %scan3A_313, %sign3A_317 : i32
          %sign3A_319 = arith.extui %sign3A_318 : i1 to i32
          %sign3A_320 = arith.subi %sign3A_316, %sign3A_319 : i32
          %sign3A_321 = arith.constant 0 : i32
          %sign3A_322 = arith.cmpi sgt, %jit3A, %sign3A_321 : i32
          %sign3A_323 = arith.extui %sign3A_322 : i1 to i32
          %sign3A_324 = arith.constant 0 : i32
          %sign3A_325 = arith.cmpi slt, %jit3A, %sign3A_324 : i32
          %sign3A_326 = arith.extui %sign3A_325 : i1 to i32
          %sign3A_327 = arith.subi %sign3A_323, %sign3A_326 : i32
          %ne3A = arith.cmpi ne, %sign3A_320, %sign3A_327 : i32
          %rem3A_328 = arith.remsi %scan3A_313, %jit3A : i32
          %ne3A_329 = arith.constant 0 : i32
          %ne3A_330 = arith.cmpi ne, %rem3A_328, %ne3A_329 : i32
          %and3A = arith.andi %ne3A, %ne3A_330 : i1
          %sub3A_331 = arith.constant 1 : i32
          %sub3A_332 = arith.subi %div3A, %sub3A_331 : i32
          %select_n3A = arith.select %and3A, %sub3A_332, %div3A : i32
          %jit3A_333 = arith.constant 8 : i32
          %eq3A = arith.constant 0 : i32
          %eq3A_334 = arith.cmpi eq, %jit3A_333, %eq3A : i32
          %jit3A_335 = arith.constant 1 : i32
          %select_n3A_336 = arith.select %eq3A_334, %jit3A_335, %jit3A_333 : i32
          %rem3A_337 = arith.remsi %scan3A_313, %select_n3A_336 : i32
          %ne3A_338 = arith.constant 0 : i32
          %ne3A_339 = arith.cmpi ne, %rem3A_337, %ne3A_338 : i32
          %lt3A_340 = arith.constant 0 : i32
          %lt3A_341 = arith.cmpi slt, %rem3A_337, %lt3A_340 : i32
          %lt3A_342 = arith.constant 0 : i32
          %lt3A_343 = arith.cmpi slt, %select_n3A_336, %lt3A_342 : i32
          %ne3A_344 = arith.xori %lt3A_341, %lt3A_343 : i1
          %and3A_345 = arith.andi %ne3A_344, %ne3A_339 : i1
          %add3A_346 = arith.addi %rem3A_337, %select_n3A_336 : i32
          %select_n3A_347 = arith.select %and3A_345, %add3A_346, %rem3A_337 : i32
          %mul3A_348 = arith.constant 16 : i32
          %mul3A_349 = arith.muli %select_n3A_347, %mul3A_348 : i32
          %get3A = arith.index_cast %sub3A_280 : i32 to index
          %get3A_350 = arith.index_cast %select_n3A : i32 to index
          %get3A_351 = arith.index_cast %mul3A_349 : i32 to index
          %get3A_352 = tpu.vector_load %arg6[%get3A, %get3A_350, %get3A_351] {strides = array<i32>} : memref<2x2x128xi32, #tpu.memory_space<vmem>>, vector<1x1x16xi32>,
          %get3A_353 = vector.shape_cast %get3A_352 : vector<1x1x16xi32> to vector<16xi32>
          %shift_right_arithmetic3A = arith.constant 16 : i32
          %shift_right_arithmetic3A_354 = vector.broadcast %shift_right_arithmetic3A : i32 to vector<16xi32>
          %shift_right_arithmetic3A_355 = arith.shrsi %get3A_353, %shift_right_arithmetic3A_354 : vector<16xi32>
          %and3A_356 = arith.constant 65535 : i32
          %and3A_357 = vector.broadcast %and3A_356 : i32 to vector<16xi32>
          %and3A_358 = arith.andi %shift_right_arithmetic3A_355, %and3A_357 : vector<16xi32>
          %mul3A_359 = arith.constant 16 : i32
          %mul3A_360 = arith.muli %select_n3A_347, %mul3A_359 : i32
          %swap3A = arith.index_cast %sub3A_280 : i32 to index
          %swap3A_361 = arith.index_cast %select_n3A : i32 to index
          %swap3A_362 = arith.index_cast %mul3A_360 : i32 to index
          %swap3A_363 = tpu.vector_load %arg7[%swap3A, %swap3A_361, %swap3A_362] {strides = array<i32>} : memref<2x2x128xi32, #tpu.memory_space<vmem>>, vector<1x1x16xi32>,
          %swap3A_364 = vector.shape_cast %swap3A_363 : vector<1x1x16xi32> to vector<16xi32>
          %swap3A_365 = vector.shape_cast %and3A_358 : vector<16xi32> to vector<1x1x16xi32>
          tpu.vector_store %arg7[%swap3A, %swap3A_361, %swap3A_362], %swap3A_365 {strides = array<i32>} : memref<2x2x128xi32, #tpu.memory_space<vmem>>, vector<1x1x16xi32>,
          %and3A_366 = arith.constant 65535 : i32
          %and3A_367 = vector.broadcast %and3A_366 : i32 to vector<16xi32>
          %and3A_368 = arith.andi %get3A_353, %and3A_367 : vector<16xi32>
          %mul3A_369 = arith.constant 4 : i32
          %mul3A_370 = vector.broadcast %mul3A_369 : i32 to vector<16xi32>
          %mul3A_371 = arith.muli %and3A_368, %mul3A_370 : vector<16xi32>
          %add3A_372 = vector.broadcast %add3A_3 : i32 to vector<16xi32>
          %add3A_373 = arith.addi %mul3A_371, %add3A_372 : vector<16xi32>
          %mul3A_374 = arith.constant 16 : i32
          %mul3A_375 = arith.muli %select_n3A_347, %mul3A_374 : i32
          %swap3A_376 = arith.index_cast %sub3A_280 : i32 to index
          %swap3A_377 = arith.index_cast %select_n3A : i32 to index
          %swap3A_378 = arith.index_cast %mul3A_375 : i32 to index
          %swap3A_379 = tpu.vector_load %arg6[%swap3A_376, %swap3A_377, %swap3A_378] {strides = array<i32>} : memref<2x2x128xi32, #tpu.memory_space<vmem>>, vector<1x1x16xi32>,
          %swap3A_380 = vector.shape_cast %swap3A_379 : vector<1x1x16xi32> to vector<16xi32>
          %swap3A_381 = vector.shape_cast %add3A_373 : vector<16xi32> to vector<1x1x16xi32>
          tpu.vector_store %arg6[%swap3A_376, %swap3A_377, %swap3A_378], %swap3A_381 {strides = array<i32>} : memref<2x2x128xi32, #tpu.memory_space<vmem>>, vector<1x1x16xi32>,
          %scan3A_382 = arith.constant 0 : i32
          scf.yield %scan3A_382 : i32
        }
        %scan3A_290 = arith.constant 16 : i32
        %dma_start3A_291 = arith.constant 0 : i32
        %dma_start3A_292 = arith.constant 0 : i32
        %dma_start3A_293 = arith.constant 0 : i32
        %dma_start3A_294 = tpu.memref_slice %arg8[%sub3A_280, %dma_start3A_292, %dma_start3A_293] : memref<2x256x32xf32, #tpu.memory_space<vmem>> -> memref<1x128x32xf32, #tpu.memory_space<vmem>>
        %dma_start3A_295 = tpu.memref_squeeze %dma_start3A_294 : memref<1x128x32xf32, #tpu.memory_space<vmem>> -> memref<128x32xf32, #tpu.memory_space<vmem>>
        %dma_start3A_296 = arith.constant 0 : i32
        %dma_start3A_297 = tpu.memref_slice %arg6[%sub3A_280, %dma_start3A_291, %dma_start3A_296] : memref<2x2x128xi32, #tpu.memory_space<vmem>> -> memref<1x1x128xi32, #tpu.memory_space<vmem>>
        %dma_start3A_298 = tpu.memref_squeeze %dma_start3A_297 : memref<1x1x128xi32, #tpu.memory_space<vmem>> -> memref<128xi32, #tpu.memory_space<vmem>>
        %dma_start3A_299 = arith.constant 0 : i32
        %dma_start3A_300 = arith.constant 0 : i32
        %dma_start3A_301 = tpu.memref_slice %arg3[%dma_start3A_299, %dma_start3A_300] : memref<200704x32xf32, #tpu.memory_space<hbm>> -> memref<200704x32xf32, #tpu.memory_space<hbm>>
        tpu.enqueue_indirect_dma source(%dma_start3A_301 : memref<200704x32xf32, #tpu.memory_space<hbm>>) target(%dma_start3A_295 : memref<128x32xf32, #tpu.memory_space<vmem>>) offsets(%dma_start3A_298 : memref<128xi32, #tpu.memory_space<vmem>>) semaphore(%arg9 : memref<!tpu.dma_semaphore, #tpu.memory_space<semaphore_mem>>)
        %dma_start3A_302 = arith.constant 1 : i32
        %dma_start3A_303 = arith.constant 128 : i32
        %dma_start3A_304 = arith.constant 0 : i32
        %dma_start3A_305 = tpu.memref_slice %arg8[%sub3A_280, %dma_start3A_303, %dma_start3A_304] : memref<2x256x32xf32, #tpu.memory_space<vmem>> -> memref<1x128x32xf32, #tpu.memory_space<vmem>>
        %dma_start3A_306 = tpu.memref_squeeze %dma_start3A_305 : memref<1x128x32xf32, #tpu.memory_space<vmem>> -> memref<128x32xf32, #tpu.memory_space<vmem>>
        %dma_start3A_307 = arith.constant 0 : i32
        %dma_start3A_308 = tpu.memref_slice %arg6[%sub3A_280, %dma_start3A_302, %dma_start3A_307] : memref<2x2x128xi32, #tpu.memory_space<vmem>> -> memref<1x1x128xi32, #tpu.memory_space<vmem>>
        %dma_start3A_309 = tpu.memref_squeeze %dma_start3A_308 : memref<1x1x128xi32, #tpu.memory_space<vmem>> -> memref<128xi32, #tpu.memory_space<vmem>>
        %dma_start3A_310 = arith.constant 0 : i32
        %dma_start3A_311 = arith.constant 0 : i32
        %dma_start3A_312 = tpu.memref_slice %arg3[%dma_start3A_310, %dma_start3A_311] : memref<200704x32xf32, #tpu.memory_space<hbm>> -> memref<200704x32xf32, #tpu.memory_space<hbm>>
        tpu.enqueue_indirect_dma source(%dma_start3A_312 : memref<200704x32xf32, #tpu.memory_space<hbm>>) target(%dma_start3A_306 : memref<128x32xf32, #tpu.memory_space<vmem>>) offsets(%dma_start3A_309 : memref<128xi32, #tpu.memory_space<vmem>>) semaphore(%arg9 : memref<!tpu.dma_semaphore, #tpu.memory_space<semaphore_mem>>)
      } else {
      }
      %dma_wait3A_241 = arith.constant 0 : i32
      %dma_wait3A_242 = arith.constant 0 : i32
      %dma_wait3A_243 = tpu.memref_slice %arg8[%rem3A_232, %dma_wait3A_241, %dma_wait3A_242] : memref<2x256x32xf32, #tpu.memory_space<vmem>> -> memref<1x256x32xf32, #tpu.memory_space<vmem>>
      %dma_wait3A_244 = tpu.memref_squeeze %dma_wait3A_243 : memref<1x256x32xf32, #tpu.memory_space<vmem>> -> memref<256x32xf32, #tpu.memory_space<vmem>>
      %dma_wait3A_245 = arith.constant 0 : i32
      %dma_wait3A_246 = arith.constant 0 : i32
      %dma_wait3A_247 = tpu.memref_slice %arg3[%dma_wait3A_245, %dma_wait3A_246] : memref<200704x32xf32, #tpu.memory_space<hbm>> -> memref<256x32xf32, #tpu.memory_space<hbm>>
      %dma_wait3A_248 = arith.constant 0 : i32
      %dma_wait3A_249 = arith.constant 0 : i32
      %dma_wait3A_250 = tpu.memref_slice %arg8[%rem3A_232, %dma_wait3A_248, %dma_wait3A_249] : memref<2x256x32xf32, #tpu.memory_space<vmem>> -> memref<1x256x32xf32, #tpu.memory_space<vmem>>
      %dma_wait3A_251 = tpu.memref_squeeze %dma_wait3A_250 : memref<1x256x32xf32, #tpu.memory_space<vmem>> -> memref<256x32xf32, #tpu.memory_space<vmem>>
      %dma_wait3A_252 = arith.constant 0 : i32
      %dma_wait3A_253 = arith.constant 0 : i32
      %dma_wait3A_254 = tpu.memref_slice %arg3[%dma_wait3A_252, %dma_wait3A_253] : memref<200704x32xf32, #tpu.memory_space<hbm>> -> memref<256x32xf32, #tpu.memory_space<hbm>>
      tpu.wait_dma2 semaphore(%arg9 : memref<!tpu.dma_semaphore, #tpu.memory_space<semaphore_mem>>) src(%dma_wait3A_254 : memref<256x32xf32, #tpu.memory_space<hbm>>) dst(%dma_wait3A_251 : memref<256x32xf32, #tpu.memory_space<vmem>>)
      %dma_start3A_255 = arith.constant 0 : i32
      %dma_start3A_256 = arith.constant 0 : i32
      %dma_start3A_257 = arith.constant 0 : i32
      %dma_start3A_258 = tpu.memref_slice %arg8[%rem3A_232, %dma_start3A_256, %dma_start3A_257] : memref<2x256x32xf32, #tpu.memory_space<vmem>> -> memref<1x128x32xf32, #tpu.memory_space<vmem>>
      %dma_start3A_259 = tpu.memref_squeeze %dma_start3A_258 : memref<1x128x32xf32, #tpu.memory_space<vmem>> -> memref<128x32xf32, #tpu.memory_space<vmem>>
      %dma_start3A_260 = arith.constant 0 : i32
      %dma_start3A_261 = tpu.memref_slice %arg7[%rem3A_232, %dma_start3A_255, %dma_start3A_260] : memref<2x2x128xi32, #tpu.memory_space<vmem>> -> memref<1x1x128xi32, #tpu.memory_space<vmem>>
      %dma_start3A_262 = tpu.memref_squeeze %dma_start3A_261 : memref<1x1x128xi32, #tpu.memory_space<vmem>> -> memref<128xi32, #tpu.memory_space<vmem>>
      %dma_start3A_263 = arith.constant 0 : i32
      %dma_start3A_264 = arith.constant 0 : i32
      %dma_start3A_265 = tpu.memref_slice %arg5[%dma_start3A_263, %dma_start3A_264] : memref<50176x32xf32, #tpu.memory_space<vmem_shared>> -> memref<50176x32xf32, #tpu.memory_space<vmem_shared>>
      tpu.enqueue_indirect_dma source(%dma_start3A_259 : memref<128x32xf32, #tpu.memory_space<vmem>>) target(%dma_start3A_265 : memref<50176x32xf32, #tpu.memory_space<vmem_shared>>) offsets(%dma_start3A_262 : memref<128xi32, #tpu.memory_space<vmem>>) semaphore(%arg10 : memref<!tpu.dma_semaphore, #tpu.memory_space<semaphore_mem>>) {add = true}
      %dma_start3A_266 = arith.constant 1 : i32
      %dma_start3A_267 = arith.constant 128 : i32
      %dma_start3A_268 = arith.constant 0 : i32
      %dma_start3A_269 = tpu.memref_slice %arg8[%rem3A_232, %dma_start3A_267, %dma_start3A_268] : memref<2x256x32xf32, #tpu.memory_space<vmem>> -> memref<1x128x32xf32, #tpu.memory_space<vmem>>
      %dma_start3A_270 = tpu.memref_squeeze %dma_start3A_269 : memref<1x128x32xf32, #tpu.memory_space<vmem>> -> memref<128x32xf32, #tpu.memory_space<vmem>>
      %dma_start3A_271 = arith.constant 0 : i32
      %dma_start3A_272 = tpu.memref_slice %arg7[%rem3A_232, %dma_start3A_266, %dma_start3A_271] : memref<2x2x128xi32, #tpu.memory_space<vmem>> -> memref<1x1x128xi32, #tpu.memory_space<vmem>>
      %dma_start3A_273 = tpu.memref_squeeze %dma_start3A_272 : memref<1x1x128xi32, #tpu.memory_space<vmem>> -> memref<128xi32, #tpu.memory_space<vmem>>
      %dma_start3A_274 = arith.constant 0 : i32
      %dma_start3A_275 = arith.constant 0 : i32
      %dma_start3A_276 = tpu.memref_slice %arg5[%dma_start3A_274, %dma_start3A_275] : memref<50176x32xf32, #tpu.memory_space<vmem_shared>> -> memref<50176x32xf32, #tpu.memory_space<vmem_shared>>
      tpu.enqueue_indirect_dma source(%dma_start3A_270 : memref<128x32xf32, #tpu.memory_space<vmem>>) target(%dma_start3A_276 : memref<50176x32xf32, #tpu.memory_space<vmem_shared>>) offsets(%dma_start3A_273 : memref<128xi32, #tpu.memory_space<vmem>>) semaphore(%arg10 : memref<!tpu.dma_semaphore, #tpu.memory_space<semaphore_mem>>) {add = true}
      %scan3A_277 = arith.constant 0 : i32
      scf.yield %scan3A_277 : i32
    }
    %scan3A_92 = arith.constant 196 : i32
    %rem3A = arith.constant 195 : i32
    %rem3A_93 = arith.constant 2 : i32
    %rem3A_94 = arith.remsi %rem3A, %rem3A_93 : i32
    %dma_wait3A = arith.constant 0 : i32
    %dma_wait3A_95 = arith.constant 0 : i32
    %dma_wait3A_96 = tpu.memref_slice %arg8[%rem3A_94, %dma_wait3A, %dma_wait3A_95] : memref<2x256x32xf32, #tpu.memory_space<vmem>> -> memref<1x256x32xf32, #tpu.memory_space<vmem>>
    %dma_wait3A_97 = tpu.memref_squeeze %dma_wait3A_96 : memref<1x256x32xf32, #tpu.memory_space<vmem>> -> memref<256x32xf32, #tpu.memory_space<vmem>>
    %dma_wait3A_98 = arith.constant 0 : i32
    %dma_wait3A_99 = arith.constant 0 : i32
    %dma_wait3A_100 = tpu.memref_slice %arg3[%dma_wait3A_98, %dma_wait3A_99] : memref<200704x32xf32, #tpu.memory_space<hbm>> -> memref<256x32xf32, #tpu.memory_space<hbm>>
    %dma_wait3A_101 = arith.constant 0 : i32
    %dma_wait3A_102 = arith.constant 0 : i32
    %dma_wait3A_103 = tpu.memref_slice %arg8[%rem3A_94, %dma_wait3A_101, %dma_wait3A_102] : memref<2x256x32xf32, #tpu.memory_space<vmem>> -> memref<1x256x32xf32, #tpu.memory_space<vmem>>
    %dma_wait3A_104 = tpu.memref_squeeze %dma_wait3A_103 : memref<1x256x32xf32, #tpu.memory_space<vmem>> -> memref<256x32xf32, #tpu.memory_space<vmem>>
    %dma_wait3A_105 = arith.constant 0 : i32
    %dma_wait3A_106 = arith.constant 0 : i32
    %dma_wait3A_107 = tpu.memref_slice %arg3[%dma_wait3A_105, %dma_wait3A_106] : memref<200704x32xf32, #tpu.memory_space<hbm>> -> memref<256x32xf32, #tpu.memory_space<hbm>>
    tpu.wait_dma2 semaphore(%arg10 : memref<!tpu.dma_semaphore, #tpu.memory_space<semaphore_mem>>) src(%dma_wait3A_107 : memref<256x32xf32, #tpu.memory_space<hbm>>) dst(%dma_wait3A_104 : memref<256x32xf32, #tpu.memory_space<vmem>>)
    %barrier3A_108 = arith.constant 0 : index
    tpu.barrier barrier_id(%barrier3A_108)
    %mul3A_109 = arith.constant 32 : i32
    %mul3A_110 = arith.muli %add3A_3, %mul3A_109 : i32
    "tpu.region"() ({
      %run_scoped3A_229 = tpu.sem_alloc : memref<!tpu.dma_semaphore, #tpu.memory_space<semaphore_mem>>
      %dma_start3A_230 = tpu.memref_slice %arg4[%mul3A_0, %mul3A_110] : memref<50176x128xf32, #tpu.memory_space<hbm>> -> memref<3136x32xf32, #tpu.memory_space<hbm>>
      %dma_start3A_231 = arith.constant 0 : i32
      %dma_start3A_232 = tpu.memref_slice %arg5[%mul3A_0, %dma_start3A_231] : memref<50176x32xf32, #tpu.memory_space<vmem_shared>> -> memref<3136x32xf32, #tpu.memory_space<vmem_shared>>
      tpu.enqueue_dma source(%dma_start3A_232 : memref<3136x32xf32, #tpu.memory_space<vmem_shared>>) target(%dma_start3A_230 : memref<3136x32xf32, #tpu.memory_space<hbm>>) target_semaphore(%run_scoped3A_229 : memref<!tpu.dma_semaphore, #tpu.memory_space<semaphore_mem>>)
      %dma_wait3A_233 = tpu.memref_slice %arg4[%mul3A_0, %mul3A_110] : memref<50176x128xf32, #tpu.memory_space<hbm>> -> memref<3136x32xf32, #tpu.memory_space<hbm>>
      %dma_wait3A_234 = arith.constant 0 : i32
      %dma_wait3A_235 = tpu.memref_slice %arg5[%mul3A_0, %dma_wait3A_234] : memref<50176x32xf32, #tpu.memory_space<vmem_shared>> -> memref<3136x32xf32, #tpu.memory_space<vmem_shared>>
      tpu.wait_dma2 semaphore(%run_scoped3A_229 : memref<!tpu.dma_semaphore, #tpu.memory_space<semaphore_mem>>) src(%dma_wait3A_235 : memref<3136x32xf32, #tpu.memory_space<vmem_shared>>) dst(%dma_wait3A_233 : memref<3136x32xf32, #tpu.memory_space<hbm>>)
      tpu.yield
    }) : () -> ()
    %mul3A_111 = arith.constant 2 : i32
    %mul3A_112 = arith.muli %arg0, %mul3A_111 : i32
    %add3A_113 = arith.constant 1 : i32
    %add3A_114 = arith.addi %mul3A_112, %add3A_113 : i32
    %mul3A_115 = arith.constant 392 : i32
    %mul3A_116 = arith.muli %arg1, %mul3A_115 : i32
    %broadcast_in_dim3A_117 = arith.constant 0.000000e+00 : f32
    %broadcast_in_dim3A_118 = vector.broadcast %broadcast_in_dim3A_117 : f32 to vector<16xf32>
    %scan3A_119 = arith.constant 0 : i32
    %scan3A_120 = arith.constant 0 : i32
    %scan3A_121 = arith.constant 512 : i32
    %scan3A_122 = arith.addi %scan3A_120, %scan3A_121 : i32
    %scan3A_123 = arith.constant 1 : i32
    %scan3A_124 = scf.for %scan3A_229 = %scan3A_120 to %scan3A_122 step %scan3A_123 iter_args(%scan3A_230 = %scan3A_119) -> (i32)  : i32 {
      %jit3A = arith.constant 2 : i32
      %div3A = arith.divsi %scan3A_229, %jit3A : i32
      %sign3A = arith.constant 0 : i32
      %sign3A_231 = arith.cmpi sgt, %scan3A_229, %sign3A : i32
      %sign3A_232 = arith.extui %sign3A_231 : i1 to i32
      %sign3A_233 = arith.constant 0 : i32
      %sign3A_234 = arith.cmpi slt, %scan3A_229, %sign3A_233 : i32
      %sign3A_235 = arith.extui %sign3A_234 : i1 to i32
      %sign3A_236 = arith.subi %sign3A_232, %sign3A_235 : i32
      %sign3A_237 = arith.constant 0 : i32
      %sign3A_238 = arith.cmpi sgt, %jit3A, %sign3A_237 : i32
      %sign3A_239 = arith.extui %sign3A_238 : i1 to i32
      %sign3A_240 = arith.constant 0 : i32
      %sign3A_241 = arith.cmpi slt, %jit3A, %sign3A_240 : i32
      %sign3A_242 = arith.extui %sign3A_241 : i1 to i32
      %sign3A_243 = arith.subi %sign3A_239, %sign3A_242 : i32
      %ne3A = arith.cmpi ne, %sign3A_236, %sign3A_243 : i32
      %rem3A_244 = arith.remsi %scan3A_229, %jit3A : i32
      %ne3A_245 = arith.constant 0 : i32
      %ne3A_246 = arith.cmpi ne, %rem3A_244, %ne3A_245 : i32
      %and3A = arith.andi %ne3A, %ne3A_246 : i1
      %sub3A = arith.constant 1 : i32
      %sub3A_247 = arith.subi %div3A, %sub3A : i32
      %select_n3A = arith.select %and3A, %sub3A_247, %div3A : i32
      %jit3A_248 = arith.constant 2 : i32
      %eq3A = arith.constant 0 : i32
      %eq3A_249 = arith.cmpi eq, %jit3A_248, %eq3A : i32
      %jit3A_250 = arith.constant 1 : i32
      %select_n3A_251 = arith.select %eq3A_249, %jit3A_250, %jit3A_248 : i32
      %rem3A_252 = arith.remsi %scan3A_229, %select_n3A_251 : i32
      %ne3A_253 = arith.constant 0 : i32
      %ne3A_254 = arith.cmpi ne, %rem3A_252, %ne3A_253 : i32
      %lt3A = arith.constant 0 : i32
      %lt3A_255 = arith.cmpi slt, %rem3A_252, %lt3A : i32
      %lt3A_256 = arith.constant 0 : i32
      %lt3A_257 = arith.cmpi slt, %select_n3A_251, %lt3A_256 : i32
      %ne3A_258 = arith.xori %lt3A_255, %lt3A_257 : i1
      %and3A_259 = arith.andi %ne3A_258, %ne3A_254 : i1
      %add3A_260 = arith.addi %rem3A_252, %select_n3A_251 : i32
      %select_n3A_261 = arith.select %and3A_259, %add3A_260, %rem3A_252 : i32
      %mul3A_262 = arith.constant 16 : i32
      %mul3A_263 = arith.muli %select_n3A_261, %mul3A_262 : i32
      %swap3A = arith.constant 0 : i32
      %swap3A_264 = arith.index_cast %swap3A : i32 to index
      %swap3A_265 = arith.index_cast %select_n3A : i32 to index
      %swap3A_266 = arith.index_cast %mul3A_263 : i32 to index
      %swap3A_267 = tpu.vector_load %arg8[%swap3A_264, %swap3A_265, %swap3A_266] {strides = array<i32>} : memref<2x256x32xf32, #tpu.memory_space<vmem>>, vector<1x1x16xf32>,
      %swap3A_268 = vector.shape_cast %swap3A_267 : vector<1x1x16xf32> to vector<16xf32>
      %swap3A_269 = vector.shape_cast %broadcast_in_dim3A_118 : vector<16xf32> to vector<1x1x16xf32>
      tpu.vector_store %arg8[%swap3A_264, %swap3A_265, %swap3A_266], %swap3A_269 {strides = array<i32>} : memref<2x256x32xf32, #tpu.memory_space<vmem>>, vector<1x1x16xf32>,
      %scan3A_270 = arith.constant 0 : i32
      scf.yield %scan3A_270 : i32
    }
    %scan3A_125 = arith.constant 512 : i32
    %add3A_126 = arith.constant 0 : i32
    %add3A_127 = arith.addi %mul3A_0, %add3A_126 : i32
    %run_scoped3A_128 = arith.constant 0 : i32
    "tpu.region"() ({
      %run_scoped3A_229 = tpu.sem_alloc : memref<!tpu.dma_semaphore, #tpu.memory_space<semaphore_mem>>
      %dma_start3A_230 = arith.constant 0 : i32
      %dma_start3A_231 = arith.constant 0 : i32
      %dma_start3A_232 = tpu.memref_slice %arg8[%run_scoped3A_128, %dma_start3A_230, %dma_start3A_231] : memref<2x256x32xf32, #tpu.memory_space<vmem>> -> memref<1x256x32xf32, #tpu.memory_space<vmem>>
      %dma_start3A_233 = tpu.memref_squeeze %dma_start3A_232 : memref<1x256x32xf32, #tpu.memory_space<vmem>> -> memref<256x32xf32, #tpu.memory_space<vmem>>
      %dma_start3A_234 = arith.constant 0 : i32
      %dma_start3A_235 = tpu.memref_slice %arg5[%add3A_127, %dma_start3A_234] : memref<50176x32xf32, #tpu.memory_space<vmem_shared>> -> memref<256x32xf32, #tpu.memory_space<vmem_shared>>
      %dma_start3A_236 = arith.constant 0 : i32
      %dma_start3A_237 = tpu.memref_slice %arg5[%add3A_127, %dma_start3A_236] : memref<50176x32xf32, #tpu.memory_space<vmem_shared>> -> memref<256x32xf32, #tpu.memory_space<vmem_shared>>
      %dma_start3A_238 = arith.constant 0 : i32
      %dma_start3A_239 = arith.constant 0 : i32
      %dma_start3A_240 = tpu.memref_slice %arg8[%run_scoped3A_128, %dma_start3A_238, %dma_start3A_239] : memref<2x256x32xf32, #tpu.memory_space<vmem>> -> memref<1x256x32xf32, #tpu.memory_space<vmem>>
      %dma_start3A_241 = tpu.memref_squeeze %dma_start3A_240 : memref<1x256x32xf32, #tpu.memory_space<vmem>> -> memref<256x32xf32, #tpu.memory_space<vmem>>
      tpu.enqueue_dma source(%dma_start3A_241 : memref<256x32xf32, #tpu.memory_space<vmem>>) target(%dma_start3A_237 : memref<256x32xf32, #tpu.memory_space<vmem_shared>>) target_semaphore(%run_scoped3A_229 : memref<!tpu.dma_semaphore, #tpu.memory_space<semaphore_mem>>)
      %dma_wait3A_242 = arith.constant 0 : i32
      %dma_wait3A_243 = arith.constant 0 : i32
      %dma_wait3A_244 = tpu.memref_slice %arg8[%run_scoped3A_128, %dma_wait3A_242, %dma_wait3A_243] : memref<2x256x32xf32, #tpu.memory_space<vmem>> -> memref<1x256x32xf32, #tpu.memory_space<vmem>>
      %dma_wait3A_245 = tpu.memref_squeeze %dma_wait3A_244 : memref<1x256x32xf32, #tpu.memory_space<vmem>> -> memref<256x32xf32, #tpu.memory_space<vmem>>
      %dma_wait3A_246 = arith.constant 0 : i32
      %dma_wait3A_247 = tpu.memref_slice %arg5[%add3A_127, %dma_wait3A_246] : memref<50176x32xf32, #tpu.memory_space<vmem_shared>> -> memref<256x32xf32, #tpu.memory_space<vmem_shared>>
      %dma_wait3A_248 = arith.constant 0 : i32
      %dma_wait3A_249 = tpu.memref_slice %arg5[%add3A_127, %dma_wait3A_248] : memref<50176x32xf32, #tpu.memory_space<vmem_shared>> -> memref<256x32xf32, #tpu.memory_space<vmem_shared>>
      %dma_wait3A_250 = arith.constant 0 : i32
      %dma_wait3A_251 = arith.constant 0 : i32
      %dma_wait3A_252 = tpu.memref_slice %arg8[%run_scoped3A_128, %dma_wait3A_250, %dma_wait3A_251] : memref<2x256x32xf32, #tpu.memory_space<vmem>> -> memref<1x256x32xf32, #tpu.memory_space<vmem>>
      %dma_wait3A_253 = tpu.memref_squeeze %dma_wait3A_252 : memref<1x256x32xf32, #tpu.memory_space<vmem>> -> memref<256x32xf32, #tpu.memory_space<vmem>>
      tpu.wait_dma2 semaphore(%run_scoped3A_229 : memref<!tpu.dma_semaphore, #tpu.memory_space<semaphore_mem>>) src(%dma_wait3A_253 : memref<256x32xf32, #tpu.memory_space<vmem>>) dst(%dma_wait3A_249 : memref<256x32xf32, #tpu.memory_space<vmem_shared>>)
      tpu.yield
    }) : () -> ()
    %add3A_129 = arith.constant 256 : i32
    %add3A_130 = arith.addi %mul3A_0, %add3A_129 : i32
    %run_scoped3A_131 = arith.constant 0 : i32
    "tpu.region"() ({
      %run_scoped3A_229 = tpu.sem_alloc : memref<!tpu.dma_semaphore, #tpu.memory_space<semaphore_mem>>
      %dma_start3A_230 = arith.constant 0 : i32
      %dma_start3A_231 = arith.constant 0 : i32
      %dma_start3A_232 = tpu.memref_slice %arg8[%run_scoped3A_131, %dma_start3A_230, %dma_start3A_231] : memref<2x256x32xf32, #tpu.memory_space<vmem>> -> memref<1x256x32xf32, #tpu.memory_space<vmem>>
      %dma_start3A_233 = tpu.memref_squeeze %dma_start3A_232 : memref<1x256x32xf32, #tpu.memory_space<vmem>> -> memref<256x32xf32, #tpu.memory_space<vmem>>
      %dma_start3A_234 = arith.constant 0 : i32
      %dma_start3A_235 = tpu.memref_slice %arg5[%add3A_130, %dma_start3A_234] : memref<50176x32xf32, #tpu.memory_space<vmem_shared>> -> memref<256x32xf32, #tpu.memory_space<vmem_shared>>
      %dma_start3A_236 = arith.constant 0 : i32
      %dma_start3A_237 = tpu.memref_slice %arg5[%add3A_130, %dma_start3A_236] : memref<50176x32xf32, #tpu.memory_space<vmem_shared>> -> memref<256x32xf32, #tpu.memory_space<vmem_shared>>
      %dma_start3A_238 = arith.constant 0 : i32
      %dma_start3A_239 = arith.constant 0 : i32
      %dma_start3A_240 = tpu.memref_slice %arg8[%run_scoped3A_131, %dma_start3A_238, %dma_start3A_239] : memref<2x256x32xf32, #tpu.memory_space<vmem>> -> memref<1x256x32xf32, #tpu.memory_space<vmem>>
      %dma_start3A_241 = tpu.memref_squeeze %dma_start3A_240 : memref<1x256x32xf32, #tpu.memory_space<vmem>> -> memref<256x32xf32, #tpu.memory_space<vmem>>
      tpu.enqueue_dma source(%dma_start3A_241 : memref<256x32xf32, #tpu.memory_space<vmem>>) target(%dma_start3A_237 : memref<256x32xf32, #tpu.memory_space<vmem_shared>>) target_semaphore(%run_scoped3A_229 : memref<!tpu.dma_semaphore, #tpu.memory_space<semaphore_mem>>)
      %dma_wait3A_242 = arith.constant 0 : i32
      %dma_wait3A_243 = arith.constant 0 : i32
      %dma_wait3A_244 = tpu.memref_slice %arg8[%run_scoped3A_131, %dma_wait3A_242, %dma_wait3A_243] : memref<2x256x32xf32, #tpu.memory_space<vmem>> -> memref<1x256x32xf32, #tpu.memory_space<vmem>>
      %dma_wait3A_245 = tpu.memref_squeeze %dma_wait3A_244 : memref<1x256x32xf32, #tpu.memory_space<vmem>> -> memref<256x32xf32, #tpu.memory_space<vmem>>
      %dma_wait3A_246 = arith.constant 0 : i32
      %dma_wait3A_247 = tpu.memref_slice %arg5[%add3A_130, %dma_wait3A_246] : memref<50176x32xf32, #tpu.memory_space<vmem_shared>> -> memref<256x32xf32, #tpu.memory_space<vmem_shared>>
      %dma_wait3A_248 = arith.constant 0 : i32
      %dma_wait3A_249 = tpu.memref_slice %arg5[%add3A_130, %dma_wait3A_248] : memref<50176x32xf32, #tpu.memory_space<vmem_shared>> -> memref<256x32xf32, #tpu.memory_space<vmem_shared>>
      %dma_wait3A_250 = arith.constant 0 : i32
      %dma_wait3A_251 = arith.constant 0 : i32
      %dma_wait3A_252 = tpu.memref_slice %arg8[%run_scoped3A_131, %dma_wait3A_250, %dma_wait3A_251] : memref<2x256x32xf32, #tpu.memory_space<vmem>> -> memref<1x256x32xf32, #tpu.memory_space<vmem>>
      %dma_wait3A_253 = tpu.memref_squeeze %dma_wait3A_252 : memref<1x256x32xf32, #tpu.memory_space<vmem>> -> memref<256x32xf32, #tpu.memory_space<vmem>>
      tpu.wait_dma2 semaphore(%run_scoped3A_229 : memref<!tpu.dma_semaphore, #tpu.memory_space<semaphore_mem>>) src(%dma_wait3A_253 : memref<256x32xf32, #tpu.memory_space<vmem>>) dst(%dma_wait3A_249 : memref<256x32xf32, #tpu.memory_space<vmem_shared>>)
      tpu.yield
    }) : () -> ()
    %add3A_132 = arith.constant 512 : i32
    %add3A_133 = arith.addi %mul3A_0, %add3A_132 : i32
    %run_scoped3A_134 = arith.constant 0 : i32
    "tpu.region"() ({
      %run_scoped3A_229 = tpu.sem_alloc : memref<!tpu.dma_semaphore, #tpu.memory_space<semaphore_mem>>
      %dma_start3A_230 = arith.constant 0 : i32
      %dma_start3A_231 = arith.constant 0 : i32
      %dma_start3A_232 = tpu.memref_slice %arg8[%run_scoped3A_134, %dma_start3A_230, %dma_start3A_231] : memref<2x256x32xf32, #tpu.memory_space<vmem>> -> memref<1x256x32xf32, #tpu.memory_space<vmem>>
      %dma_start3A_233 = tpu.memref_squeeze %dma_start3A_232 : memref<1x256x32xf32, #tpu.memory_space<vmem>> -> memref<256x32xf32, #tpu.memory_space<vmem>>
      %dma_start3A_234 = arith.constant 0 : i32
      %dma_start3A_235 = tpu.memref_slice %arg5[%add3A_133, %dma_start3A_234] : memref<50176x32xf32, #tpu.memory_space<vmem_shared>> -> memref<256x32xf32, #tpu.memory_space<vmem_shared>>
      %dma_start3A_236 = arith.constant 0 : i32
      %dma_start3A_237 = tpu.memref_slice %arg5[%add3A_133, %dma_start3A_236] : memref<50176x32xf32, #tpu.memory_space<vmem_shared>> -> memref<256x32xf32, #tpu.memory_space<vmem_shared>>
      %dma_start3A_238 = arith.constant 0 : i32
      %dma_start3A_239 = arith.constant 0 : i32
      %dma_start3A_240 = tpu.memref_slice %arg8[%run_scoped3A_134, %dma_start3A_238, %dma_start3A_239] : memref<2x256x32xf32, #tpu.memory_space<vmem>> -> memref<1x256x32xf32, #tpu.memory_space<vmem>>
      %dma_start3A_241 = tpu.memref_squeeze %dma_start3A_240 : memref<1x256x32xf32, #tpu.memory_space<vmem>> -> memref<256x32xf32, #tpu.memory_space<vmem>>
      tpu.enqueue_dma source(%dma_start3A_241 : memref<256x32xf32, #tpu.memory_space<vmem>>) target(%dma_start3A_237 : memref<256x32xf32, #tpu.memory_space<vmem_shared>>) target_semaphore(%run_scoped3A_229 : memref<!tpu.dma_semaphore, #tpu.memory_space<semaphore_mem>>)
      %dma_wait3A_242 = arith.constant 0 : i32
      %dma_wait3A_243 = arith.constant 0 : i32
      %dma_wait3A_244 = tpu.memref_slice %arg8[%run_scoped3A_134, %dma_wait3A_242, %dma_wait3A_243] : memref<2x256x32xf32, #tpu.memory_space<vmem>> -> memref<1x256x32xf32, #tpu.memory_space<vmem>>
      %dma_wait3A_245 = tpu.memref_squeeze %dma_wait3A_244 : memref<1x256x32xf32, #tpu.memory_space<vmem>> -> memref<256x32xf32, #tpu.memory_space<vmem>>
      %dma_wait3A_246 = arith.constant 0 : i32
      %dma_wait3A_247 = tpu.memref_slice %arg5[%add3A_133, %dma_wait3A_246] : memref<50176x32xf32, #tpu.memory_space<vmem_shared>> -> memref<256x32xf32, #tpu.memory_space<vmem_shared>>
      %dma_wait3A_248 = arith.constant 0 : i32
      %dma_wait3A_249 = tpu.memref_slice %arg5[%add3A_133, %dma_wait3A_248] : memref<50176x32xf32, #tpu.memory_space<vmem_shared>> -> memref<256x32xf32, #tpu.memory_space<vmem_shared>>
      %dma_wait3A_250 = arith.constant 0 : i32
      %dma_wait3A_251 = arith.constant 0 : i32
      %dma_wait3A_252 = tpu.memref_slice %arg8[%run_scoped3A_134, %dma_wait3A_250, %dma_wait3A_251] : memref<2x256x32xf32, #tpu.memory_space<vmem>> -> memref<1x256x32xf32, #tpu.memory_space<vmem>>
      %dma_wait3A_253 = tpu.memref_squeeze %dma_wait3A_252 : memref<1x256x32xf32, #tpu.memory_space<vmem>> -> memref<256x32xf32, #tpu.memory_space<vmem>>
      tpu.wait_dma2 semaphore(%run_scoped3A_229 : memref<!tpu.dma_semaphore, #tpu.memory_space<semaphore_mem>>) src(%dma_wait3A_253 : memref<256x32xf32, #tpu.memory_space<vmem>>) dst(%dma_wait3A_249 : memref<256x32xf32, #tpu.memory_space<vmem_shared>>)
      tpu.yield
    }) : () -> ()
    %add3A_135 = arith.constant 768 : i32
    %add3A_136 = arith.addi %mul3A_0, %add3A_135 : i32
    %run_scoped3A_137 = arith.constant 0 : i32
    "tpu.region"() ({
      %run_scoped3A_229 = tpu.sem_alloc : memref<!tpu.dma_semaphore, #tpu.memory_space<semaphore_mem>>
      %dma_start3A_230 = arith.constant 0 : i32
      %dma_start3A_231 = arith.constant 0 : i32
      %dma_start3A_232 = tpu.memref_slice %arg8[%run_scoped3A_137, %dma_start3A_230, %dma_start3A_231] : memref<2x256x32xf32, #tpu.memory_space<vmem>> -> memref<1x256x32xf32, #tpu.memory_space<vmem>>
      %dma_start3A_233 = tpu.memref_squeeze %dma_start3A_232 : memref<1x256x32xf32, #tpu.memory_space<vmem>> -> memref<256x32xf32, #tpu.memory_space<vmem>>
      %dma_start3A_234 = arith.constant 0 : i32
      %dma_start3A_235 = tpu.memref_slice %arg5[%add3A_136, %dma_start3A_234] : memref<50176x32xf32, #tpu.memory_space<vmem_shared>> -> memref<256x32xf32, #tpu.memory_space<vmem_shared>>
      %dma_start3A_236 = arith.constant 0 : i32
      %dma_start3A_237 = tpu.memref_slice %arg5[%add3A_136, %dma_start3A_236] : memref<50176x32xf32, #tpu.memory_space<vmem_shared>> -> memref<256x32xf32, #tpu.memory_space<vmem_shared>>
      %dma_start3A_238 = arith.constant 0 : i32
      %dma_start3A_239 = arith.constant 0 : i32
      %dma_start3A_240 = tpu.memref_slice %arg8[%run_scoped3A_137, %dma_start3A_238, %dma_start3A_239] : memref<2x256x32xf32, #tpu.memory_space<vmem>> -> memref<1x256x32xf32, #tpu.memory_space<vmem>>
      %dma_start3A_241 = tpu.memref_squeeze %dma_start3A_240 : memref<1x256x32xf32, #tpu.memory_space<vmem>> -> memref<256x32xf32, #tpu.memory_space<vmem>>
      tpu.enqueue_dma source(%dma_start3A_241 : memref<256x32xf32, #tpu.memory_space<vmem>>) target(%dma_start3A_237 : memref<256x32xf32, #tpu.memory_space<vmem_shared>>) target_semaphore(%run_scoped3A_229 : memref<!tpu.dma_semaphore, #tpu.memory_space<semaphore_mem>>)
      %dma_wait3A_242 = arith.constant 0 : i32
      %dma_wait3A_243 = arith.constant 0 : i32
      %dma_wait3A_244 = tpu.memref_slice %arg8[%run_scoped3A_137, %dma_wait3A_242, %dma_wait3A_243] : memref<2x256x32xf32, #tpu.memory_space<vmem>> -> memref<1x256x32xf32, #tpu.memory_space<vmem>>
      %dma_wait3A_245 = tpu.memref_squeeze %dma_wait3A_244 : memref<1x256x32xf32, #tpu.memory_space<vmem>> -> memref<256x32xf32, #tpu.memory_space<vmem>>
      %dma_wait3A_246 = arith.constant 0 : i32
      %dma_wait3A_247 = tpu.memref_slice %arg5[%add3A_136, %dma_wait3A_246] : memref<50176x32xf32, #tpu.memory_space<vmem_shared>> -> memref<256x32xf32, #tpu.memory_space<vmem_shared>>
      %dma_wait3A_248 = arith.constant 0 : i32
      %dma_wait3A_249 = tpu.memref_slice %arg5[%add3A_136, %dma_wait3A_248] : memref<50176x32xf32, #tpu.memory_space<vmem_shared>> -> memref<256x32xf32, #tpu.memory_space<vmem_shared>>
      %dma_wait3A_250 = arith.constant 0 : i32
      %dma_wait3A_251 = arith.constant 0 : i32
      %dma_wait3A_252 = tpu.memref_slice %arg8[%run_scoped3A_137, %dma_wait3A_250, %dma_wait3A_251] : memref<2x256x32xf32, #tpu.memory_space<vmem>> -> memref<1x256x32xf32, #tpu.memory_space<vmem>>
      %dma_wait3A_253 = tpu.memref_squeeze %dma_wait3A_252 : memref<1x256x32xf32, #tpu.memory_space<vmem>> -> memref<256x32xf32, #tpu.memory_space<vmem>>
      tpu.wait_dma2 semaphore(%run_scoped3A_229 : memref<!tpu.dma_semaphore, #tpu.memory_space<semaphore_mem>>) src(%dma_wait3A_253 : memref<256x32xf32, #tpu.memory_space<vmem>>) dst(%dma_wait3A_249 : memref<256x32xf32, #tpu.memory_space<vmem_shared>>)
      tpu.yield
    }) : () -> ()
    %add3A_138 = arith.constant 1024 : i32
    %add3A_139 = arith.addi %mul3A_0, %add3A_138 : i32
    %run_scoped3A_140 = arith.constant 0 : i32
    "tpu.region"() ({
      %run_scoped3A_229 = tpu.sem_alloc : memref<!tpu.dma_semaphore, #tpu.memory_space<semaphore_mem>>
      %dma_start3A_230 = arith.constant 0 : i32
      %dma_start3A_231 = arith.constant 0 : i32
      %dma_start3A_232 = tpu.memref_slice %arg8[%run_scoped3A_140, %dma_start3A_230, %dma_start3A_231] : memref<2x256x32xf32, #tpu.memory_space<vmem>> -> memref<1x256x32xf32, #tpu.memory_space<vmem>>
      %dma_start3A_233 = tpu.memref_squeeze %dma_start3A_232 : memref<1x256x32xf32, #tpu.memory_space<vmem>> -> memref<256x32xf32, #tpu.memory_space<vmem>>
      %dma_start3A_234 = arith.constant 0 : i32
      %dma_start3A_235 = tpu.memref_slice %arg5[%add3A_139, %dma_start3A_234] : memref<50176x32xf32, #tpu.memory_space<vmem_shared>> -> memref<256x32xf32, #tpu.memory_space<vmem_shared>>
      %dma_start3A_236 = arith.constant 0 : i32
      %dma_start3A_237 = tpu.memref_slice %arg5[%add3A_139, %dma_start3A_236] : memref<50176x32xf32, #tpu.memory_space<vmem_shared>> -> memref<256x32xf32, #tpu.memory_space<vmem_shared>>
      %dma_start3A_238 = arith.constant 0 : i32
      %dma_start3A_239 = arith.constant 0 : i32
      %dma_start3A_240 = tpu.memref_slice %arg8[%run_scoped3A_140, %dma_start3A_238, %dma_start3A_239] : memref<2x256x32xf32, #tpu.memory_space<vmem>> -> memref<1x256x32xf32, #tpu.memory_space<vmem>>
      %dma_start3A_241 = tpu.memref_squeeze %dma_start3A_240 : memref<1x256x32xf32, #tpu.memory_space<vmem>> -> memref<256x32xf32, #tpu.memory_space<vmem>>
      tpu.enqueue_dma source(%dma_start3A_241 : memref<256x32xf32, #tpu.memory_space<vmem>>) target(%dma_start3A_237 : memref<256x32xf32, #tpu.memory_space<vmem_shared>>) target_semaphore(%run_scoped3A_229 : memref<!tpu.dma_semaphore, #tpu.memory_space<semaphore_mem>>)
      %dma_wait3A_242 = arith.constant 0 : i32
      %dma_wait3A_243 = arith.constant 0 : i32
      %dma_wait3A_244 = tpu.memref_slice %arg8[%run_scoped3A_140, %dma_wait3A_242, %dma_wait3A_243] : memref<2x256x32xf32, #tpu.memory_space<vmem>> -> memref<1x256x32xf32, #tpu.memory_space<vmem>>
      %dma_wait3A_245 = tpu.memref_squeeze %dma_wait3A_244 : memref<1x256x32xf32, #tpu.memory_space<vmem>> -> memref<256x32xf32, #tpu.memory_space<vmem>>
      %dma_wait3A_246 = arith.constant 0 : i32
      %dma_wait3A_247 = tpu.memref_slice %arg5[%add3A_139, %dma_wait3A_246] : memref<50176x32xf32, #tpu.memory_space<vmem_shared>> -> memref<256x32xf32, #tpu.memory_space<vmem_shared>>
      %dma_wait3A_248 = arith.constant 0 : i32
      %dma_wait3A_249 = tpu.memref_slice %arg5[%add3A_139, %dma_wait3A_248] : memref<50176x32xf32, #tpu.memory_space<vmem_shared>> -> memref<256x32xf32, #tpu.memory_space<vmem_shared>>
      %dma_wait3A_250 = arith.constant 0 : i32
      %dma_wait3A_251 = arith.constant 0 : i32
      %dma_wait3A_252 = tpu.memref_slice %arg8[%run_scoped3A_140, %dma_wait3A_250, %dma_wait3A_251] : memref<2x256x32xf32, #tpu.memory_space<vmem>> -> memref<1x256x32xf32, #tpu.memory_space<vmem>>
      %dma_wait3A_253 = tpu.memref_squeeze %dma_wait3A_252 : memref<1x256x32xf32, #tpu.memory_space<vmem>> -> memref<256x32xf32, #tpu.memory_space<vmem>>
      tpu.wait_dma2 semaphore(%run_scoped3A_229 : memref<!tpu.dma_semaphore, #tpu.memory_space<semaphore_mem>>) src(%dma_wait3A_253 : memref<256x32xf32, #tpu.memory_space<vmem>>) dst(%dma_wait3A_249 : memref<256x32xf32, #tpu.memory_space<vmem_shared>>)
      tpu.yield
    }) : () -> ()
    %add3A_141 = arith.constant 1280 : i32
    %add3A_142 = arith.addi %mul3A_0, %add3A_141 : i32
    %run_scoped3A_143 = arith.constant 0 : i32
    "tpu.region"() ({
      %run_scoped3A_229 = tpu.sem_alloc : memref<!tpu.dma_semaphore, #tpu.memory_space<semaphore_mem>>
      %dma_start3A_230 = arith.constant 0 : i32
      %dma_start3A_231 = arith.constant 0 : i32
      %dma_start3A_232 = tpu.memref_slice %arg8[%run_scoped3A_143, %dma_start3A_230, %dma_start3A_231] : memref<2x256x32xf32, #tpu.memory_space<vmem>> -> memref<1x256x32xf32, #tpu.memory_space<vmem>>
      %dma_start3A_233 = tpu.memref_squeeze %dma_start3A_232 : memref<1x256x32xf32, #tpu.memory_space<vmem>> -> memref<256x32xf32, #tpu.memory_space<vmem>>
      %dma_start3A_234 = arith.constant 0 : i32
      %dma_start3A_235 = tpu.memref_slice %arg5[%add3A_142, %dma_start3A_234] : memref<50176x32xf32, #tpu.memory_space<vmem_shared>> -> memref<256x32xf32, #tpu.memory_space<vmem_shared>>
      %dma_start3A_236 = arith.constant 0 : i32
      %dma_start3A_237 = tpu.memref_slice %arg5[%add3A_142, %dma_start3A_236] : memref<50176x32xf32, #tpu.memory_space<vmem_shared>> -> memref<256x32xf32, #tpu.memory_space<vmem_shared>>
      %dma_start3A_238 = arith.constant 0 : i32
      %dma_start3A_239 = arith.constant 0 : i32
      %dma_start3A_240 = tpu.memref_slice %arg8[%run_scoped3A_143, %dma_start3A_238, %dma_start3A_239] : memref<2x256x32xf32, #tpu.memory_space<vmem>> -> memref<1x256x32xf32, #tpu.memory_space<vmem>>
      %dma_start3A_241 = tpu.memref_squeeze %dma_start3A_240 : memref<1x256x32xf32, #tpu.memory_space<vmem>> -> memref<256x32xf32, #tpu.memory_space<vmem>>
      tpu.enqueue_dma source(%dma_start3A_241 : memref<256x32xf32, #tpu.memory_space<vmem>>) target(%dma_start3A_237 : memref<256x32xf32, #tpu.memory_space<vmem_shared>>) target_semaphore(%run_scoped3A_229 : memref<!tpu.dma_semaphore, #tpu.memory_space<semaphore_mem>>)
      %dma_wait3A_242 = arith.constant 0 : i32
      %dma_wait3A_243 = arith.constant 0 : i32
      %dma_wait3A_244 = tpu.memref_slice %arg8[%run_scoped3A_143, %dma_wait3A_242, %dma_wait3A_243] : memref<2x256x32xf32, #tpu.memory_space<vmem>> -> memref<1x256x32xf32, #tpu.memory_space<vmem>>
      %dma_wait3A_245 = tpu.memref_squeeze %dma_wait3A_244 : memref<1x256x32xf32, #tpu.memory_space<vmem>> -> memref<256x32xf32, #tpu.memory_space<vmem>>
      %dma_wait3A_246 = arith.constant 0 : i32
      %dma_wait3A_247 = tpu.memref_slice %arg5[%add3A_142, %dma_wait3A_246] : memref<50176x32xf32, #tpu.memory_space<vmem_shared>> -> memref<256x32xf32, #tpu.memory_space<vmem_shared>>
      %dma_wait3A_248 = arith.constant 0 : i32
      %dma_wait3A_249 = tpu.memref_slice %arg5[%add3A_142, %dma_wait3A_248] : memref<50176x32xf32, #tpu.memory_space<vmem_shared>> -> memref<256x32xf32, #tpu.memory_space<vmem_shared>>
      %dma_wait3A_250 = arith.constant 0 : i32
      %dma_wait3A_251 = arith.constant 0 : i32
      %dma_wait3A_252 = tpu.memref_slice %arg8[%run_scoped3A_143, %dma_wait3A_250, %dma_wait3A_251] : memref<2x256x32xf32, #tpu.memory_space<vmem>> -> memref<1x256x32xf32, #tpu.memory_space<vmem>>
      %dma_wait3A_253 = tpu.memref_squeeze %dma_wait3A_252 : memref<1x256x32xf32, #tpu.memory_space<vmem>> -> memref<256x32xf32, #tpu.memory_space<vmem>>
      tpu.wait_dma2 semaphore(%run_scoped3A_229 : memref<!tpu.dma_semaphore, #tpu.memory_space<semaphore_mem>>) src(%dma_wait3A_253 : memref<256x32xf32, #tpu.memory_space<vmem>>) dst(%dma_wait3A_249 : memref<256x32xf32, #tpu.memory_space<vmem_shared>>)
      tpu.yield
    }) : () -> ()
    %add3A_144 = arith.constant 1536 : i32
    %add3A_145 = arith.addi %mul3A_0, %add3A_144 : i32
    %run_scoped3A_146 = arith.constant 0 : i32
    "tpu.region"() ({
      %run_scoped3A_229 = tpu.sem_alloc : memref<!tpu.dma_semaphore, #tpu.memory_space<semaphore_mem>>
      %dma_start3A_230 = arith.constant 0 : i32
      %dma_start3A_231 = arith.constant 0 : i32
      %dma_start3A_232 = tpu.memref_slice %arg8[%run_scoped3A_146, %dma_start3A_230, %dma_start3A_231] : memref<2x256x32xf32, #tpu.memory_space<vmem>> -> memref<1x256x32xf32, #tpu.memory_space<vmem>>
      %dma_start3A_233 = tpu.memref_squeeze %dma_start3A_232 : memref<1x256x32xf32, #tpu.memory_space<vmem>> -> memref<256x32xf32, #tpu.memory_space<vmem>>
      %dma_start3A_234 = arith.constant 0 : i32
      %dma_start3A_235 = tpu.memref_slice %arg5[%add3A_145, %dma_start3A_234] : memref<50176x32xf32, #tpu.memory_space<vmem_shared>> -> memref<256x32xf32, #tpu.memory_space<vmem_shared>>
      %dma_start3A_236 = arith.constant 0 : i32
      %dma_start3A_237 = tpu.memref_slice %arg5[%add3A_145, %dma_start3A_236] : memref<50176x32xf32, #tpu.memory_space<vmem_shared>> -> memref<256x32xf32, #tpu.memory_space<vmem_shared>>
      %dma_start3A_238 = arith.constant 0 : i32
      %dma_start3A_239 = arith.constant 0 : i32
      %dma_start3A_240 = tpu.memref_slice %arg8[%run_scoped3A_146, %dma_start3A_238, %dma_start3A_239] : memref<2x256x32xf32, #tpu.memory_space<vmem>> -> memref<1x256x32xf32, #tpu.memory_space<vmem>>
      %dma_start3A_241 = tpu.memref_squeeze %dma_start3A_240 : memref<1x256x32xf32, #tpu.memory_space<vmem>> -> memref<256x32xf32, #tpu.memory_space<vmem>>
      tpu.enqueue_dma source(%dma_start3A_241 : memref<256x32xf32, #tpu.memory_space<vmem>>) target(%dma_start3A_237 : memref<256x32xf32, #tpu.memory_space<vmem_shared>>) target_semaphore(%run_scoped3A_229 : memref<!tpu.dma_semaphore, #tpu.memory_space<semaphore_mem>>)
      %dma_wait3A_242 = arith.constant 0 : i32
      %dma_wait3A_243 = arith.constant 0 : i32
      %dma_wait3A_244 = tpu.memref_slice %arg8[%run_scoped3A_146, %dma_wait3A_242, %dma_wait3A_243] : memref<2x256x32xf32, #tpu.memory_space<vmem>> -> memref<1x256x32xf32, #tpu.memory_space<vmem>>
      %dma_wait3A_245 = tpu.memref_squeeze %dma_wait3A_244 : memref<1x256x32xf32, #tpu.memory_space<vmem>> -> memref<256x32xf32, #tpu.memory_space<vmem>>
      %dma_wait3A_246 = arith.constant 0 : i32
      %dma_wait3A_247 = tpu.memref_slice %arg5[%add3A_145, %dma_wait3A_246] : memref<50176x32xf32, #tpu.memory_space<vmem_shared>> -> memref<256x32xf32, #tpu.memory_space<vmem_shared>>
      %dma_wait3A_248 = arith.constant 0 : i32
      %dma_wait3A_249 = tpu.memref_slice %arg5[%add3A_145, %dma_wait3A_248] : memref<50176x32xf32, #tpu.memory_space<vmem_shared>> -> memref<256x32xf32, #tpu.memory_space<vmem_shared>>
      %dma_wait3A_250 = arith.constant 0 : i32
      %dma_wait3A_251 = arith.constant 0 : i32
      %dma_wait3A_252 = tpu.memref_slice %arg8[%run_scoped3A_146, %dma_wait3A_250, %dma_wait3A_251] : memref<2x256x32xf32, #tpu.memory_space<vmem>> -> memref<1x256x32xf32, #tpu.memory_space<vmem>>
      %dma_wait3A_253 = tpu.memref_squeeze %dma_wait3A_252 : memref<1x256x32xf32, #tpu.memory_space<vmem>> -> memref<256x32xf32, #tpu.memory_space<vmem>>
      tpu.wait_dma2 semaphore(%run_scoped3A_229 : memref<!tpu.dma_semaphore, #tpu.memory_space<semaphore_mem>>) src(%dma_wait3A_253 : memref<256x32xf32, #tpu.memory_space<vmem>>) dst(%dma_wait3A_249 : memref<256x32xf32, #tpu.memory_space<vmem_shared>>)
      tpu.yield
    }) : () -> ()
    %add3A_147 = arith.constant 1792 : i32
    %add3A_148 = arith.addi %mul3A_0, %add3A_147 : i32
    %run_scoped3A_149 = arith.constant 0 : i32
    "tpu.region"() ({
      %run_scoped3A_229 = tpu.sem_alloc : memref<!tpu.dma_semaphore, #tpu.memory_space<semaphore_mem>>
      %dma_start3A_230 = arith.constant 0 : i32
      %dma_start3A_231 = arith.constant 0 : i32
      %dma_start3A_232 = tpu.memref_slice %arg8[%run_scoped3A_149, %dma_start3A_230, %dma_start3A_231] : memref<2x256x32xf32, #tpu.memory_space<vmem>> -> memref<1x256x32xf32, #tpu.memory_space<vmem>>
      %dma_start3A_233 = tpu.memref_squeeze %dma_start3A_232 : memref<1x256x32xf32, #tpu.memory_space<vmem>> -> memref<256x32xf32, #tpu.memory_space<vmem>>
      %dma_start3A_234 = arith.constant 0 : i32
      %dma_start3A_235 = tpu.memref_slice %arg5[%add3A_148, %dma_start3A_234] : memref<50176x32xf32, #tpu.memory_space<vmem_shared>> -> memref<256x32xf32, #tpu.memory_space<vmem_shared>>
      %dma_start3A_236 = arith.constant 0 : i32
      %dma_start3A_237 = tpu.memref_slice %arg5[%add3A_148, %dma_start3A_236] : memref<50176x32xf32, #tpu.memory_space<vmem_shared>> -> memref<256x32xf32, #tpu.memory_space<vmem_shared>>
      %dma_start3A_238 = arith.constant 0 : i32
      %dma_start3A_239 = arith.constant 0 : i32
      %dma_start3A_240 = tpu.memref_slice %arg8[%run_scoped3A_149, %dma_start3A_238, %dma_start3A_239] : memref<2x256x32xf32, #tpu.memory_space<vmem>> -> memref<1x256x32xf32, #tpu.memory_space<vmem>>
      %dma_start3A_241 = tpu.memref_squeeze %dma_start3A_240 : memref<1x256x32xf32, #tpu.memory_space<vmem>> -> memref<256x32xf32, #tpu.memory_space<vmem>>
      tpu.enqueue_dma source(%dma_start3A_241 : memref<256x32xf32, #tpu.memory_space<vmem>>) target(%dma_start3A_237 : memref<256x32xf32, #tpu.memory_space<vmem_shared>>) target_semaphore(%run_scoped3A_229 : memref<!tpu.dma_semaphore, #tpu.memory_space<semaphore_mem>>)
      %dma_wait3A_242 = arith.constant 0 : i32
      %dma_wait3A_243 = arith.constant 0 : i32
      %dma_wait3A_244 = tpu.memref_slice %arg8[%run_scoped3A_149, %dma_wait3A_242, %dma_wait3A_243] : memref<2x256x32xf32, #tpu.memory_space<vmem>> -> memref<1x256x32xf32, #tpu.memory_space<vmem>>
      %dma_wait3A_245 = tpu.memref_squeeze %dma_wait3A_244 : memref<1x256x32xf32, #tpu.memory_space<vmem>> -> memref<256x32xf32, #tpu.memory_space<vmem>>
      %dma_wait3A_246 = arith.constant 0 : i32
      %dma_wait3A_247 = tpu.memref_slice %arg5[%add3A_148, %dma_wait3A_246] : memref<50176x32xf32, #tpu.memory_space<vmem_shared>> -> memref<256x32xf32, #tpu.memory_space<vmem_shared>>
      %dma_wait3A_248 = arith.constant 0 : i32
      %dma_wait3A_249 = tpu.memref_slice %arg5[%add3A_148, %dma_wait3A_248] : memref<50176x32xf32, #tpu.memory_space<vmem_shared>> -> memref<256x32xf32, #tpu.memory_space<vmem_shared>>
      %dma_wait3A_250 = arith.constant 0 : i32
      %dma_wait3A_251 = arith.constant 0 : i32
      %dma_wait3A_252 = tpu.memref_slice %arg8[%run_scoped3A_149, %dma_wait3A_250, %dma_wait3A_251] : memref<2x256x32xf32, #tpu.memory_space<vmem>> -> memref<1x256x32xf32, #tpu.memory_space<vmem>>
      %dma_wait3A_253 = tpu.memref_squeeze %dma_wait3A_252 : memref<1x256x32xf32, #tpu.memory_space<vmem>> -> memref<256x32xf32, #tpu.memory_space<vmem>>
      tpu.wait_dma2 semaphore(%run_scoped3A_229 : memref<!tpu.dma_semaphore, #tpu.memory_space<semaphore_mem>>) src(%dma_wait3A_253 : memref<256x32xf32, #tpu.memory_space<vmem>>) dst(%dma_wait3A_249 : memref<256x32xf32, #tpu.memory_space<vmem_shared>>)
      tpu.yield
    }) : () -> ()
    %add3A_150 = arith.constant 2048 : i32
    %add3A_151 = arith.addi %mul3A_0, %add3A_150 : i32
    %run_scoped3A_152 = arith.constant 0 : i32
    "tpu.region"() ({
      %run_scoped3A_229 = tpu.sem_alloc : memref<!tpu.dma_semaphore, #tpu.memory_space<semaphore_mem>>
      %dma_start3A_230 = arith.constant 0 : i32
      %dma_start3A_231 = arith.constant 0 : i32
      %dma_start3A_232 = tpu.memref_slice %arg8[%run_scoped3A_152, %dma_start3A_230, %dma_start3A_231] : memref<2x256x32xf32, #tpu.memory_space<vmem>> -> memref<1x256x32xf32, #tpu.memory_space<vmem>>
      %dma_start3A_233 = tpu.memref_squeeze %dma_start3A_232 : memref<1x256x32xf32, #tpu.memory_space<vmem>> -> memref<256x32xf32, #tpu.memory_space<vmem>>
      %dma_start3A_234 = arith.constant 0 : i32
      %dma_start3A_235 = tpu.memref_slice %arg5[%add3A_151, %dma_start3A_234] : memref<50176x32xf32, #tpu.memory_space<vmem_shared>> -> memref<256x32xf32, #tpu.memory_space<vmem_shared>>
      %dma_start3A_236 = arith.constant 0 : i32
      %dma_start3A_237 = tpu.memref_slice %arg5[%add3A_151, %dma_start3A_236] : memref<50176x32xf32, #tpu.memory_space<vmem_shared>> -> memref<256x32xf32, #tpu.memory_space<vmem_shared>>
      %dma_start3A_238 = arith.constant 0 : i32
      %dma_start3A_239 = arith.constant 0 : i32
      %dma_start3A_240 = tpu.memref_slice %arg8[%run_scoped3A_152, %dma_start3A_238, %dma_start3A_239] : memref<2x256x32xf32, #tpu.memory_space<vmem>> -> memref<1x256x32xf32, #tpu.memory_space<vmem>>
      %dma_start3A_241 = tpu.memref_squeeze %dma_start3A_240 : memref<1x256x32xf32, #tpu.memory_space<vmem>> -> memref<256x32xf32, #tpu.memory_space<vmem>>
      tpu.enqueue_dma source(%dma_start3A_241 : memref<256x32xf32, #tpu.memory_space<vmem>>) target(%dma_start3A_237 : memref<256x32xf32, #tpu.memory_space<vmem_shared>>) target_semaphore(%run_scoped3A_229 : memref<!tpu.dma_semaphore, #tpu.memory_space<semaphore_mem>>)
      %dma_wait3A_242 = arith.constant 0 : i32
      %dma_wait3A_243 = arith.constant 0 : i32
      %dma_wait3A_244 = tpu.memref_slice %arg8[%run_scoped3A_152, %dma_wait3A_242, %dma_wait3A_243] : memref<2x256x32xf32, #tpu.memory_space<vmem>> -> memref<1x256x32xf32, #tpu.memory_space<vmem>>
      %dma_wait3A_245 = tpu.memref_squeeze %dma_wait3A_244 : memref<1x256x32xf32, #tpu.memory_space<vmem>> -> memref<256x32xf32, #tpu.memory_space<vmem>>
      %dma_wait3A_246 = arith.constant 0 : i32
      %dma_wait3A_247 = tpu.memref_slice %arg5[%add3A_151, %dma_wait3A_246] : memref<50176x32xf32, #tpu.memory_space<vmem_shared>> -> memref<256x32xf32, #tpu.memory_space<vmem_shared>>
      %dma_wait3A_248 = arith.constant 0 : i32
      %dma_wait3A_249 = tpu.memref_slice %arg5[%add3A_151, %dma_wait3A_248] : memref<50176x32xf32, #tpu.memory_space<vmem_shared>> -> memref<256x32xf32, #tpu.memory_space<vmem_shared>>
      %dma_wait3A_250 = arith.constant 0 : i32
      %dma_wait3A_251 = arith.constant 0 : i32
      %dma_wait3A_252 = tpu.memref_slice %arg8[%run_scoped3A_152, %dma_wait3A_250, %dma_wait3A_251] : memref<2x256x32xf32, #tpu.memory_space<vmem>> -> memref<1x256x32xf32, #tpu.memory_space<vmem>>
      %dma_wait3A_253 = tpu.memref_squeeze %dma_wait3A_252 : memref<1x256x32xf32, #tpu.memory_space<vmem>> -> memref<256x32xf32, #tpu.memory_space<vmem>>
      tpu.wait_dma2 semaphore(%run_scoped3A_229 : memref<!tpu.dma_semaphore, #tpu.memory_space<semaphore_mem>>) src(%dma_wait3A_253 : memref<256x32xf32, #tpu.memory_space<vmem>>) dst(%dma_wait3A_249 : memref<256x32xf32, #tpu.memory_space<vmem_shared>>)
      tpu.yield
    }) : () -> ()
    %add3A_153 = arith.constant 2304 : i32
    %add3A_154 = arith.addi %mul3A_0, %add3A_153 : i32
    %run_scoped3A_155 = arith.constant 0 : i32
    "tpu.region"() ({
      %run_scoped3A_229 = tpu.sem_alloc : memref<!tpu.dma_semaphore, #tpu.memory_space<semaphore_mem>>
      %dma_start3A_230 = arith.constant 0 : i32
      %dma_start3A_231 = arith.constant 0 : i32
      %dma_start3A_232 = tpu.memref_slice %arg8[%run_scoped3A_155, %dma_start3A_230, %dma_start3A_231] : memref<2x256x32xf32, #tpu.memory_space<vmem>> -> memref<1x256x32xf32, #tpu.memory_space<vmem>>
      %dma_start3A_233 = tpu.memref_squeeze %dma_start3A_232 : memref<1x256x32xf32, #tpu.memory_space<vmem>> -> memref<256x32xf32, #tpu.memory_space<vmem>>
      %dma_start3A_234 = arith.constant 0 : i32
      %dma_start3A_235 = tpu.memref_slice %arg5[%add3A_154, %dma_start3A_234] : memref<50176x32xf32, #tpu.memory_space<vmem_shared>> -> memref<256x32xf32, #tpu.memory_space<vmem_shared>>
      %dma_start3A_236 = arith.constant 0 : i32
      %dma_start3A_237 = tpu.memref_slice %arg5[%add3A_154, %dma_start3A_236] : memref<50176x32xf32, #tpu.memory_space<vmem_shared>> -> memref<256x32xf32, #tpu.memory_space<vmem_shared>>
      %dma_start3A_238 = arith.constant 0 : i32
      %dma_start3A_239 = arith.constant 0 : i32
      %dma_start3A_240 = tpu.memref_slice %arg8[%run_scoped3A_155, %dma_start3A_238, %dma_start3A_239] : memref<2x256x32xf32, #tpu.memory_space<vmem>> -> memref<1x256x32xf32, #tpu.memory_space<vmem>>
      %dma_start3A_241 = tpu.memref_squeeze %dma_start3A_240 : memref<1x256x32xf32, #tpu.memory_space<vmem>> -> memref<256x32xf32, #tpu.memory_space<vmem>>
      tpu.enqueue_dma source(%dma_start3A_241 : memref<256x32xf32, #tpu.memory_space<vmem>>) target(%dma_start3A_237 : memref<256x32xf32, #tpu.memory_space<vmem_shared>>) target_semaphore(%run_scoped3A_229 : memref<!tpu.dma_semaphore, #tpu.memory_space<semaphore_mem>>)
      %dma_wait3A_242 = arith.constant 0 : i32
      %dma_wait3A_243 = arith.constant 0 : i32
      %dma_wait3A_244 = tpu.memref_slice %arg8[%run_scoped3A_155, %dma_wait3A_242, %dma_wait3A_243] : memref<2x256x32xf32, #tpu.memory_space<vmem>> -> memref<1x256x32xf32, #tpu.memory_space<vmem>>
      %dma_wait3A_245 = tpu.memref_squeeze %dma_wait3A_244 : memref<1x256x32xf32, #tpu.memory_space<vmem>> -> memref<256x32xf32, #tpu.memory_space<vmem>>
      %dma_wait3A_246 = arith.constant 0 : i32
      %dma_wait3A_247 = tpu.memref_slice %arg5[%add3A_154, %dma_wait3A_246] : memref<50176x32xf32, #tpu.memory_space<vmem_shared>> -> memref<256x32xf32, #tpu.memory_space<vmem_shared>>
      %dma_wait3A_248 = arith.constant 0 : i32
      %dma_wait3A_249 = tpu.memref_slice %arg5[%add3A_154, %dma_wait3A_248] : memref<50176x32xf32, #tpu.memory_space<vmem_shared>> -> memref<256x32xf32, #tpu.memory_space<vmem_shared>>
      %dma_wait3A_250 = arith.constant 0 : i32
      %dma_wait3A_251 = arith.constant 0 : i32
      %dma_wait3A_252 = tpu.memref_slice %arg8[%run_scoped3A_155, %dma_wait3A_250, %dma_wait3A_251] : memref<2x256x32xf32, #tpu.memory_space<vmem>> -> memref<1x256x32xf32, #tpu.memory_space<vmem>>
      %dma_wait3A_253 = tpu.memref_squeeze %dma_wait3A_252 : memref<1x256x32xf32, #tpu.memory_space<vmem>> -> memref<256x32xf32, #tpu.memory_space<vmem>>
      tpu.wait_dma2 semaphore(%run_scoped3A_229 : memref<!tpu.dma_semaphore, #tpu.memory_space<semaphore_mem>>) src(%dma_wait3A_253 : memref<256x32xf32, #tpu.memory_space<vmem>>) dst(%dma_wait3A_249 : memref<256x32xf32, #tpu.memory_space<vmem_shared>>)
      tpu.yield
    }) : () -> ()
    %add3A_156 = arith.constant 2560 : i32
    %add3A_157 = arith.addi %mul3A_0, %add3A_156 : i32
    %run_scoped3A_158 = arith.constant 0 : i32
    "tpu.region"() ({
      %run_scoped3A_229 = tpu.sem_alloc : memref<!tpu.dma_semaphore, #tpu.memory_space<semaphore_mem>>
      %dma_start3A_230 = arith.constant 0 : i32
      %dma_start3A_231 = arith.constant 0 : i32
      %dma_start3A_232 = tpu.memref_slice %arg8[%run_scoped3A_158, %dma_start3A_230, %dma_start3A_231] : memref<2x256x32xf32, #tpu.memory_space<vmem>> -> memref<1x256x32xf32, #tpu.memory_space<vmem>>
      %dma_start3A_233 = tpu.memref_squeeze %dma_start3A_232 : memref<1x256x32xf32, #tpu.memory_space<vmem>> -> memref<256x32xf32, #tpu.memory_space<vmem>>
      %dma_start3A_234 = arith.constant 0 : i32
      %dma_start3A_235 = tpu.memref_slice %arg5[%add3A_157, %dma_start3A_234] : memref<50176x32xf32, #tpu.memory_space<vmem_shared>> -> memref<256x32xf32, #tpu.memory_space<vmem_shared>>
      %dma_start3A_236 = arith.constant 0 : i32
      %dma_start3A_237 = tpu.memref_slice %arg5[%add3A_157, %dma_start3A_236] : memref<50176x32xf32, #tpu.memory_space<vmem_shared>> -> memref<256x32xf32, #tpu.memory_space<vmem_shared>>
      %dma_start3A_238 = arith.constant 0 : i32
      %dma_start3A_239 = arith.constant 0 : i32
      %dma_start3A_240 = tpu.memref_slice %arg8[%run_scoped3A_158, %dma_start3A_238, %dma_start3A_239] : memref<2x256x32xf32, #tpu.memory_space<vmem>> -> memref<1x256x32xf32, #tpu.memory_space<vmem>>
      %dma_start3A_241 = tpu.memref_squeeze %dma_start3A_240 : memref<1x256x32xf32, #tpu.memory_space<vmem>> -> memref<256x32xf32, #tpu.memory_space<vmem>>
      tpu.enqueue_dma source(%dma_start3A_241 : memref<256x32xf32, #tpu.memory_space<vmem>>) target(%dma_start3A_237 : memref<256x32xf32, #tpu.memory_space<vmem_shared>>) target_semaphore(%run_scoped3A_229 : memref<!tpu.dma_semaphore, #tpu.memory_space<semaphore_mem>>)
      %dma_wait3A_242 = arith.constant 0 : i32
      %dma_wait3A_243 = arith.constant 0 : i32
      %dma_wait3A_244 = tpu.memref_slice %arg8[%run_scoped3A_158, %dma_wait3A_242, %dma_wait3A_243] : memref<2x256x32xf32, #tpu.memory_space<vmem>> -> memref<1x256x32xf32, #tpu.memory_space<vmem>>
      %dma_wait3A_245 = tpu.memref_squeeze %dma_wait3A_244 : memref<1x256x32xf32, #tpu.memory_space<vmem>> -> memref<256x32xf32, #tpu.memory_space<vmem>>
      %dma_wait3A_246 = arith.constant 0 : i32
      %dma_wait3A_247 = tpu.memref_slice %arg5[%add3A_157, %dma_wait3A_246] : memref<50176x32xf32, #tpu.memory_space<vmem_shared>> -> memref<256x32xf32, #tpu.memory_space<vmem_shared>>
      %dma_wait3A_248 = arith.constant 0 : i32
      %dma_wait3A_249 = tpu.memref_slice %arg5[%add3A_157, %dma_wait3A_248] : memref<50176x32xf32, #tpu.memory_space<vmem_shared>> -> memref<256x32xf32, #tpu.memory_space<vmem_shared>>
      %dma_wait3A_250 = arith.constant 0 : i32
      %dma_wait3A_251 = arith.constant 0 : i32
      %dma_wait3A_252 = tpu.memref_slice %arg8[%run_scoped3A_158, %dma_wait3A_250, %dma_wait3A_251] : memref<2x256x32xf32, #tpu.memory_space<vmem>> -> memref<1x256x32xf32, #tpu.memory_space<vmem>>
      %dma_wait3A_253 = tpu.memref_squeeze %dma_wait3A_252 : memref<1x256x32xf32, #tpu.memory_space<vmem>> -> memref<256x32xf32, #tpu.memory_space<vmem>>
      tpu.wait_dma2 semaphore(%run_scoped3A_229 : memref<!tpu.dma_semaphore, #tpu.memory_space<semaphore_mem>>) src(%dma_wait3A_253 : memref<256x32xf32, #tpu.memory_space<vmem>>) dst(%dma_wait3A_249 : memref<256x32xf32, #tpu.memory_space<vmem_shared>>)
      tpu.yield
    }) : () -> ()
    %add3A_159 = arith.constant 2816 : i32
    %add3A_160 = arith.addi %mul3A_0, %add3A_159 : i32
    %run_scoped3A_161 = arith.constant 0 : i32
    "tpu.region"() ({
      %run_scoped3A_229 = tpu.sem_alloc : memref<!tpu.dma_semaphore, #tpu.memory_space<semaphore_mem>>
      %dma_start3A_230 = arith.constant 0 : i32
      %dma_start3A_231 = arith.constant 0 : i32
      %dma_start3A_232 = tpu.memref_slice %arg8[%run_scoped3A_161, %dma_start3A_230, %dma_start3A_231] : memref<2x256x32xf32, #tpu.memory_space<vmem>> -> memref<1x256x32xf32, #tpu.memory_space<vmem>>
      %dma_start3A_233 = tpu.memref_squeeze %dma_start3A_232 : memref<1x256x32xf32, #tpu.memory_space<vmem>> -> memref<256x32xf32, #tpu.memory_space<vmem>>
      %dma_start3A_234 = arith.constant 0 : i32
      %dma_start3A_235 = tpu.memref_slice %arg5[%add3A_160, %dma_start3A_234] : memref<50176x32xf32, #tpu.memory_space<vmem_shared>> -> memref<256x32xf32, #tpu.memory_space<vmem_shared>>
      %dma_start3A_236 = arith.constant 0 : i32
      %dma_start3A_237 = tpu.memref_slice %arg5[%add3A_160, %dma_start3A_236] : memref<50176x32xf32, #tpu.memory_space<vmem_shared>> -> memref<256x32xf32, #tpu.memory_space<vmem_shared>>
      %dma_start3A_238 = arith.constant 0 : i32
      %dma_start3A_239 = arith.constant 0 : i32
      %dma_start3A_240 = tpu.memref_slice %arg8[%run_scoped3A_161, %dma_start3A_238, %dma_start3A_239] : memref<2x256x32xf32, #tpu.memory_space<vmem>> -> memref<1x256x32xf32, #tpu.memory_space<vmem>>
      %dma_start3A_241 = tpu.memref_squeeze %dma_start3A_240 : memref<1x256x32xf32, #tpu.memory_space<vmem>> -> memref<256x32xf32, #tpu.memory_space<vmem>>
      tpu.enqueue_dma source(%dma_start3A_241 : memref<256x32xf32, #tpu.memory_space<vmem>>) target(%dma_start3A_237 : memref<256x32xf32, #tpu.memory_space<vmem_shared>>) target_semaphore(%run_scoped3A_229 : memref<!tpu.dma_semaphore, #tpu.memory_space<semaphore_mem>>)
      %dma_wait3A_242 = arith.constant 0 : i32
      %dma_wait3A_243 = arith.constant 0 : i32
      %dma_wait3A_244 = tpu.memref_slice %arg8[%run_scoped3A_161, %dma_wait3A_242, %dma_wait3A_243] : memref<2x256x32xf32, #tpu.memory_space<vmem>> -> memref<1x256x32xf32, #tpu.memory_space<vmem>>
      %dma_wait3A_245 = tpu.memref_squeeze %dma_wait3A_244 : memref<1x256x32xf32, #tpu.memory_space<vmem>> -> memref<256x32xf32, #tpu.memory_space<vmem>>
      %dma_wait3A_246 = arith.constant 0 : i32
      %dma_wait3A_247 = tpu.memref_slice %arg5[%add3A_160, %dma_wait3A_246] : memref<50176x32xf32, #tpu.memory_space<vmem_shared>> -> memref<256x32xf32, #tpu.memory_space<vmem_shared>>
      %dma_wait3A_248 = arith.constant 0 : i32
      %dma_wait3A_249 = tpu.memref_slice %arg5[%add3A_160, %dma_wait3A_248] : memref<50176x32xf32, #tpu.memory_space<vmem_shared>> -> memref<256x32xf32, #tpu.memory_space<vmem_shared>>
      %dma_wait3A_250 = arith.constant 0 : i32
      %dma_wait3A_251 = arith.constant 0 : i32
      %dma_wait3A_252 = tpu.memref_slice %arg8[%run_scoped3A_161, %dma_wait3A_250, %dma_wait3A_251] : memref<2x256x32xf32, #tpu.memory_space<vmem>> -> memref<1x256x32xf32, #tpu.memory_space<vmem>>
      %dma_wait3A_253 = tpu.memref_squeeze %dma_wait3A_252 : memref<1x256x32xf32, #tpu.memory_space<vmem>> -> memref<256x32xf32, #tpu.memory_space<vmem>>
      tpu.wait_dma2 semaphore(%run_scoped3A_229 : memref<!tpu.dma_semaphore, #tpu.memory_space<semaphore_mem>>) src(%dma_wait3A_253 : memref<256x32xf32, #tpu.memory_space<vmem>>) dst(%dma_wait3A_249 : memref<256x32xf32, #tpu.memory_space<vmem_shared>>)
      tpu.yield
    }) : () -> ()
    %add3A_162 = arith.constant 3072 : i32
    %add3A_163 = arith.addi %mul3A_0, %add3A_162 : i32
    %run_scoped3A_164 = arith.constant 0 : i32
    "tpu.region"() ({
      %run_scoped3A_229 = tpu.sem_alloc : memref<!tpu.dma_semaphore, #tpu.memory_space<semaphore_mem>>
      %dma_start3A_230 = arith.constant 0 : i32
      %dma_start3A_231 = arith.constant 0 : i32
      %dma_start3A_232 = tpu.memref_slice %arg8[%run_scoped3A_164, %dma_start3A_230, %dma_start3A_231] : memref<2x256x32xf32, #tpu.memory_space<vmem>> -> memref<1x64x32xf32, #tpu.memory_space<vmem>>
      %dma_start3A_233 = tpu.memref_squeeze %dma_start3A_232 : memref<1x64x32xf32, #tpu.memory_space<vmem>> -> memref<64x32xf32, #tpu.memory_space<vmem>>
      %dma_start3A_234 = arith.constant 0 : i32
      %dma_start3A_235 = tpu.memref_slice %arg5[%add3A_163, %dma_start3A_234] : memref<50176x32xf32, #tpu.memory_space<vmem_shared>> -> memref<64x32xf32, #tpu.memory_space<vmem_shared>>
      %dma_start3A_236 = arith.constant 0 : i32
      %dma_start3A_237 = tpu.memref_slice %arg5[%add3A_163, %dma_start3A_236] : memref<50176x32xf32, #tpu.memory_space<vmem_shared>> -> memref<64x32xf32, #tpu.memory_space<vmem_shared>>
      %dma_start3A_238 = arith.constant 0 : i32
      %dma_start3A_239 = arith.constant 0 : i32
      %dma_start3A_240 = tpu.memref_slice %arg8[%run_scoped3A_164, %dma_start3A_238, %dma_start3A_239] : memref<2x256x32xf32, #tpu.memory_space<vmem>> -> memref<1x64x32xf32, #tpu.memory_space<vmem>>
      %dma_start3A_241 = tpu.memref_squeeze %dma_start3A_240 : memref<1x64x32xf32, #tpu.memory_space<vmem>> -> memref<64x32xf32, #tpu.memory_space<vmem>>
      tpu.enqueue_dma source(%dma_start3A_241 : memref<64x32xf32, #tpu.memory_space<vmem>>) target(%dma_start3A_237 : memref<64x32xf32, #tpu.memory_space<vmem_shared>>) target_semaphore(%run_scoped3A_229 : memref<!tpu.dma_semaphore, #tpu.memory_space<semaphore_mem>>)
      %dma_wait3A_242 = arith.constant 0 : i32
      %dma_wait3A_243 = arith.constant 0 : i32
      %dma_wait3A_244 = tpu.memref_slice %arg8[%run_scoped3A_164, %dma_wait3A_242, %dma_wait3A_243] : memref<2x256x32xf32, #tpu.memory_space<vmem>> -> memref<1x64x32xf32, #tpu.memory_space<vmem>>
      %dma_wait3A_245 = tpu.memref_squeeze %dma_wait3A_244 : memref<1x64x32xf32, #tpu.memory_space<vmem>> -> memref<64x32xf32, #tpu.memory_space<vmem>>
      %dma_wait3A_246 = arith.constant 0 : i32
      %dma_wait3A_247 = tpu.memref_slice %arg5[%add3A_163, %dma_wait3A_246] : memref<50176x32xf32, #tpu.memory_space<vmem_shared>> -> memref<64x32xf32, #tpu.memory_space<vmem_shared>>
      %dma_wait3A_248 = arith.constant 0 : i32
      %dma_wait3A_249 = tpu.memref_slice %arg5[%add3A_163, %dma_wait3A_248] : memref<50176x32xf32, #tpu.memory_space<vmem_shared>> -> memref<64x32xf32, #tpu.memory_space<vmem_shared>>
      %dma_wait3A_250 = arith.constant 0 : i32
      %dma_wait3A_251 = arith.constant 0 : i32
      %dma_wait3A_252 = tpu.memref_slice %arg8[%run_scoped3A_164, %dma_wait3A_250, %dma_wait3A_251] : memref<2x256x32xf32, #tpu.memory_space<vmem>> -> memref<1x64x32xf32, #tpu.memory_space<vmem>>
      %dma_wait3A_253 = tpu.memref_squeeze %dma_wait3A_252 : memref<1x64x32xf32, #tpu.memory_space<vmem>> -> memref<64x32xf32, #tpu.memory_space<vmem>>
      tpu.wait_dma2 semaphore(%run_scoped3A_229 : memref<!tpu.dma_semaphore, #tpu.memory_space<semaphore_mem>>) src(%dma_wait3A_253 : memref<64x32xf32, #tpu.memory_space<vmem>>) dst(%dma_wait3A_249 : memref<64x32xf32, #tpu.memory_space<vmem_shared>>)
      tpu.yield
    }) : () -> ()
    %barrier3A_165 = arith.constant 0 : index
    tpu.barrier barrier_id(%barrier3A_165)
    %add3A_166 = arith.constant 0 : i32
    %add3A_167 = arith.addi %mul3A_116, %add3A_166 : i32
    %run_scoped3A_168 = arith.constant 0 : i32
    "tpu.region"() ({
      %run_scoped3A_229 = tpu.sem_alloc : memref<!tpu.dma_semaphore, #tpu.memory_space<semaphore_mem>>
      %dma_start3A_230 = arith.constant 0 : i32
      %dma_start3A_231 = arith.constant 0 : i32
      %dma_start3A_232 = tpu.memref_slice %arg6[%run_scoped3A_168, %dma_start3A_230, %dma_start3A_231] : memref<2x2x128xi32, #tpu.memory_space<vmem>> -> memref<1x2x128xi32, #tpu.memory_space<vmem>>
      %dma_start3A_233 = tpu.memref_squeeze %dma_start3A_232 : memref<1x2x128xi32, #tpu.memory_space<vmem>> -> memref<2x128xi32, #tpu.memory_space<vmem>>
      %dma_start3A_234 = arith.constant 0 : i32
      %dma_start3A_235 = tpu.memref_slice %arg2[%add3A_167, %dma_start3A_234] : memref<6272x128xi32, #tpu.memory_space<hbm>> -> memref<2x128xi32, #tpu.memory_space<hbm>>
      %dma_start3A_236 = arith.constant 0 : i32
      %dma_start3A_237 = arith.constant 0 : i32
      %dma_start3A_238 = tpu.memref_slice %arg6[%run_scoped3A_168, %dma_start3A_236, %dma_start3A_237] : memref<2x2x128xi32, #tpu.memory_space<vmem>> -> memref<1x2x128xi32, #tpu.memory_space<vmem>>
      %dma_start3A_239 = tpu.memref_squeeze %dma_start3A_238 : memref<1x2x128xi32, #tpu.memory_space<vmem>> -> memref<2x128xi32, #tpu.memory_space<vmem>>
      %dma_start3A_240 = arith.constant 0 : i32
      %dma_start3A_241 = tpu.memref_slice %arg2[%add3A_167, %dma_start3A_240] : memref<6272x128xi32, #tpu.memory_space<hbm>> -> memref<2x128xi32, #tpu.memory_space<hbm>>
      tpu.enqueue_dma source(%dma_start3A_241 : memref<2x128xi32, #tpu.memory_space<hbm>>) target(%dma_start3A_239 : memref<2x128xi32, #tpu.memory_space<vmem>>) target_semaphore(%run_scoped3A_229 : memref<!tpu.dma_semaphore, #tpu.memory_space<semaphore_mem>>)
      %dma_wait3A_242 = arith.constant 0 : i32
      %dma_wait3A_243 = arith.constant 0 : i32
      %dma_wait3A_244 = tpu.memref_slice %arg6[%run_scoped3A_168, %dma_wait3A_242, %dma_wait3A_243] : memref<2x2x128xi32, #tpu.memory_space<vmem>> -> memref<1x2x128xi32, #tpu.memory_space<vmem>>
      %dma_wait3A_245 = tpu.memref_squeeze %dma_wait3A_244 : memref<1x2x128xi32, #tpu.memory_space<vmem>> -> memref<2x128xi32, #tpu.memory_space<vmem>>
      %dma_wait3A_246 = arith.constant 0 : i32
      %dma_wait3A_247 = tpu.memref_slice %arg2[%add3A_167, %dma_wait3A_246] : memref<6272x128xi32, #tpu.memory_space<hbm>> -> memref<2x128xi32, #tpu.memory_space<hbm>>
      %dma_wait3A_248 = arith.constant 0 : i32
      %dma_wait3A_249 = arith.constant 0 : i32
      %dma_wait3A_250 = tpu.memref_slice %arg6[%run_scoped3A_168, %dma_wait3A_248, %dma_wait3A_249] : memref<2x2x128xi32, #tpu.memory_space<vmem>> -> memref<1x2x128xi32, #tpu.memory_space<vmem>>
      %dma_wait3A_251 = tpu.memref_squeeze %dma_wait3A_250 : memref<1x2x128xi32, #tpu.memory_space<vmem>> -> memref<2x128xi32, #tpu.memory_space<vmem>>
      %dma_wait3A_252 = arith.constant 0 : i32
      %dma_wait3A_253 = tpu.memref_slice %arg2[%add3A_167, %dma_wait3A_252] : memref<6272x128xi32, #tpu.memory_space<hbm>> -> memref<2x128xi32, #tpu.memory_space<hbm>>
      tpu.wait_dma2 semaphore(%run_scoped3A_229 : memref<!tpu.dma_semaphore, #tpu.memory_space<semaphore_mem>>) src(%dma_wait3A_253 : memref<2x128xi32, #tpu.memory_space<hbm>>) dst(%dma_wait3A_251 : memref<2x128xi32, #tpu.memory_space<vmem>>)
      tpu.yield
    }) : () -> ()
    %scan3A_169 = arith.constant 0 : i32
    %scan3A_170 = arith.constant 0 : i32
    %scan3A_171 = arith.constant 16 : i32
    %scan3A_172 = arith.addi %scan3A_170, %scan3A_171 : i32
    %scan3A_173 = arith.constant 1 : i32
    %scan3A_174 = scf.for %scan3A_229 = %scan3A_170 to %scan3A_172 step %scan3A_173 iter_args(%scan3A_230 = %scan3A_169) -> (i32)  : i32 {
      %jit3A = arith.constant 8 : i32
      %div3A = arith.divsi %scan3A_229, %jit3A : i32
      %sign3A = arith.constant 0 : i32
      %sign3A_231 = arith.cmpi sgt, %scan3A_229, %sign3A : i32
      %sign3A_232 = arith.extui %sign3A_231 : i1 to i32
      %sign3A_233 = arith.constant 0 : i32
      %sign3A_234 = arith.cmpi slt, %scan3A_229, %sign3A_233 : i32
      %sign3A_235 = arith.extui %sign3A_234 : i1 to i32
      %sign3A_236 = arith.subi %sign3A_232, %sign3A_235 : i32
      %sign3A_237 = arith.constant 0 : i32
      %sign3A_238 = arith.cmpi sgt, %jit3A, %sign3A_237 : i32
      %sign3A_239 = arith.extui %sign3A_238 : i1 to i32
      %sign3A_240 = arith.constant 0 : i32
      %sign3A_241 = arith.cmpi slt, %jit3A, %sign3A_240 : i32
      %sign3A_242 = arith.extui %sign3A_241 : i1 to i32
      %sign3A_243 = arith.subi %sign3A_239, %sign3A_242 : i32
      %ne3A = arith.cmpi ne, %sign3A_236, %sign3A_243 : i32
      %rem3A_244 = arith.remsi %scan3A_229, %jit3A : i32
      %ne3A_245 = arith.constant 0 : i32
      %ne3A_246 = arith.cmpi ne, %rem3A_244, %ne3A_245 : i32
      %and3A = arith.andi %ne3A, %ne3A_246 : i1
      %sub3A = arith.constant 1 : i32
      %sub3A_247 = arith.subi %div3A, %sub3A : i32
      %select_n3A = arith.select %and3A, %sub3A_247, %div3A : i32
      %jit3A_248 = arith.constant 8 : i32
      %eq3A = arith.constant 0 : i32
      %eq3A_249 = arith.cmpi eq, %jit3A_248, %eq3A : i32
      %jit3A_250 = arith.constant 1 : i32
      %select_n3A_251 = arith.select %eq3A_249, %jit3A_250, %jit3A_248 : i32
      %rem3A_252 = arith.remsi %scan3A_229, %select_n3A_251 : i32
      %ne3A_253 = arith.constant 0 : i32
      %ne3A_254 = arith.cmpi ne, %rem3A_252, %ne3A_253 : i32
      %lt3A = arith.constant 0 : i32
      %lt3A_255 = arith.cmpi slt, %rem3A_252, %lt3A : i32
      %lt3A_256 = arith.constant 0 : i32
      %lt3A_257 = arith.cmpi slt, %select_n3A_251, %lt3A_256 : i32
      %ne3A_258 = arith.xori %lt3A_255, %lt3A_257 : i1
      %and3A_259 = arith.andi %ne3A_258, %ne3A_254 : i1
      %add3A_260 = arith.addi %rem3A_252, %select_n3A_251 : i32
      %select_n3A_261 = arith.select %and3A_259, %add3A_260, %rem3A_252 : i32
      %mul3A_262 = arith.constant 16 : i32
      %mul3A_263 = arith.muli %select_n3A_261, %mul3A_262 : i32
      %get3A = arith.constant 0 : i32
      %get3A_264 = arith.index_cast %get3A : i32 to index
      %get3A_265 = arith.index_cast %select_n3A : i32 to index
      %get3A_266 = arith.index_cast %mul3A_263 : i32 to index
      %get3A_267 = tpu.vector_load %arg6[%get3A_264, %get3A_265, %get3A_266] {strides = array<i32>} : memref<2x2x128xi32, #tpu.memory_space<vmem>>, vector<1x1x16xi32>,
      %get3A_268 = vector.shape_cast %get3A_267 : vector<1x1x16xi32> to vector<16xi32>
      %shift_right_arithmetic3A = arith.constant 16 : i32
      %shift_right_arithmetic3A_269 = vector.broadcast %shift_right_arithmetic3A : i32 to vector<16xi32>
      %shift_right_arithmetic3A_270 = arith.shrsi %get3A_268, %shift_right_arithmetic3A_269 : vector<16xi32>
      %and3A_271 = arith.constant 65535 : i32
      %and3A_272 = vector.broadcast %and3A_271 : i32 to vector<16xi32>
      %and3A_273 = arith.andi %shift_right_arithmetic3A_270, %and3A_272 : vector<16xi32>
      %mul3A_274 = arith.constant 16 : i32
      %mul3A_275 = arith.muli %select_n3A_261, %mul3A_274 : i32
      %swap3A = arith.constant 0 : i32
      %swap3A_276 = arith.index_cast %swap3A : i32 to index
      %swap3A_277 = arith.index_cast %select_n3A : i32 to index
      %swap3A_278 = arith.index_cast %mul3A_275 : i32 to index
      %swap3A_279 = tpu.vector_load %arg7[%swap3A_276, %swap3A_277, %swap3A_278] {strides = array<i32>} : memref<2x2x128xi32, #tpu.memory_space<vmem>>, vector<1x1x16xi32>,
      %swap3A_280 = vector.shape_cast %swap3A_279 : vector<1x1x16xi32> to vector<16xi32>
      %swap3A_281 = vector.shape_cast %and3A_273 : vector<16xi32> to vector<1x1x16xi32>
      tpu.vector_store %arg7[%swap3A_276, %swap3A_277, %swap3A_278], %swap3A_281 {strides = array<i32>} : memref<2x2x128xi32, #tpu.memory_space<vmem>>, vector<1x1x16xi32>,
      %and3A_282 = arith.constant 65535 : i32
      %and3A_283 = vector.broadcast %and3A_282 : i32 to vector<16xi32>
      %and3A_284 = arith.andi %get3A_268, %and3A_283 : vector<16xi32>
      %mul3A_285 = arith.constant 4 : i32
      %mul3A_286 = vector.broadcast %mul3A_285 : i32 to vector<16xi32>
      %mul3A_287 = arith.muli %and3A_284, %mul3A_286 : vector<16xi32>
      %add3A_288 = vector.broadcast %add3A_114 : i32 to vector<16xi32>
      %add3A_289 = arith.addi %mul3A_287, %add3A_288 : vector<16xi32>
      %mul3A_290 = arith.constant 16 : i32
      %mul3A_291 = arith.muli %select_n3A_261, %mul3A_290 : i32
      %swap3A_292 = arith.constant 0 : i32
      %swap3A_293 = arith.index_cast %swap3A_292 : i32 to index
      %swap3A_294 = arith.index_cast %select_n3A : i32 to index
      %swap3A_295 = arith.index_cast %mul3A_291 : i32 to index
      %swap3A_296 = tpu.vector_load %arg6[%swap3A_293, %swap3A_294, %swap3A_295] {strides = array<i32>} : memref<2x2x128xi32, #tpu.memory_space<vmem>>, vector<1x1x16xi32>,
      %swap3A_297 = vector.shape_cast %swap3A_296 : vector<1x1x16xi32> to vector<16xi32>
      %swap3A_298 = vector.shape_cast %add3A_289 : vector<16xi32> to vector<1x1x16xi32>
      tpu.vector_store %arg6[%swap3A_293, %swap3A_294, %swap3A_295], %swap3A_298 {strides = array<i32>} : memref<2x2x128xi32, #tpu.memory_space<vmem>>, vector<1x1x16xi32>,
      %scan3A_299 = arith.constant 0 : i32
      scf.yield %scan3A_299 : i32
    }
    %scan3A_175 = arith.constant 16 : i32
    %dma_start3A_176 = arith.constant 0 : i32
    %dma_start3A_177 = arith.constant 0 : i32
    %dma_start3A_178 = arith.constant 0 : i32
    %dma_start3A_179 = arith.constant 0 : i32
    %dma_start3A_180 = arith.constant 0 : i32
    %dma_start3A_181 = tpu.memref_slice %arg8[%dma_start3A_178, %dma_start3A_179, %dma_start3A_180] : memref<2x256x32xf32, #tpu.memory_space<vmem>> -> memref<1x128x32xf32, #tpu.memory_space<vmem>>
    %dma_start3A_182 = tpu.memref_squeeze %dma_start3A_181 : memref<1x128x32xf32, #tpu.memory_space<vmem>> -> memref<128x32xf32, #tpu.memory_space<vmem>>
    %dma_start3A_183 = arith.constant 0 : i32
    %dma_start3A_184 = tpu.memref_slice %arg6[%dma_start3A_176, %dma_start3A_177, %dma_start3A_183] : memref<2x2x128xi32, #tpu.memory_space<vmem>> -> memref<1x1x128xi32, #tpu.memory_space<vmem>>
    %dma_start3A_185 = tpu.memref_squeeze %dma_start3A_184 : memref<1x1x128xi32, #tpu.memory_space<vmem>> -> memref<128xi32, #tpu.memory_space<vmem>>
    %dma_start3A_186 = arith.constant 0 : i32
    %dma_start3A_187 = arith.constant 0 : i32
    %dma_start3A_188 = tpu.memref_slice %arg3[%dma_start3A_186, %dma_start3A_187] : memref<200704x32xf32, #tpu.memory_space<hbm>> -> memref<200704x32xf32, #tpu.memory_space<hbm>>
    tpu.enqueue_indirect_dma source(%dma_start3A_188 : memref<200704x32xf32, #tpu.memory_space<hbm>>) target(%dma_start3A_182 : memref<128x32xf32, #tpu.memory_space<vmem>>) offsets(%dma_start3A_185 : memref<128xi32, #tpu.memory_space<vmem>>) semaphore(%arg9 : memref<!tpu.dma_semaphore, #tpu.memory_space<semaphore_mem>>)
    %dma_start3A_189 = arith.constant 0 : i32
    %dma_start3A_190 = arith.constant 1 : i32
    %dma_start3A_191 = arith.constant 0 : i32
    %dma_start3A_192 = arith.constant 128 : i32
    %dma_start3A_193 = arith.constant 0 : i32
    %dma_start3A_194 = tpu.memref_slice %arg8[%dma_start3A_191, %dma_start3A_192, %dma_start3A_193] : memref<2x256x32xf32, #tpu.memory_space<vmem>> -> memref<1x128x32xf32, #tpu.memory_space<vmem>>
    %dma_start3A_195 = tpu.memref_squeeze %dma_start3A_194 : memref<1x128x32xf32, #tpu.memory_space<vmem>> -> memref<128x32xf32, #tpu.memory_space<vmem>>
    %dma_start3A_196 = arith.constant 0 : i32
    %dma_start3A_197 = tpu.memref_slice %arg6[%dma_start3A_189, %dma_start3A_190, %dma_start3A_196] : memref<2x2x128xi32, #tpu.memory_space<vmem>> -> memref<1x1x128xi32, #tpu.memory_space<vmem>>
    %dma_start3A_198 = tpu.memref_squeeze %dma_start3A_197 : memref<1x1x128xi32, #tpu.memory_space<vmem>> -> memref<128xi32, #tpu.memory_space<vmem>>
    %dma_start3A_199 = arith.constant 0 : i32
    %dma_start3A_200 = arith.constant 0 : i32
    %dma_start3A_201 = tpu.memref_slice %arg3[%dma_start3A_199, %dma_start3A_200] : memref<200704x32xf32, #tpu.memory_space<hbm>> -> memref<200704x32xf32, #tpu.memory_space<hbm>>
    tpu.enqueue_indirect_dma source(%dma_start3A_201 : memref<200704x32xf32, #tpu.memory_space<hbm>>) target(%dma_start3A_195 : memref<128x32xf32, #tpu.memory_space<vmem>>) offsets(%dma_start3A_198 : memref<128xi32, #tpu.memory_space<vmem>>) semaphore(%arg9 : memref<!tpu.dma_semaphore, #tpu.memory_space<semaphore_mem>>)
    %scan3A_202 = arith.constant 0 : i32
    %scan3A_203 = arith.constant 0 : i32
    %scan3A_204 = arith.constant 196 : i32
    %scan3A_205 = arith.addi %scan3A_203, %scan3A_204 : i32
    %scan3A_206 = arith.constant 1 : i32
    %scan3A_207 = scf.for %scan3A_229 = %scan3A_203 to %scan3A_205 step %scan3A_206 iter_args(%scan3A_230 = %scan3A_202) -> (i32)  : i32 {
      %rem3A_231 = arith.constant 2 : i32
      %rem3A_232 = arith.remsi %scan3A_229, %rem3A_231 : i32
      %ge3A = arith.constant 1 : i32
      %ge3A_233 = arith.cmpi sge, %scan3A_229, %ge3A : i32
      %convert_element_type3A = arith.extui %ge3A_233 : i1 to i32
      %cond3A = arith.constant 0 : i32
      %cond3A_234 = arith.cmpi ne, %convert_element_type3A, %cond3A : i32
      scf.if %cond3A_234 {
        %sub3A = arith.constant 1 : i32
        %sub3A_278 = arith.subi %sub3A, %rem3A_232 : i32
        %dma_wait3A_279 = arith.constant 0 : i32
        %dma_wait3A_280 = arith.constant 0 : i32
        %dma_wait3A_281 = tpu.memref_slice %arg8[%sub3A_278, %dma_wait3A_279, %dma_wait3A_280] : memref<2x256x32xf32, #tpu.memory_space<vmem>> -> memref<1x256x32xf32, #tpu.memory_space<vmem>>
        %dma_wait3A_282 = tpu.memref_squeeze %dma_wait3A_281 : memref<1x256x32xf32, #tpu.memory_space<vmem>> -> memref<256x32xf32, #tpu.memory_space<vmem>>
        %dma_wait3A_283 = arith.constant 0 : i32
        %dma_wait3A_284 = arith.constant 0 : i32
        %dma_wait3A_285 = tpu.memref_slice %arg3[%dma_wait3A_283, %dma_wait3A_284] : memref<200704x32xf32, #tpu.memory_space<hbm>> -> memref<256x32xf32, #tpu.memory_space<hbm>>
        %dma_wait3A_286 = arith.constant 0 : i32
        %dma_wait3A_287 = arith.constant 0 : i32
        %dma_wait3A_288 = tpu.memref_slice %arg8[%sub3A_278, %dma_wait3A_286, %dma_wait3A_287] : memref<2x256x32xf32, #tpu.memory_space<vmem>> -> memref<1x256x32xf32, #tpu.memory_space<vmem>>
        %dma_wait3A_289 = tpu.memref_squeeze %dma_wait3A_288 : memref<1x256x32xf32, #tpu.memory_space<vmem>> -> memref<256x32xf32, #tpu.memory_space<vmem>>
        %dma_wait3A_290 = arith.constant 0 : i32
        %dma_wait3A_291 = arith.constant 0 : i32
        %dma_wait3A_292 = tpu.memref_slice %arg3[%dma_wait3A_290, %dma_wait3A_291] : memref<200704x32xf32, #tpu.memory_space<hbm>> -> memref<256x32xf32, #tpu.memory_space<hbm>>
        tpu.wait_dma2 semaphore(%arg10 : memref<!tpu.dma_semaphore, #tpu.memory_space<semaphore_mem>>) src(%dma_wait3A_292 : memref<256x32xf32, #tpu.memory_space<hbm>>) dst(%dma_wait3A_289 : memref<256x32xf32, #tpu.memory_space<vmem>>)
      } else {
      }
      %add3A_235 = arith.constant 1 : i32
      %add3A_236 = arith.addi %scan3A_229, %add3A_235 : i32
      %lt3A = arith.constant 196 : i32
      %lt3A_237 = arith.cmpi slt, %add3A_236, %lt3A : i32
      %convert_element_type3A_238 = arith.extui %lt3A_237 : i1 to i32
      %cond3A_239 = arith.constant 0 : i32
      %cond3A_240 = arith.cmpi ne, %convert_element_type3A_238, %cond3A_239 : i32
      scf.if %cond3A_240 {
        %add3A_278 = arith.constant 1 : i32
        %add3A_279 = arith.addi %scan3A_229, %add3A_278 : i32
        %sub3A = arith.constant 1 : i32
        %sub3A_280 = arith.subi %sub3A, %rem3A_232 : i32
        %mul3A_281 = arith.constant 2 : i32
        %mul3A_282 = arith.muli %add3A_279, %mul3A_281 : i32
        %add3A_283 = arith.addi %mul3A_116, %mul3A_282 : i32
        "tpu.region"() ({
          %run_scoped3A_313 = tpu.sem_alloc : memref<!tpu.dma_semaphore, #tpu.memory_space<semaphore_mem>>
          %dma_start3A_314 = arith.constant 0 : i32
          %dma_start3A_315 = arith.constant 0 : i32
          %dma_start3A_316 = tpu.memref_slice %arg6[%sub3A_280, %dma_start3A_314, %dma_start3A_315] : memref<2x2x128xi32, #tpu.memory_space<vmem>> -> memref<1x2x128xi32, #tpu.memory_space<vmem>>
          %dma_start3A_317 = tpu.memref_squeeze %dma_start3A_316 : memref<1x2x128xi32, #tpu.memory_space<vmem>> -> memref<2x128xi32, #tpu.memory_space<vmem>>
          %dma_start3A_318 = arith.constant 0 : i32
          %dma_start3A_319 = tpu.memref_slice %arg2[%add3A_283, %dma_start3A_318] : memref<6272x128xi32, #tpu.memory_space<hbm>> -> memref<2x128xi32, #tpu.memory_space<hbm>>
          %dma_start3A_320 = arith.constant 0 : i32
          %dma_start3A_321 = arith.constant 0 : i32
          %dma_start3A_322 = tpu.memref_slice %arg6[%sub3A_280, %dma_start3A_320, %dma_start3A_321] : memref<2x2x128xi32, #tpu.memory_space<vmem>> -> memref<1x2x128xi32, #tpu.memory_space<vmem>>
          %dma_start3A_323 = tpu.memref_squeeze %dma_start3A_322 : memref<1x2x128xi32, #tpu.memory_space<vmem>> -> memref<2x128xi32, #tpu.memory_space<vmem>>
          %dma_start3A_324 = arith.constant 0 : i32
          %dma_start3A_325 = tpu.memref_slice %arg2[%add3A_283, %dma_start3A_324] : memref<6272x128xi32, #tpu.memory_space<hbm>> -> memref<2x128xi32, #tpu.memory_space<hbm>>
          tpu.enqueue_dma source(%dma_start3A_325 : memref<2x128xi32, #tpu.memory_space<hbm>>) target(%dma_start3A_323 : memref<2x128xi32, #tpu.memory_space<vmem>>) target_semaphore(%run_scoped3A_313 : memref<!tpu.dma_semaphore, #tpu.memory_space<semaphore_mem>>)
          %dma_wait3A_326 = arith.constant 0 : i32
          %dma_wait3A_327 = arith.constant 0 : i32
          %dma_wait3A_328 = tpu.memref_slice %arg6[%sub3A_280, %dma_wait3A_326, %dma_wait3A_327] : memref<2x2x128xi32, #tpu.memory_space<vmem>> -> memref<1x2x128xi32, #tpu.memory_space<vmem>>
          %dma_wait3A_329 = tpu.memref_squeeze %dma_wait3A_328 : memref<1x2x128xi32, #tpu.memory_space<vmem>> -> memref<2x128xi32, #tpu.memory_space<vmem>>
          %dma_wait3A_330 = arith.constant 0 : i32
          %dma_wait3A_331 = tpu.memref_slice %arg2[%add3A_283, %dma_wait3A_330] : memref<6272x128xi32, #tpu.memory_space<hbm>> -> memref<2x128xi32, #tpu.memory_space<hbm>>
          %dma_wait3A_332 = arith.constant 0 : i32
          %dma_wait3A_333 = arith.constant 0 : i32
          %dma_wait3A_334 = tpu.memref_slice %arg6[%sub3A_280, %dma_wait3A_332, %dma_wait3A_333] : memref<2x2x128xi32, #tpu.memory_space<vmem>> -> memref<1x2x128xi32, #tpu.memory_space<vmem>>
          %dma_wait3A_335 = tpu.memref_squeeze %dma_wait3A_334 : memref<1x2x128xi32, #tpu.memory_space<vmem>> -> memref<2x128xi32, #tpu.memory_space<vmem>>
          %dma_wait3A_336 = arith.constant 0 : i32
          %dma_wait3A_337 = tpu.memref_slice %arg2[%add3A_283, %dma_wait3A_336] : memref<6272x128xi32, #tpu.memory_space<hbm>> -> memref<2x128xi32, #tpu.memory_space<hbm>>
          tpu.wait_dma2 semaphore(%run_scoped3A_313 : memref<!tpu.dma_semaphore, #tpu.memory_space<semaphore_mem>>) src(%dma_wait3A_337 : memref<2x128xi32, #tpu.memory_space<hbm>>) dst(%dma_wait3A_335 : memref<2x128xi32, #tpu.memory_space<vmem>>)
          tpu.yield
        }) : () -> ()
        %scan3A_284 = arith.constant 0 : i32
        %scan3A_285 = arith.constant 0 : i32
        %scan3A_286 = arith.constant 16 : i32
        %scan3A_287 = arith.addi %scan3A_285, %scan3A_286 : i32
        %scan3A_288 = arith.constant 1 : i32
        %scan3A_289 = scf.for %scan3A_313 = %scan3A_285 to %scan3A_287 step %scan3A_288 iter_args(%scan3A_314 = %scan3A_284) -> (i32)  : i32 {
          %jit3A = arith.constant 8 : i32
          %div3A = arith.divsi %scan3A_313, %jit3A : i32
          %sign3A = arith.constant 0 : i32
          %sign3A_315 = arith.cmpi sgt, %scan3A_313, %sign3A : i32
          %sign3A_316 = arith.extui %sign3A_315 : i1 to i32
          %sign3A_317 = arith.constant 0 : i32
          %sign3A_318 = arith.cmpi slt, %scan3A_313, %sign3A_317 : i32
          %sign3A_319 = arith.extui %sign3A_318 : i1 to i32
          %sign3A_320 = arith.subi %sign3A_316, %sign3A_319 : i32
          %sign3A_321 = arith.constant 0 : i32
          %sign3A_322 = arith.cmpi sgt, %jit3A, %sign3A_321 : i32
          %sign3A_323 = arith.extui %sign3A_322 : i1 to i32
          %sign3A_324 = arith.constant 0 : i32
          %sign3A_325 = arith.cmpi slt, %jit3A, %sign3A_324 : i32
          %sign3A_326 = arith.extui %sign3A_325 : i1 to i32
          %sign3A_327 = arith.subi %sign3A_323, %sign3A_326 : i32
          %ne3A = arith.cmpi ne, %sign3A_320, %sign3A_327 : i32
          %rem3A_328 = arith.remsi %scan3A_313, %jit3A : i32
          %ne3A_329 = arith.constant 0 : i32
          %ne3A_330 = arith.cmpi ne, %rem3A_328, %ne3A_329 : i32
          %and3A = arith.andi %ne3A, %ne3A_330 : i1
          %sub3A_331 = arith.constant 1 : i32
          %sub3A_332 = arith.subi %div3A, %sub3A_331 : i32
          %select_n3A = arith.select %and3A, %sub3A_332, %div3A : i32
          %jit3A_333 = arith.constant 8 : i32
          %eq3A = arith.constant 0 : i32
          %eq3A_334 = arith.cmpi eq, %jit3A_333, %eq3A : i32
          %jit3A_335 = arith.constant 1 : i32
          %select_n3A_336 = arith.select %eq3A_334, %jit3A_335, %jit3A_333 : i32
          %rem3A_337 = arith.remsi %scan3A_313, %select_n3A_336 : i32
          %ne3A_338 = arith.constant 0 : i32
          %ne3A_339 = arith.cmpi ne, %rem3A_337, %ne3A_338 : i32
          %lt3A_340 = arith.constant 0 : i32
          %lt3A_341 = arith.cmpi slt, %rem3A_337, %lt3A_340 : i32
          %lt3A_342 = arith.constant 0 : i32
          %lt3A_343 = arith.cmpi slt, %select_n3A_336, %lt3A_342 : i32
          %ne3A_344 = arith.xori %lt3A_341, %lt3A_343 : i1
          %and3A_345 = arith.andi %ne3A_344, %ne3A_339 : i1
          %add3A_346 = arith.addi %rem3A_337, %select_n3A_336 : i32
          %select_n3A_347 = arith.select %and3A_345, %add3A_346, %rem3A_337 : i32
          %mul3A_348 = arith.constant 16 : i32
          %mul3A_349 = arith.muli %select_n3A_347, %mul3A_348 : i32
          %get3A = arith.index_cast %sub3A_280 : i32 to index
          %get3A_350 = arith.index_cast %select_n3A : i32 to index
          %get3A_351 = arith.index_cast %mul3A_349 : i32 to index
          %get3A_352 = tpu.vector_load %arg6[%get3A, %get3A_350, %get3A_351] {strides = array<i32>} : memref<2x2x128xi32, #tpu.memory_space<vmem>>, vector<1x1x16xi32>,
          %get3A_353 = vector.shape_cast %get3A_352 : vector<1x1x16xi32> to vector<16xi32>
          %shift_right_arithmetic3A = arith.constant 16 : i32
          %shift_right_arithmetic3A_354 = vector.broadcast %shift_right_arithmetic3A : i32 to vector<16xi32>
          %shift_right_arithmetic3A_355 = arith.shrsi %get3A_353, %shift_right_arithmetic3A_354 : vector<16xi32>
          %and3A_356 = arith.constant 65535 : i32
          %and3A_357 = vector.broadcast %and3A_356 : i32 to vector<16xi32>
          %and3A_358 = arith.andi %shift_right_arithmetic3A_355, %and3A_357 : vector<16xi32>
          %mul3A_359 = arith.constant 16 : i32
          %mul3A_360 = arith.muli %select_n3A_347, %mul3A_359 : i32
          %swap3A = arith.index_cast %sub3A_280 : i32 to index
          %swap3A_361 = arith.index_cast %select_n3A : i32 to index
          %swap3A_362 = arith.index_cast %mul3A_360 : i32 to index
          %swap3A_363 = tpu.vector_load %arg7[%swap3A, %swap3A_361, %swap3A_362] {strides = array<i32>} : memref<2x2x128xi32, #tpu.memory_space<vmem>>, vector<1x1x16xi32>,
          %swap3A_364 = vector.shape_cast %swap3A_363 : vector<1x1x16xi32> to vector<16xi32>
          %swap3A_365 = vector.shape_cast %and3A_358 : vector<16xi32> to vector<1x1x16xi32>
          tpu.vector_store %arg7[%swap3A, %swap3A_361, %swap3A_362], %swap3A_365 {strides = array<i32>} : memref<2x2x128xi32, #tpu.memory_space<vmem>>, vector<1x1x16xi32>,
          %and3A_366 = arith.constant 65535 : i32
          %and3A_367 = vector.broadcast %and3A_366 : i32 to vector<16xi32>
          %and3A_368 = arith.andi %get3A_353, %and3A_367 : vector<16xi32>
          %mul3A_369 = arith.constant 4 : i32
          %mul3A_370 = vector.broadcast %mul3A_369 : i32 to vector<16xi32>
          %mul3A_371 = arith.muli %and3A_368, %mul3A_370 : vector<16xi32>
          %add3A_372 = vector.broadcast %add3A_114 : i32 to vector<16xi32>
          %add3A_373 = arith.addi %mul3A_371, %add3A_372 : vector<16xi32>
          %mul3A_374 = arith.constant 16 : i32
          %mul3A_375 = arith.muli %select_n3A_347, %mul3A_374 : i32
          %swap3A_376 = arith.index_cast %sub3A_280 : i32 to index
          %swap3A_377 = arith.index_cast %select_n3A : i32 to index
          %swap3A_378 = arith.index_cast %mul3A_375 : i32 to index
          %swap3A_379 = tpu.vector_load %arg6[%swap3A_376, %swap3A_377, %swap3A_378] {strides = array<i32>} : memref<2x2x128xi32, #tpu.memory_space<vmem>>, vector<1x1x16xi32>,
          %swap3A_380 = vector.shape_cast %swap3A_379 : vector<1x1x16xi32> to vector<16xi32>
          %swap3A_381 = vector.shape_cast %add3A_373 : vector<16xi32> to vector<1x1x16xi32>
          tpu.vector_store %arg6[%swap3A_376, %swap3A_377, %swap3A_378], %swap3A_381 {strides = array<i32>} : memref<2x2x128xi32, #tpu.memory_space<vmem>>, vector<1x1x16xi32>,
          %scan3A_382 = arith.constant 0 : i32
          scf.yield %scan3A_382 : i32
        }
        %scan3A_290 = arith.constant 16 : i32
        %dma_start3A_291 = arith.constant 0 : i32
        %dma_start3A_292 = arith.constant 0 : i32
        %dma_start3A_293 = arith.constant 0 : i32
        %dma_start3A_294 = tpu.memref_slice %arg8[%sub3A_280, %dma_start3A_292, %dma_start3A_293] : memref<2x256x32xf32, #tpu.memory_space<vmem>> -> memref<1x128x32xf32, #tpu.memory_space<vmem>>
        %dma_start3A_295 = tpu.memref_squeeze %dma_start3A_294 : memref<1x128x32xf32, #tpu.memory_space<vmem>> -> memref<128x32xf32, #tpu.memory_space<vmem>>
        %dma_start3A_296 = arith.constant 0 : i32
        %dma_start3A_297 = tpu.memref_slice %arg6[%sub3A_280, %dma_start3A_291, %dma_start3A_296] : memref<2x2x128xi32, #tpu.memory_space<vmem>> -> memref<1x1x128xi32, #tpu.memory_space<vmem>>
        %dma_start3A_298 = tpu.memref_squeeze %dma_start3A_297 : memref<1x1x128xi32, #tpu.memory_space<vmem>> -> memref<128xi32, #tpu.memory_space<vmem>>
        %dma_start3A_299 = arith.constant 0 : i32
        %dma_start3A_300 = arith.constant 0 : i32
        %dma_start3A_301 = tpu.memref_slice %arg3[%dma_start3A_299, %dma_start3A_300] : memref<200704x32xf32, #tpu.memory_space<hbm>> -> memref<200704x32xf32, #tpu.memory_space<hbm>>
        tpu.enqueue_indirect_dma source(%dma_start3A_301 : memref<200704x32xf32, #tpu.memory_space<hbm>>) target(%dma_start3A_295 : memref<128x32xf32, #tpu.memory_space<vmem>>) offsets(%dma_start3A_298 : memref<128xi32, #tpu.memory_space<vmem>>) semaphore(%arg9 : memref<!tpu.dma_semaphore, #tpu.memory_space<semaphore_mem>>)
        %dma_start3A_302 = arith.constant 1 : i32
        %dma_start3A_303 = arith.constant 128 : i32
        %dma_start3A_304 = arith.constant 0 : i32
        %dma_start3A_305 = tpu.memref_slice %arg8[%sub3A_280, %dma_start3A_303, %dma_start3A_304] : memref<2x256x32xf32, #tpu.memory_space<vmem>> -> memref<1x128x32xf32, #tpu.memory_space<vmem>>
        %dma_start3A_306 = tpu.memref_squeeze %dma_start3A_305 : memref<1x128x32xf32, #tpu.memory_space<vmem>> -> memref<128x32xf32, #tpu.memory_space<vmem>>
        %dma_start3A_307 = arith.constant 0 : i32
        %dma_start3A_308 = tpu.memref_slice %arg6[%sub3A_280, %dma_start3A_302, %dma_start3A_307] : memref<2x2x128xi32, #tpu.memory_space<vmem>> -> memref<1x1x128xi32, #tpu.memory_space<vmem>>
        %dma_start3A_309 = tpu.memref_squeeze %dma_start3A_308 : memref<1x1x128xi32, #tpu.memory_space<vmem>> -> memref<128xi32, #tpu.memory_space<vmem>>
        %dma_start3A_310 = arith.constant 0 : i32
        %dma_start3A_311 = arith.constant 0 : i32
        %dma_start3A_312 = tpu.memref_slice %arg3[%dma_start3A_310, %dma_start3A_311] : memref<200704x32xf32, #tpu.memory_space<hbm>> -> memref<200704x32xf32, #tpu.memory_space<hbm>>
        tpu.enqueue_indirect_dma source(%dma_start3A_312 : memref<200704x32xf32, #tpu.memory_space<hbm>>) target(%dma_start3A_306 : memref<128x32xf32, #tpu.memory_space<vmem>>) offsets(%dma_start3A_309 : memref<128xi32, #tpu.memory_space<vmem>>) semaphore(%arg9 : memref<!tpu.dma_semaphore, #tpu.memory_space<semaphore_mem>>)
      } else {
      }
      %dma_wait3A_241 = arith.constant 0 : i32
      %dma_wait3A_242 = arith.constant 0 : i32
      %dma_wait3A_243 = tpu.memref_slice %arg8[%rem3A_232, %dma_wait3A_241, %dma_wait3A_242] : memref<2x256x32xf32, #tpu.memory_space<vmem>> -> memref<1x256x32xf32, #tpu.memory_space<vmem>>
      %dma_wait3A_244 = tpu.memref_squeeze %dma_wait3A_243 : memref<1x256x32xf32, #tpu.memory_space<vmem>> -> memref<256x32xf32, #tpu.memory_space<vmem>>
      %dma_wait3A_245 = arith.constant 0 : i32
      %dma_wait3A_246 = arith.constant 0 : i32
      %dma_wait3A_247 = tpu.memref_slice %arg3[%dma_wait3A_245, %dma_wait3A_246] : memref<200704x32xf32, #tpu.memory_space<hbm>> -> memref<256x32xf32, #tpu.memory_space<hbm>>
      %dma_wait3A_248 = arith.constant 0 : i32
      %dma_wait3A_249 = arith.constant 0 : i32
      %dma_wait3A_250 = tpu.memref_slice %arg8[%rem3A_232, %dma_wait3A_248, %dma_wait3A_249] : memref<2x256x32xf32, #tpu.memory_space<vmem>> -> memref<1x256x32xf32, #tpu.memory_space<vmem>>
      %dma_wait3A_251 = tpu.memref_squeeze %dma_wait3A_250 : memref<1x256x32xf32, #tpu.memory_space<vmem>> -> memref<256x32xf32, #tpu.memory_space<vmem>>
      %dma_wait3A_252 = arith.constant 0 : i32
      %dma_wait3A_253 = arith.constant 0 : i32
      %dma_wait3A_254 = tpu.memref_slice %arg3[%dma_wait3A_252, %dma_wait3A_253] : memref<200704x32xf32, #tpu.memory_space<hbm>> -> memref<256x32xf32, #tpu.memory_space<hbm>>
      tpu.wait_dma2 semaphore(%arg9 : memref<!tpu.dma_semaphore, #tpu.memory_space<semaphore_mem>>) src(%dma_wait3A_254 : memref<256x32xf32, #tpu.memory_space<hbm>>) dst(%dma_wait3A_251 : memref<256x32xf32, #tpu.memory_space<vmem>>)
      %dma_start3A_255 = arith.constant 0 : i32
      %dma_start3A_256 = arith.constant 0 : i32
      %dma_start3A_257 = arith.constant 0 : i32
      %dma_start3A_258 = tpu.memref_slice %arg8[%rem3A_232, %dma_start3A_256, %dma_start3A_257] : memref<2x256x32xf32, #tpu.memory_space<vmem>> -> memref<1x128x32xf32, #tpu.memory_space<vmem>>
      %dma_start3A_259 = tpu.memref_squeeze %dma_start3A_258 : memref<1x128x32xf32, #tpu.memory_space<vmem>> -> memref<128x32xf32, #tpu.memory_space<vmem>>
      %dma_start3A_260 = arith.constant 0 : i32
      %dma_start3A_261 = tpu.memref_slice %arg7[%rem3A_232, %dma_start3A_255, %dma_start3A_260] : memref<2x2x128xi32, #tpu.memory_space<vmem>> -> memref<1x1x128xi32, #tpu.memory_space<vmem>>
      %dma_start3A_262 = tpu.memref_squeeze %dma_start3A_261 : memref<1x1x128xi32, #tpu.memory_space<vmem>> -> memref<128xi32, #tpu.memory_space<vmem>>
      %dma_start3A_263 = arith.constant 0 : i32
      %dma_start3A_264 = arith.constant 0 : i32
      %dma_start3A_265 = tpu.memref_slice %arg5[%dma_start3A_263, %dma_start3A_264] : memref<50176x32xf32, #tpu.memory_space<vmem_shared>> -> memref<50176x32xf32, #tpu.memory_space<vmem_shared>>
      tpu.enqueue_indirect_dma source(%dma_start3A_259 : memref<128x32xf32, #tpu.memory_space<vmem>>) target(%dma_start3A_265 : memref<50176x32xf32, #tpu.memory_space<vmem_shared>>) offsets(%dma_start3A_262 : memref<128xi32, #tpu.memory_space<vmem>>) semaphore(%arg10 : memref<!tpu.dma_semaphore, #tpu.memory_space<semaphore_mem>>) {add = true}
      %dma_start3A_266 = arith.constant 1 : i32
      %dma_start3A_267 = arith.constant 128 : i32
      %dma_start3A_268 = arith.constant 0 : i32
      %dma_start3A_269 = tpu.memref_slice %arg8[%rem3A_232, %dma_start3A_267, %dma_start3A_268] : memref<2x256x32xf32, #tpu.memory_space<vmem>> -> memref<1x128x32xf32, #tpu.memory_space<vmem>>
      %dma_start3A_270 = tpu.memref_squeeze %dma_start3A_269 : memref<1x128x32xf32, #tpu.memory_space<vmem>> -> memref<128x32xf32, #tpu.memory_space<vmem>>
      %dma_start3A_271 = arith.constant 0 : i32
      %dma_start3A_272 = tpu.memref_slice %arg7[%rem3A_232, %dma_start3A_266, %dma_start3A_271] : memref<2x2x128xi32, #tpu.memory_space<vmem>> -> memref<1x1x128xi32, #tpu.memory_space<vmem>>
      %dma_start3A_273 = tpu.memref_squeeze %dma_start3A_272 : memref<1x1x128xi32, #tpu.memory_space<vmem>> -> memref<128xi32, #tpu.memory_space<vmem>>
      %dma_start3A_274 = arith.constant 0 : i32
      %dma_start3A_275 = arith.constant 0 : i32
      %dma_start3A_276 = tpu.memref_slice %arg5[%dma_start3A_274, %dma_start3A_275] : memref<50176x32xf32, #tpu.memory_space<vmem_shared>> -> memref<50176x32xf32, #tpu.memory_space<vmem_shared>>
      tpu.enqueue_indirect_dma source(%dma_start3A_270 : memref<128x32xf32, #tpu.memory_space<vmem>>) target(%dma_start3A_276 : memref<50176x32xf32, #tpu.memory_space<vmem_shared>>) offsets(%dma_start3A_273 : memref<128xi32, #tpu.memory_space<vmem>>) semaphore(%arg10 : memref<!tpu.dma_semaphore, #tpu.memory_space<semaphore_mem>>) {add = true}
      %scan3A_277 = arith.constant 0 : i32
      scf.yield %scan3A_277 : i32
    }
    %scan3A_208 = arith.constant 196 : i32
    %rem3A_209 = arith.constant 195 : i32
    %rem3A_210 = arith.constant 2 : i32
    %rem3A_211 = arith.remsi %rem3A_209, %rem3A_210 : i32
    %dma_wait3A_212 = arith.constant 0 : i32
    %dma_wait3A_213 = arith.constant 0 : i32
    %dma_wait3A_214 = tpu.memref_slice %arg8[%rem3A_211, %dma_wait3A_212, %dma_wait3A_213] : memref<2x256x32xf32, #tpu.memory_space<vmem>> -> memref<1x256x32xf32, #tpu.memory_space<vmem>>
    %dma_wait3A_215 = tpu.memref_squeeze %dma_wait3A_214 : memref<1x256x32xf32, #tpu.memory_space<vmem>> -> memref<256x32xf32, #tpu.memory_space<vmem>>
    %dma_wait3A_216 = arith.constant 0 : i32
    %dma_wait3A_217 = arith.constant 0 : i32
    %dma_wait3A_218 = tpu.memref_slice %arg3[%dma_wait3A_216, %dma_wait3A_217] : memref<200704x32xf32, #tpu.memory_space<hbm>> -> memref<256x32xf32, #tpu.memory_space<hbm>>
    %dma_wait3A_219 = arith.constant 0 : i32
    %dma_wait3A_220 = arith.constant 0 : i32
    %dma_wait3A_221 = tpu.memref_slice %arg8[%rem3A_211, %dma_wait3A_219, %dma_wait3A_220] : memref<2x256x32xf32, #tpu.memory_space<vmem>> -> memref<1x256x32xf32, #tpu.memory_space<vmem>>
    %dma_wait3A_222 = tpu.memref_squeeze %dma_wait3A_221 : memref<1x256x32xf32, #tpu.memory_space<vmem>> -> memref<256x32xf32, #tpu.memory_space<vmem>>
    %dma_wait3A_223 = arith.constant 0 : i32
    %dma_wait3A_224 = arith.constant 0 : i32
    %dma_wait3A_225 = tpu.memref_slice %arg3[%dma_wait3A_223, %dma_wait3A_224] : memref<200704x32xf32, #tpu.memory_space<hbm>> -> memref<256x32xf32, #tpu.memory_space<hbm>>
    tpu.wait_dma2 semaphore(%arg10 : memref<!tpu.dma_semaphore, #tpu.memory_space<semaphore_mem>>) src(%dma_wait3A_225 : memref<256x32xf32, #tpu.memory_space<hbm>>) dst(%dma_wait3A_222 : memref<256x32xf32, #tpu.memory_space<vmem>>)
    %barrier3A_226 = arith.constant 0 : index
    tpu.barrier barrier_id(%barrier3A_226)
    %mul3A_227 = arith.constant 32 : i32
    %mul3A_228 = arith.muli %add3A_114, %mul3A_227 : i32
    "tpu.region"() ({
      %run_scoped3A_229 = tpu.sem_alloc : memref<!tpu.dma_semaphore, #tpu.memory_space<semaphore_mem>>
      %dma_start3A_230 = tpu.memref_slice %arg4[%mul3A_0, %mul3A_228] : memref<50176x128xf32, #tpu.memory_space<hbm>> -> memref<3136x32xf32, #tpu.memory_space<hbm>>
      %dma_start3A_231 = arith.constant 0 : i32
      %dma_start3A_232 = tpu.memref_slice %arg5[%mul3A_0, %dma_start3A_231] : memref<50176x32xf32, #tpu.memory_space<vmem_shared>> -> memref<3136x32xf32, #tpu.memory_space<vmem_shared>>
      tpu.enqueue_dma source(%dma_start3A_232 : memref<3136x32xf32, #tpu.memory_space<vmem_shared>>) target(%dma_start3A_230 : memref<3136x32xf32, #tpu.memory_space<hbm>>) target_semaphore(%run_scoped3A_229 : memref<!tpu.dma_semaphore, #tpu.memory_space<semaphore_mem>>)
      %dma_wait3A_233 = tpu.memref_slice %arg4[%mul3A_0, %mul3A_228] : memref<50176x128xf32, #tpu.memory_space<hbm>> -> memref<3136x32xf32, #tpu.memory_space<hbm>>
      %dma_wait3A_234 = arith.constant 0 : i32
      %dma_wait3A_235 = tpu.memref_slice %arg5[%mul3A_0, %dma_wait3A_234] : memref<50176x32xf32, #tpu.memory_space<vmem_shared>> -> memref<3136x32xf32, #tpu.memory_space<vmem_shared>>
      tpu.wait_dma2 semaphore(%run_scoped3A_229 : memref<!tpu.dma_semaphore, #tpu.memory_space<semaphore_mem>>) src(%dma_wait3A_235 : memref<3136x32xf32, #tpu.memory_space<vmem_shared>>) dst(%dma_wait3A_233 : memref<3136x32xf32, #tpu.memory_space<hbm>>)
      tpu.yield
    }) : () -> ()
    return
  }
}

#map = affine_map<(d0, d1) -> (0, 0)>
module attributes {stable_mosaic.version = 14 : i64} {
  func.func @body(%arg0: i32, %arg1: i32, %arg2: memref<6272x128xi32, #tpu.memory_space<hbm>>, %arg3: memref<200704x32xf32, #tpu.memory_space<hbm>>, %arg4: memref<50176x128xf32, #tpu.memory_space<hbm>>, %arg5: memref<50176x32xf32, #tpu.memory_space<vmem_shared>>, %arg6: memref<2x2x128xi32, #tpu.memory_space<vmem>>, %arg7: memref<2x2x128xi32, #tpu.memory_space<vmem>>, %arg8: memref<2x256x32xf32, #tpu.memory_space<vmem>>, %arg9: memref<!tpu.dma_semaphore, #tpu.memory_space<semaphore_mem>>, %arg10: memref<!tpu.dma_semaphore, #tpu.memory_space<semaphore_mem>>) attributes {dimension_semantics = [#tpu.dimension_semantics<core_parallel>, #tpu.dimension_semantics<subcore_parallel>], iteration_bounds = array<i64: 2, 16>, scalar_prefetch = 0 : i64, scratch_operands = 6 : i64, tpu.core_type = #tpu.core_type<sc_vector_subcore>, window_params = [{transform_indices = #map}, {transform_indices = #map}, {transform_indices = #map}]} {
    %mul3A = arith.constant 3136 : i32
    %mul3A_0 = arith.muli %arg1, %mul3A : i32
    %mul3A_1 = arith.constant 1 : i32
    %mul3A_2 = arith.muli %arg0, %mul3A_1 : i32
    %add3A = arith.constant 0 : i32
    %add3A_3 = arith.addi %mul3A_2, %add3A : i32
    %mul3A_4 = arith.constant 392 : i32
    %mul3A_5 = arith.muli %arg1, %mul3A_4 : i32
    %broadcast_in_dim3A = arith.constant 0.000000e+00 : f32
    %broadcast_in_dim3A_6 = vector.broadcast %broadcast_in_dim3A : f32 to vector<16xf32>
    %scan3A = arith.constant 0 : i32
    %scan3A_7 = arith.constant 0 : i32
    %scan3A_8 = arith.constant 512 : i32
    %scan3A_9 = arith.addi %scan3A_7, %scan3A_8 : i32
    %scan3A_10 = arith.constant 1 : i32
    %scan3A_11 = scf.for %scan3A_111 = %scan3A_7 to %scan3A_9 step %scan3A_10 iter_args(%scan3A_112 = %scan3A) -> (i32)  : i32 {
      %jit3A = arith.constant 2 : i32
      %div3A = arith.divsi %scan3A_111, %jit3A : i32
      %sign3A = arith.constant 0 : i32
      %sign3A_113 = arith.cmpi sgt, %scan3A_111, %sign3A : i32
      %sign3A_114 = arith.extui %sign3A_113 : i1 to i32
      %sign3A_115 = arith.constant 0 : i32
      %sign3A_116 = arith.cmpi slt, %scan3A_111, %sign3A_115 : i32
      %sign3A_117 = arith.extui %sign3A_116 : i1 to i32
      %sign3A_118 = arith.subi %sign3A_114, %sign3A_117 : i32
      %sign3A_119 = arith.constant 0 : i32
      %sign3A_120 = arith.cmpi sgt, %jit3A, %sign3A_119 : i32
      %sign3A_121 = arith.extui %sign3A_120 : i1 to i32
      %sign3A_122 = arith.constant 0 : i32
      %sign3A_123 = arith.cmpi slt, %jit3A, %sign3A_122 : i32
      %sign3A_124 = arith.extui %sign3A_123 : i1 to i32
      %sign3A_125 = arith.subi %sign3A_121, %sign3A_124 : i32
      %ne3A = arith.cmpi ne, %sign3A_118, %sign3A_125 : i32
      %rem3A_126 = arith.remsi %scan3A_111, %jit3A : i32
      %ne3A_127 = arith.constant 0 : i32
      %ne3A_128 = arith.cmpi ne, %rem3A_126, %ne3A_127 : i32
      %and3A = arith.andi %ne3A, %ne3A_128 : i1
      %sub3A = arith.constant 1 : i32
      %sub3A_129 = arith.subi %div3A, %sub3A : i32
      %select_n3A = arith.select %and3A, %sub3A_129, %div3A : i32
      %jit3A_130 = arith.constant 2 : i32
      %eq3A = arith.constant 0 : i32
      %eq3A_131 = arith.cmpi eq, %jit3A_130, %eq3A : i32
      %jit3A_132 = arith.constant 1 : i32
      %select_n3A_133 = arith.select %eq3A_131, %jit3A_132, %jit3A_130 : i32
      %rem3A_134 = arith.remsi %scan3A_111, %select_n3A_133 : i32
      %ne3A_135 = arith.constant 0 : i32
      %ne3A_136 = arith.cmpi ne, %rem3A_134, %ne3A_135 : i32
      %lt3A = arith.constant 0 : i32
      %lt3A_137 = arith.cmpi slt, %rem3A_134, %lt3A : i32
      %lt3A_138 = arith.constant 0 : i32
      %lt3A_139 = arith.cmpi slt, %select_n3A_133, %lt3A_138 : i32
      %ne3A_140 = arith.xori %lt3A_137, %lt3A_139 : i1
      %and3A_141 = arith.andi %ne3A_140, %ne3A_136 : i1
      %add3A_142 = arith.addi %rem3A_134, %select_n3A_133 : i32
      %select_n3A_143 = arith.select %and3A_141, %add3A_142, %rem3A_134 : i32
      %mul3A_144 = arith.constant 16 : i32
      %mul3A_145 = arith.muli %select_n3A_143, %mul3A_144 : i32
      %swap3A = arith.constant 0 : i32
      %swap3A_146 = arith.index_cast %swap3A : i32 to index
      %swap3A_147 = arith.index_cast %select_n3A : i32 to index
      %swap3A_148 = arith.index_cast %mul3A_145 : i32 to index
      %swap3A_149 = tpu.vector_load %arg8[%swap3A_146, %swap3A_147, %swap3A_148] {strides = array<i32>} : memref<2x256x32xf32, #tpu.memory_space<vmem>>, vector<1x1x16xf32>,
      %swap3A_150 = vector.shape_cast %swap3A_149 : vector<1x1x16xf32> to vector<16xf32>
      %swap3A_151 = vector.shape_cast %broadcast_in_dim3A_6 : vector<16xf32> to vector<1x1x16xf32>
      tpu.vector_store %arg8[%swap3A_146, %swap3A_147, %swap3A_148], %swap3A_151 {strides = array<i32>} : memref<2x256x32xf32, #tpu.memory_space<vmem>>, vector<1x1x16xf32>,
      %scan3A_152 = arith.constant 0 : i32
      scf.yield %scan3A_152 : i32
    }
    %scan3A_12 = arith.constant 512 : i32
    %add3A_13 = arith.constant 0 : i32
    %add3A_14 = arith.addi %mul3A_0, %add3A_13 : i32
    %run_scoped3A = arith.constant 0 : i32
    "tpu.region"() ({
      %run_scoped3A_111 = tpu.sem_alloc : memref<!tpu.dma_semaphore, #tpu.memory_space<semaphore_mem>>
      %dma_start3A_112 = arith.constant 0 : i32
      %dma_start3A_113 = arith.constant 0 : i32
      %dma_start3A_114 = tpu.memref_slice %arg8[%run_scoped3A, %dma_start3A_112, %dma_start3A_113] : memref<2x256x32xf32, #tpu.memory_space<vmem>> -> memref<1x256x32xf32, #tpu.memory_space<vmem>>
      %dma_start3A_115 = tpu.memref_squeeze %dma_start3A_114 : memref<1x256x32xf32, #tpu.memory_space<vmem>> -> memref<256x32xf32, #tpu.memory_space<vmem>>
      %dma_start3A_116 = arith.constant 0 : i32
      %dma_start3A_117 = tpu.memref_slice %arg5[%add3A_14, %dma_start3A_116] : memref<50176x32xf32, #tpu.memory_space<vmem_shared>> -> memref<256x32xf32, #tpu.memory_space<vmem_shared>>
      %dma_start3A_118 = arith.constant 0 : i32
      %dma_start3A_119 = tpu.memref_slice %arg5[%add3A_14, %dma_start3A_118] : memref<50176x32xf32, #tpu.memory_space<vmem_shared>> -> memref<256x32xf32, #tpu.memory_space<vmem_shared>>
      %dma_start3A_120 = arith.constant 0 : i32
      %dma_start3A_121 = arith.constant 0 : i32
      %dma_start3A_122 = tpu.memref_slice %arg8[%run_scoped3A, %dma_start3A_120, %dma_start3A_121] : memref<2x256x32xf32, #tpu.memory_space<vmem>> -> memref<1x256x32xf32, #tpu.memory_space<vmem>>
      %dma_start3A_123 = tpu.memref_squeeze %dma_start3A_122 : memref<1x256x32xf32, #tpu.memory_space<vmem>> -> memref<256x32xf32, #tpu.memory_space<vmem>>
      tpu.enqueue_dma source(%dma_start3A_123 : memref<256x32xf32, #tpu.memory_space<vmem>>) target(%dma_start3A_119 : memref<256x32xf32, #tpu.memory_space<vmem_shared>>) target_semaphore(%run_scoped3A_111 : memref<!tpu.dma_semaphore, #tpu.memory_space<semaphore_mem>>)
      %dma_wait3A_124 = arith.constant 0 : i32
      %dma_wait3A_125 = arith.constant 0 : i32
      %dma_wait3A_126 = tpu.memref_slice %arg8[%run_scoped3A, %dma_wait3A_124, %dma_wait3A_125] : memref<2x256x32xf32, #tpu.memory_space<vmem>> -> memref<1x256x32xf32, #tpu.memory_space<vmem>>
      %dma_wait3A_127 = tpu.memref_squeeze %dma_wait3A_126 : memref<1x256x32xf32, #tpu.memory_space<vmem>> -> memref<256x32xf32, #tpu.memory_space<vmem>>
      %dma_wait3A_128 = arith.constant 0 : i32
      %dma_wait3A_129 = tpu.memref_slice %arg5[%add3A_14, %dma_wait3A_128] : memref<50176x32xf32, #tpu.memory_space<vmem_shared>> -> memref<256x32xf32, #tpu.memory_space<vmem_shared>>
      %dma_wait3A_130 = arith.constant 0 : i32
      %dma_wait3A_131 = tpu.memref_slice %arg5[%add3A_14, %dma_wait3A_130] : memref<50176x32xf32, #tpu.memory_space<vmem_shared>> -> memref<256x32xf32, #tpu.memory_space<vmem_shared>>
      %dma_wait3A_132 = arith.constant 0 : i32
      %dma_wait3A_133 = arith.constant 0 : i32
      %dma_wait3A_134 = tpu.memref_slice %arg8[%run_scoped3A, %dma_wait3A_132, %dma_wait3A_133] : memref<2x256x32xf32, #tpu.memory_space<vmem>> -> memref<1x256x32xf32, #tpu.memory_space<vmem>>
      %dma_wait3A_135 = tpu.memref_squeeze %dma_wait3A_134 : memref<1x256x32xf32, #tpu.memory_space<vmem>> -> memref<256x32xf32, #tpu.memory_space<vmem>>
      tpu.wait_dma2 semaphore(%run_scoped3A_111 : memref<!tpu.dma_semaphore, #tpu.memory_space<semaphore_mem>>) src(%dma_wait3A_135 : memref<256x32xf32, #tpu.memory_space<vmem>>) dst(%dma_wait3A_131 : memref<256x32xf32, #tpu.memory_space<vmem_shared>>)
      tpu.yield
    }) : () -> ()
    %add3A_15 = arith.constant 256 : i32
    %add3A_16 = arith.addi %mul3A_0, %add3A_15 : i32
    %run_scoped3A_17 = arith.constant 0 : i32
    "tpu.region"() ({
      %run_scoped3A_111 = tpu.sem_alloc : memref<!tpu.dma_semaphore, #tpu.memory_space<semaphore_mem>>
      %dma_start3A_112 = arith.constant 0 : i32
      %dma_start3A_113 = arith.constant 0 : i32
      %dma_start3A_114 = tpu.memref_slice %arg8[%run_scoped3A_17, %dma_start3A_112, %dma_start3A_113] : memref<2x256x32xf32, #tpu.memory_space<vmem>> -> memref<1x256x32xf32, #tpu.memory_space<vmem>>
      %dma_start3A_115 = tpu.memref_squeeze %dma_start3A_114 : memref<1x256x32xf32, #tpu.memory_space<vmem>> -> memref<256x32xf32, #tpu.memory_space<vmem>>
      %dma_start3A_116 = arith.constant 0 : i32
      %dma_start3A_117 = tpu.memref_slice %arg5[%add3A_16, %dma_start3A_116] : memref<50176x32xf32, #tpu.memory_space<vmem_shared>> -> memref<256x32xf32, #tpu.memory_space<vmem_shared>>
      %dma_start3A_118 = arith.constant 0 : i32
      %dma_start3A_119 = tpu.memref_slice %arg5[%add3A_16, %dma_start3A_118] : memref<50176x32xf32, #tpu.memory_space<vmem_shared>> -> memref<256x32xf32, #tpu.memory_space<vmem_shared>>
      %dma_start3A_120 = arith.constant 0 : i32
      %dma_start3A_121 = arith.constant 0 : i32
      %dma_start3A_122 = tpu.memref_slice %arg8[%run_scoped3A_17, %dma_start3A_120, %dma_start3A_121] : memref<2x256x32xf32, #tpu.memory_space<vmem>> -> memref<1x256x32xf32, #tpu.memory_space<vmem>>
      %dma_start3A_123 = tpu.memref_squeeze %dma_start3A_122 : memref<1x256x32xf32, #tpu.memory_space<vmem>> -> memref<256x32xf32, #tpu.memory_space<vmem>>
      tpu.enqueue_dma source(%dma_start3A_123 : memref<256x32xf32, #tpu.memory_space<vmem>>) target(%dma_start3A_119 : memref<256x32xf32, #tpu.memory_space<vmem_shared>>) target_semaphore(%run_scoped3A_111 : memref<!tpu.dma_semaphore, #tpu.memory_space<semaphore_mem>>)
      %dma_wait3A_124 = arith.constant 0 : i32
      %dma_wait3A_125 = arith.constant 0 : i32
      %dma_wait3A_126 = tpu.memref_slice %arg8[%run_scoped3A_17, %dma_wait3A_124, %dma_wait3A_125] : memref<2x256x32xf32, #tpu.memory_space<vmem>> -> memref<1x256x32xf32, #tpu.memory_space<vmem>>
      %dma_wait3A_127 = tpu.memref_squeeze %dma_wait3A_126 : memref<1x256x32xf32, #tpu.memory_space<vmem>> -> memref<256x32xf32, #tpu.memory_space<vmem>>
      %dma_wait3A_128 = arith.constant 0 : i32
      %dma_wait3A_129 = tpu.memref_slice %arg5[%add3A_16, %dma_wait3A_128] : memref<50176x32xf32, #tpu.memory_space<vmem_shared>> -> memref<256x32xf32, #tpu.memory_space<vmem_shared>>
      %dma_wait3A_130 = arith.constant 0 : i32
      %dma_wait3A_131 = tpu.memref_slice %arg5[%add3A_16, %dma_wait3A_130] : memref<50176x32xf32, #tpu.memory_space<vmem_shared>> -> memref<256x32xf32, #tpu.memory_space<vmem_shared>>
      %dma_wait3A_132 = arith.constant 0 : i32
      %dma_wait3A_133 = arith.constant 0 : i32
      %dma_wait3A_134 = tpu.memref_slice %arg8[%run_scoped3A_17, %dma_wait3A_132, %dma_wait3A_133] : memref<2x256x32xf32, #tpu.memory_space<vmem>> -> memref<1x256x32xf32, #tpu.memory_space<vmem>>
      %dma_wait3A_135 = tpu.memref_squeeze %dma_wait3A_134 : memref<1x256x32xf32, #tpu.memory_space<vmem>> -> memref<256x32xf32, #tpu.memory_space<vmem>>
      tpu.wait_dma2 semaphore(%run_scoped3A_111 : memref<!tpu.dma_semaphore, #tpu.memory_space<semaphore_mem>>) src(%dma_wait3A_135 : memref<256x32xf32, #tpu.memory_space<vmem>>) dst(%dma_wait3A_131 : memref<256x32xf32, #tpu.memory_space<vmem_shared>>)
      tpu.yield
    }) : () -> ()
    %add3A_18 = arith.constant 512 : i32
    %add3A_19 = arith.addi %mul3A_0, %add3A_18 : i32
    %run_scoped3A_20 = arith.constant 0 : i32
    "tpu.region"() ({
      %run_scoped3A_111 = tpu.sem_alloc : memref<!tpu.dma_semaphore, #tpu.memory_space<semaphore_mem>>
      %dma_start3A_112 = arith.constant 0 : i32
      %dma_start3A_113 = arith.constant 0 : i32
      %dma_start3A_114 = tpu.memref_slice %arg8[%run_scoped3A_20, %dma_start3A_112, %dma_start3A_113] : memref<2x256x32xf32, #tpu.memory_space<vmem>> -> memref<1x256x32xf32, #tpu.memory_space<vmem>>
      %dma_start3A_115 = tpu.memref_squeeze %dma_start3A_114 : memref<1x256x32xf32, #tpu.memory_space<vmem>> -> memref<256x32xf32, #tpu.memory_space<vmem>>
      %dma_start3A_116 = arith.constant 0 : i32
      %dma_start3A_117 = tpu.memref_slice %arg5[%add3A_19, %dma_start3A_116] : memref<50176x32xf32, #tpu.memory_space<vmem_shared>> -> memref<256x32xf32, #tpu.memory_space<vmem_shared>>
      %dma_start3A_118 = arith.constant 0 : i32
      %dma_start3A_119 = tpu.memref_slice %arg5[%add3A_19, %dma_start3A_118] : memref<50176x32xf32, #tpu.memory_space<vmem_shared>> -> memref<256x32xf32, #tpu.memory_space<vmem_shared>>
      %dma_start3A_120 = arith.constant 0 : i32
      %dma_start3A_121 = arith.constant 0 : i32
      %dma_start3A_122 = tpu.memref_slice %arg8[%run_scoped3A_20, %dma_start3A_120, %dma_start3A_121] : memref<2x256x32xf32, #tpu.memory_space<vmem>> -> memref<1x256x32xf32, #tpu.memory_space<vmem>>
      %dma_start3A_123 = tpu.memref_squeeze %dma_start3A_122 : memref<1x256x32xf32, #tpu.memory_space<vmem>> -> memref<256x32xf32, #tpu.memory_space<vmem>>
      tpu.enqueue_dma source(%dma_start3A_123 : memref<256x32xf32, #tpu.memory_space<vmem>>) target(%dma_start3A_119 : memref<256x32xf32, #tpu.memory_space<vmem_shared>>) target_semaphore(%run_scoped3A_111 : memref<!tpu.dma_semaphore, #tpu.memory_space<semaphore_mem>>)
      %dma_wait3A_124 = arith.constant 0 : i32
      %dma_wait3A_125 = arith.constant 0 : i32
      %dma_wait3A_126 = tpu.memref_slice %arg8[%run_scoped3A_20, %dma_wait3A_124, %dma_wait3A_125] : memref<2x256x32xf32, #tpu.memory_space<vmem>> -> memref<1x256x32xf32, #tpu.memory_space<vmem>>
      %dma_wait3A_127 = tpu.memref_squeeze %dma_wait3A_126 : memref<1x256x32xf32, #tpu.memory_space<vmem>> -> memref<256x32xf32, #tpu.memory_space<vmem>>
      %dma_wait3A_128 = arith.constant 0 : i32
      %dma_wait3A_129 = tpu.memref_slice %arg5[%add3A_19, %dma_wait3A_128] : memref<50176x32xf32, #tpu.memory_space<vmem_shared>> -> memref<256x32xf32, #tpu.memory_space<vmem_shared>>
      %dma_wait3A_130 = arith.constant 0 : i32
      %dma_wait3A_131 = tpu.memref_slice %arg5[%add3A_19, %dma_wait3A_130] : memref<50176x32xf32, #tpu.memory_space<vmem_shared>> -> memref<256x32xf32, #tpu.memory_space<vmem_shared>>
      %dma_wait3A_132 = arith.constant 0 : i32
      %dma_wait3A_133 = arith.constant 0 : i32
      %dma_wait3A_134 = tpu.memref_slice %arg8[%run_scoped3A_20, %dma_wait3A_132, %dma_wait3A_133] : memref<2x256x32xf32, #tpu.memory_space<vmem>> -> memref<1x256x32xf32, #tpu.memory_space<vmem>>
      %dma_wait3A_135 = tpu.memref_squeeze %dma_wait3A_134 : memref<1x256x32xf32, #tpu.memory_space<vmem>> -> memref<256x32xf32, #tpu.memory_space<vmem>>
      tpu.wait_dma2 semaphore(%run_scoped3A_111 : memref<!tpu.dma_semaphore, #tpu.memory_space<semaphore_mem>>) src(%dma_wait3A_135 : memref<256x32xf32, #tpu.memory_space<vmem>>) dst(%dma_wait3A_131 : memref<256x32xf32, #tpu.memory_space<vmem_shared>>)
      tpu.yield
    }) : () -> ()
    %add3A_21 = arith.constant 768 : i32
    %add3A_22 = arith.addi %mul3A_0, %add3A_21 : i32
    %run_scoped3A_23 = arith.constant 0 : i32
    "tpu.region"() ({
      %run_scoped3A_111 = tpu.sem_alloc : memref<!tpu.dma_semaphore, #tpu.memory_space<semaphore_mem>>
      %dma_start3A_112 = arith.constant 0 : i32
      %dma_start3A_113 = arith.constant 0 : i32
      %dma_start3A_114 = tpu.memref_slice %arg8[%run_scoped3A_23, %dma_start3A_112, %dma_start3A_113] : memref<2x256x32xf32, #tpu.memory_space<vmem>> -> memref<1x256x32xf32, #tpu.memory_space<vmem>>
      %dma_start3A_115 = tpu.memref_squeeze %dma_start3A_114 : memref<1x256x32xf32, #tpu.memory_space<vmem>> -> memref<256x32xf32, #tpu.memory_space<vmem>>
      %dma_start3A_116 = arith.constant 0 : i32
      %dma_start3A_117 = tpu.memref_slice %arg5[%add3A_22, %dma_start3A_116] : memref<50176x32xf32, #tpu.memory_space<vmem_shared>> -> memref<256x32xf32, #tpu.memory_space<vmem_shared>>
      %dma_start3A_118 = arith.constant 0 : i32
      %dma_start3A_119 = tpu.memref_slice %arg5[%add3A_22, %dma_start3A_118] : memref<50176x32xf32, #tpu.memory_space<vmem_shared>> -> memref<256x32xf32, #tpu.memory_space<vmem_shared>>
      %dma_start3A_120 = arith.constant 0 : i32
      %dma_start3A_121 = arith.constant 0 : i32
      %dma_start3A_122 = tpu.memref_slice %arg8[%run_scoped3A_23, %dma_start3A_120, %dma_start3A_121] : memref<2x256x32xf32, #tpu.memory_space<vmem>> -> memref<1x256x32xf32, #tpu.memory_space<vmem>>
      %dma_start3A_123 = tpu.memref_squeeze %dma_start3A_122 : memref<1x256x32xf32, #tpu.memory_space<vmem>> -> memref<256x32xf32, #tpu.memory_space<vmem>>
      tpu.enqueue_dma source(%dma_start3A_123 : memref<256x32xf32, #tpu.memory_space<vmem>>) target(%dma_start3A_119 : memref<256x32xf32, #tpu.memory_space<vmem_shared>>) target_semaphore(%run_scoped3A_111 : memref<!tpu.dma_semaphore, #tpu.memory_space<semaphore_mem>>)
      %dma_wait3A_124 = arith.constant 0 : i32
      %dma_wait3A_125 = arith.constant 0 : i32
      %dma_wait3A_126 = tpu.memref_slice %arg8[%run_scoped3A_23, %dma_wait3A_124, %dma_wait3A_125] : memref<2x256x32xf32, #tpu.memory_space<vmem>> -> memref<1x256x32xf32, #tpu.memory_space<vmem>>
      %dma_wait3A_127 = tpu.memref_squeeze %dma_wait3A_126 : memref<1x256x32xf32, #tpu.memory_space<vmem>> -> memref<256x32xf32, #tpu.memory_space<vmem>>
      %dma_wait3A_128 = arith.constant 0 : i32
      %dma_wait3A_129 = tpu.memref_slice %arg5[%add3A_22, %dma_wait3A_128] : memref<50176x32xf32, #tpu.memory_space<vmem_shared>> -> memref<256x32xf32, #tpu.memory_space<vmem_shared>>
      %dma_wait3A_130 = arith.constant 0 : i32
      %dma_wait3A_131 = tpu.memref_slice %arg5[%add3A_22, %dma_wait3A_130] : memref<50176x32xf32, #tpu.memory_space<vmem_shared>> -> memref<256x32xf32, #tpu.memory_space<vmem_shared>>
      %dma_wait3A_132 = arith.constant 0 : i32
      %dma_wait3A_133 = arith.constant 0 : i32
      %dma_wait3A_134 = tpu.memref_slice %arg8[%run_scoped3A_23, %dma_wait3A_132, %dma_wait3A_133] : memref<2x256x32xf32, #tpu.memory_space<vmem>> -> memref<1x256x32xf32, #tpu.memory_space<vmem>>
      %dma_wait3A_135 = tpu.memref_squeeze %dma_wait3A_134 : memref<1x256x32xf32, #tpu.memory_space<vmem>> -> memref<256x32xf32, #tpu.memory_space<vmem>>
      tpu.wait_dma2 semaphore(%run_scoped3A_111 : memref<!tpu.dma_semaphore, #tpu.memory_space<semaphore_mem>>) src(%dma_wait3A_135 : memref<256x32xf32, #tpu.memory_space<vmem>>) dst(%dma_wait3A_131 : memref<256x32xf32, #tpu.memory_space<vmem_shared>>)
      tpu.yield
    }) : () -> ()
    %add3A_24 = arith.constant 1024 : i32
    %add3A_25 = arith.addi %mul3A_0, %add3A_24 : i32
    %run_scoped3A_26 = arith.constant 0 : i32
    "tpu.region"() ({
      %run_scoped3A_111 = tpu.sem_alloc : memref<!tpu.dma_semaphore, #tpu.memory_space<semaphore_mem>>
      %dma_start3A_112 = arith.constant 0 : i32
      %dma_start3A_113 = arith.constant 0 : i32
      %dma_start3A_114 = tpu.memref_slice %arg8[%run_scoped3A_26, %dma_start3A_112, %dma_start3A_113] : memref<2x256x32xf32, #tpu.memory_space<vmem>> -> memref<1x256x32xf32, #tpu.memory_space<vmem>>
      %dma_start3A_115 = tpu.memref_squeeze %dma_start3A_114 : memref<1x256x32xf32, #tpu.memory_space<vmem>> -> memref<256x32xf32, #tpu.memory_space<vmem>>
      %dma_start3A_116 = arith.constant 0 : i32
      %dma_start3A_117 = tpu.memref_slice %arg5[%add3A_25, %dma_start3A_116] : memref<50176x32xf32, #tpu.memory_space<vmem_shared>> -> memref<256x32xf32, #tpu.memory_space<vmem_shared>>
      %dma_start3A_118 = arith.constant 0 : i32
      %dma_start3A_119 = tpu.memref_slice %arg5[%add3A_25, %dma_start3A_118] : memref<50176x32xf32, #tpu.memory_space<vmem_shared>> -> memref<256x32xf32, #tpu.memory_space<vmem_shared>>
      %dma_start3A_120 = arith.constant 0 : i32
      %dma_start3A_121 = arith.constant 0 : i32
      %dma_start3A_122 = tpu.memref_slice %arg8[%run_scoped3A_26, %dma_start3A_120, %dma_start3A_121] : memref<2x256x32xf32, #tpu.memory_space<vmem>> -> memref<1x256x32xf32, #tpu.memory_space<vmem>>
      %dma_start3A_123 = tpu.memref_squeeze %dma_start3A_122 : memref<1x256x32xf32, #tpu.memory_space<vmem>> -> memref<256x32xf32, #tpu.memory_space<vmem>>
      tpu.enqueue_dma source(%dma_start3A_123 : memref<256x32xf32, #tpu.memory_space<vmem>>) target(%dma_start3A_119 : memref<256x32xf32, #tpu.memory_space<vmem_shared>>) target_semaphore(%run_scoped3A_111 : memref<!tpu.dma_semaphore, #tpu.memory_space<semaphore_mem>>)
      %dma_wait3A_124 = arith.constant 0 : i32
      %dma_wait3A_125 = arith.constant 0 : i32
      %dma_wait3A_126 = tpu.memref_slice %arg8[%run_scoped3A_26, %dma_wait3A_124, %dma_wait3A_125] : memref<2x256x32xf32, #tpu.memory_space<vmem>> -> memref<1x256x32xf32, #tpu.memory_space<vmem>>
      %dma_wait3A_127 = tpu.memref_squeeze %dma_wait3A_126 : memref<1x256x32xf32, #tpu.memory_space<vmem>> -> memref<256x32xf32, #tpu.memory_space<vmem>>
      %dma_wait3A_128 = arith.constant 0 : i32
      %dma_wait3A_129 = tpu.memref_slice %arg5[%add3A_25, %dma_wait3A_128] : memref<50176x32xf32, #tpu.memory_space<vmem_shared>> -> memref<256x32xf32, #tpu.memory_space<vmem_shared>>
      %dma_wait3A_130 = arith.constant 0 : i32
      %dma_wait3A_131 = tpu.memref_slice %arg5[%add3A_25, %dma_wait3A_130] : memref<50176x32xf32, #tpu.memory_space<vmem_shared>> -> memref<256x32xf32, #tpu.memory_space<vmem_shared>>
      %dma_wait3A_132 = arith.constant 0 : i32
      %dma_wait3A_133 = arith.constant 0 : i32
      %dma_wait3A_134 = tpu.memref_slice %arg8[%run_scoped3A_26, %dma_wait3A_132, %dma_wait3A_133] : memref<2x256x32xf32, #tpu.memory_space<vmem>> -> memref<1x256x32xf32, #tpu.memory_space<vmem>>
      %dma_wait3A_135 = tpu.memref_squeeze %dma_wait3A_134 : memref<1x256x32xf32, #tpu.memory_space<vmem>> -> memref<256x32xf32, #tpu.memory_space<vmem>>
      tpu.wait_dma2 semaphore(%run_scoped3A_111 : memref<!tpu.dma_semaphore, #tpu.memory_space<semaphore_mem>>) src(%dma_wait3A_135 : memref<256x32xf32, #tpu.memory_space<vmem>>) dst(%dma_wait3A_131 : memref<256x32xf32, #tpu.memory_space<vmem_shared>>)
      tpu.yield
    }) : () -> ()
    %add3A_27 = arith.constant 1280 : i32
    %add3A_28 = arith.addi %mul3A_0, %add3A_27 : i32
    %run_scoped3A_29 = arith.constant 0 : i32
    "tpu.region"() ({
      %run_scoped3A_111 = tpu.sem_alloc : memref<!tpu.dma_semaphore, #tpu.memory_space<semaphore_mem>>
      %dma_start3A_112 = arith.constant 0 : i32
      %dma_start3A_113 = arith.constant 0 : i32
      %dma_start3A_114 = tpu.memref_slice %arg8[%run_scoped3A_29, %dma_start3A_112, %dma_start3A_113] : memref<2x256x32xf32, #tpu.memory_space<vmem>> -> memref<1x256x32xf32, #tpu.memory_space<vmem>>
      %dma_start3A_115 = tpu.memref_squeeze %dma_start3A_114 : memref<1x256x32xf32, #tpu.memory_space<vmem>> -> memref<256x32xf32, #tpu.memory_space<vmem>>
      %dma_start3A_116 = arith.constant 0 : i32
      %dma_start3A_117 = tpu.memref_slice %arg5[%add3A_28, %dma_start3A_116] : memref<50176x32xf32, #tpu.memory_space<vmem_shared>> -> memref<256x32xf32, #tpu.memory_space<vmem_shared>>
      %dma_start3A_118 = arith.constant 0 : i32
      %dma_start3A_119 = tpu.memref_slice %arg5[%add3A_28, %dma_start3A_118] : memref<50176x32xf32, #tpu.memory_space<vmem_shared>> -> memref<256x32xf32, #tpu.memory_space<vmem_shared>>
      %dma_start3A_120 = arith.constant 0 : i32
      %dma_start3A_121 = arith.constant 0 : i32
      %dma_start3A_122 = tpu.memref_slice %arg8[%run_scoped3A_29, %dma_start3A_120, %dma_start3A_121] : memref<2x256x32xf32, #tpu.memory_space<vmem>> -> memref<1x256x32xf32, #tpu.memory_space<vmem>>
      %dma_start3A_123 = tpu.memref_squeeze %dma_start3A_122 : memref<1x256x32xf32, #tpu.memory_space<vmem>> -> memref<256x32xf32, #tpu.memory_space<vmem>>
      tpu.enqueue_dma source(%dma_start3A_123 : memref<256x32xf32, #tpu.memory_space<vmem>>) target(%dma_start3A_119 : memref<256x32xf32, #tpu.memory_space<vmem_shared>>) target_semaphore(%run_scoped3A_111 : memref<!tpu.dma_semaphore, #tpu.memory_space<semaphore_mem>>)
      %dma_wait3A_124 = arith.constant 0 : i32
      %dma_wait3A_125 = arith.constant 0 : i32
      %dma_wait3A_126 = tpu.memref_slice %arg8[%run_scoped3A_29, %dma_wait3A_124, %dma_wait3A_125] : memref<2x256x32xf32, #tpu.memory_space<vmem>> -> memref<1x256x32xf32, #tpu.memory_space<vmem>>
      %dma_wait3A_127 = tpu.memref_squeeze %dma_wait3A_126 : memref<1x256x32xf32, #tpu.memory_space<vmem>> -> memref<256x32xf32, #tpu.memory_space<vmem>>
      %dma_wait3A_128 = arith.constant 0 : i32
      %dma_wait3A_129 = tpu.memref_slice %arg5[%add3A_28, %dma_wait3A_128] : memref<50176x32xf32, #tpu.memory_space<vmem_shared>> -> memref<256x32xf32, #tpu.memory_space<vmem_shared>>
      %dma_wait3A_130 = arith.constant 0 : i32
      %dma_wait3A_131 = tpu.memref_slice %arg5[%add3A_28, %dma_wait3A_130] : memref<50176x32xf32, #tpu.memory_space<vmem_shared>> -> memref<256x32xf32, #tpu.memory_space<vmem_shared>>
      %dma_wait3A_132 = arith.constant 0 : i32
      %dma_wait3A_133 = arith.constant 0 : i32
      %dma_wait3A_134 = tpu.memref_slice %arg8[%run_scoped3A_29, %dma_wait3A_132, %dma_wait3A_133] : memref<2x256x32xf32, #tpu.memory_space<vmem>> -> memref<1x256x32xf32, #tpu.memory_space<vmem>>
      %dma_wait3A_135 = tpu.memref_squeeze %dma_wait3A_134 : memref<1x256x32xf32, #tpu.memory_space<vmem>> -> memref<256x32xf32, #tpu.memory_space<vmem>>
      tpu.wait_dma2 semaphore(%run_scoped3A_111 : memref<!tpu.dma_semaphore, #tpu.memory_space<semaphore_mem>>) src(%dma_wait3A_135 : memref<256x32xf32, #tpu.memory_space<vmem>>) dst(%dma_wait3A_131 : memref<256x32xf32, #tpu.memory_space<vmem_shared>>)
      tpu.yield
    }) : () -> ()
    %add3A_30 = arith.constant 1536 : i32
    %add3A_31 = arith.addi %mul3A_0, %add3A_30 : i32
    %run_scoped3A_32 = arith.constant 0 : i32
    "tpu.region"() ({
      %run_scoped3A_111 = tpu.sem_alloc : memref<!tpu.dma_semaphore, #tpu.memory_space<semaphore_mem>>
      %dma_start3A_112 = arith.constant 0 : i32
      %dma_start3A_113 = arith.constant 0 : i32
      %dma_start3A_114 = tpu.memref_slice %arg8[%run_scoped3A_32, %dma_start3A_112, %dma_start3A_113] : memref<2x256x32xf32, #tpu.memory_space<vmem>> -> memref<1x256x32xf32, #tpu.memory_space<vmem>>
      %dma_start3A_115 = tpu.memref_squeeze %dma_start3A_114 : memref<1x256x32xf32, #tpu.memory_space<vmem>> -> memref<256x32xf32, #tpu.memory_space<vmem>>
      %dma_start3A_116 = arith.constant 0 : i32
      %dma_start3A_117 = tpu.memref_slice %arg5[%add3A_31, %dma_start3A_116] : memref<50176x32xf32, #tpu.memory_space<vmem_shared>> -> memref<256x32xf32, #tpu.memory_space<vmem_shared>>
      %dma_start3A_118 = arith.constant 0 : i32
      %dma_start3A_119 = tpu.memref_slice %arg5[%add3A_31, %dma_start3A_118] : memref<50176x32xf32, #tpu.memory_space<vmem_shared>> -> memref<256x32xf32, #tpu.memory_space<vmem_shared>>
      %dma_start3A_120 = arith.constant 0 : i32
      %dma_start3A_121 = arith.constant 0 : i32
      %dma_start3A_122 = tpu.memref_slice %arg8[%run_scoped3A_32, %dma_start3A_120, %dma_start3A_121] : memref<2x256x32xf32, #tpu.memory_space<vmem>> -> memref<1x256x32xf32, #tpu.memory_space<vmem>>
      %dma_start3A_123 = tpu.memref_squeeze %dma_start3A_122 : memref<1x256x32xf32, #tpu.memory_space<vmem>> -> memref<256x32xf32, #tpu.memory_space<vmem>>
      tpu.enqueue_dma source(%dma_start3A_123 : memref<256x32xf32, #tpu.memory_space<vmem>>) target(%dma_start3A_119 : memref<256x32xf32, #tpu.memory_space<vmem_shared>>) target_semaphore(%run_scoped3A_111 : memref<!tpu.dma_semaphore, #tpu.memory_space<semaphore_mem>>)
      %dma_wait3A_124 = arith.constant 0 : i32
      %dma_wait3A_125 = arith.constant 0 : i32
      %dma_wait3A_126 = tpu.memref_slice %arg8[%run_scoped3A_32, %dma_wait3A_124, %dma_wait3A_125] : memref<2x256x32xf32, #tpu.memory_space<vmem>> -> memref<1x256x32xf32, #tpu.memory_space<vmem>>
      %dma_wait3A_127 = tpu.memref_squeeze %dma_wait3A_126 : memref<1x256x32xf32, #tpu.memory_space<vmem>> -> memref<256x32xf32, #tpu.memory_space<vmem>>
      %dma_wait3A_128 = arith.constant 0 : i32
      %dma_wait3A_129 = tpu.memref_slice %arg5[%add3A_31, %dma_wait3A_128] : memref<50176x32xf32, #tpu.memory_space<vmem_shared>> -> memref<256x32xf32, #tpu.memory_space<vmem_shared>>
      %dma_wait3A_130 = arith.constant 0 : i32
      %dma_wait3A_131 = tpu.memref_slice %arg5[%add3A_31, %dma_wait3A_130] : memref<50176x32xf32, #tpu.memory_space<vmem_shared>> -> memref<256x32xf32, #tpu.memory_space<vmem_shared>>
      %dma_wait3A_132 = arith.constant 0 : i32
      %dma_wait3A_133 = arith.constant 0 : i32
      %dma_wait3A_134 = tpu.memref_slice %arg8[%run_scoped3A_32, %dma_wait3A_132, %dma_wait3A_133] : memref<2x256x32xf32, #tpu.memory_space<vmem>> -> memref<1x256x32xf32, #tpu.memory_space<vmem>>
      %dma_wait3A_135 = tpu.memref_squeeze %dma_wait3A_134 : memref<1x256x32xf32, #tpu.memory_space<vmem>> -> memref<256x32xf32, #tpu.memory_space<vmem>>
      tpu.wait_dma2 semaphore(%run_scoped3A_111 : memref<!tpu.dma_semaphore, #tpu.memory_space<semaphore_mem>>) src(%dma_wait3A_135 : memref<256x32xf32, #tpu.memory_space<vmem>>) dst(%dma_wait3A_131 : memref<256x32xf32, #tpu.memory_space<vmem_shared>>)
      tpu.yield
    }) : () -> ()
    %add3A_33 = arith.constant 1792 : i32
    %add3A_34 = arith.addi %mul3A_0, %add3A_33 : i32
    %run_scoped3A_35 = arith.constant 0 : i32
    "tpu.region"() ({
      %run_scoped3A_111 = tpu.sem_alloc : memref<!tpu.dma_semaphore, #tpu.memory_space<semaphore_mem>>
      %dma_start3A_112 = arith.constant 0 : i32
      %dma_start3A_113 = arith.constant 0 : i32
      %dma_start3A_114 = tpu.memref_slice %arg8[%run_scoped3A_35, %dma_start3A_112, %dma_start3A_113] : memref<2x256x32xf32, #tpu.memory_space<vmem>> -> memref<1x256x32xf32, #tpu.memory_space<vmem>>
      %dma_start3A_115 = tpu.memref_squeeze %dma_start3A_114 : memref<1x256x32xf32, #tpu.memory_space<vmem>> -> memref<256x32xf32, #tpu.memory_space<vmem>>
      %dma_start3A_116 = arith.constant 0 : i32
      %dma_start3A_117 = tpu.memref_slice %arg5[%add3A_34, %dma_start3A_116] : memref<50176x32xf32, #tpu.memory_space<vmem_shared>> -> memref<256x32xf32, #tpu.memory_space<vmem_shared>>
      %dma_start3A_118 = arith.constant 0 : i32
      %dma_start3A_119 = tpu.memref_slice %arg5[%add3A_34, %dma_start3A_118] : memref<50176x32xf32, #tpu.memory_space<vmem_shared>> -> memref<256x32xf32, #tpu.memory_space<vmem_shared>>
      %dma_start3A_120 = arith.constant 0 : i32
      %dma_start3A_121 = arith.constant 0 : i32
      %dma_start3A_122 = tpu.memref_slice %arg8[%run_scoped3A_35, %dma_start3A_120, %dma_start3A_121] : memref<2x256x32xf32, #tpu.memory_space<vmem>> -> memref<1x256x32xf32, #tpu.memory_space<vmem>>
      %dma_start3A_123 = tpu.memref_squeeze %dma_start3A_122 : memref<1x256x32xf32, #tpu.memory_space<vmem>> -> memref<256x32xf32, #tpu.memory_space<vmem>>
      tpu.enqueue_dma source(%dma_start3A_123 : memref<256x32xf32, #tpu.memory_space<vmem>>) target(%dma_start3A_119 : memref<256x32xf32, #tpu.memory_space<vmem_shared>>) target_semaphore(%run_scoped3A_111 : memref<!tpu.dma_semaphore, #tpu.memory_space<semaphore_mem>>)
      %dma_wait3A_124 = arith.constant 0 : i32
      %dma_wait3A_125 = arith.constant 0 : i32
      %dma_wait3A_126 = tpu.memref_slice %arg8[%run_scoped3A_35, %dma_wait3A_124, %dma_wait3A_125] : memref<2x256x32xf32, #tpu.memory_space<vmem>> -> memref<1x256x32xf32, #tpu.memory_space<vmem>>
      %dma_wait3A_127 = tpu.memref_squeeze %dma_wait3A_126 : memref<1x256x32xf32, #tpu.memory_space<vmem>> -> memref<256x32xf32, #tpu.memory_space<vmem>>
      %dma_wait3A_128 = arith.constant 0 : i32
      %dma_wait3A_129 = tpu.memref_slice %arg5[%add3A_34, %dma_wait3A_128] : memref<50176x32xf32, #tpu.memory_space<vmem_shared>> -> memref<256x32xf32, #tpu.memory_space<vmem_shared>>
      %dma_wait3A_130 = arith.constant 0 : i32
      %dma_wait3A_131 = tpu.memref_slice %arg5[%add3A_34, %dma_wait3A_130] : memref<50176x32xf32, #tpu.memory_space<vmem_shared>> -> memref<256x32xf32, #tpu.memory_space<vmem_shared>>
      %dma_wait3A_132 = arith.constant 0 : i32
      %dma_wait3A_133 = arith.constant 0 : i32
      %dma_wait3A_134 = tpu.memref_slice %arg8[%run_scoped3A_35, %dma_wait3A_132, %dma_wait3A_133] : memref<2x256x32xf32, #tpu.memory_space<vmem>> -> memref<1x256x32xf32, #tpu.memory_space<vmem>>
      %dma_wait3A_135 = tpu.memref_squeeze %dma_wait3A_134 : memref<1x256x32xf32, #tpu.memory_space<vmem>> -> memref<256x32xf32, #tpu.memory_space<vmem>>
      tpu.wait_dma2 semaphore(%run_scoped3A_111 : memref<!tpu.dma_semaphore, #tpu.memory_space<semaphore_mem>>) src(%dma_wait3A_135 : memref<256x32xf32, #tpu.memory_space<vmem>>) dst(%dma_wait3A_131 : memref<256x32xf32, #tpu.memory_space<vmem_shared>>)
      tpu.yield
    }) : () -> ()
    %add3A_36 = arith.constant 2048 : i32
    %add3A_37 = arith.addi %mul3A_0, %add3A_36 : i32
    %run_scoped3A_38 = arith.constant 0 : i32
    "tpu.region"() ({
      %run_scoped3A_111 = tpu.sem_alloc : memref<!tpu.dma_semaphore, #tpu.memory_space<semaphore_mem>>
      %dma_start3A_112 = arith.constant 0 : i32
      %dma_start3A_113 = arith.constant 0 : i32
      %dma_start3A_114 = tpu.memref_slice %arg8[%run_scoped3A_38, %dma_start3A_112, %dma_start3A_113] : memref<2x256x32xf32, #tpu.memory_space<vmem>> -> memref<1x256x32xf32, #tpu.memory_space<vmem>>
      %dma_start3A_115 = tpu.memref_squeeze %dma_start3A_114 : memref<1x256x32xf32, #tpu.memory_space<vmem>> -> memref<256x32xf32, #tpu.memory_space<vmem>>
      %dma_start3A_116 = arith.constant 0 : i32
      %dma_start3A_117 = tpu.memref_slice %arg5[%add3A_37, %dma_start3A_116] : memref<50176x32xf32, #tpu.memory_space<vmem_shared>> -> memref<256x32xf32, #tpu.memory_space<vmem_shared>>
      %dma_start3A_118 = arith.constant 0 : i32
      %dma_start3A_119 = tpu.memref_slice %arg5[%add3A_37, %dma_start3A_118] : memref<50176x32xf32, #tpu.memory_space<vmem_shared>> -> memref<256x32xf32, #tpu.memory_space<vmem_shared>>
      %dma_start3A_120 = arith.constant 0 : i32
      %dma_start3A_121 = arith.constant 0 : i32
      %dma_start3A_122 = tpu.memref_slice %arg8[%run_scoped3A_38, %dma_start3A_120, %dma_start3A_121] : memref<2x256x32xf32, #tpu.memory_space<vmem>> -> memref<1x256x32xf32, #tpu.memory_space<vmem>>
      %dma_start3A_123 = tpu.memref_squeeze %dma_start3A_122 : memref<1x256x32xf32, #tpu.memory_space<vmem>> -> memref<256x32xf32, #tpu.memory_space<vmem>>
      tpu.enqueue_dma source(%dma_start3A_123 : memref<256x32xf32, #tpu.memory_space<vmem>>) target(%dma_start3A_119 : memref<256x32xf32, #tpu.memory_space<vmem_shared>>) target_semaphore(%run_scoped3A_111 : memref<!tpu.dma_semaphore, #tpu.memory_space<semaphore_mem>>)
      %dma_wait3A_124 = arith.constant 0 : i32
      %dma_wait3A_125 = arith.constant 0 : i32
      %dma_wait3A_126 = tpu.memref_slice %arg8[%run_scoped3A_38, %dma_wait3A_124, %dma_wait3A_125] : memref<2x256x32xf32, #tpu.memory_space<vmem>> -> memref<1x256x32xf32, #tpu.memory_space<vmem>>
      %dma_wait3A_127 = tpu.memref_squeeze %dma_wait3A_126 : memref<1x256x32xf32, #tpu.memory_space<vmem>> -> memref<256x32xf32, #tpu.memory_space<vmem>>
      %dma_wait3A_128 = arith.constant 0 : i32
      %dma_wait3A_129 = tpu.memref_slice %arg5[%add3A_37, %dma_wait3A_128] : memref<50176x32xf32, #tpu.memory_space<vmem_shared>> -> memref<256x32xf32, #tpu.memory_space<vmem_shared>>
      %dma_wait3A_130 = arith.constant 0 : i32
      %dma_wait3A_131 = tpu.memref_slice %arg5[%add3A_37, %dma_wait3A_130] : memref<50176x32xf32, #tpu.memory_space<vmem_shared>> -> memref<256x32xf32, #tpu.memory_space<vmem_shared>>
      %dma_wait3A_132 = arith.constant 0 : i32
      %dma_wait3A_133 = arith.constant 0 : i32
      %dma_wait3A_134 = tpu.memref_slice %arg8[%run_scoped3A_38, %dma_wait3A_132, %dma_wait3A_133] : memref<2x256x32xf32, #tpu.memory_space<vmem>> -> memref<1x256x32xf32, #tpu.memory_space<vmem>>
      %dma_wait3A_135 = tpu.memref_squeeze %dma_wait3A_134 : memref<1x256x32xf32, #tpu.memory_space<vmem>> -> memref<256x32xf32, #tpu.memory_space<vmem>>
      tpu.wait_dma2 semaphore(%run_scoped3A_111 : memref<!tpu.dma_semaphore, #tpu.memory_space<semaphore_mem>>) src(%dma_wait3A_135 : memref<256x32xf32, #tpu.memory_space<vmem>>) dst(%dma_wait3A_131 : memref<256x32xf32, #tpu.memory_space<vmem_shared>>)
      tpu.yield
    }) : () -> ()
    %add3A_39 = arith.constant 2304 : i32
    %add3A_40 = arith.addi %mul3A_0, %add3A_39 : i32
    %run_scoped3A_41 = arith.constant 0 : i32
    "tpu.region"() ({
      %run_scoped3A_111 = tpu.sem_alloc : memref<!tpu.dma_semaphore, #tpu.memory_space<semaphore_mem>>
      %dma_start3A_112 = arith.constant 0 : i32
      %dma_start3A_113 = arith.constant 0 : i32
      %dma_start3A_114 = tpu.memref_slice %arg8[%run_scoped3A_41, %dma_start3A_112, %dma_start3A_113] : memref<2x256x32xf32, #tpu.memory_space<vmem>> -> memref<1x256x32xf32, #tpu.memory_space<vmem>>
      %dma_start3A_115 = tpu.memref_squeeze %dma_start3A_114 : memref<1x256x32xf32, #tpu.memory_space<vmem>> -> memref<256x32xf32, #tpu.memory_space<vmem>>
      %dma_start3A_116 = arith.constant 0 : i32
      %dma_start3A_117 = tpu.memref_slice %arg5[%add3A_40, %dma_start3A_116] : memref<50176x32xf32, #tpu.memory_space<vmem_shared>> -> memref<256x32xf32, #tpu.memory_space<vmem_shared>>
      %dma_start3A_118 = arith.constant 0 : i32
      %dma_start3A_119 = tpu.memref_slice %arg5[%add3A_40, %dma_start3A_118] : memref<50176x32xf32, #tpu.memory_space<vmem_shared>> -> memref<256x32xf32, #tpu.memory_space<vmem_shared>>
      %dma_start3A_120 = arith.constant 0 : i32
      %dma_start3A_121 = arith.constant 0 : i32
      %dma_start3A_122 = tpu.memref_slice %arg8[%run_scoped3A_41, %dma_start3A_120, %dma_start3A_121] : memref<2x256x32xf32, #tpu.memory_space<vmem>> -> memref<1x256x32xf32, #tpu.memory_space<vmem>>
      %dma_start3A_123 = tpu.memref_squeeze %dma_start3A_122 : memref<1x256x32xf32, #tpu.memory_space<vmem>> -> memref<256x32xf32, #tpu.memory_space<vmem>>
      tpu.enqueue_dma source(%dma_start3A_123 : memref<256x32xf32, #tpu.memory_space<vmem>>) target(%dma_start3A_119 : memref<256x32xf32, #tpu.memory_space<vmem_shared>>) target_semaphore(%run_scoped3A_111 : memref<!tpu.dma_semaphore, #tpu.memory_space<semaphore_mem>>)
      %dma_wait3A_124 = arith.constant 0 : i32
      %dma_wait3A_125 = arith.constant 0 : i32
      %dma_wait3A_126 = tpu.memref_slice %arg8[%run_scoped3A_41, %dma_wait3A_124, %dma_wait3A_125] : memref<2x256x32xf32, #tpu.memory_space<vmem>> -> memref<1x256x32xf32, #tpu.memory_space<vmem>>
      %dma_wait3A_127 = tpu.memref_squeeze %dma_wait3A_126 : memref<1x256x32xf32, #tpu.memory_space<vmem>> -> memref<256x32xf32, #tpu.memory_space<vmem>>
      %dma_wait3A_128 = arith.constant 0 : i32
      %dma_wait3A_129 = tpu.memref_slice %arg5[%add3A_40, %dma_wait3A_128] : memref<50176x32xf32, #tpu.memory_space<vmem_shared>> -> memref<256x32xf32, #tpu.memory_space<vmem_shared>>
      %dma_wait3A_130 = arith.constant 0 : i32
      %dma_wait3A_131 = tpu.memref_slice %arg5[%add3A_40, %dma_wait3A_130] : memref<50176x32xf32, #tpu.memory_space<vmem_shared>> -> memref<256x32xf32, #tpu.memory_space<vmem_shared>>
      %dma_wait3A_132 = arith.constant 0 : i32
      %dma_wait3A_133 = arith.constant 0 : i32
      %dma_wait3A_134 = tpu.memref_slice %arg8[%run_scoped3A_41, %dma_wait3A_132, %dma_wait3A_133] : memref<2x256x32xf32, #tpu.memory_space<vmem>> -> memref<1x256x32xf32, #tpu.memory_space<vmem>>
      %dma_wait3A_135 = tpu.memref_squeeze %dma_wait3A_134 : memref<1x256x32xf32, #tpu.memory_space<vmem>> -> memref<256x32xf32, #tpu.memory_space<vmem>>
      tpu.wait_dma2 semaphore(%run_scoped3A_111 : memref<!tpu.dma_semaphore, #tpu.memory_space<semaphore_mem>>) src(%dma_wait3A_135 : memref<256x32xf32, #tpu.memory_space<vmem>>) dst(%dma_wait3A_131 : memref<256x32xf32, #tpu.memory_space<vmem_shared>>)
      tpu.yield
    }) : () -> ()
    %add3A_42 = arith.constant 2560 : i32
    %add3A_43 = arith.addi %mul3A_0, %add3A_42 : i32
    %run_scoped3A_44 = arith.constant 0 : i32
    "tpu.region"() ({
      %run_scoped3A_111 = tpu.sem_alloc : memref<!tpu.dma_semaphore, #tpu.memory_space<semaphore_mem>>
      %dma_start3A_112 = arith.constant 0 : i32
      %dma_start3A_113 = arith.constant 0 : i32
      %dma_start3A_114 = tpu.memref_slice %arg8[%run_scoped3A_44, %dma_start3A_112, %dma_start3A_113] : memref<2x256x32xf32, #tpu.memory_space<vmem>> -> memref<1x256x32xf32, #tpu.memory_space<vmem>>
      %dma_start3A_115 = tpu.memref_squeeze %dma_start3A_114 : memref<1x256x32xf32, #tpu.memory_space<vmem>> -> memref<256x32xf32, #tpu.memory_space<vmem>>
      %dma_start3A_116 = arith.constant 0 : i32
      %dma_start3A_117 = tpu.memref_slice %arg5[%add3A_43, %dma_start3A_116] : memref<50176x32xf32, #tpu.memory_space<vmem_shared>> -> memref<256x32xf32, #tpu.memory_space<vmem_shared>>
      %dma_start3A_118 = arith.constant 0 : i32
      %dma_start3A_119 = tpu.memref_slice %arg5[%add3A_43, %dma_start3A_118] : memref<50176x32xf32, #tpu.memory_space<vmem_shared>> -> memref<256x32xf32, #tpu.memory_space<vmem_shared>>
      %dma_start3A_120 = arith.constant 0 : i32
      %dma_start3A_121 = arith.constant 0 : i32
      %dma_start3A_122 = tpu.memref_slice %arg8[%run_scoped3A_44, %dma_start3A_120, %dma_start3A_121] : memref<2x256x32xf32, #tpu.memory_space<vmem>> -> memref<1x256x32xf32, #tpu.memory_space<vmem>>
      %dma_start3A_123 = tpu.memref_squeeze %dma_start3A_122 : memref<1x256x32xf32, #tpu.memory_space<vmem>> -> memref<256x32xf32, #tpu.memory_space<vmem>>
      tpu.enqueue_dma source(%dma_start3A_123 : memref<256x32xf32, #tpu.memory_space<vmem>>) target(%dma_start3A_119 : memref<256x32xf32, #tpu.memory_space<vmem_shared>>) target_semaphore(%run_scoped3A_111 : memref<!tpu.dma_semaphore, #tpu.memory_space<semaphore_mem>>)
      %dma_wait3A_124 = arith.constant 0 : i32
      %dma_wait3A_125 = arith.constant 0 : i32
      %dma_wait3A_126 = tpu.memref_slice %arg8[%run_scoped3A_44, %dma_wait3A_124, %dma_wait3A_125] : memref<2x256x32xf32, #tpu.memory_space<vmem>> -> memref<1x256x32xf32, #tpu.memory_space<vmem>>
      %dma_wait3A_127 = tpu.memref_squeeze %dma_wait3A_126 : memref<1x256x32xf32, #tpu.memory_space<vmem>> -> memref<256x32xf32, #tpu.memory_space<vmem>>
      %dma_wait3A_128 = arith.constant 0 : i32
      %dma_wait3A_129 = tpu.memref_slice %arg5[%add3A_43, %dma_wait3A_128] : memref<50176x32xf32, #tpu.memory_space<vmem_shared>> -> memref<256x32xf32, #tpu.memory_space<vmem_shared>>
      %dma_wait3A_130 = arith.constant 0 : i32
      %dma_wait3A_131 = tpu.memref_slice %arg5[%add3A_43, %dma_wait3A_130] : memref<50176x32xf32, #tpu.memory_space<vmem_shared>> -> memref<256x32xf32, #tpu.memory_space<vmem_shared>>
      %dma_wait3A_132 = arith.constant 0 : i32
      %dma_wait3A_133 = arith.constant 0 : i32
      %dma_wait3A_134 = tpu.memref_slice %arg8[%run_scoped3A_44, %dma_wait3A_132, %dma_wait3A_133] : memref<2x256x32xf32, #tpu.memory_space<vmem>> -> memref<1x256x32xf32, #tpu.memory_space<vmem>>
      %dma_wait3A_135 = tpu.memref_squeeze %dma_wait3A_134 : memref<1x256x32xf32, #tpu.memory_space<vmem>> -> memref<256x32xf32, #tpu.memory_space<vmem>>
      tpu.wait_dma2 semaphore(%run_scoped3A_111 : memref<!tpu.dma_semaphore, #tpu.memory_space<semaphore_mem>>) src(%dma_wait3A_135 : memref<256x32xf32, #tpu.memory_space<vmem>>) dst(%dma_wait3A_131 : memref<256x32xf32, #tpu.memory_space<vmem_shared>>)
      tpu.yield
    }) : () -> ()
    %add3A_45 = arith.constant 2816 : i32
    %add3A_46 = arith.addi %mul3A_0, %add3A_45 : i32
    %run_scoped3A_47 = arith.constant 0 : i32
    "tpu.region"() ({
      %run_scoped3A_111 = tpu.sem_alloc : memref<!tpu.dma_semaphore, #tpu.memory_space<semaphore_mem>>
      %dma_start3A_112 = arith.constant 0 : i32
      %dma_start3A_113 = arith.constant 0 : i32
      %dma_start3A_114 = tpu.memref_slice %arg8[%run_scoped3A_47, %dma_start3A_112, %dma_start3A_113] : memref<2x256x32xf32, #tpu.memory_space<vmem>> -> memref<1x256x32xf32, #tpu.memory_space<vmem>>
      %dma_start3A_115 = tpu.memref_squeeze %dma_start3A_114 : memref<1x256x32xf32, #tpu.memory_space<vmem>> -> memref<256x32xf32, #tpu.memory_space<vmem>>
      %dma_start3A_116 = arith.constant 0 : i32
      %dma_start3A_117 = tpu.memref_slice %arg5[%add3A_46, %dma_start3A_116] : memref<50176x32xf32, #tpu.memory_space<vmem_shared>> -> memref<256x32xf32, #tpu.memory_space<vmem_shared>>
      %dma_start3A_118 = arith.constant 0 : i32
      %dma_start3A_119 = tpu.memref_slice %arg5[%add3A_46, %dma_start3A_118] : memref<50176x32xf32, #tpu.memory_space<vmem_shared>> -> memref<256x32xf32, #tpu.memory_space<vmem_shared>>
      %dma_start3A_120 = arith.constant 0 : i32
      %dma_start3A_121 = arith.constant 0 : i32
      %dma_start3A_122 = tpu.memref_slice %arg8[%run_scoped3A_47, %dma_start3A_120, %dma_start3A_121] : memref<2x256x32xf32, #tpu.memory_space<vmem>> -> memref<1x256x32xf32, #tpu.memory_space<vmem>>
      %dma_start3A_123 = tpu.memref_squeeze %dma_start3A_122 : memref<1x256x32xf32, #tpu.memory_space<vmem>> -> memref<256x32xf32, #tpu.memory_space<vmem>>
      tpu.enqueue_dma source(%dma_start3A_123 : memref<256x32xf32, #tpu.memory_space<vmem>>) target(%dma_start3A_119 : memref<256x32xf32, #tpu.memory_space<vmem_shared>>) target_semaphore(%run_scoped3A_111 : memref<!tpu.dma_semaphore, #tpu.memory_space<semaphore_mem>>)
      %dma_wait3A_124 = arith.constant 0 : i32
      %dma_wait3A_125 = arith.constant 0 : i32
      %dma_wait3A_126 = tpu.memref_slice %arg8[%run_scoped3A_47, %dma_wait3A_124, %dma_wait3A_125] : memref<2x256x32xf32, #tpu.memory_space<vmem>> -> memref<1x256x32xf32, #tpu.memory_space<vmem>>
      %dma_wait3A_127 = tpu.memref_squeeze %dma_wait3A_126 : memref<1x256x32xf32, #tpu.memory_space<vmem>> -> memref<256x32xf32, #tpu.memory_space<vmem>>
      %dma_wait3A_128 = arith.constant 0 : i32
      %dma_wait3A_129 = tpu.memref_slice %arg5[%add3A_46, %dma_wait3A_128] : memref<50176x32xf32, #tpu.memory_space<vmem_shared>> -> memref<256x32xf32, #tpu.memory_space<vmem_shared>>
      %dma_wait3A_130 = arith.constant 0 : i32
      %dma_wait3A_131 = tpu.memref_slice %arg5[%add3A_46, %dma_wait3A_130] : memref<50176x32xf32, #tpu.memory_space<vmem_shared>> -> memref<256x32xf32, #tpu.memory_space<vmem_shared>>
      %dma_wait3A_132 = arith.constant 0 : i32
      %dma_wait3A_133 = arith.constant 0 : i32
      %dma_wait3A_134 = tpu.memref_slice %arg8[%run_scoped3A_47, %dma_wait3A_132, %dma_wait3A_133] : memref<2x256x32xf32, #tpu.memory_space<vmem>> -> memref<1x256x32xf32, #tpu.memory_space<vmem>>
      %dma_wait3A_135 = tpu.memref_squeeze %dma_wait3A_134 : memref<1x256x32xf32, #tpu.memory_space<vmem>> -> memref<256x32xf32, #tpu.memory_space<vmem>>
      tpu.wait_dma2 semaphore(%run_scoped3A_111 : memref<!tpu.dma_semaphore, #tpu.memory_space<semaphore_mem>>) src(%dma_wait3A_135 : memref<256x32xf32, #tpu.memory_space<vmem>>) dst(%dma_wait3A_131 : memref<256x32xf32, #tpu.memory_space<vmem_shared>>)
      tpu.yield
    }) : () -> ()
    %add3A_48 = arith.constant 3072 : i32
    %add3A_49 = arith.addi %mul3A_0, %add3A_48 : i32
    %run_scoped3A_50 = arith.constant 0 : i32
    "tpu.region"() ({
      %run_scoped3A_111 = tpu.sem_alloc : memref<!tpu.dma_semaphore, #tpu.memory_space<semaphore_mem>>
      %dma_start3A_112 = arith.constant 0 : i32
      %dma_start3A_113 = arith.constant 0 : i32
      %dma_start3A_114 = tpu.memref_slice %arg8[%run_scoped3A_50, %dma_start3A_112, %dma_start3A_113] : memref<2x256x32xf32, #tpu.memory_space<vmem>> -> memref<1x64x32xf32, #tpu.memory_space<vmem>>
      %dma_start3A_115 = tpu.memref_squeeze %dma_start3A_114 : memref<1x64x32xf32, #tpu.memory_space<vmem>> -> memref<64x32xf32, #tpu.memory_space<vmem>>
      %dma_start3A_116 = arith.constant 0 : i32
      %dma_start3A_117 = tpu.memref_slice %arg5[%add3A_49, %dma_start3A_116] : memref<50176x32xf32, #tpu.memory_space<vmem_shared>> -> memref<64x32xf32, #tpu.memory_space<vmem_shared>>
      %dma_start3A_118 = arith.constant 0 : i32
      %dma_start3A_119 = tpu.memref_slice %arg5[%add3A_49, %dma_start3A_118] : memref<50176x32xf32, #tpu.memory_space<vmem_shared>> -> memref<64x32xf32, #tpu.memory_space<vmem_shared>>
      %dma_start3A_120 = arith.constant 0 : i32
      %dma_start3A_121 = arith.constant 0 : i32
      %dma_start3A_122 = tpu.memref_slice %arg8[%run_scoped3A_50, %dma_start3A_120, %dma_start3A_121] : memref<2x256x32xf32, #tpu.memory_space<vmem>> -> memref<1x64x32xf32, #tpu.memory_space<vmem>>
      %dma_start3A_123 = tpu.memref_squeeze %dma_start3A_122 : memref<1x64x32xf32, #tpu.memory_space<vmem>> -> memref<64x32xf32, #tpu.memory_space<vmem>>
      tpu.enqueue_dma source(%dma_start3A_123 : memref<64x32xf32, #tpu.memory_space<vmem>>) target(%dma_start3A_119 : memref<64x32xf32, #tpu.memory_space<vmem_shared>>) target_semaphore(%run_scoped3A_111 : memref<!tpu.dma_semaphore, #tpu.memory_space<semaphore_mem>>)
      %dma_wait3A_124 = arith.constant 0 : i32
      %dma_wait3A_125 = arith.constant 0 : i32
      %dma_wait3A_126 = tpu.memref_slice %arg8[%run_scoped3A_50, %dma_wait3A_124, %dma_wait3A_125] : memref<2x256x32xf32, #tpu.memory_space<vmem>> -> memref<1x64x32xf32, #tpu.memory_space<vmem>>
      %dma_wait3A_127 = tpu.memref_squeeze %dma_wait3A_126 : memref<1x64x32xf32, #tpu.memory_space<vmem>> -> memref<64x32xf32, #tpu.memory_space<vmem>>
      %dma_wait3A_128 = arith.constant 0 : i32
      %dma_wait3A_129 = tpu.memref_slice %arg5[%add3A_49, %dma_wait3A_128] : memref<50176x32xf32, #tpu.memory_space<vmem_shared>> -> memref<64x32xf32, #tpu.memory_space<vmem_shared>>
      %dma_wait3A_130 = arith.constant 0 : i32
      %dma_wait3A_131 = tpu.memref_slice %arg5[%add3A_49, %dma_wait3A_130] : memref<50176x32xf32, #tpu.memory_space<vmem_shared>> -> memref<64x32xf32, #tpu.memory_space<vmem_shared>>
      %dma_wait3A_132 = arith.constant 0 : i32
      %dma_wait3A_133 = arith.constant 0 : i32
      %dma_wait3A_134 = tpu.memref_slice %arg8[%run_scoped3A_50, %dma_wait3A_132, %dma_wait3A_133] : memref<2x256x32xf32, #tpu.memory_space<vmem>> -> memref<1x64x32xf32, #tpu.memory_space<vmem>>
      %dma_wait3A_135 = tpu.memref_squeeze %dma_wait3A_134 : memref<1x64x32xf32, #tpu.memory_space<vmem>> -> memref<64x32xf32, #tpu.memory_space<vmem>>
      tpu.wait_dma2 semaphore(%run_scoped3A_111 : memref<!tpu.dma_semaphore, #tpu.memory_space<semaphore_mem>>) src(%dma_wait3A_135 : memref<64x32xf32, #tpu.memory_space<vmem>>) dst(%dma_wait3A_131 : memref<64x32xf32, #tpu.memory_space<vmem_shared>>)
      tpu.yield
    }) : () -> ()
    %barrier3A = arith.constant 0 : index
    tpu.barrier barrier_id(%barrier3A)
    %add3A_51 = arith.constant 0 : i32
    %add3A_52 = arith.addi %mul3A_5, %add3A_51 : i32
    %run_scoped3A_53 = arith.constant 0 : i32
    "tpu.region"() ({
      %run_scoped3A_111 = tpu.sem_alloc : memref<!tpu.dma_semaphore, #tpu.memory_space<semaphore_mem>>
      %dma_start3A_112 = arith.constant 0 : i32
      %dma_start3A_113 = arith.constant 0 : i32
      %dma_start3A_114 = tpu.memref_slice %arg6[%run_scoped3A_53, %dma_start3A_112, %dma_start3A_113] : memref<2x2x128xi32, #tpu.memory_space<vmem>> -> memref<1x2x128xi32, #tpu.memory_space<vmem>>
      %dma_start3A_115 = tpu.memref_squeeze %dma_start3A_114 : memref<1x2x128xi32, #tpu.memory_space<vmem>> -> memref<2x128xi32, #tpu.memory_space<vmem>>
      %dma_start3A_116 = arith.constant 0 : i32
      %dma_start3A_117 = tpu.memref_slice %arg2[%add3A_52, %dma_start3A_116] : memref<6272x128xi32, #tpu.memory_space<hbm>> -> memref<2x128xi32, #tpu.memory_space<hbm>>
      %dma_start3A_118 = arith.constant 0 : i32
      %dma_start3A_119 = arith.constant 0 : i32
      %dma_start3A_120 = tpu.memref_slice %arg6[%run_scoped3A_53, %dma_start3A_118, %dma_start3A_119] : memref<2x2x128xi32, #tpu.memory_space<vmem>> -> memref<1x2x128xi32, #tpu.memory_space<vmem>>
      %dma_start3A_121 = tpu.memref_squeeze %dma_start3A_120 : memref<1x2x128xi32, #tpu.memory_space<vmem>> -> memref<2x128xi32, #tpu.memory_space<vmem>>
      %dma_start3A_122 = arith.constant 0 : i32
      %dma_start3A_123 = tpu.memref_slice %arg2[%add3A_52, %dma_start3A_122] : memref<6272x128xi32, #tpu.memory_space<hbm>> -> memref<2x128xi32, #tpu.memory_space<hbm>>
      tpu.enqueue_dma source(%dma_start3A_123 : memref<2x128xi32, #tpu.memory_space<hbm>>) target(%dma_start3A_121 : memref<2x128xi32, #tpu.memory_space<vmem>>) target_semaphore(%run_scoped3A_111 : memref<!tpu.dma_semaphore, #tpu.memory_space<semaphore_mem>>)
      %dma_wait3A_124 = arith.constant 0 : i32
      %dma_wait3A_125 = arith.constant 0 : i32
      %dma_wait3A_126 = tpu.memref_slice %arg6[%run_scoped3A_53, %dma_wait3A_124, %dma_wait3A_125] : memref<2x2x128xi32, #tpu.memory_space<vmem>> -> memref<1x2x128xi32, #tpu.memory_space<vmem>>
      %dma_wait3A_127 = tpu.memref_squeeze %dma_wait3A_126 : memref<1x2x128xi32, #tpu.memory_space<vmem>> -> memref<2x128xi32, #tpu.memory_space<vmem>>
      %dma_wait3A_128 = arith.constant 0 : i32
      %dma_wait3A_129 = tpu.memref_slice %arg2[%add3A_52, %dma_wait3A_128] : memref<6272x128xi32, #tpu.memory_space<hbm>> -> memref<2x128xi32, #tpu.memory_space<hbm>>
      %dma_wait3A_130 = arith.constant 0 : i32
      %dma_wait3A_131 = arith.constant 0 : i32
      %dma_wait3A_132 = tpu.memref_slice %arg6[%run_scoped3A_53, %dma_wait3A_130, %dma_wait3A_131] : memref<2x2x128xi32, #tpu.memory_space<vmem>> -> memref<1x2x128xi32, #tpu.memory_space<vmem>>
      %dma_wait3A_133 = tpu.memref_squeeze %dma_wait3A_132 : memref<1x2x128xi32, #tpu.memory_space<vmem>> -> memref<2x128xi32, #tpu.memory_space<vmem>>
      %dma_wait3A_134 = arith.constant 0 : i32
      %dma_wait3A_135 = tpu.memref_slice %arg2[%add3A_52, %dma_wait3A_134] : memref<6272x128xi32, #tpu.memory_space<hbm>> -> memref<2x128xi32, #tpu.memory_space<hbm>>
      tpu.wait_dma2 semaphore(%run_scoped3A_111 : memref<!tpu.dma_semaphore, #tpu.memory_space<semaphore_mem>>) src(%dma_wait3A_135 : memref<2x128xi32, #tpu.memory_space<hbm>>) dst(%dma_wait3A_133 : memref<2x128xi32, #tpu.memory_space<vmem>>)
      tpu.yield
    }) : () -> ()
    %scan3A_54 = arith.constant 0 : i32
    %scan3A_55 = arith.constant 0 : i32
    %scan3A_56 = arith.constant 16 : i32
    %scan3A_57 = arith.addi %scan3A_55, %scan3A_56 : i32
    %scan3A_58 = arith.constant 1 : i32
    %scan3A_59 = scf.for %scan3A_111 = %scan3A_55 to %scan3A_57 step %scan3A_58 iter_args(%scan3A_112 = %scan3A_54) -> (i32)  : i32 {
      %jit3A = arith.constant 8 : i32
      %div3A = arith.divsi %scan3A_111, %jit3A : i32
      %sign3A = arith.constant 0 : i32
      %sign3A_113 = arith.cmpi sgt, %scan3A_111, %sign3A : i32
      %sign3A_114 = arith.extui %sign3A_113 : i1 to i32
      %sign3A_115 = arith.constant 0 : i32
      %sign3A_116 = arith.cmpi slt, %scan3A_111, %sign3A_115 : i32
      %sign3A_117 = arith.extui %sign3A_116 : i1 to i32
      %sign3A_118 = arith.subi %sign3A_114, %sign3A_117 : i32
      %sign3A_119 = arith.constant 0 : i32
      %sign3A_120 = arith.cmpi sgt, %jit3A, %sign3A_119 : i32
      %sign3A_121 = arith.extui %sign3A_120 : i1 to i32
      %sign3A_122 = arith.constant 0 : i32
      %sign3A_123 = arith.cmpi slt, %jit3A, %sign3A_122 : i32
      %sign3A_124 = arith.extui %sign3A_123 : i1 to i32
      %sign3A_125 = arith.subi %sign3A_121, %sign3A_124 : i32
      %ne3A = arith.cmpi ne, %sign3A_118, %sign3A_125 : i32
      %rem3A_126 = arith.remsi %scan3A_111, %jit3A : i32
      %ne3A_127 = arith.constant 0 : i32
      %ne3A_128 = arith.cmpi ne, %rem3A_126, %ne3A_127 : i32
      %and3A = arith.andi %ne3A, %ne3A_128 : i1
      %sub3A = arith.constant 1 : i32
      %sub3A_129 = arith.subi %div3A, %sub3A : i32
      %select_n3A = arith.select %and3A, %sub3A_129, %div3A : i32
      %jit3A_130 = arith.constant 8 : i32
      %eq3A = arith.constant 0 : i32
      %eq3A_131 = arith.cmpi eq, %jit3A_130, %eq3A : i32
      %jit3A_132 = arith.constant 1 : i32
      %select_n3A_133 = arith.select %eq3A_131, %jit3A_132, %jit3A_130 : i32
      %rem3A_134 = arith.remsi %scan3A_111, %select_n3A_133 : i32
      %ne3A_135 = arith.constant 0 : i32
      %ne3A_136 = arith.cmpi ne, %rem3A_134, %ne3A_135 : i32
      %lt3A = arith.constant 0 : i32
      %lt3A_137 = arith.cmpi slt, %rem3A_134, %lt3A : i32
      %lt3A_138 = arith.constant 0 : i32
      %lt3A_139 = arith.cmpi slt, %select_n3A_133, %lt3A_138 : i32
      %ne3A_140 = arith.xori %lt3A_137, %lt3A_139 : i1
      %and3A_141 = arith.andi %ne3A_140, %ne3A_136 : i1
      %add3A_142 = arith.addi %rem3A_134, %select_n3A_133 : i32
      %select_n3A_143 = arith.select %and3A_141, %add3A_142, %rem3A_134 : i32
      %mul3A_144 = arith.constant 16 : i32
      %mul3A_145 = arith.muli %select_n3A_143, %mul3A_144 : i32
      %get3A = arith.constant 0 : i32
      %get3A_146 = arith.index_cast %get3A : i32 to index
      %get3A_147 = arith.index_cast %select_n3A : i32 to index
      %get3A_148 = arith.index_cast %mul3A_145 : i32 to index
      %get3A_149 = tpu.vector_load %arg6[%get3A_146, %get3A_147, %get3A_148] {strides = array<i32>} : memref<2x2x128xi32, #tpu.memory_space<vmem>>, vector<1x1x16xi32>,
      %get3A_150 = vector.shape_cast %get3A_149 : vector<1x1x16xi32> to vector<16xi32>
      %shift_right_arithmetic3A = arith.constant 16 : i32
      %shift_right_arithmetic3A_151 = vector.broadcast %shift_right_arithmetic3A : i32 to vector<16xi32>
      %shift_right_arithmetic3A_152 = arith.shrsi %get3A_150, %shift_right_arithmetic3A_151 : vector<16xi32>
      %and3A_153 = arith.constant 65535 : i32
      %and3A_154 = vector.broadcast %and3A_153 : i32 to vector<16xi32>
      %and3A_155 = arith.andi %shift_right_arithmetic3A_152, %and3A_154 : vector<16xi32>
      %mul3A_156 = arith.constant 16 : i32
      %mul3A_157 = arith.muli %select_n3A_143, %mul3A_156 : i32
      %swap3A = arith.constant 0 : i32
      %swap3A_158 = arith.index_cast %swap3A : i32 to index
      %swap3A_159 = arith.index_cast %select_n3A : i32 to index
      %swap3A_160 = arith.index_cast %mul3A_157 : i32 to index
      %swap3A_161 = tpu.vector_load %arg7[%swap3A_158, %swap3A_159, %swap3A_160] {strides = array<i32>} : memref<2x2x128xi32, #tpu.memory_space<vmem>>, vector<1x1x16xi32>,
      %swap3A_162 = vector.shape_cast %swap3A_161 : vector<1x1x16xi32> to vector<16xi32>
      %swap3A_163 = vector.shape_cast %and3A_155 : vector<16xi32> to vector<1x1x16xi32>
      tpu.vector_store %arg7[%swap3A_158, %swap3A_159, %swap3A_160], %swap3A_163 {strides = array<i32>} : memref<2x2x128xi32, #tpu.memory_space<vmem>>, vector<1x1x16xi32>,
      %and3A_164 = arith.constant 65535 : i32
      %and3A_165 = vector.broadcast %and3A_164 : i32 to vector<16xi32>
      %and3A_166 = arith.andi %get3A_150, %and3A_165 : vector<16xi32>
      %mul3A_167 = arith.constant 4 : i32
      %mul3A_168 = vector.broadcast %mul3A_167 : i32 to vector<16xi32>
      %mul3A_169 = arith.muli %and3A_166, %mul3A_168 : vector<16xi32>
      %add3A_170 = vector.broadcast %add3A_3 : i32 to vector<16xi32>
      %add3A_171 = arith.addi %mul3A_169, %add3A_170 : vector<16xi32>
      %mul3A_172 = arith.constant 16 : i32
      %mul3A_173 = arith.muli %select_n3A_143, %mul3A_172 : i32
      %swap3A_174 = arith.constant 0 : i32
      %swap3A_175 = arith.index_cast %swap3A_174 : i32 to index
      %swap3A_176 = arith.index_cast %select_n3A : i32 to index
      %swap3A_177 = arith.index_cast %mul3A_173 : i32 to index
      %swap3A_178 = tpu.vector_load %arg6[%swap3A_175, %swap3A_176, %swap3A_177] {strides = array<i32>} : memref<2x2x128xi32, #tpu.memory_space<vmem>>, vector<1x1x16xi32>,
      %swap3A_179 = vector.shape_cast %swap3A_178 : vector<1x1x16xi32> to vector<16xi32>
      %swap3A_180 = vector.shape_cast %add3A_171 : vector<16xi32> to vector<1x1x16xi32>
      tpu.vector_store %arg6[%swap3A_175, %swap3A_176, %swap3A_177], %swap3A_180 {strides = array<i32>} : memref<2x2x128xi32, #tpu.memory_space<vmem>>, vector<1x1x16xi32>,
      %scan3A_181 = arith.constant 0 : i32
      scf.yield %scan3A_181 : i32
    }
    %scan3A_60 = arith.constant 16 : i32
    %dma_start3A = arith.constant 0 : i32
    %dma_start3A_61 = arith.constant 0 : i32
    %dma_start3A_62 = arith.constant 0 : i32
    %dma_start3A_63 = arith.constant 0 : i32
    %dma_start3A_64 = arith.constant 0 : i32
    %dma_start3A_65 = tpu.memref_slice %arg8[%dma_start3A_62, %dma_start3A_63, %dma_start3A_64] : memref<2x256x32xf32, #tpu.memory_space<vmem>> -> memref<1x128x32xf32, #tpu.memory_space<vmem>>
    %dma_start3A_66 = tpu.memref_squeeze %dma_start3A_65 : memref<1x128x32xf32, #tpu.memory_space<vmem>> -> memref<128x32xf32, #tpu.memory_space<vmem>>
    %dma_start3A_67 = arith.constant 0 : i32
    %dma_start3A_68 = tpu.memref_slice %arg6[%dma_start3A, %dma_start3A_61, %dma_start3A_67] : memref<2x2x128xi32, #tpu.memory_space<vmem>> -> memref<1x1x128xi32, #tpu.memory_space<vmem>>
    %dma_start3A_69 = tpu.memref_squeeze %dma_start3A_68 : memref<1x1x128xi32, #tpu.memory_space<vmem>> -> memref<128xi32, #tpu.memory_space<vmem>>
    %dma_start3A_70 = arith.constant 0 : i32
    %dma_start3A_71 = arith.constant 0 : i32
    %dma_start3A_72 = tpu.memref_slice %arg3[%dma_start3A_70, %dma_start3A_71] : memref<200704x32xf32, #tpu.memory_space<hbm>> -> memref<200704x32xf32, #tpu.memory_space<hbm>>
    tpu.enqueue_indirect_dma source(%dma_start3A_72 : memref<200704x32xf32, #tpu.memory_space<hbm>>) target(%dma_start3A_66 : memref<128x32xf32, #tpu.memory_space<vmem>>) offsets(%dma_start3A_69 : memref<128xi32, #tpu.memory_space<vmem>>) semaphore(%arg9 : memref<!tpu.dma_semaphore, #tpu.memory_space<semaphore_mem>>)
    %dma_start3A_73 = arith.constant 0 : i32
    %dma_start3A_74 = arith.constant 1 : i32
    %dma_start3A_75 = arith.constant 0 : i32
    %dma_start3A_76 = arith.constant 128 : i32
    %dma_start3A_77 = arith.constant 0 : i32
    %dma_start3A_78 = tpu.memref_slice %arg8[%dma_start3A_75, %dma_start3A_76, %dma_start3A_77] : memref<2x256x32xf32, #tpu.memory_space<vmem>> -> memref<1x128x32xf32, #tpu.memory_space<vmem>>
    %dma_start3A_79 = tpu.memref_squeeze %dma_start3A_78 : memref<1x128x32xf32, #tpu.memory_space<vmem>> -> memref<128x32xf32, #tpu.memory_space<vmem>>
    %dma_start3A_80 = arith.constant 0 : i32
    %dma_start3A_81 = tpu.memref_slice %arg6[%dma_start3A_73, %dma_start3A_74, %dma_start3A_80] : memref<2x2x128xi32, #tpu.memory_space<vmem>> -> memref<1x1x128xi32, #tpu.memory_space<vmem>>
    %dma_start3A_82 = tpu.memref_squeeze %dma_start3A_81 : memref<1x1x128xi32, #tpu.memory_space<vmem>> -> memref<128xi32, #tpu.memory_space<vmem>>
    %dma_start3A_83 = arith.constant 0 : i32
    %dma_start3A_84 = arith.constant 0 : i32
    %dma_start3A_85 = tpu.memref_slice %arg3[%dma_start3A_83, %dma_start3A_84] : memref<200704x32xf32, #tpu.memory_space<hbm>> -> memref<200704x32xf32, #tpu.memory_space<hbm>>
    tpu.enqueue_indirect_dma source(%dma_start3A_85 : memref<200704x32xf32, #tpu.memory_space<hbm>>) target(%dma_start3A_79 : memref<128x32xf32, #tpu.memory_space<vmem>>) offsets(%dma_start3A_82 : memref<128xi32, #tpu.memory_space<vmem>>) semaphore(%arg9 : memref<!tpu.dma_semaphore, #tpu.memory_space<semaphore_mem>>)
    %scan3A_86 = arith.constant 0 : i32
    %scan3A_87 = arith.constant 0 : i32
    %scan3A_88 = arith.constant 196 : i32
    %scan3A_89 = arith.addi %scan3A_87, %scan3A_88 : i32
    %scan3A_90 = arith.constant 1 : i32
    %scan3A_91 = scf.for %scan3A_111 = %scan3A_87 to %scan3A_89 step %scan3A_90 iter_args(%scan3A_112 = %scan3A_86) -> (i32)  : i32 {
      %rem3A_113 = arith.constant 2 : i32
      %rem3A_114 = arith.remsi %scan3A_111, %rem3A_113 : i32
      %ge3A = arith.constant 1 : i32
      %ge3A_115 = arith.cmpi sge, %scan3A_111, %ge3A : i32
      %convert_element_type3A = arith.extui %ge3A_115 : i1 to i32
      %cond3A = arith.constant 0 : i32
      %cond3A_116 = arith.cmpi ne, %convert_element_type3A, %cond3A : i32
      scf.if %cond3A_116 {
        %sub3A = arith.constant 1 : i32
        %sub3A_160 = arith.subi %sub3A, %rem3A_114 : i32
        %dma_wait3A_161 = arith.constant 0 : i32
        %dma_wait3A_162 = arith.constant 0 : i32
        %dma_wait3A_163 = tpu.memref_slice %arg8[%sub3A_160, %dma_wait3A_161, %dma_wait3A_162] : memref<2x256x32xf32, #tpu.memory_space<vmem>> -> memref<1x256x32xf32, #tpu.memory_space<vmem>>
        %dma_wait3A_164 = tpu.memref_squeeze %dma_wait3A_163 : memref<1x256x32xf32, #tpu.memory_space<vmem>> -> memref<256x32xf32, #tpu.memory_space<vmem>>
        %dma_wait3A_165 = arith.constant 0 : i32
        %dma_wait3A_166 = arith.constant 0 : i32
        %dma_wait3A_167 = tpu.memref_slice %arg3[%dma_wait3A_165, %dma_wait3A_166] : memref<200704x32xf32, #tpu.memory_space<hbm>> -> memref<256x32xf32, #tpu.memory_space<hbm>>
        %dma_wait3A_168 = arith.constant 0 : i32
        %dma_wait3A_169 = arith.constant 0 : i32
        %dma_wait3A_170 = tpu.memref_slice %arg8[%sub3A_160, %dma_wait3A_168, %dma_wait3A_169] : memref<2x256x32xf32, #tpu.memory_space<vmem>> -> memref<1x256x32xf32, #tpu.memory_space<vmem>>
        %dma_wait3A_171 = tpu.memref_squeeze %dma_wait3A_170 : memref<1x256x32xf32, #tpu.memory_space<vmem>> -> memref<256x32xf32, #tpu.memory_space<vmem>>
        %dma_wait3A_172 = arith.constant 0 : i32
        %dma_wait3A_173 = arith.constant 0 : i32
        %dma_wait3A_174 = tpu.memref_slice %arg3[%dma_wait3A_172, %dma_wait3A_173] : memref<200704x32xf32, #tpu.memory_space<hbm>> -> memref<256x32xf32, #tpu.memory_space<hbm>>
        tpu.wait_dma2 semaphore(%arg10 : memref<!tpu.dma_semaphore, #tpu.memory_space<semaphore_mem>>) src(%dma_wait3A_174 : memref<256x32xf32, #tpu.memory_space<hbm>>) dst(%dma_wait3A_171 : memref<256x32xf32, #tpu.memory_space<vmem>>)
      } else {
      }
      %add3A_117 = arith.constant 1 : i32
      %add3A_118 = arith.addi %scan3A_111, %add3A_117 : i32
      %lt3A = arith.constant 196 : i32
      %lt3A_119 = arith.cmpi slt, %add3A_118, %lt3A : i32
      %convert_element_type3A_120 = arith.extui %lt3A_119 : i1 to i32
      %cond3A_121 = arith.constant 0 : i32
      %cond3A_122 = arith.cmpi ne, %convert_element_type3A_120, %cond3A_121 : i32
      scf.if %cond3A_122 {
        %add3A_160 = arith.constant 1 : i32
        %add3A_161 = arith.addi %scan3A_111, %add3A_160 : i32
        %sub3A = arith.constant 1 : i32
        %sub3A_162 = arith.subi %sub3A, %rem3A_114 : i32
        %mul3A_163 = arith.constant 2 : i32
        %mul3A_164 = arith.muli %add3A_161, %mul3A_163 : i32
        %add3A_165 = arith.addi %mul3A_5, %mul3A_164 : i32
        "tpu.region"() ({
          %run_scoped3A_195 = tpu.sem_alloc : memref<!tpu.dma_semaphore, #tpu.memory_space<semaphore_mem>>
          %dma_start3A_196 = arith.constant 0 : i32
          %dma_start3A_197 = arith.constant 0 : i32
          %dma_start3A_198 = tpu.memref_slice %arg6[%sub3A_162, %dma_start3A_196, %dma_start3A_197] : memref<2x2x128xi32, #tpu.memory_space<vmem>> -> memref<1x2x128xi32, #tpu.memory_space<vmem>>
          %dma_start3A_199 = tpu.memref_squeeze %dma_start3A_198 : memref<1x2x128xi32, #tpu.memory_space<vmem>> -> memref<2x128xi32, #tpu.memory_space<vmem>>
          %dma_start3A_200 = arith.constant 0 : i32
          %dma_start3A_201 = tpu.memref_slice %arg2[%add3A_165, %dma_start3A_200] : memref<6272x128xi32, #tpu.memory_space<hbm>> -> memref<2x128xi32, #tpu.memory_space<hbm>>
          %dma_start3A_202 = arith.constant 0 : i32
          %dma_start3A_203 = arith.constant 0 : i32
          %dma_start3A_204 = tpu.memref_slice %arg6[%sub3A_162, %dma_start3A_202, %dma_start3A_203] : memref<2x2x128xi32, #tpu.memory_space<vmem>> -> memref<1x2x128xi32, #tpu.memory_space<vmem>>
          %dma_start3A_205 = tpu.memref_squeeze %dma_start3A_204 : memref<1x2x128xi32, #tpu.memory_space<vmem>> -> memref<2x128xi32, #tpu.memory_space<vmem>>
          %dma_start3A_206 = arith.constant 0 : i32
          %dma_start3A_207 = tpu.memref_slice %arg2[%add3A_165, %dma_start3A_206] : memref<6272x128xi32, #tpu.memory_space<hbm>> -> memref<2x128xi32, #tpu.memory_space<hbm>>
          tpu.enqueue_dma source(%dma_start3A_207 : memref<2x128xi32, #tpu.memory_space<hbm>>) target(%dma_start3A_205 : memref<2x128xi32, #tpu.memory_space<vmem>>) target_semaphore(%run_scoped3A_195 : memref<!tpu.dma_semaphore, #tpu.memory_space<semaphore_mem>>)
          %dma_wait3A_208 = arith.constant 0 : i32
          %dma_wait3A_209 = arith.constant 0 : i32
          %dma_wait3A_210 = tpu.memref_slice %arg6[%sub3A_162, %dma_wait3A_208, %dma_wait3A_209] : memref<2x2x128xi32, #tpu.memory_space<vmem>> -> memref<1x2x128xi32, #tpu.memory_space<vmem>>
          %dma_wait3A_211 = tpu.memref_squeeze %dma_wait3A_210 : memref<1x2x128xi32, #tpu.memory_space<vmem>> -> memref<2x128xi32, #tpu.memory_space<vmem>>
          %dma_wait3A_212 = arith.constant 0 : i32
          %dma_wait3A_213 = tpu.memref_slice %arg2[%add3A_165, %dma_wait3A_212] : memref<6272x128xi32, #tpu.memory_space<hbm>> -> memref<2x128xi32, #tpu.memory_space<hbm>>
          %dma_wait3A_214 = arith.constant 0 : i32
          %dma_wait3A_215 = arith.constant 0 : i32
          %dma_wait3A_216 = tpu.memref_slice %arg6[%sub3A_162, %dma_wait3A_214, %dma_wait3A_215] : memref<2x2x128xi32, #tpu.memory_space<vmem>> -> memref<1x2x128xi32, #tpu.memory_space<vmem>>
          %dma_wait3A_217 = tpu.memref_squeeze %dma_wait3A_216 : memref<1x2x128xi32, #tpu.memory_space<vmem>> -> memref<2x128xi32, #tpu.memory_space<vmem>>
          %dma_wait3A_218 = arith.constant 0 : i32
          %dma_wait3A_219 = tpu.memref_slice %arg2[%add3A_165, %dma_wait3A_218] : memref<6272x128xi32, #tpu.memory_space<hbm>> -> memref<2x128xi32, #tpu.memory_space<hbm>>
          tpu.wait_dma2 semaphore(%run_scoped3A_195 : memref<!tpu.dma_semaphore, #tpu.memory_space<semaphore_mem>>) src(%dma_wait3A_219 : memref<2x128xi32, #tpu.memory_space<hbm>>) dst(%dma_wait3A_217 : memref<2x128xi32, #tpu.memory_space<vmem>>)
          tpu.yield
        }) : () -> ()
        %scan3A_166 = arith.constant 0 : i32
        %scan3A_167 = arith.constant 0 : i32
        %scan3A_168 = arith.constant 16 : i32
        %scan3A_169 = arith.addi %scan3A_167, %scan3A_168 : i32
        %scan3A_170 = arith.constant 1 : i32
        %scan3A_171 = scf.for %scan3A_195 = %scan3A_167 to %scan3A_169 step %scan3A_170 iter_args(%scan3A_196 = %scan3A_166) -> (i32)  : i32 {
          %jit3A = arith.constant 8 : i32
          %div3A = arith.divsi %scan3A_195, %jit3A : i32
          %sign3A = arith.constant 0 : i32
          %sign3A_197 = arith.cmpi sgt, %scan3A_195, %sign3A : i32
          %sign3A_198 = arith.extui %sign3A_197 : i1 to i32
          %sign3A_199 = arith.constant 0 : i32
          %sign3A_200 = arith.cmpi slt, %scan3A_195, %sign3A_199 : i32
          %sign3A_201 = arith.extui %sign3A_200 : i1 to i32
          %sign3A_202 = arith.subi %sign3A_198, %sign3A_201 : i32
          %sign3A_203 = arith.constant 0 : i32
          %sign3A_204 = arith.cmpi sgt, %jit3A, %sign3A_203 : i32
          %sign3A_205 = arith.extui %sign3A_204 : i1 to i32
          %sign3A_206 = arith.constant 0 : i32
          %sign3A_207 = arith.cmpi slt, %jit3A, %sign3A_206 : i32
          %sign3A_208 = arith.extui %sign3A_207 : i1 to i32
          %sign3A_209 = arith.subi %sign3A_205, %sign3A_208 : i32
          %ne3A = arith.cmpi ne, %sign3A_202, %sign3A_209 : i32
          %rem3A_210 = arith.remsi %scan3A_195, %jit3A : i32
          %ne3A_211 = arith.constant 0 : i32
          %ne3A_212 = arith.cmpi ne, %rem3A_210, %ne3A_211 : i32
          %and3A = arith.andi %ne3A, %ne3A_212 : i1
          %sub3A_213 = arith.constant 1 : i32
          %sub3A_214 = arith.subi %div3A, %sub3A_213 : i32
          %select_n3A = arith.select %and3A, %sub3A_214, %div3A : i32
          %jit3A_215 = arith.constant 8 : i32
          %eq3A = arith.constant 0 : i32
          %eq3A_216 = arith.cmpi eq, %jit3A_215, %eq3A : i32
          %jit3A_217 = arith.constant 1 : i32
          %select_n3A_218 = arith.select %eq3A_216, %jit3A_217, %jit3A_215 : i32
          %rem3A_219 = arith.remsi %scan3A_195, %select_n3A_218 : i32
          %ne3A_220 = arith.constant 0 : i32
          %ne3A_221 = arith.cmpi ne, %rem3A_219, %ne3A_220 : i32
          %lt3A_222 = arith.constant 0 : i32
          %lt3A_223 = arith.cmpi slt, %rem3A_219, %lt3A_222 : i32
          %lt3A_224 = arith.constant 0 : i32
          %lt3A_225 = arith.cmpi slt, %select_n3A_218, %lt3A_224 : i32
          %ne3A_226 = arith.xori %lt3A_223, %lt3A_225 : i1
          %and3A_227 = arith.andi %ne3A_226, %ne3A_221 : i1
          %add3A_228 = arith.addi %rem3A_219, %select_n3A_218 : i32
          %select_n3A_229 = arith.select %and3A_227, %add3A_228, %rem3A_219 : i32
          %mul3A_230 = arith.constant 16 : i32
          %mul3A_231 = arith.muli %select_n3A_229, %mul3A_230 : i32
          %get3A = arith.index_cast %sub3A_162 : i32 to index
          %get3A_232 = arith.index_cast %select_n3A : i32 to index
          %get3A_233 = arith.index_cast %mul3A_231 : i32 to index
          %get3A_234 = tpu.vector_load %arg6[%get3A, %get3A_232, %get3A_233] {strides = array<i32>} : memref<2x2x128xi32, #tpu.memory_space<vmem>>, vector<1x1x16xi32>,
          %get3A_235 = vector.shape_cast %get3A_234 : vector<1x1x16xi32> to vector<16xi32>
          %shift_right_arithmetic3A = arith.constant 16 : i32
          %shift_right_arithmetic3A_236 = vector.broadcast %shift_right_arithmetic3A : i32 to vector<16xi32>
          %shift_right_arithmetic3A_237 = arith.shrsi %get3A_235, %shift_right_arithmetic3A_236 : vector<16xi32>
          %and3A_238 = arith.constant 65535 : i32
          %and3A_239 = vector.broadcast %and3A_238 : i32 to vector<16xi32>
          %and3A_240 = arith.andi %shift_right_arithmetic3A_237, %and3A_239 : vector<16xi32>
          %mul3A_241 = arith.constant 16 : i32
          %mul3A_242 = arith.muli %select_n3A_229, %mul3A_241 : i32
          %swap3A = arith.index_cast %sub3A_162 : i32 to index
          %swap3A_243 = arith.index_cast %select_n3A : i32 to index
          %swap3A_244 = arith.index_cast %mul3A_242 : i32 to index
          %swap3A_245 = tpu.vector_load %arg7[%swap3A, %swap3A_243, %swap3A_244] {strides = array<i32>} : memref<2x2x128xi32, #tpu.memory_space<vmem>>, vector<1x1x16xi32>,
          %swap3A_246 = vector.shape_cast %swap3A_245 : vector<1x1x16xi32> to vector<16xi32>
          %swap3A_247 = vector.shape_cast %and3A_240 : vector<16xi32> to vector<1x1x16xi32>
          tpu.vector_store %arg7[%swap3A, %swap3A_243, %swap3A_244], %swap3A_247 {strides = array<i32>} : memref<2x2x128xi32, #tpu.memory_space<vmem>>, vector<1x1x16xi32>,
          %and3A_248 = arith.constant 65535 : i32
          %and3A_249 = vector.broadcast %and3A_248 : i32 to vector<16xi32>
          %and3A_250 = arith.andi %get3A_235, %and3A_249 : vector<16xi32>
          %mul3A_251 = arith.constant 4 : i32
          %mul3A_252 = vector.broadcast %mul3A_251 : i32 to vector<16xi32>
          %mul3A_253 = arith.muli %and3A_250, %mul3A_252 : vector<16xi32>
          %add3A_254 = vector.broadcast %add3A_3 : i32 to vector<16xi32>
          %add3A_255 = arith.addi %mul3A_253, %add3A_254 : vector<16xi32>
          %mul3A_256 = arith.constant 16 : i32
          %mul3A_257 = arith.muli %select_n3A_229, %mul3A_256 : i32
          %swap3A_258 = arith.index_cast %sub3A_162 : i32 to index
          %swap3A_259 = arith.index_cast %select_n3A : i32 to index
          %swap3A_260 = arith.index_cast %mul3A_257 : i32 to index
          %swap3A_261 = tpu.vector_load %arg6[%swap3A_258, %swap3A_259, %swap3A_260] {strides = array<i32>} : memref<2x2x128xi32, #tpu.memory_space<vmem>>, vector<1x1x16xi32>,
          %swap3A_262 = vector.shape_cast %swap3A_261 : vector<1x1x16xi32> to vector<16xi32>
          %swap3A_263 = vector.shape_cast %add3A_255 : vector<16xi32> to vector<1x1x16xi32>
          tpu.vector_store %arg6[%swap3A_258, %swap3A_259, %swap3A_260], %swap3A_263 {strides = array<i32>} : memref<2x2x128xi32, #tpu.memory_space<vmem>>, vector<1x1x16xi32>,
          %scan3A_264 = arith.constant 0 : i32
          scf.yield %scan3A_264 : i32
        }
        %scan3A_172 = arith.constant 16 : i32
        %dma_start3A_173 = arith.constant 0 : i32
        %dma_start3A_174 = arith.constant 0 : i32
        %dma_start3A_175 = arith.constant 0 : i32
        %dma_start3A_176 = tpu.memref_slice %arg8[%sub3A_162, %dma_start3A_174, %dma_start3A_175] : memref<2x256x32xf32, #tpu.memory_space<vmem>> -> memref<1x128x32xf32, #tpu.memory_space<vmem>>
        %dma_start3A_177 = tpu.memref_squeeze %dma_start3A_176 : memref<1x128x32xf32, #tpu.memory_space<vmem>> -> memref<128x32xf32, #tpu.memory_space<vmem>>
        %dma_start3A_178 = arith.constant 0 : i32
        %dma_start3A_179 = tpu.memref_slice %arg6[%sub3A_162, %dma_start3A_173, %dma_start3A_178] : memref<2x2x128xi32, #tpu.memory_space<vmem>> -> memref<1x1x128xi32, #tpu.memory_space<vmem>>
        %dma_start3A_180 = tpu.memref_squeeze %dma_start3A_179 : memref<1x1x128xi32, #tpu.memory_space<vmem>> -> memref<128xi32, #tpu.memory_space<vmem>>
        %dma_start3A_181 = arith.constant 0 : i32
        %dma_start3A_182 = arith.constant 0 : i32
        %dma_start3A_183 = tpu.memref_slice %arg3[%dma_start3A_181, %dma_start3A_182] : memref<200704x32xf32, #tpu.memory_space<hbm>> -> memref<200704x32xf32, #tpu.memory_space<hbm>>
        tpu.enqueue_indirect_dma source(%dma_start3A_183 : memref<200704x32xf32, #tpu.memory_space<hbm>>) target(%dma_start3A_177 : memref<128x32xf32, #tpu.memory_space<vmem>>) offsets(%dma_start3A_180 : memref<128xi32, #tpu.memory_space<vmem>>) semaphore(%arg9 : memref<!tpu.dma_semaphore, #tpu.memory_space<semaphore_mem>>)
        %dma_start3A_184 = arith.constant 1 : i32
        %dma_start3A_185 = arith.constant 128 : i32
        %dma_start3A_186 = arith.constant 0 : i32
        %dma_start3A_187 = tpu.memref_slice %arg8[%sub3A_162, %dma_start3A_185, %dma_start3A_186] : memref<2x256x32xf32, #tpu.memory_space<vmem>> -> memref<1x128x32xf32, #tpu.memory_space<vmem>>
        %dma_start3A_188 = tpu.memref_squeeze %dma_start3A_187 : memref<1x128x32xf32, #tpu.memory_space<vmem>> -> memref<128x32xf32, #tpu.memory_space<vmem>>
        %dma_start3A_189 = arith.constant 0 : i32
        %dma_start3A_190 = tpu.memref_slice %arg6[%sub3A_162, %dma_start3A_184, %dma_start3A_189] : memref<2x2x128xi32, #tpu.memory_space<vmem>> -> memref<1x1x128xi32, #tpu.memory_space<vmem>>
        %dma_start3A_191 = tpu.memref_squeeze %dma_start3A_190 : memref<1x1x128xi32, #tpu.memory_space<vmem>> -> memref<128xi32, #tpu.memory_space<vmem>>
        %dma_start3A_192 = arith.constant 0 : i32
        %dma_start3A_193 = arith.constant 0 : i32
        %dma_start3A_194 = tpu.memref_slice %arg3[%dma_start3A_192, %dma_start3A_193] : memref<200704x32xf32, #tpu.memory_space<hbm>> -> memref<200704x32xf32, #tpu.memory_space<hbm>>
        tpu.enqueue_indirect_dma source(%dma_start3A_194 : memref<200704x32xf32, #tpu.memory_space<hbm>>) target(%dma_start3A_188 : memref<128x32xf32, #tpu.memory_space<vmem>>) offsets(%dma_start3A_191 : memref<128xi32, #tpu.memory_space<vmem>>) semaphore(%arg9 : memref<!tpu.dma_semaphore, #tpu.memory_space<semaphore_mem>>)
      } else {
      }
      %dma_wait3A_123 = arith.constant 0 : i32
      %dma_wait3A_124 = arith.constant 0 : i32
      %dma_wait3A_125 = tpu.memref_slice %arg8[%rem3A_114, %dma_wait3A_123, %dma_wait3A_124] : memref<2x256x32xf32, #tpu.memory_space<vmem>> -> memref<1x256x32xf32, #tpu.memory_space<vmem>>
      %dma_wait3A_126 = tpu.memref_squeeze %dma_wait3A_125 : memref<1x256x32xf32, #tpu.memory_space<vmem>> -> memref<256x32xf32, #tpu.memory_space<vmem>>
      %dma_wait3A_127 = arith.constant 0 : i32
      %dma_wait3A_128 = arith.constant 0 : i32
      %dma_wait3A_129 = tpu.memref_slice %arg3[%dma_wait3A_127, %dma_wait3A_128] : memref<200704x32xf32, #tpu.memory_space<hbm>> -> memref<256x32xf32, #tpu.memory_space<hbm>>
      %dma_wait3A_130 = arith.constant 0 : i32
      %dma_wait3A_131 = arith.constant 0 : i32
      %dma_wait3A_132 = tpu.memref_slice %arg8[%rem3A_114, %dma_wait3A_130, %dma_wait3A_131] : memref<2x256x32xf32, #tpu.memory_space<vmem>> -> memref<1x256x32xf32, #tpu.memory_space<vmem>>
      %dma_wait3A_133 = tpu.memref_squeeze %dma_wait3A_132 : memref<1x256x32xf32, #tpu.memory_space<vmem>> -> memref<256x32xf32, #tpu.memory_space<vmem>>
      %dma_wait3A_134 = arith.constant 0 : i32
      %dma_wait3A_135 = arith.constant 0 : i32
      %dma_wait3A_136 = tpu.memref_slice %arg3[%dma_wait3A_134, %dma_wait3A_135] : memref<200704x32xf32, #tpu.memory_space<hbm>> -> memref<256x32xf32, #tpu.memory_space<hbm>>
      tpu.wait_dma2 semaphore(%arg9 : memref<!tpu.dma_semaphore, #tpu.memory_space<semaphore_mem>>) src(%dma_wait3A_136 : memref<256x32xf32, #tpu.memory_space<hbm>>) dst(%dma_wait3A_133 : memref<256x32xf32, #tpu.memory_space<vmem>>)
      %dma_start3A_137 = arith.constant 0 : i32
      %dma_start3A_138 = arith.constant 0 : i32
      %dma_start3A_139 = arith.constant 0 : i32
      %dma_start3A_140 = tpu.memref_slice %arg8[%rem3A_114, %dma_start3A_138, %dma_start3A_139] : memref<2x256x32xf32, #tpu.memory_space<vmem>> -> memref<1x128x32xf32, #tpu.memory_space<vmem>>
      %dma_start3A_141 = tpu.memref_squeeze %dma_start3A_140 : memref<1x128x32xf32, #tpu.memory_space<vmem>> -> memref<128x32xf32, #tpu.memory_space<vmem>>
      %dma_start3A_142 = arith.constant 0 : i32
      %dma_start3A_143 = tpu.memref_slice %arg7[%rem3A_114, %dma_start3A_137, %dma_start3A_142] : memref<2x2x128xi32, #tpu.memory_space<vmem>> -> memref<1x1x128xi32, #tpu.memory_space<vmem>>
      %dma_start3A_144 = tpu.memref_squeeze %dma_start3A_143 : memref<1x1x128xi32, #tpu.memory_space<vmem>> -> memref<128xi32, #tpu.memory_space<vmem>>
      %dma_start3A_145 = arith.constant 0 : i32
      %dma_start3A_146 = arith.constant 0 : i32
      %dma_start3A_147 = tpu.memref_slice %arg5[%dma_start3A_145, %dma_start3A_146] : memref<50176x32xf32, #tpu.memory_space<vmem_shared>> -> memref<50176x32xf32, #tpu.memory_space<vmem_shared>>
      tpu.enqueue_indirect_dma source(%dma_start3A_141 : memref<128x32xf32, #tpu.memory_space<vmem>>) target(%dma_start3A_147 : memref<50176x32xf32, #tpu.memory_space<vmem_shared>>) offsets(%dma_start3A_144 : memref<128xi32, #tpu.memory_space<vmem>>) semaphore(%arg10 : memref<!tpu.dma_semaphore, #tpu.memory_space<semaphore_mem>>) {add = true}
      %dma_start3A_148 = arith.constant 1 : i32
      %dma_start3A_149 = arith.constant 128 : i32
      %dma_start3A_150 = arith.constant 0 : i32
      %dma_start3A_151 = tpu.memref_slice %arg8[%rem3A_114, %dma_start3A_149, %dma_start3A_150] : memref<2x256x32xf32, #tpu.memory_space<vmem>> -> memref<1x128x32xf32, #tpu.memory_space<vmem>>
      %dma_start3A_152 = tpu.memref_squeeze %dma_start3A_151 : memref<1x128x32xf32, #tpu.memory_space<vmem>> -> memref<128x32xf32, #tpu.memory_space<vmem>>
      %dma_start3A_153 = arith.constant 0 : i32
      %dma_start3A_154 = tpu.memref_slice %arg7[%rem3A_114, %dma_start3A_148, %dma_start3A_153] : memref<2x2x128xi32, #tpu.memory_space<vmem>> -> memref<1x1x128xi32, #tpu.memory_space<vmem>>
      %dma_start3A_155 = tpu.memref_squeeze %dma_start3A_154 : memref<1x1x128xi32, #tpu.memory_space<vmem>> -> memref<128xi32, #tpu.memory_space<vmem>>
      %dma_start3A_156 = arith.constant 0 : i32
      %dma_start3A_157 = arith.constant 0 : i32
      %dma_start3A_158 = tpu.memref_slice %arg5[%dma_start3A_156, %dma_start3A_157] : memref<50176x32xf32, #tpu.memory_space<vmem_shared>> -> memref<50176x32xf32, #tpu.memory_space<vmem_shared>>
      tpu.enqueue_indirect_dma source(%dma_start3A_152 : memref<128x32xf32, #tpu.memory_space<vmem>>) target(%dma_start3A_158 : memref<50176x32xf32, #tpu.memory_space<vmem_shared>>) offsets(%dma_start3A_155 : memref<128xi32, #tpu.memory_space<vmem>>) semaphore(%arg10 : memref<!tpu.dma_semaphore, #tpu.memory_space<semaphore_mem>>) {add = true}
      %scan3A_159 = arith.constant 0 : i32
      scf.yield %scan3A_159 : i32
    }
    %scan3A_92 = arith.constant 196 : i32
    %rem3A = arith.constant 195 : i32
    %rem3A_93 = arith.constant 2 : i32
    %rem3A_94 = arith.remsi %rem3A, %rem3A_93 : i32
    %dma_wait3A = arith.constant 0 : i32
    %dma_wait3A_95 = arith.constant 0 : i32
    %dma_wait3A_96 = tpu.memref_slice %arg8[%rem3A_94, %dma_wait3A, %dma_wait3A_95] : memref<2x256x32xf32, #tpu.memory_space<vmem>> -> memref<1x256x32xf32, #tpu.memory_space<vmem>>
    %dma_wait3A_97 = tpu.memref_squeeze %dma_wait3A_96 : memref<1x256x32xf32, #tpu.memory_space<vmem>> -> memref<256x32xf32, #tpu.memory_space<vmem>>
    %dma_wait3A_98 = arith.constant 0 : i32
    %dma_wait3A_99 = arith.constant 0 : i32
    %dma_wait3A_100 = tpu.memref_slice %arg3[%dma_wait3A_98, %dma_wait3A_99] : memref<200704x32xf32, #tpu.memory_space<hbm>> -> memref<256x32xf32, #tpu.memory_space<hbm>>
    %dma_wait3A_101 = arith.constant 0 : i32
    %dma_wait3A_102 = arith.constant 0 : i32
    %dma_wait3A_103 = tpu.memref_slice %arg8[%rem3A_94, %dma_wait3A_101, %dma_wait3A_102] : memref<2x256x32xf32, #tpu.memory_space<vmem>> -> memref<1x256x32xf32, #tpu.memory_space<vmem>>
    %dma_wait3A_104 = tpu.memref_squeeze %dma_wait3A_103 : memref<1x256x32xf32, #tpu.memory_space<vmem>> -> memref<256x32xf32, #tpu.memory_space<vmem>>
    %dma_wait3A_105 = arith.constant 0 : i32
    %dma_wait3A_106 = arith.constant 0 : i32
    %dma_wait3A_107 = tpu.memref_slice %arg3[%dma_wait3A_105, %dma_wait3A_106] : memref<200704x32xf32, #tpu.memory_space<hbm>> -> memref<256x32xf32, #tpu.memory_space<hbm>>
    tpu.wait_dma2 semaphore(%arg10 : memref<!tpu.dma_semaphore, #tpu.memory_space<semaphore_mem>>) src(%dma_wait3A_107 : memref<256x32xf32, #tpu.memory_space<hbm>>) dst(%dma_wait3A_104 : memref<256x32xf32, #tpu.memory_space<vmem>>)
    %barrier3A_108 = arith.constant 0 : index
    tpu.barrier barrier_id(%barrier3A_108)
    %mul3A_109 = arith.constant 32 : i32
    %mul3A_110 = arith.muli %add3A_3, %mul3A_109 : i32
    "tpu.region"() ({
      %run_scoped3A_111 = tpu.sem_alloc : memref<!tpu.dma_semaphore, #tpu.memory_space<semaphore_mem>>
      %dma_start3A_112 = tpu.memref_slice %arg4[%mul3A_0, %mul3A_110] : memref<50176x128xf32, #tpu.memory_space<hbm>> -> memref<3136x32xf32, #tpu.memory_space<hbm>>
      %dma_start3A_113 = arith.constant 0 : i32
      %dma_start3A_114 = tpu.memref_slice %arg5[%mul3A_0, %dma_start3A_113] : memref<50176x32xf32, #tpu.memory_space<vmem_shared>> -> memref<3136x32xf32, #tpu.memory_space<vmem_shared>>
      tpu.enqueue_dma source(%dma_start3A_114 : memref<3136x32xf32, #tpu.memory_space<vmem_shared>>) target(%dma_start3A_112 : memref<3136x32xf32, #tpu.memory_space<hbm>>) target_semaphore(%run_scoped3A_111 : memref<!tpu.dma_semaphore, #tpu.memory_space<semaphore_mem>>)
      %dma_wait3A_115 = tpu.memref_slice %arg4[%mul3A_0, %mul3A_110] : memref<50176x128xf32, #tpu.memory_space<hbm>> -> memref<3136x32xf32, #tpu.memory_space<hbm>>
      %dma_wait3A_116 = arith.constant 0 : i32
      %dma_wait3A_117 = tpu.memref_slice %arg5[%mul3A_0, %dma_wait3A_116] : memref<50176x32xf32, #tpu.memory_space<vmem_shared>> -> memref<3136x32xf32, #tpu.memory_space<vmem_shared>>
      tpu.wait_dma2 semaphore(%run_scoped3A_111 : memref<!tpu.dma_semaphore, #tpu.memory_space<semaphore_mem>>) src(%dma_wait3A_117 : memref<3136x32xf32, #tpu.memory_space<vmem_shared>>) dst(%dma_wait3A_115 : memref<3136x32xf32, #tpu.memory_space<hbm>>)
      tpu.yield
    }) : () -> ()
    return
  }
}

#map = affine_map<(d0, d1) -> (0, 0)>
module attributes {stable_mosaic.version = 14 : i64} {
  func.func @body(%arg0: i32, %arg1: i32, %arg2: memref<6272x128xi32, #tpu.memory_space<hbm>>, %arg3: memref<50176x128xf32, #tpu.memory_space<hbm>>, %arg4: memref<50176x16xf32, #tpu.memory_space<vmem_shared>>, %arg5: memref<2x7x128xi32, #tpu.memory_space<vmem>>, %arg6: memref<2x7x128xi32, #tpu.memory_space<vmem>>, %arg7: memref<2x896x16xf32, #tpu.memory_space<vmem>>, %arg8: memref<!tpu.dma_semaphore, #tpu.memory_space<semaphore_mem>>, %arg9: memref<!tpu.dma_semaphore, #tpu.memory_space<semaphore_mem>>) attributes {dimension_semantics = [#tpu.dimension_semantics<core_parallel>, #tpu.dimension_semantics<subcore_parallel>], iteration_bounds = array<i64: 2, 16>, scalar_prefetch = 0 : i64, scratch_operands = 6 : i64, tpu.core_type = #tpu.core_type<sc_vector_subcore>, window_params = [{transform_indices = #map}, {transform_indices = #map}]} {
    %mul3A = arith.constant 3136 : i32
    %mul3A_0 = arith.muli %arg1, %mul3A : i32
    %mul3A_1 = arith.constant 1 : i32
    %mul3A_2 = arith.muli %arg0, %mul3A_1 : i32
    %add3A = arith.constant 0 : i32
    %add3A_3 = arith.addi %mul3A_2, %add3A : i32
    %mul3A_4 = arith.constant 16 : i32
    %mul3A_5 = arith.muli %arg0, %mul3A_4 : i32
    %add3A_6 = arith.addi %mul3A_5, %arg1 : i32
    %mul3A_7 = arith.constant 196 : i32
    %mul3A_8 = arith.muli %add3A_6, %mul3A_7 : i32
    %broadcast_in_dim3A = arith.constant 0.000000e+00 : f32
    %broadcast_in_dim3A_9 = vector.broadcast %broadcast_in_dim3A : f32 to vector<16xf32>
    %scan3A = arith.constant 0 : i32
    %scan3A_10 = arith.constant 0 : i32
    %scan3A_11 = arith.constant 896 : i32
    %scan3A_12 = arith.addi %scan3A_10, %scan3A_11 : i32
    %scan3A_13 = arith.constant 1 : i32
    %scan3A_14 = scf.for %scan3A_70 = %scan3A_10 to %scan3A_12 step %scan3A_13 iter_args(%scan3A_71 = %scan3A) -> (i32)  : i32 {
      %jit3A = arith.constant 1 : i32
      %div3A = arith.divsi %scan3A_70, %jit3A : i32
      %sign3A = arith.constant 0 : i32
      %sign3A_72 = arith.cmpi sgt, %scan3A_70, %sign3A : i32
      %sign3A_73 = arith.extui %sign3A_72 : i1 to i32
      %sign3A_74 = arith.constant 0 : i32
      %sign3A_75 = arith.cmpi slt, %scan3A_70, %sign3A_74 : i32
      %sign3A_76 = arith.extui %sign3A_75 : i1 to i32
      %sign3A_77 = arith.subi %sign3A_73, %sign3A_76 : i32
      %sign3A_78 = arith.constant 0 : i32
      %sign3A_79 = arith.cmpi sgt, %jit3A, %sign3A_78 : i32
      %sign3A_80 = arith.extui %sign3A_79 : i1 to i32
      %sign3A_81 = arith.constant 0 : i32
      %sign3A_82 = arith.cmpi slt, %jit3A, %sign3A_81 : i32
      %sign3A_83 = arith.extui %sign3A_82 : i1 to i32
      %sign3A_84 = arith.subi %sign3A_80, %sign3A_83 : i32
      %ne3A = arith.cmpi ne, %sign3A_77, %sign3A_84 : i32
      %rem3A = arith.remsi %scan3A_70, %jit3A : i32
      %ne3A_85 = arith.constant 0 : i32
      %ne3A_86 = arith.cmpi ne, %rem3A, %ne3A_85 : i32
      %and3A = arith.andi %ne3A, %ne3A_86 : i1
      %sub3A = arith.constant 1 : i32
      %sub3A_87 = arith.subi %div3A, %sub3A : i32
      %select_n3A = arith.select %and3A, %sub3A_87, %div3A : i32
      %jit3A_88 = arith.constant 1 : i32
      %eq3A = arith.constant 0 : i32
      %eq3A_89 = arith.cmpi eq, %jit3A_88, %eq3A : i32
      %jit3A_90 = arith.constant 1 : i32
      %select_n3A_91 = arith.select %eq3A_89, %jit3A_90, %jit3A_88 : i32
      %rem3A_92 = arith.remsi %scan3A_70, %select_n3A_91 : i32
      %ne3A_93 = arith.constant 0 : i32
      %ne3A_94 = arith.cmpi ne, %rem3A_92, %ne3A_93 : i32
      %lt3A = arith.constant 0 : i32
      %lt3A_95 = arith.cmpi slt, %rem3A_92, %lt3A : i32
      %lt3A_96 = arith.constant 0 : i32
      %lt3A_97 = arith.cmpi slt, %select_n3A_91, %lt3A_96 : i32
      %ne3A_98 = arith.xori %lt3A_95, %lt3A_97 : i1
      %and3A_99 = arith.andi %ne3A_98, %ne3A_94 : i1
      %add3A_100 = arith.addi %rem3A_92, %select_n3A_91 : i32
      %select_n3A_101 = arith.select %and3A_99, %add3A_100, %rem3A_92 : i32
      %mul3A_102 = arith.constant 16 : i32
      %mul3A_103 = arith.muli %select_n3A_101, %mul3A_102 : i32
      %swap3A = arith.constant 0 : i32
      %swap3A_104 = arith.index_cast %swap3A : i32 to index
      %swap3A_105 = arith.index_cast %select_n3A : i32 to index
      %swap3A_106 = arith.index_cast %mul3A_103 : i32 to index
      %swap3A_107 = tpu.vector_load %arg7[%swap3A_104, %swap3A_105, %swap3A_106] {strides = array<i32>} : memref<2x896x16xf32, #tpu.memory_space<vmem>>, vector<1x1x16xf32>,
      %swap3A_108 = vector.shape_cast %swap3A_107 : vector<1x1x16xf32> to vector<16xf32>
      %swap3A_109 = vector.shape_cast %broadcast_in_dim3A_9 : vector<16xf32> to vector<1x1x16xf32>
      tpu.vector_store %arg7[%swap3A_104, %swap3A_105, %swap3A_106], %swap3A_109 {strides = array<i32>} : memref<2x896x16xf32, #tpu.memory_space<vmem>>, vector<1x1x16xf32>,
      %scan3A_110 = arith.constant 0 : i32
      scf.yield %scan3A_110 : i32
    }
    %scan3A_15 = arith.constant 896 : i32
    %add3A_16 = arith.constant 0 : i32
    %add3A_17 = arith.addi %mul3A_0, %add3A_16 : i32
    %run_scoped3A = arith.constant 0 : i32
    "tpu.region"() ({
      %run_scoped3A_70 = tpu.sem_alloc : memref<!tpu.dma_semaphore, #tpu.memory_space<semaphore_mem>>
      %dma_start3A = arith.constant 0 : i32
      %dma_start3A_71 = arith.constant 0 : i32
      %dma_start3A_72 = tpu.memref_slice %arg7[%run_scoped3A, %dma_start3A, %dma_start3A_71] : memref<2x896x16xf32, #tpu.memory_space<vmem>> -> memref<1x896x16xf32, #tpu.memory_space<vmem>>
      %dma_start3A_73 = tpu.memref_squeeze %dma_start3A_72 : memref<1x896x16xf32, #tpu.memory_space<vmem>> -> memref<896x16xf32, #tpu.memory_space<vmem>>
      %dma_start3A_74 = arith.constant 0 : i32
      %dma_start3A_75 = tpu.memref_slice %arg4[%add3A_17, %dma_start3A_74] : memref<50176x16xf32, #tpu.memory_space<vmem_shared>> -> memref<896x16xf32, #tpu.memory_space<vmem_shared>>
      %dma_start3A_76 = arith.constant 0 : i32
      %dma_start3A_77 = tpu.memref_slice %arg4[%add3A_17, %dma_start3A_76] : memref<50176x16xf32, #tpu.memory_space<vmem_shared>> -> memref<896x16xf32, #tpu.memory_space<vmem_shared>>
      %dma_start3A_78 = arith.constant 0 : i32
      %dma_start3A_79 = arith.constant 0 : i32
      %dma_start3A_80 = tpu.memref_slice %arg7[%run_scoped3A, %dma_start3A_78, %dma_start3A_79] : memref<2x896x16xf32, #tpu.memory_space<vmem>> -> memref<1x896x16xf32, #tpu.memory_space<vmem>>
      %dma_start3A_81 = tpu.memref_squeeze %dma_start3A_80 : memref<1x896x16xf32, #tpu.memory_space<vmem>> -> memref<896x16xf32, #tpu.memory_space<vmem>>
      tpu.enqueue_dma source(%dma_start3A_81 : memref<896x16xf32, #tpu.memory_space<vmem>>) target(%dma_start3A_77 : memref<896x16xf32, #tpu.memory_space<vmem_shared>>) target_semaphore(%run_scoped3A_70 : memref<!tpu.dma_semaphore, #tpu.memory_space<semaphore_mem>>)
      %dma_wait3A_82 = arith.constant 0 : i32
      %dma_wait3A_83 = arith.constant 0 : i32
      %dma_wait3A_84 = tpu.memref_slice %arg7[%run_scoped3A, %dma_wait3A_82, %dma_wait3A_83] : memref<2x896x16xf32, #tpu.memory_space<vmem>> -> memref<1x896x16xf32, #tpu.memory_space<vmem>>
      %dma_wait3A_85 = tpu.memref_squeeze %dma_wait3A_84 : memref<1x896x16xf32, #tpu.memory_space<vmem>> -> memref<896x16xf32, #tpu.memory_space<vmem>>
      %dma_wait3A_86 = arith.constant 0 : i32
      %dma_wait3A_87 = tpu.memref_slice %arg4[%add3A_17, %dma_wait3A_86] : memref<50176x16xf32, #tpu.memory_space<vmem_shared>> -> memref<896x16xf32, #tpu.memory_space<vmem_shared>>
      %dma_wait3A_88 = arith.constant 0 : i32
      %dma_wait3A_89 = tpu.memref_slice %arg4[%add3A_17, %dma_wait3A_88] : memref<50176x16xf32, #tpu.memory_space<vmem_shared>> -> memref<896x16xf32, #tpu.memory_space<vmem_shared>>
      %dma_wait3A_90 = arith.constant 0 : i32
      %dma_wait3A_91 = arith.constant 0 : i32
      %dma_wait3A_92 = tpu.memref_slice %arg7[%run_scoped3A, %dma_wait3A_90, %dma_wait3A_91] : memref<2x896x16xf32, #tpu.memory_space<vmem>> -> memref<1x896x16xf32, #tpu.memory_space<vmem>>
      %dma_wait3A_93 = tpu.memref_squeeze %dma_wait3A_92 : memref<1x896x16xf32, #tpu.memory_space<vmem>> -> memref<896x16xf32, #tpu.memory_space<vmem>>
      tpu.wait_dma2 semaphore(%run_scoped3A_70 : memref<!tpu.dma_semaphore, #tpu.memory_space<semaphore_mem>>) src(%dma_wait3A_93 : memref<896x16xf32, #tpu.memory_space<vmem>>) dst(%dma_wait3A_89 : memref<896x16xf32, #tpu.memory_space<vmem_shared>>)
      tpu.yield
    }) : () -> ()
    %add3A_18 = arith.constant 896 : i32
    %add3A_19 = arith.addi %mul3A_0, %add3A_18 : i32
    %run_scoped3A_20 = arith.constant 0 : i32
    "tpu.region"() ({
      %run_scoped3A_70 = tpu.sem_alloc : memref<!tpu.dma_semaphore, #tpu.memory_space<semaphore_mem>>
      %dma_start3A = arith.constant 0 : i32
      %dma_start3A_71 = arith.constant 0 : i32
      %dma_start3A_72 = tpu.memref_slice %arg7[%run_scoped3A_20, %dma_start3A, %dma_start3A_71] : memref<2x896x16xf32, #tpu.memory_space<vmem>> -> memref<1x896x16xf32, #tpu.memory_space<vmem>>
      %dma_start3A_73 = tpu.memref_squeeze %dma_start3A_72 : memref<1x896x16xf32, #tpu.memory_space<vmem>> -> memref<896x16xf32, #tpu.memory_space<vmem>>
      %dma_start3A_74 = arith.constant 0 : i32
      %dma_start3A_75 = tpu.memref_slice %arg4[%add3A_19, %dma_start3A_74] : memref<50176x16xf32, #tpu.memory_space<vmem_shared>> -> memref<896x16xf32, #tpu.memory_space<vmem_shared>>
      %dma_start3A_76 = arith.constant 0 : i32
      %dma_start3A_77 = tpu.memref_slice %arg4[%add3A_19, %dma_start3A_76] : memref<50176x16xf32, #tpu.memory_space<vmem_shared>> -> memref<896x16xf32, #tpu.memory_space<vmem_shared>>
      %dma_start3A_78 = arith.constant 0 : i32
      %dma_start3A_79 = arith.constant 0 : i32
      %dma_start3A_80 = tpu.memref_slice %arg7[%run_scoped3A_20, %dma_start3A_78, %dma_start3A_79] : memref<2x896x16xf32, #tpu.memory_space<vmem>> -> memref<1x896x16xf32, #tpu.memory_space<vmem>>
      %dma_start3A_81 = tpu.memref_squeeze %dma_start3A_80 : memref<1x896x16xf32, #tpu.memory_space<vmem>> -> memref<896x16xf32, #tpu.memory_space<vmem>>
      tpu.enqueue_dma source(%dma_start3A_81 : memref<896x16xf32, #tpu.memory_space<vmem>>) target(%dma_start3A_77 : memref<896x16xf32, #tpu.memory_space<vmem_shared>>) target_semaphore(%run_scoped3A_70 : memref<!tpu.dma_semaphore, #tpu.memory_space<semaphore_mem>>)
      %dma_wait3A_82 = arith.constant 0 : i32
      %dma_wait3A_83 = arith.constant 0 : i32
      %dma_wait3A_84 = tpu.memref_slice %arg7[%run_scoped3A_20, %dma_wait3A_82, %dma_wait3A_83] : memref<2x896x16xf32, #tpu.memory_space<vmem>> -> memref<1x896x16xf32, #tpu.memory_space<vmem>>
      %dma_wait3A_85 = tpu.memref_squeeze %dma_wait3A_84 : memref<1x896x16xf32, #tpu.memory_space<vmem>> -> memref<896x16xf32, #tpu.memory_space<vmem>>
      %dma_wait3A_86 = arith.constant 0 : i32
      %dma_wait3A_87 = tpu.memref_slice %arg4[%add3A_19, %dma_wait3A_86] : memref<50176x16xf32, #tpu.memory_space<vmem_shared>> -> memref<896x16xf32, #tpu.memory_space<vmem_shared>>
      %dma_wait3A_88 = arith.constant 0 : i32
      %dma_wait3A_89 = tpu.memref_slice %arg4[%add3A_19, %dma_wait3A_88] : memref<50176x16xf32, #tpu.memory_space<vmem_shared>> -> memref<896x16xf32, #tpu.memory_space<vmem_shared>>
      %dma_wait3A_90 = arith.constant 0 : i32
      %dma_wait3A_91 = arith.constant 0 : i32
      %dma_wait3A_92 = tpu.memref_slice %arg7[%run_scoped3A_20, %dma_wait3A_90, %dma_wait3A_91] : memref<2x896x16xf32, #tpu.memory_space<vmem>> -> memref<1x896x16xf32, #tpu.memory_space<vmem>>
      %dma_wait3A_93 = tpu.memref_squeeze %dma_wait3A_92 : memref<1x896x16xf32, #tpu.memory_space<vmem>> -> memref<896x16xf32, #tpu.memory_space<vmem>>
      tpu.wait_dma2 semaphore(%run_scoped3A_70 : memref<!tpu.dma_semaphore, #tpu.memory_space<semaphore_mem>>) src(%dma_wait3A_93 : memref<896x16xf32, #tpu.memory_space<vmem>>) dst(%dma_wait3A_89 : memref<896x16xf32, #tpu.memory_space<vmem_shared>>)
      tpu.yield
    }) : () -> ()
    %add3A_21 = arith.constant 1792 : i32
    %add3A_22 = arith.addi %mul3A_0, %add3A_21 : i32
    %run_scoped3A_23 = arith.constant 0 : i32
    "tpu.region"() ({
      %run_scoped3A_70 = tpu.sem_alloc : memref<!tpu.dma_semaphore, #tpu.memory_space<semaphore_mem>>
      %dma_start3A = arith.constant 0 : i32
      %dma_start3A_71 = arith.constant 0 : i32
      %dma_start3A_72 = tpu.memref_slice %arg7[%run_scoped3A_23, %dma_start3A, %dma_start3A_71] : memref<2x896x16xf32, #tpu.memory_space<vmem>> -> memref<1x896x16xf32, #tpu.memory_space<vmem>>
      %dma_start3A_73 = tpu.memref_squeeze %dma_start3A_72 : memref<1x896x16xf32, #tpu.memory_space<vmem>> -> memref<896x16xf32, #tpu.memory_space<vmem>>
      %dma_start3A_74 = arith.constant 0 : i32
      %dma_start3A_75 = tpu.memref_slice %arg4[%add3A_22, %dma_start3A_74] : memref<50176x16xf32, #tpu.memory_space<vmem_shared>> -> memref<896x16xf32, #tpu.memory_space<vmem_shared>>
      %dma_start3A_76 = arith.constant 0 : i32
      %dma_start3A_77 = tpu.memref_slice %arg4[%add3A_22, %dma_start3A_76] : memref<50176x16xf32, #tpu.memory_space<vmem_shared>> -> memref<896x16xf32, #tpu.memory_space<vmem_shared>>
      %dma_start3A_78 = arith.constant 0 : i32
      %dma_start3A_79 = arith.constant 0 : i32
      %dma_start3A_80 = tpu.memref_slice %arg7[%run_scoped3A_23, %dma_start3A_78, %dma_start3A_79] : memref<2x896x16xf32, #tpu.memory_space<vmem>> -> memref<1x896x16xf32, #tpu.memory_space<vmem>>
      %dma_start3A_81 = tpu.memref_squeeze %dma_start3A_80 : memref<1x896x16xf32, #tpu.memory_space<vmem>> -> memref<896x16xf32, #tpu.memory_space<vmem>>
      tpu.enqueue_dma source(%dma_start3A_81 : memref<896x16xf32, #tpu.memory_space<vmem>>) target(%dma_start3A_77 : memref<896x16xf32, #tpu.memory_space<vmem_shared>>) target_semaphore(%run_scoped3A_70 : memref<!tpu.dma_semaphore, #tpu.memory_space<semaphore_mem>>)
      %dma_wait3A_82 = arith.constant 0 : i32
      %dma_wait3A_83 = arith.constant 0 : i32
      %dma_wait3A_84 = tpu.memref_slice %arg7[%run_scoped3A_23, %dma_wait3A_82, %dma_wait3A_83] : memref<2x896x16xf32, #tpu.memory_space<vmem>> -> memref<1x896x16xf32, #tpu.memory_space<vmem>>
      %dma_wait3A_85 = tpu.memref_squeeze %dma_wait3A_84 : memref<1x896x16xf32, #tpu.memory_space<vmem>> -> memref<896x16xf32, #tpu.memory_space<vmem>>
      %dma_wait3A_86 = arith.constant 0 : i32
      %dma_wait3A_87 = tpu.memref_slice %arg4[%add3A_22, %dma_wait3A_86] : memref<50176x16xf32, #tpu.memory_space<vmem_shared>> -> memref<896x16xf32, #tpu.memory_space<vmem_shared>>
      %dma_wait3A_88 = arith.constant 0 : i32
      %dma_wait3A_89 = tpu.memref_slice %arg4[%add3A_22, %dma_wait3A_88] : memref<50176x16xf32, #tpu.memory_space<vmem_shared>> -> memref<896x16xf32, #tpu.memory_space<vmem_shared>>
      %dma_wait3A_90 = arith.constant 0 : i32
      %dma_wait3A_91 = arith.constant 0 : i32
      %dma_wait3A_92 = tpu.memref_slice %arg7[%run_scoped3A_23, %dma_wait3A_90, %dma_wait3A_91] : memref<2x896x16xf32, #tpu.memory_space<vmem>> -> memref<1x896x16xf32, #tpu.memory_space<vmem>>
      %dma_wait3A_93 = tpu.memref_squeeze %dma_wait3A_92 : memref<1x896x16xf32, #tpu.memory_space<vmem>> -> memref<896x16xf32, #tpu.memory_space<vmem>>
      tpu.wait_dma2 semaphore(%run_scoped3A_70 : memref<!tpu.dma_semaphore, #tpu.memory_space<semaphore_mem>>) src(%dma_wait3A_93 : memref<896x16xf32, #tpu.memory_space<vmem>>) dst(%dma_wait3A_89 : memref<896x16xf32, #tpu.memory_space<vmem_shared>>)
      tpu.yield
    }) : () -> ()
    %add3A_24 = arith.constant 2688 : i32
    %add3A_25 = arith.addi %mul3A_0, %add3A_24 : i32
    %run_scoped3A_26 = arith.constant 0 : i32
    "tpu.region"() ({
      %run_scoped3A_70 = tpu.sem_alloc : memref<!tpu.dma_semaphore, #tpu.memory_space<semaphore_mem>>
      %dma_start3A = arith.constant 0 : i32
      %dma_start3A_71 = arith.constant 0 : i32
      %dma_start3A_72 = tpu.memref_slice %arg7[%run_scoped3A_26, %dma_start3A, %dma_start3A_71] : memref<2x896x16xf32, #tpu.memory_space<vmem>> -> memref<1x448x16xf32, #tpu.memory_space<vmem>>
      %dma_start3A_73 = tpu.memref_squeeze %dma_start3A_72 : memref<1x448x16xf32, #tpu.memory_space<vmem>> -> memref<448x16xf32, #tpu.memory_space<vmem>>
      %dma_start3A_74 = arith.constant 0 : i32
      %dma_start3A_75 = tpu.memref_slice %arg4[%add3A_25, %dma_start3A_74] : memref<50176x16xf32, #tpu.memory_space<vmem_shared>> -> memref<448x16xf32, #tpu.memory_space<vmem_shared>>
      %dma_start3A_76 = arith.constant 0 : i32
      %dma_start3A_77 = tpu.memref_slice %arg4[%add3A_25, %dma_start3A_76] : memref<50176x16xf32, #tpu.memory_space<vmem_shared>> -> memref<448x16xf32, #tpu.memory_space<vmem_shared>>
      %dma_start3A_78 = arith.constant 0 : i32
      %dma_start3A_79 = arith.constant 0 : i32
      %dma_start3A_80 = tpu.memref_slice %arg7[%run_scoped3A_26, %dma_start3A_78, %dma_start3A_79] : memref<2x896x16xf32, #tpu.memory_space<vmem>> -> memref<1x448x16xf32, #tpu.memory_space<vmem>>
      %dma_start3A_81 = tpu.memref_squeeze %dma_start3A_80 : memref<1x448x16xf32, #tpu.memory_space<vmem>> -> memref<448x16xf32, #tpu.memory_space<vmem>>
      tpu.enqueue_dma source(%dma_start3A_81 : memref<448x16xf32, #tpu.memory_space<vmem>>) target(%dma_start3A_77 : memref<448x16xf32, #tpu.memory_space<vmem_shared>>) target_semaphore(%run_scoped3A_70 : memref<!tpu.dma_semaphore, #tpu.memory_space<semaphore_mem>>)
      %dma_wait3A_82 = arith.constant 0 : i32
      %dma_wait3A_83 = arith.constant 0 : i32
      %dma_wait3A_84 = tpu.memref_slice %arg7[%run_scoped3A_26, %dma_wait3A_82, %dma_wait3A_83] : memref<2x896x16xf32, #tpu.memory_space<vmem>> -> memref<1x448x16xf32, #tpu.memory_space<vmem>>
      %dma_wait3A_85 = tpu.memref_squeeze %dma_wait3A_84 : memref<1x448x16xf32, #tpu.memory_space<vmem>> -> memref<448x16xf32, #tpu.memory_space<vmem>>
      %dma_wait3A_86 = arith.constant 0 : i32
      %dma_wait3A_87 = tpu.memref_slice %arg4[%add3A_25, %dma_wait3A_86] : memref<50176x16xf32, #tpu.memory_space<vmem_shared>> -> memref<448x16xf32, #tpu.memory_space<vmem_shared>>
      %dma_wait3A_88 = arith.constant 0 : i32
      %dma_wait3A_89 = tpu.memref_slice %arg4[%add3A_25, %dma_wait3A_88] : memref<50176x16xf32, #tpu.memory_space<vmem_shared>> -> memref<448x16xf32, #tpu.memory_space<vmem_shared>>
      %dma_wait3A_90 = arith.constant 0 : i32
      %dma_wait3A_91 = arith.constant 0 : i32
      %dma_wait3A_92 = tpu.memref_slice %arg7[%run_scoped3A_26, %dma_wait3A_90, %dma_wait3A_91] : memref<2x896x16xf32, #tpu.memory_space<vmem>> -> memref<1x448x16xf32, #tpu.memory_space<vmem>>
      %dma_wait3A_93 = tpu.memref_squeeze %dma_wait3A_92 : memref<1x448x16xf32, #tpu.memory_space<vmem>> -> memref<448x16xf32, #tpu.memory_space<vmem>>
      tpu.wait_dma2 semaphore(%run_scoped3A_70 : memref<!tpu.dma_semaphore, #tpu.memory_space<semaphore_mem>>) src(%dma_wait3A_93 : memref<448x16xf32, #tpu.memory_space<vmem>>) dst(%dma_wait3A_89 : memref<448x16xf32, #tpu.memory_space<vmem_shared>>)
      tpu.yield
    }) : () -> ()
    %broadcast_in_dim3A_27 = arith.constant 1.000000e+00 : f32
    %broadcast_in_dim3A_28 = vector.broadcast %broadcast_in_dim3A_27 : f32 to vector<16xf32>
    %scan3A_29 = arith.constant 0 : i32
    %scan3A_30 = arith.constant 0 : i32
    %scan3A_31 = arith.constant 896 : i32
    %scan3A_32 = arith.addi %scan3A_30, %scan3A_31 : i32
    %scan3A_33 = arith.constant 1 : i32
    %scan3A_34 = scf.for %scan3A_70 = %scan3A_30 to %scan3A_32 step %scan3A_33 iter_args(%scan3A_71 = %scan3A_29) -> (i32)  : i32 {
      %jit3A = arith.constant 1 : i32
      %div3A = arith.divsi %scan3A_70, %jit3A : i32
      %sign3A = arith.constant 0 : i32
      %sign3A_72 = arith.cmpi sgt, %scan3A_70, %sign3A : i32
      %sign3A_73 = arith.extui %sign3A_72 : i1 to i32
      %sign3A_74 = arith.constant 0 : i32
      %sign3A_75 = arith.cmpi slt, %scan3A_70, %sign3A_74 : i32
      %sign3A_76 = arith.extui %sign3A_75 : i1 to i32
      %sign3A_77 = arith.subi %sign3A_73, %sign3A_76 : i32
      %sign3A_78 = arith.constant 0 : i32
      %sign3A_79 = arith.cmpi sgt, %jit3A, %sign3A_78 : i32
      %sign3A_80 = arith.extui %sign3A_79 : i1 to i32
      %sign3A_81 = arith.constant 0 : i32
      %sign3A_82 = arith.cmpi slt, %jit3A, %sign3A_81 : i32
      %sign3A_83 = arith.extui %sign3A_82 : i1 to i32
      %sign3A_84 = arith.subi %sign3A_80, %sign3A_83 : i32
      %ne3A = arith.cmpi ne, %sign3A_77, %sign3A_84 : i32
      %rem3A = arith.remsi %scan3A_70, %jit3A : i32
      %ne3A_85 = arith.constant 0 : i32
      %ne3A_86 = arith.cmpi ne, %rem3A, %ne3A_85 : i32
      %and3A = arith.andi %ne3A, %ne3A_86 : i1
      %sub3A = arith.constant 1 : i32
      %sub3A_87 = arith.subi %div3A, %sub3A : i32
      %select_n3A = arith.select %and3A, %sub3A_87, %div3A : i32
      %jit3A_88 = arith.constant 1 : i32
      %eq3A = arith.constant 0 : i32
      %eq3A_89 = arith.cmpi eq, %jit3A_88, %eq3A : i32
      %jit3A_90 = arith.constant 1 : i32
      %select_n3A_91 = arith.select %eq3A_89, %jit3A_90, %jit3A_88 : i32
      %rem3A_92 = arith.remsi %scan3A_70, %select_n3A_91 : i32
      %ne3A_93 = arith.constant 0 : i32
      %ne3A_94 = arith.cmpi ne, %rem3A_92, %ne3A_93 : i32
      %lt3A = arith.constant 0 : i32
      %lt3A_95 = arith.cmpi slt, %rem3A_92, %lt3A : i32
      %lt3A_96 = arith.constant 0 : i32
      %lt3A_97 = arith.cmpi slt, %select_n3A_91, %lt3A_96 : i32
      %ne3A_98 = arith.xori %lt3A_95, %lt3A_97 : i1
      %and3A_99 = arith.andi %ne3A_98, %ne3A_94 : i1
      %add3A_100 = arith.addi %rem3A_92, %select_n3A_91 : i32
      %select_n3A_101 = arith.select %and3A_99, %add3A_100, %rem3A_92 : i32
      %mul3A_102 = arith.constant 16 : i32
      %mul3A_103 = arith.muli %select_n3A_101, %mul3A_102 : i32
      %swap3A = arith.constant 0 : i32
      %swap3A_104 = arith.index_cast %swap3A : i32 to index
      %swap3A_105 = arith.index_cast %select_n3A : i32 to index
      %swap3A_106 = arith.index_cast %mul3A_103 : i32 to index
      %swap3A_107 = tpu.vector_load %arg7[%swap3A_104, %swap3A_105, %swap3A_106] {strides = array<i32>} : memref<2x896x16xf32, #tpu.memory_space<vmem>>, vector<1x1x16xf32>,
      %swap3A_108 = vector.shape_cast %swap3A_107 : vector<1x1x16xf32> to vector<16xf32>
      %swap3A_109 = vector.shape_cast %broadcast_in_dim3A_28 : vector<16xf32> to vector<1x1x16xf32>
      tpu.vector_store %arg7[%swap3A_104, %swap3A_105, %swap3A_106], %swap3A_109 {strides = array<i32>} : memref<2x896x16xf32, #tpu.memory_space<vmem>>, vector<1x1x16xf32>,
      %scan3A_110 = arith.constant 0 : i32
      scf.yield %scan3A_110 : i32
    }
    %scan3A_35 = arith.constant 896 : i32
    %barrier3A = arith.constant 0 : index
    tpu.barrier barrier_id(%barrier3A)
    %add3A_36 = arith.constant 0 : i32
    %add3A_37 = arith.addi %mul3A_8, %add3A_36 : i32
    %run_scoped3A_38 = arith.constant 0 : i32
    "tpu.region"() ({
      %run_scoped3A_70 = tpu.sem_alloc : memref<!tpu.dma_semaphore, #tpu.memory_space<semaphore_mem>>
      %dma_start3A = arith.constant 0 : i32
      %dma_start3A_71 = arith.constant 0 : i32
      %dma_start3A_72 = tpu.memref_slice %arg6[%run_scoped3A_38, %dma_start3A, %dma_start3A_71] : memref<2x7x128xi32, #tpu.memory_space<vmem>> -> memref<1x7x128xi32, #tpu.memory_space<vmem>>
      %dma_start3A_73 = tpu.memref_squeeze %dma_start3A_72 : memref<1x7x128xi32, #tpu.memory_space<vmem>> -> memref<7x128xi32, #tpu.memory_space<vmem>>
      %dma_start3A_74 = arith.constant 0 : i32
      %dma_start3A_75 = tpu.memref_slice %arg2[%add3A_37, %dma_start3A_74] : memref<6272x128xi32, #tpu.memory_space<hbm>> -> memref<7x128xi32, #tpu.memory_space<hbm>>
      %dma_start3A_76 = arith.constant 0 : i32
      %dma_start3A_77 = arith.constant 0 : i32
      %dma_start3A_78 = tpu.memref_slice %arg6[%run_scoped3A_38, %dma_start3A_76, %dma_start3A_77] : memref<2x7x128xi32, #tpu.memory_space<vmem>> -> memref<1x7x128xi32, #tpu.memory_space<vmem>>
      %dma_start3A_79 = tpu.memref_squeeze %dma_start3A_78 : memref<1x7x128xi32, #tpu.memory_space<vmem>> -> memref<7x128xi32, #tpu.memory_space<vmem>>
      %dma_start3A_80 = arith.constant 0 : i32
      %dma_start3A_81 = tpu.memref_slice %arg2[%add3A_37, %dma_start3A_80] : memref<6272x128xi32, #tpu.memory_space<hbm>> -> memref<7x128xi32, #tpu.memory_space<hbm>>
      tpu.enqueue_dma source(%dma_start3A_81 : memref<7x128xi32, #tpu.memory_space<hbm>>) target(%dma_start3A_79 : memref<7x128xi32, #tpu.memory_space<vmem>>) target_semaphore(%run_scoped3A_70 : memref<!tpu.dma_semaphore, #tpu.memory_space<semaphore_mem>>)
      %dma_wait3A_82 = arith.constant 0 : i32
      %dma_wait3A_83 = arith.constant 0 : i32
      %dma_wait3A_84 = tpu.memref_slice %arg6[%run_scoped3A_38, %dma_wait3A_82, %dma_wait3A_83] : memref<2x7x128xi32, #tpu.memory_space<vmem>> -> memref<1x7x128xi32, #tpu.memory_space<vmem>>
      %dma_wait3A_85 = tpu.memref_squeeze %dma_wait3A_84 : memref<1x7x128xi32, #tpu.memory_space<vmem>> -> memref<7x128xi32, #tpu.memory_space<vmem>>
      %dma_wait3A_86 = arith.constant 0 : i32
      %dma_wait3A_87 = tpu.memref_slice %arg2[%add3A_37, %dma_wait3A_86] : memref<6272x128xi32, #tpu.memory_space<hbm>> -> memref<7x128xi32, #tpu.memory_space<hbm>>
      %dma_wait3A_88 = arith.constant 0 : i32
      %dma_wait3A_89 = arith.constant 0 : i32
      %dma_wait3A_90 = tpu.memref_slice %arg6[%run_scoped3A_38, %dma_wait3A_88, %dma_wait3A_89] : memref<2x7x128xi32, #tpu.memory_space<vmem>> -> memref<1x7x128xi32, #tpu.memory_space<vmem>>
      %dma_wait3A_91 = tpu.memref_squeeze %dma_wait3A_90 : memref<1x7x128xi32, #tpu.memory_space<vmem>> -> memref<7x128xi32, #tpu.memory_space<vmem>>
      %dma_wait3A_92 = arith.constant 0 : i32
      %dma_wait3A_93 = tpu.memref_slice %arg2[%add3A_37, %dma_wait3A_92] : memref<6272x128xi32, #tpu.memory_space<hbm>> -> memref<7x128xi32, #tpu.memory_space<hbm>>
      tpu.wait_dma2 semaphore(%run_scoped3A_70 : memref<!tpu.dma_semaphore, #tpu.memory_space<semaphore_mem>>) src(%dma_wait3A_93 : memref<7x128xi32, #tpu.memory_space<hbm>>) dst(%dma_wait3A_91 : memref<7x128xi32, #tpu.memory_space<vmem>>)
      tpu.yield
    }) : () -> ()
    %scan3A_39 = arith.constant 0 : i32
    %scan3A_40 = arith.constant 0 : i32
    %scan3A_41 = arith.constant 56 : i32
    %scan3A_42 = arith.addi %scan3A_40, %scan3A_41 : i32
    %scan3A_43 = arith.constant 1 : i32
    %scan3A_44 = scf.for %scan3A_70 = %scan3A_40 to %scan3A_42 step %scan3A_43 iter_args(%scan3A_71 = %scan3A_39) -> (i32)  : i32 {
      %jit3A = arith.constant 8 : i32
      %div3A = arith.divsi %scan3A_70, %jit3A : i32
      %sign3A = arith.constant 0 : i32
      %sign3A_72 = arith.cmpi sgt, %scan3A_70, %sign3A : i32
      %sign3A_73 = arith.extui %sign3A_72 : i1 to i32
      %sign3A_74 = arith.constant 0 : i32
      %sign3A_75 = arith.cmpi slt, %scan3A_70, %sign3A_74 : i32
      %sign3A_76 = arith.extui %sign3A_75 : i1 to i32
      %sign3A_77 = arith.subi %sign3A_73, %sign3A_76 : i32
      %sign3A_78 = arith.constant 0 : i32
      %sign3A_79 = arith.cmpi sgt, %jit3A, %sign3A_78 : i32
      %sign3A_80 = arith.extui %sign3A_79 : i1 to i32
      %sign3A_81 = arith.constant 0 : i32
      %sign3A_82 = arith.cmpi slt, %jit3A, %sign3A_81 : i32
      %sign3A_83 = arith.extui %sign3A_82 : i1 to i32
      %sign3A_84 = arith.subi %sign3A_80, %sign3A_83 : i32
      %ne3A = arith.cmpi ne, %sign3A_77, %sign3A_84 : i32
      %rem3A = arith.remsi %scan3A_70, %jit3A : i32
      %ne3A_85 = arith.constant 0 : i32
      %ne3A_86 = arith.cmpi ne, %rem3A, %ne3A_85 : i32
      %and3A = arith.andi %ne3A, %ne3A_86 : i1
      %sub3A = arith.constant 1 : i32
      %sub3A_87 = arith.subi %div3A, %sub3A : i32
      %select_n3A = arith.select %and3A, %sub3A_87, %div3A : i32
      %jit3A_88 = arith.constant 8 : i32
      %eq3A = arith.constant 0 : i32
      %eq3A_89 = arith.cmpi eq, %jit3A_88, %eq3A : i32
      %jit3A_90 = arith.constant 1 : i32
      %select_n3A_91 = arith.select %eq3A_89, %jit3A_90, %jit3A_88 : i32
      %rem3A_92 = arith.remsi %scan3A_70, %select_n3A_91 : i32
      %ne3A_93 = arith.constant 0 : i32
      %ne3A_94 = arith.cmpi ne, %rem3A_92, %ne3A_93 : i32
      %lt3A = arith.constant 0 : i32
      %lt3A_95 = arith.cmpi slt, %rem3A_92, %lt3A : i32
      %lt3A_96 = arith.constant 0 : i32
      %lt3A_97 = arith.cmpi slt, %select_n3A_91, %lt3A_96 : i32
      %ne3A_98 = arith.xori %lt3A_95, %lt3A_97 : i1
      %and3A_99 = arith.andi %ne3A_98, %ne3A_94 : i1
      %add3A_100 = arith.addi %rem3A_92, %select_n3A_91 : i32
      %select_n3A_101 = arith.select %and3A_99, %add3A_100, %rem3A_92 : i32
      %mul3A_102 = arith.constant 16 : i32
      %mul3A_103 = arith.muli %select_n3A_101, %mul3A_102 : i32
      %get3A = arith.constant 0 : i32
      %get3A_104 = arith.index_cast %get3A : i32 to index
      %get3A_105 = arith.index_cast %select_n3A : i32 to index
      %get3A_106 = arith.index_cast %mul3A_103 : i32 to index
      %get3A_107 = tpu.vector_load %arg6[%get3A_104, %get3A_105, %get3A_106] {strides = array<i32>} : memref<2x7x128xi32, #tpu.memory_space<vmem>>, vector<1x1x16xi32>,
      %get3A_108 = vector.shape_cast %get3A_107 : vector<1x1x16xi32> to vector<16xi32>
      %shift_right_arithmetic3A = arith.constant 16 : i32
      %shift_right_arithmetic3A_109 = vector.broadcast %shift_right_arithmetic3A : i32 to vector<16xi32>
      %shift_right_arithmetic3A_110 = arith.shrsi %get3A_108, %shift_right_arithmetic3A_109 : vector<16xi32>
      %and3A_111 = arith.constant 65535 : i32
      %and3A_112 = vector.broadcast %and3A_111 : i32 to vector<16xi32>
      %and3A_113 = arith.andi %shift_right_arithmetic3A_110, %and3A_112 : vector<16xi32>
      %mul3A_114 = arith.constant 16 : i32
      %mul3A_115 = arith.muli %select_n3A_101, %mul3A_114 : i32
      %swap3A = arith.constant 0 : i32
      %swap3A_116 = arith.index_cast %swap3A : i32 to index
      %swap3A_117 = arith.index_cast %select_n3A : i32 to index
      %swap3A_118 = arith.index_cast %mul3A_115 : i32 to index
      %swap3A_119 = tpu.vector_load %arg6[%swap3A_116, %swap3A_117, %swap3A_118] {strides = array<i32>} : memref<2x7x128xi32, #tpu.memory_space<vmem>>, vector<1x1x16xi32>,
      %swap3A_120 = vector.shape_cast %swap3A_119 : vector<1x1x16xi32> to vector<16xi32>
      %swap3A_121 = vector.shape_cast %and3A_113 : vector<16xi32> to vector<1x1x16xi32>
      tpu.vector_store %arg6[%swap3A_116, %swap3A_117, %swap3A_118], %swap3A_121 {strides = array<i32>} : memref<2x7x128xi32, #tpu.memory_space<vmem>>, vector<1x1x16xi32>,
      %scan3A_122 = arith.constant 0 : i32
      scf.yield %scan3A_122 : i32
    }
    %scan3A_45 = arith.constant 56 : i32
    %scan3A_46 = arith.constant 0 : i32
    %scan3A_47 = arith.constant 0 : i32
    %scan3A_48 = arith.constant 28 : i32
    %scan3A_49 = arith.addi %scan3A_47, %scan3A_48 : i32
    %scan3A_50 = arith.constant 1 : i32
    %scan3A_51 = scf.for %scan3A_70 = %scan3A_47 to %scan3A_49 step %scan3A_50 iter_args(%scan3A_71 = %scan3A_46) -> (i32)  : i32 {
      %rem3A = arith.constant 2 : i32
      %rem3A_72 = arith.remsi %scan3A_70, %rem3A : i32
      %dma_start3A = arith.constant 0 : i32
      %dma_start3A_73 = arith.constant 0 : i32
      %dma_start3A_74 = arith.constant 0 : i32
      %dma_start3A_75 = arith.constant 0 : i32
      %dma_start3A_76 = tpu.memref_slice %arg7[%dma_start3A, %dma_start3A_74, %dma_start3A_75] : memref<2x896x16xf32, #tpu.memory_space<vmem>> -> memref<1x128x16xf32, #tpu.memory_space<vmem>>
      %dma_start3A_77 = tpu.memref_squeeze %dma_start3A_76 : memref<1x128x16xf32, #tpu.memory_space<vmem>> -> memref<128x16xf32, #tpu.memory_space<vmem>>
      %dma_start3A_78 = arith.constant 0 : i32
      %dma_start3A_79 = tpu.memref_slice %arg6[%rem3A_72, %dma_start3A_73, %dma_start3A_78] : memref<2x7x128xi32, #tpu.memory_space<vmem>> -> memref<1x1x128xi32, #tpu.memory_space<vmem>>
      %dma_start3A_80 = tpu.memref_squeeze %dma_start3A_79 : memref<1x1x128xi32, #tpu.memory_space<vmem>> -> memref<128xi32, #tpu.memory_space<vmem>>
      %dma_start3A_81 = arith.constant 0 : i32
      %dma_start3A_82 = arith.constant 0 : i32
      %dma_start3A_83 = tpu.memref_slice %arg4[%dma_start3A_81, %dma_start3A_82] : memref<50176x16xf32, #tpu.memory_space<vmem_shared>> -> memref<50176x16xf32, #tpu.memory_space<vmem_shared>>
      tpu.enqueue_indirect_dma source(%dma_start3A_77 : memref<128x16xf32, #tpu.memory_space<vmem>>) target(%dma_start3A_83 : memref<50176x16xf32, #tpu.memory_space<vmem_shared>>) offsets(%dma_start3A_80 : memref<128xi32, #tpu.memory_space<vmem>>) semaphore(%arg9 : memref<!tpu.dma_semaphore, #tpu.memory_space<semaphore_mem>>) {add = true}
      %dma_start3A_84 = arith.constant 0 : i32
      %dma_start3A_85 = arith.constant 1 : i32
      %dma_start3A_86 = arith.constant 128 : i32
      %dma_start3A_87 = arith.constant 0 : i32
      %dma_start3A_88 = tpu.memref_slice %arg7[%dma_start3A_84, %dma_start3A_86, %dma_start3A_87] : memref<2x896x16xf32, #tpu.memory_space<vmem>> -> memref<1x128x16xf32, #tpu.memory_space<vmem>>
      %dma_start3A_89 = tpu.memref_squeeze %dma_start3A_88 : memref<1x128x16xf32, #tpu.memory_space<vmem>> -> memref<128x16xf32, #tpu.memory_space<vmem>>
      %dma_start3A_90 = arith.constant 0 : i32
      %dma_start3A_91 = tpu.memref_slice %arg6[%rem3A_72, %dma_start3A_85, %dma_start3A_90] : memref<2x7x128xi32, #tpu.memory_space<vmem>> -> memref<1x1x128xi32, #tpu.memory_space<vmem>>
      %dma_start3A_92 = tpu.memref_squeeze %dma_start3A_91 : memref<1x1x128xi32, #tpu.memory_space<vmem>> -> memref<128xi32, #tpu.memory_space<vmem>>
      %dma_start3A_93 = arith.constant 0 : i32
      %dma_start3A_94 = arith.constant 0 : i32
      %dma_start3A_95 = tpu.memref_slice %arg4[%dma_start3A_93, %dma_start3A_94] : memref<50176x16xf32, #tpu.memory_space<vmem_shared>> -> memref<50176x16xf32, #tpu.memory_space<vmem_shared>>
      tpu.enqueue_indirect_dma source(%dma_start3A_89 : memref<128x16xf32, #tpu.memory_space<vmem>>) target(%dma_start3A_95 : memref<50176x16xf32, #tpu.memory_space<vmem_shared>>) offsets(%dma_start3A_92 : memref<128xi32, #tpu.memory_space<vmem>>) semaphore(%arg9 : memref<!tpu.dma_semaphore, #tpu.memory_space<semaphore_mem>>) {add = true}
      %dma_start3A_96 = arith.constant 0 : i32
      %dma_start3A_97 = arith.constant 2 : i32
      %dma_start3A_98 = arith.constant 256 : i32
      %dma_start3A_99 = arith.constant 0 : i32
      %dma_start3A_100 = tpu.memref_slice %arg7[%dma_start3A_96, %dma_start3A_98, %dma_start3A_99] : memref<2x896x16xf32, #tpu.memory_space<vmem>> -> memref<1x128x16xf32, #tpu.memory_space<vmem>>
      %dma_start3A_101 = tpu.memref_squeeze %dma_start3A_100 : memref<1x128x16xf32, #tpu.memory_space<vmem>> -> memref<128x16xf32, #tpu.memory_space<vmem>>
      %dma_start3A_102 = arith.constant 0 : i32
      %dma_start3A_103 = tpu.memref_slice %arg6[%rem3A_72, %dma_start3A_97, %dma_start3A_102] : memref<2x7x128xi32, #tpu.memory_space<vmem>> -> memref<1x1x128xi32, #tpu.memory_space<vmem>>
      %dma_start3A_104 = tpu.memref_squeeze %dma_start3A_103 : memref<1x1x128xi32, #tpu.memory_space<vmem>> -> memref<128xi32, #tpu.memory_space<vmem>>
      %dma_start3A_105 = arith.constant 0 : i32
      %dma_start3A_106 = arith.constant 0 : i32
      %dma_start3A_107 = tpu.memref_slice %arg4[%dma_start3A_105, %dma_start3A_106] : memref<50176x16xf32, #tpu.memory_space<vmem_shared>> -> memref<50176x16xf32, #tpu.memory_space<vmem_shared>>
      tpu.enqueue_indirect_dma source(%dma_start3A_101 : memref<128x16xf32, #tpu.memory_space<vmem>>) target(%dma_start3A_107 : memref<50176x16xf32, #tpu.memory_space<vmem_shared>>) offsets(%dma_start3A_104 : memref<128xi32, #tpu.memory_space<vmem>>) semaphore(%arg9 : memref<!tpu.dma_semaphore, #tpu.memory_space<semaphore_mem>>) {add = true}
      %dma_start3A_108 = arith.constant 0 : i32
      %dma_start3A_109 = arith.constant 3 : i32
      %dma_start3A_110 = arith.constant 384 : i32
      %dma_start3A_111 = arith.constant 0 : i32
      %dma_start3A_112 = tpu.memref_slice %arg7[%dma_start3A_108, %dma_start3A_110, %dma_start3A_111] : memref<2x896x16xf32, #tpu.memory_space<vmem>> -> memref<1x128x16xf32, #tpu.memory_space<vmem>>
      %dma_start3A_113 = tpu.memref_squeeze %dma_start3A_112 : memref<1x128x16xf32, #tpu.memory_space<vmem>> -> memref<128x16xf32, #tpu.memory_space<vmem>>
      %dma_start3A_114 = arith.constant 0 : i32
      %dma_start3A_115 = tpu.memref_slice %arg6[%rem3A_72, %dma_start3A_109, %dma_start3A_114] : memref<2x7x128xi32, #tpu.memory_space<vmem>> -> memref<1x1x128xi32, #tpu.memory_space<vmem>>
      %dma_start3A_116 = tpu.memref_squeeze %dma_start3A_115 : memref<1x1x128xi32, #tpu.memory_space<vmem>> -> memref<128xi32, #tpu.memory_space<vmem>>
      %dma_start3A_117 = arith.constant 0 : i32
      %dma_start3A_118 = arith.constant 0 : i32
      %dma_start3A_119 = tpu.memref_slice %arg4[%dma_start3A_117, %dma_start3A_118] : memref<50176x16xf32, #tpu.memory_space<vmem_shared>> -> memref<50176x16xf32, #tpu.memory_space<vmem_shared>>
      tpu.enqueue_indirect_dma source(%dma_start3A_113 : memref<128x16xf32, #tpu.memory_space<vmem>>) target(%dma_start3A_119 : memref<50176x16xf32, #tpu.memory_space<vmem_shared>>) offsets(%dma_start3A_116 : memref<128xi32, #tpu.memory_space<vmem>>) semaphore(%arg9 : memref<!tpu.dma_semaphore, #tpu.memory_space<semaphore_mem>>) {add = true}
      %dma_start3A_120 = arith.constant 0 : i32
      %dma_start3A_121 = arith.constant 4 : i32
      %dma_start3A_122 = arith.constant 512 : i32
      %dma_start3A_123 = arith.constant 0 : i32
      %dma_start3A_124 = tpu.memref_slice %arg7[%dma_start3A_120, %dma_start3A_122, %dma_start3A_123] : memref<2x896x16xf32, #tpu.memory_space<vmem>> -> memref<1x128x16xf32, #tpu.memory_space<vmem>>
      %dma_start3A_125 = tpu.memref_squeeze %dma_start3A_124 : memref<1x128x16xf32, #tpu.memory_space<vmem>> -> memref<128x16xf32, #tpu.memory_space<vmem>>
      %dma_start3A_126 = arith.constant 0 : i32
      %dma_start3A_127 = tpu.memref_slice %arg6[%rem3A_72, %dma_start3A_121, %dma_start3A_126] : memref<2x7x128xi32, #tpu.memory_space<vmem>> -> memref<1x1x128xi32, #tpu.memory_space<vmem>>
      %dma_start3A_128 = tpu.memref_squeeze %dma_start3A_127 : memref<1x1x128xi32, #tpu.memory_space<vmem>> -> memref<128xi32, #tpu.memory_space<vmem>>
      %dma_start3A_129 = arith.constant 0 : i32
      %dma_start3A_130 = arith.constant 0 : i32
      %dma_start3A_131 = tpu.memref_slice %arg4[%dma_start3A_129, %dma_start3A_130] : memref<50176x16xf32, #tpu.memory_space<vmem_shared>> -> memref<50176x16xf32, #tpu.memory_space<vmem_shared>>
      tpu.enqueue_indirect_dma source(%dma_start3A_125 : memref<128x16xf32, #tpu.memory_space<vmem>>) target(%dma_start3A_131 : memref<50176x16xf32, #tpu.memory_space<vmem_shared>>) offsets(%dma_start3A_128 : memref<128xi32, #tpu.memory_space<vmem>>) semaphore(%arg9 : memref<!tpu.dma_semaphore, #tpu.memory_space<semaphore_mem>>) {add = true}
      %dma_start3A_132 = arith.constant 0 : i32
      %dma_start3A_133 = arith.constant 5 : i32
      %dma_start3A_134 = arith.constant 640 : i32
      %dma_start3A_135 = arith.constant 0 : i32
      %dma_start3A_136 = tpu.memref_slice %arg7[%dma_start3A_132, %dma_start3A_134, %dma_start3A_135] : memref<2x896x16xf32, #tpu.memory_space<vmem>> -> memref<1x128x16xf32, #tpu.memory_space<vmem>>
      %dma_start3A_137 = tpu.memref_squeeze %dma_start3A_136 : memref<1x128x16xf32, #tpu.memory_space<vmem>> -> memref<128x16xf32, #tpu.memory_space<vmem>>
      %dma_start3A_138 = arith.constant 0 : i32
      %dma_start3A_139 = tpu.memref_slice %arg6[%rem3A_72, %dma_start3A_133, %dma_start3A_138] : memref<2x7x128xi32, #tpu.memory_space<vmem>> -> memref<1x1x128xi32, #tpu.memory_space<vmem>>
      %dma_start3A_140 = tpu.memref_squeeze %dma_start3A_139 : memref<1x1x128xi32, #tpu.memory_space<vmem>> -> memref<128xi32, #tpu.memory_space<vmem>>
      %dma_start3A_141 = arith.constant 0 : i32
      %dma_start3A_142 = arith.constant 0 : i32
      %dma_start3A_143 = tpu.memref_slice %arg4[%dma_start3A_141, %dma_start3A_142] : memref<50176x16xf32, #tpu.memory_space<vmem_shared>> -> memref<50176x16xf32, #tpu.memory_space<vmem_shared>>
      tpu.enqueue_indirect_dma source(%dma_start3A_137 : memref<128x16xf32, #tpu.memory_space<vmem>>) target(%dma_start3A_143 : memref<50176x16xf32, #tpu.memory_space<vmem_shared>>) offsets(%dma_start3A_140 : memref<128xi32, #tpu.memory_space<vmem>>) semaphore(%arg9 : memref<!tpu.dma_semaphore, #tpu.memory_space<semaphore_mem>>) {add = true}
      %dma_start3A_144 = arith.constant 0 : i32
      %dma_start3A_145 = arith.constant 6 : i32
      %dma_start3A_146 = arith.constant 768 : i32
      %dma_start3A_147 = arith.constant 0 : i32
      %dma_start3A_148 = tpu.memref_slice %arg7[%dma_start3A_144, %dma_start3A_146, %dma_start3A_147] : memref<2x896x16xf32, #tpu.memory_space<vmem>> -> memref<1x128x16xf32, #tpu.memory_space<vmem>>
      %dma_start3A_149 = tpu.memref_squeeze %dma_start3A_148 : memref<1x128x16xf32, #tpu.memory_space<vmem>> -> memref<128x16xf32, #tpu.memory_space<vmem>>
      %dma_start3A_150 = arith.constant 0 : i32
      %dma_start3A_151 = tpu.memref_slice %arg6[%rem3A_72, %dma_start3A_145, %dma_start3A_150] : memref<2x7x128xi32, #tpu.memory_space<vmem>> -> memref<1x1x128xi32, #tpu.memory_space<vmem>>
      %dma_start3A_152 = tpu.memref_squeeze %dma_start3A_151 : memref<1x1x128xi32, #tpu.memory_space<vmem>> -> memref<128xi32, #tpu.memory_space<vmem>>
      %dma_start3A_153 = arith.constant 0 : i32
      %dma_start3A_154 = arith.constant 0 : i32
      %dma_start3A_155 = tpu.memref_slice %arg4[%dma_start3A_153, %dma_start3A_154] : memref<50176x16xf32, #tpu.memory_space<vmem_shared>> -> memref<50176x16xf32, #tpu.memory_space<vmem_shared>>
      tpu.enqueue_indirect_dma source(%dma_start3A_149 : memref<128x16xf32, #tpu.memory_space<vmem>>) target(%dma_start3A_155 : memref<50176x16xf32, #tpu.memory_space<vmem_shared>>) offsets(%dma_start3A_152 : memref<128xi32, #tpu.memory_space<vmem>>) semaphore(%arg9 : memref<!tpu.dma_semaphore, #tpu.memory_space<semaphore_mem>>) {add = true}
      %ge3A = arith.constant 1 : i32
      %ge3A_156 = arith.cmpi sge, %scan3A_70, %ge3A : i32
      %convert_element_type3A = arith.extui %ge3A_156 : i1 to i32
      %cond3A = arith.constant 0 : i32
      %cond3A_157 = arith.cmpi ne, %convert_element_type3A, %cond3A : i32
      scf.if %cond3A_157 {
        %dma_wait3A_165 = arith.constant 0 : i32
        %dma_wait3A_166 = arith.constant 0 : i32
        %dma_wait3A_167 = arith.constant 0 : i32
        %dma_wait3A_168 = tpu.memref_slice %arg7[%dma_wait3A_165, %dma_wait3A_166, %dma_wait3A_167] : memref<2x896x16xf32, #tpu.memory_space<vmem>> -> memref<1x896x16xf32, #tpu.memory_space<vmem>>
        %dma_wait3A_169 = tpu.memref_squeeze %dma_wait3A_168 : memref<1x896x16xf32, #tpu.memory_space<vmem>> -> memref<896x16xf32, #tpu.memory_space<vmem>>
        %dma_wait3A_170 = arith.constant 0 : i32
        %dma_wait3A_171 = arith.constant 0 : i32
        %dma_wait3A_172 = tpu.memref_slice %arg3[%dma_wait3A_170, %dma_wait3A_171] : memref<50176x128xf32, #tpu.memory_space<hbm>> -> memref<896x16xf32, #tpu.memory_space<hbm>>
        %dma_wait3A_173 = arith.constant 0 : i32
        %dma_wait3A_174 = arith.constant 0 : i32
        %dma_wait3A_175 = tpu.memref_slice %arg7[%dma_wait3A_165, %dma_wait3A_173, %dma_wait3A_174] : memref<2x896x16xf32, #tpu.memory_space<vmem>> -> memref<1x896x16xf32, #tpu.memory_space<vmem>>
        %dma_wait3A_176 = tpu.memref_squeeze %dma_wait3A_175 : memref<1x896x16xf32, #tpu.memory_space<vmem>> -> memref<896x16xf32, #tpu.memory_space<vmem>>
        %dma_wait3A_177 = arith.constant 0 : i32
        %dma_wait3A_178 = arith.constant 0 : i32
        %dma_wait3A_179 = tpu.memref_slice %arg3[%dma_wait3A_177, %dma_wait3A_178] : memref<50176x128xf32, #tpu.memory_space<hbm>> -> memref<896x16xf32, #tpu.memory_space<hbm>>
        tpu.wait_dma2 semaphore(%arg9 : memref<!tpu.dma_semaphore, #tpu.memory_space<semaphore_mem>>) src(%dma_wait3A_179 : memref<896x16xf32, #tpu.memory_space<hbm>>) dst(%dma_wait3A_176 : memref<896x16xf32, #tpu.memory_space<vmem>>)
      } else {
      }
      %add3A_158 = arith.constant 1 : i32
      %add3A_159 = arith.addi %scan3A_70, %add3A_158 : i32
      %lt3A = arith.constant 28 : i32
      %lt3A_160 = arith.cmpi slt, %add3A_159, %lt3A : i32
      %convert_element_type3A_161 = arith.extui %lt3A_160 : i1 to i32
      %cond3A_162 = arith.constant 0 : i32
      %cond3A_163 = arith.cmpi ne, %convert_element_type3A_161, %cond3A_162 : i32
      scf.if %cond3A_163 {
        %add3A_165 = arith.constant 1 : i32
        %add3A_166 = arith.addi %scan3A_70, %add3A_165 : i32
        %sub3A = arith.constant 1 : i32
        %sub3A_167 = arith.subi %sub3A, %rem3A_72 : i32
        %mul3A_168 = arith.constant 7 : i32
        %mul3A_169 = arith.muli %add3A_166, %mul3A_168 : i32
        %add3A_170 = arith.addi %mul3A_8, %mul3A_169 : i32
        "tpu.region"() ({
          %run_scoped3A_178 = tpu.sem_alloc : memref<!tpu.dma_semaphore, #tpu.memory_space<semaphore_mem>>
          %dma_start3A_179 = arith.constant 0 : i32
          %dma_start3A_180 = arith.constant 0 : i32
          %dma_start3A_181 = tpu.memref_slice %arg6[%sub3A_167, %dma_start3A_179, %dma_start3A_180] : memref<2x7x128xi32, #tpu.memory_space<vmem>> -> memref<1x7x128xi32, #tpu.memory_space<vmem>>
          %dma_start3A_182 = tpu.memref_squeeze %dma_start3A_181 : memref<1x7x128xi32, #tpu.memory_space<vmem>> -> memref<7x128xi32, #tpu.memory_space<vmem>>
          %dma_start3A_183 = arith.constant 0 : i32
          %dma_start3A_184 = tpu.memref_slice %arg2[%add3A_170, %dma_start3A_183] : memref<6272x128xi32, #tpu.memory_space<hbm>> -> memref<7x128xi32, #tpu.memory_space<hbm>>
          %dma_start3A_185 = arith.constant 0 : i32
          %dma_start3A_186 = arith.constant 0 : i32
          %dma_start3A_187 = tpu.memref_slice %arg6[%sub3A_167, %dma_start3A_185, %dma_start3A_186] : memref<2x7x128xi32, #tpu.memory_space<vmem>> -> memref<1x7x128xi32, #tpu.memory_space<vmem>>
          %dma_start3A_188 = tpu.memref_squeeze %dma_start3A_187 : memref<1x7x128xi32, #tpu.memory_space<vmem>> -> memref<7x128xi32, #tpu.memory_space<vmem>>
          %dma_start3A_189 = arith.constant 0 : i32
          %dma_start3A_190 = tpu.memref_slice %arg2[%add3A_170, %dma_start3A_189] : memref<6272x128xi32, #tpu.memory_space<hbm>> -> memref<7x128xi32, #tpu.memory_space<hbm>>
          tpu.enqueue_dma source(%dma_start3A_190 : memref<7x128xi32, #tpu.memory_space<hbm>>) target(%dma_start3A_188 : memref<7x128xi32, #tpu.memory_space<vmem>>) target_semaphore(%run_scoped3A_178 : memref<!tpu.dma_semaphore, #tpu.memory_space<semaphore_mem>>)
          %dma_wait3A_191 = arith.constant 0 : i32
          %dma_wait3A_192 = arith.constant 0 : i32
          %dma_wait3A_193 = tpu.memref_slice %arg6[%sub3A_167, %dma_wait3A_191, %dma_wait3A_192] : memref<2x7x128xi32, #tpu.memory_space<vmem>> -> memref<1x7x128xi32, #tpu.memory_space<vmem>>
          %dma_wait3A_194 = tpu.memref_squeeze %dma_wait3A_193 : memref<1x7x128xi32, #tpu.memory_space<vmem>> -> memref<7x128xi32, #tpu.memory_space<vmem>>
          %dma_wait3A_195 = arith.constant 0 : i32
          %dma_wait3A_196 = tpu.memref_slice %arg2[%add3A_170, %dma_wait3A_195] : memref<6272x128xi32, #tpu.memory_space<hbm>> -> memref<7x128xi32, #tpu.memory_space<hbm>>
          %dma_wait3A_197 = arith.constant 0 : i32
          %dma_wait3A_198 = arith.constant 0 : i32
          %dma_wait3A_199 = tpu.memref_slice %arg6[%sub3A_167, %dma_wait3A_197, %dma_wait3A_198] : memref<2x7x128xi32, #tpu.memory_space<vmem>> -> memref<1x7x128xi32, #tpu.memory_space<vmem>>
          %dma_wait3A_200 = tpu.memref_squeeze %dma_wait3A_199 : memref<1x7x128xi32, #tpu.memory_space<vmem>> -> memref<7x128xi32, #tpu.memory_space<vmem>>
          %dma_wait3A_201 = arith.constant 0 : i32
          %dma_wait3A_202 = tpu.memref_slice %arg2[%add3A_170, %dma_wait3A_201] : memref<6272x128xi32, #tpu.memory_space<hbm>> -> memref<7x128xi32, #tpu.memory_space<hbm>>
          tpu.wait_dma2 semaphore(%run_scoped3A_178 : memref<!tpu.dma_semaphore, #tpu.memory_space<semaphore_mem>>) src(%dma_wait3A_202 : memref<7x128xi32, #tpu.memory_space<hbm>>) dst(%dma_wait3A_200 : memref<7x128xi32, #tpu.memory_space<vmem>>)
          tpu.yield
        }) : () -> ()
        %scan3A_171 = arith.constant 0 : i32
        %scan3A_172 = arith.constant 0 : i32
        %scan3A_173 = arith.constant 56 : i32
        %scan3A_174 = arith.addi %scan3A_172, %scan3A_173 : i32
        %scan3A_175 = arith.constant 1 : i32
        %scan3A_176 = scf.for %scan3A_178 = %scan3A_172 to %scan3A_174 step %scan3A_175 iter_args(%scan3A_179 = %scan3A_171) -> (i32)  : i32 {
          %jit3A = arith.constant 8 : i32
          %div3A = arith.divsi %scan3A_178, %jit3A : i32
          %sign3A = arith.constant 0 : i32
          %sign3A_180 = arith.cmpi sgt, %scan3A_178, %sign3A : i32
          %sign3A_181 = arith.extui %sign3A_180 : i1 to i32
          %sign3A_182 = arith.constant 0 : i32
          %sign3A_183 = arith.cmpi slt, %scan3A_178, %sign3A_182 : i32
          %sign3A_184 = arith.extui %sign3A_183 : i1 to i32
          %sign3A_185 = arith.subi %sign3A_181, %sign3A_184 : i32
          %sign3A_186 = arith.constant 0 : i32
          %sign3A_187 = arith.cmpi sgt, %jit3A, %sign3A_186 : i32
          %sign3A_188 = arith.extui %sign3A_187 : i1 to i32
          %sign3A_189 = arith.constant 0 : i32
          %sign3A_190 = arith.cmpi slt, %jit3A, %sign3A_189 : i32
          %sign3A_191 = arith.extui %sign3A_190 : i1 to i32
          %sign3A_192 = arith.subi %sign3A_188, %sign3A_191 : i32
          %ne3A = arith.cmpi ne, %sign3A_185, %sign3A_192 : i32
          %rem3A_193 = arith.remsi %scan3A_178, %jit3A : i32
          %ne3A_194 = arith.constant 0 : i32
          %ne3A_195 = arith.cmpi ne, %rem3A_193, %ne3A_194 : i32
          %and3A = arith.andi %ne3A, %ne3A_195 : i1
          %sub3A_196 = arith.constant 1 : i32
          %sub3A_197 = arith.subi %div3A, %sub3A_196 : i32
          %select_n3A = arith.select %and3A, %sub3A_197, %div3A : i32
          %jit3A_198 = arith.constant 8 : i32
          %eq3A = arith.constant 0 : i32
          %eq3A_199 = arith.cmpi eq, %jit3A_198, %eq3A : i32
          %jit3A_200 = arith.constant 1 : i32
          %select_n3A_201 = arith.select %eq3A_199, %jit3A_200, %jit3A_198 : i32
          %rem3A_202 = arith.remsi %scan3A_178, %select_n3A_201 : i32
          %ne3A_203 = arith.constant 0 : i32
          %ne3A_204 = arith.cmpi ne, %rem3A_202, %ne3A_203 : i32
          %lt3A_205 = arith.constant 0 : i32
          %lt3A_206 = arith.cmpi slt, %rem3A_202, %lt3A_205 : i32
          %lt3A_207 = arith.constant 0 : i32
          %lt3A_208 = arith.cmpi slt, %select_n3A_201, %lt3A_207 : i32
          %ne3A_209 = arith.xori %lt3A_206, %lt3A_208 : i1
          %and3A_210 = arith.andi %ne3A_209, %ne3A_204 : i1
          %add3A_211 = arith.addi %rem3A_202, %select_n3A_201 : i32
          %select_n3A_212 = arith.select %and3A_210, %add3A_211, %rem3A_202 : i32
          %mul3A_213 = arith.constant 16 : i32
          %mul3A_214 = arith.muli %select_n3A_212, %mul3A_213 : i32
          %get3A = arith.index_cast %sub3A_167 : i32 to index
          %get3A_215 = arith.index_cast %select_n3A : i32 to index
          %get3A_216 = arith.index_cast %mul3A_214 : i32 to index
          %get3A_217 = tpu.vector_load %arg6[%get3A, %get3A_215, %get3A_216] {strides = array<i32>} : memref<2x7x128xi32, #tpu.memory_space<vmem>>, vector<1x1x16xi32>,
          %get3A_218 = vector.shape_cast %get3A_217 : vector<1x1x16xi32> to vector<16xi32>
          %shift_right_arithmetic3A = arith.constant 16 : i32
          %shift_right_arithmetic3A_219 = vector.broadcast %shift_right_arithmetic3A : i32 to vector<16xi32>
          %shift_right_arithmetic3A_220 = arith.shrsi %get3A_218, %shift_right_arithmetic3A_219 : vector<16xi32>
          %and3A_221 = arith.constant 65535 : i32
          %and3A_222 = vector.broadcast %and3A_221 : i32 to vector<16xi32>
          %and3A_223 = arith.andi %shift_right_arithmetic3A_220, %and3A_222 : vector<16xi32>
          %mul3A_224 = arith.constant 16 : i32
          %mul3A_225 = arith.muli %select_n3A_212, %mul3A_224 : i32
          %swap3A = arith.index_cast %sub3A_167 : i32 to index
          %swap3A_226 = arith.index_cast %select_n3A : i32 to index
          %swap3A_227 = arith.index_cast %mul3A_225 : i32 to index
          %swap3A_228 = tpu.vector_load %arg6[%swap3A, %swap3A_226, %swap3A_227] {strides = array<i32>} : memref<2x7x128xi32, #tpu.memory_space<vmem>>, vector<1x1x16xi32>,
          %swap3A_229 = vector.shape_cast %swap3A_228 : vector<1x1x16xi32> to vector<16xi32>
          %swap3A_230 = vector.shape_cast %and3A_223 : vector<16xi32> to vector<1x1x16xi32>
          tpu.vector_store %arg6[%swap3A, %swap3A_226, %swap3A_227], %swap3A_230 {strides = array<i32>} : memref<2x7x128xi32, #tpu.memory_space<vmem>>, vector<1x1x16xi32>,
          %scan3A_231 = arith.constant 0 : i32
          scf.yield %scan3A_231 : i32
        }
        %scan3A_177 = arith.constant 56 : i32
      } else {
      }
      %scan3A_164 = arith.constant 0 : i32
      scf.yield %scan3A_164 : i32
    }
    %scan3A_52 = arith.constant 28 : i32
    %dma_wait3A = arith.constant 0 : i32
    %dma_wait3A_53 = arith.constant 0 : i32
    %dma_wait3A_54 = arith.constant 0 : i32
    %dma_wait3A_55 = tpu.memref_slice %arg7[%dma_wait3A, %dma_wait3A_53, %dma_wait3A_54] : memref<2x896x16xf32, #tpu.memory_space<vmem>> -> memref<1x896x16xf32, #tpu.memory_space<vmem>>
    %dma_wait3A_56 = tpu.memref_squeeze %dma_wait3A_55 : memref<1x896x16xf32, #tpu.memory_space<vmem>> -> memref<896x16xf32, #tpu.memory_space<vmem>>
    %dma_wait3A_57 = arith.constant 0 : i32
    %dma_wait3A_58 = arith.constant 0 : i32
    %dma_wait3A_59 = tpu.memref_slice %arg3[%dma_wait3A_57, %dma_wait3A_58] : memref<50176x128xf32, #tpu.memory_space<hbm>> -> memref<896x16xf32, #tpu.memory_space<hbm>>
    %dma_wait3A_60 = arith.constant 0 : i32
    %dma_wait3A_61 = arith.constant 0 : i32
    %dma_wait3A_62 = tpu.memref_slice %arg7[%dma_wait3A, %dma_wait3A_60, %dma_wait3A_61] : memref<2x896x16xf32, #tpu.memory_space<vmem>> -> memref<1x896x16xf32, #tpu.memory_space<vmem>>
    %dma_wait3A_63 = tpu.memref_squeeze %dma_wait3A_62 : memref<1x896x16xf32, #tpu.memory_space<vmem>> -> memref<896x16xf32, #tpu.memory_space<vmem>>
    %dma_wait3A_64 = arith.constant 0 : i32
    %dma_wait3A_65 = arith.constant 0 : i32
    %dma_wait3A_66 = tpu.memref_slice %arg3[%dma_wait3A_64, %dma_wait3A_65] : memref<50176x128xf32, #tpu.memory_space<hbm>> -> memref<896x16xf32, #tpu.memory_space<hbm>>
    tpu.wait_dma2 semaphore(%arg9 : memref<!tpu.dma_semaphore, #tpu.memory_space<semaphore_mem>>) src(%dma_wait3A_66 : memref<896x16xf32, #tpu.memory_space<hbm>>) dst(%dma_wait3A_63 : memref<896x16xf32, #tpu.memory_space<vmem>>)
    %barrier3A_67 = arith.constant 0 : index
    tpu.barrier barrier_id(%barrier3A_67)
    %mul3A_68 = arith.constant 16 : i32
    %mul3A_69 = arith.muli %arg0, %mul3A_68 : i32
    "tpu.region"() ({
      %run_scoped3A_70 = tpu.sem_alloc : memref<!tpu.dma_semaphore, #tpu.memory_space<semaphore_mem>>
      %dma_start3A = tpu.memref_slice %arg3[%mul3A_0, %mul3A_69] : memref<50176x128xf32, #tpu.memory_space<hbm>> -> memref<3136x16xf32, #tpu.memory_space<hbm>>
      %dma_start3A_71 = arith.constant 0 : i32
      %dma_start3A_72 = tpu.memref_slice %arg4[%mul3A_0, %dma_start3A_71] : memref<50176x16xf32, #tpu.memory_space<vmem_shared>> -> memref<3136x16xf32, #tpu.memory_space<vmem_shared>>
      tpu.enqueue_dma source(%dma_start3A_72 : memref<3136x16xf32, #tpu.memory_space<vmem_shared>>) target(%dma_start3A : memref<3136x16xf32, #tpu.memory_space<hbm>>) target_semaphore(%run_scoped3A_70 : memref<!tpu.dma_semaphore, #tpu.memory_space<semaphore_mem>>)
      %dma_wait3A_73 = tpu.memref_slice %arg3[%mul3A_0, %mul3A_69] : memref<50176x128xf32, #tpu.memory_space<hbm>> -> memref<3136x16xf32, #tpu.memory_space<hbm>>
      %dma_wait3A_74 = arith.constant 0 : i32
      %dma_wait3A_75 = tpu.memref_slice %arg4[%mul3A_0, %dma_wait3A_74] : memref<50176x16xf32, #tpu.memory_space<vmem_shared>> -> memref<3136x16xf32, #tpu.memory_space<vmem_shared>>
      tpu.wait_dma2 semaphore(%run_scoped3A_70 : memref<!tpu.dma_semaphore, #tpu.memory_space<semaphore_mem>>) src(%dma_wait3A_75 : memref<3136x16xf32, #tpu.memory_space<vmem_shared>>) dst(%dma_wait3A_73 : memref<3136x16xf32, #tpu.memory_space<hbm>>)
      tpu.yield
    }) : () -> ()
    return
  }
}

#map = affine_map<(d0, d1) -> (0, 0)>
module attributes {stable_mosaic.version = 14 : i64} {
  func.func @body(%arg0: i32, %arg1: i32, %arg2: memref<6272x128xi32, #tpu.memory_space<hbm>>, %arg3: memref<401408x16xf32, #tpu.memory_space<hbm>>, %arg4: memref<50176x128xf32, #tpu.memory_space<hbm>>, %arg5: memref<50176x16xf32, #tpu.memory_space<vmem_shared>>, %arg6: memref<2x7x128xi32, #tpu.memory_space<vmem>>, %arg7: memref<2x7x128xi32, #tpu.memory_space<vmem>>, %arg8: memref<2x896x16xf32, #tpu.memory_space<vmem>>, %arg9: memref<!tpu.dma_semaphore, #tpu.memory_space<semaphore_mem>>, %arg10: memref<!tpu.dma_semaphore, #tpu.memory_space<semaphore_mem>>) attributes {dimension_semantics = [#tpu.dimension_semantics<core_parallel>, #tpu.dimension_semantics<subcore_parallel>], iteration_bounds = array<i64: 2, 16>, scalar_prefetch = 0 : i64, scratch_operands = 6 : i64, tpu.core_type = #tpu.core_type<sc_vector_subcore>, window_params = [{transform_indices = #map}, {transform_indices = #map}, {transform_indices = #map}]} {
    %mul3A = arith.constant 3136 : i32
    %mul3A_0 = arith.muli %arg1, %mul3A : i32
    %mul3A_1 = arith.constant 1 : i32
    %mul3A_2 = arith.muli %arg0, %mul3A_1 : i32
    %add3A = arith.constant 0 : i32
    %add3A_3 = arith.addi %mul3A_2, %add3A : i32
    %mul3A_4 = arith.constant 16 : i32
    %mul3A_5 = arith.muli %arg0, %mul3A_4 : i32
    %add3A_6 = arith.addi %mul3A_5, %arg1 : i32
    %mul3A_7 = arith.constant 196 : i32
    %mul3A_8 = arith.muli %add3A_6, %mul3A_7 : i32
    %broadcast_in_dim3A = arith.constant 0.000000e+00 : f32
    %broadcast_in_dim3A_9 = vector.broadcast %broadcast_in_dim3A : f32 to vector<16xf32>
    %scan3A = arith.constant 0 : i32
    %scan3A_10 = arith.constant 0 : i32
    %scan3A_11 = arith.constant 896 : i32
    %scan3A_12 = arith.addi %scan3A_10, %scan3A_11 : i32
    %scan3A_13 = arith.constant 1 : i32
    %scan3A_14 = scf.for %scan3A_152 = %scan3A_10 to %scan3A_12 step %scan3A_13 iter_args(%scan3A_153 = %scan3A) -> (i32)  : i32 {
      %jit3A = arith.constant 1 : i32
      %div3A = arith.divsi %scan3A_152, %jit3A : i32
      %sign3A = arith.constant 0 : i32
      %sign3A_154 = arith.cmpi sgt, %scan3A_152, %sign3A : i32
      %sign3A_155 = arith.extui %sign3A_154 : i1 to i32
      %sign3A_156 = arith.constant 0 : i32
      %sign3A_157 = arith.cmpi slt, %scan3A_152, %sign3A_156 : i32
      %sign3A_158 = arith.extui %sign3A_157 : i1 to i32
      %sign3A_159 = arith.subi %sign3A_155, %sign3A_158 : i32
      %sign3A_160 = arith.constant 0 : i32
      %sign3A_161 = arith.cmpi sgt, %jit3A, %sign3A_160 : i32
      %sign3A_162 = arith.extui %sign3A_161 : i1 to i32
      %sign3A_163 = arith.constant 0 : i32
      %sign3A_164 = arith.cmpi slt, %jit3A, %sign3A_163 : i32
      %sign3A_165 = arith.extui %sign3A_164 : i1 to i32
      %sign3A_166 = arith.subi %sign3A_162, %sign3A_165 : i32
      %ne3A = arith.cmpi ne, %sign3A_159, %sign3A_166 : i32
      %rem3A_167 = arith.remsi %scan3A_152, %jit3A : i32
      %ne3A_168 = arith.constant 0 : i32
      %ne3A_169 = arith.cmpi ne, %rem3A_167, %ne3A_168 : i32
      %and3A = arith.andi %ne3A, %ne3A_169 : i1
      %sub3A = arith.constant 1 : i32
      %sub3A_170 = arith.subi %div3A, %sub3A : i32
      %select_n3A = arith.select %and3A, %sub3A_170, %div3A : i32
      %jit3A_171 = arith.constant 1 : i32
      %eq3A = arith.constant 0 : i32
      %eq3A_172 = arith.cmpi eq, %jit3A_171, %eq3A : i32
      %jit3A_173 = arith.constant 1 : i32
      %select_n3A_174 = arith.select %eq3A_172, %jit3A_173, %jit3A_171 : i32
      %rem3A_175 = arith.remsi %scan3A_152, %select_n3A_174 : i32
      %ne3A_176 = arith.constant 0 : i32
      %ne3A_177 = arith.cmpi ne, %rem3A_175, %ne3A_176 : i32
      %lt3A = arith.constant 0 : i32
      %lt3A_178 = arith.cmpi slt, %rem3A_175, %lt3A : i32
      %lt3A_179 = arith.constant 0 : i32
      %lt3A_180 = arith.cmpi slt, %select_n3A_174, %lt3A_179 : i32
      %ne3A_181 = arith.xori %lt3A_178, %lt3A_180 : i1
      %and3A_182 = arith.andi %ne3A_181, %ne3A_177 : i1
      %add3A_183 = arith.addi %rem3A_175, %select_n3A_174 : i32
      %select_n3A_184 = arith.select %and3A_182, %add3A_183, %rem3A_175 : i32
      %mul3A_185 = arith.constant 16 : i32
      %mul3A_186 = arith.muli %select_n3A_184, %mul3A_185 : i32
      %swap3A = arith.constant 0 : i32
      %swap3A_187 = arith.index_cast %swap3A : i32 to index
      %swap3A_188 = arith.index_cast %select_n3A : i32 to index
      %swap3A_189 = arith.index_cast %mul3A_186 : i32 to index
      %swap3A_190 = tpu.vector_load %arg8[%swap3A_187, %swap3A_188, %swap3A_189] {strides = array<i32>} : memref<2x896x16xf32, #tpu.memory_space<vmem>>, vector<1x1x16xf32>,
      %swap3A_191 = vector.shape_cast %swap3A_190 : vector<1x1x16xf32> to vector<16xf32>
      %swap3A_192 = vector.shape_cast %broadcast_in_dim3A_9 : vector<16xf32> to vector<1x1x16xf32>
      tpu.vector_store %arg8[%swap3A_187, %swap3A_188, %swap3A_189], %swap3A_192 {strides = array<i32>} : memref<2x896x16xf32, #tpu.memory_space<vmem>>, vector<1x1x16xf32>,
      %scan3A_193 = arith.constant 0 : i32
      scf.yield %scan3A_193 : i32
    }
    %scan3A_15 = arith.constant 896 : i32
    %add3A_16 = arith.constant 0 : i32
    %add3A_17 = arith.addi %mul3A_0, %add3A_16 : i32
    %run_scoped3A = arith.constant 0 : i32
    "tpu.region"() ({
      %run_scoped3A_152 = tpu.sem_alloc : memref<!tpu.dma_semaphore, #tpu.memory_space<semaphore_mem>>
      %dma_start3A_153 = arith.constant 0 : i32
      %dma_start3A_154 = arith.constant 0 : i32
      %dma_start3A_155 = tpu.memref_slice %arg8[%run_scoped3A, %dma_start3A_153, %dma_start3A_154] : memref<2x896x16xf32, #tpu.memory_space<vmem>> -> memref<1x896x16xf32, #tpu.memory_space<vmem>>
      %dma_start3A_156 = tpu.memref_squeeze %dma_start3A_155 : memref<1x896x16xf32, #tpu.memory_space<vmem>> -> memref<896x16xf32, #tpu.memory_space<vmem>>
      %dma_start3A_157 = arith.constant 0 : i32
      %dma_start3A_158 = tpu.memref_slice %arg5[%add3A_17, %dma_start3A_157] : memref<50176x16xf32, #tpu.memory_space<vmem_shared>> -> memref<896x16xf32, #tpu.memory_space<vmem_shared>>
      %dma_start3A_159 = arith.constant 0 : i32
      %dma_start3A_160 = tpu.memref_slice %arg5[%add3A_17, %dma_start3A_159] : memref<50176x16xf32, #tpu.memory_space<vmem_shared>> -> memref<896x16xf32, #tpu.memory_space<vmem_shared>>
      %dma_start3A_161 = arith.constant 0 : i32
      %dma_start3A_162 = arith.constant 0 : i32
      %dma_start3A_163 = tpu.memref_slice %arg8[%run_scoped3A, %dma_start3A_161, %dma_start3A_162] : memref<2x896x16xf32, #tpu.memory_space<vmem>> -> memref<1x896x16xf32, #tpu.memory_space<vmem>>
      %dma_start3A_164 = tpu.memref_squeeze %dma_start3A_163 : memref<1x896x16xf32, #tpu.memory_space<vmem>> -> memref<896x16xf32, #tpu.memory_space<vmem>>
      tpu.enqueue_dma source(%dma_start3A_164 : memref<896x16xf32, #tpu.memory_space<vmem>>) target(%dma_start3A_160 : memref<896x16xf32, #tpu.memory_space<vmem_shared>>) target_semaphore(%run_scoped3A_152 : memref<!tpu.dma_semaphore, #tpu.memory_space<semaphore_mem>>)
      %dma_wait3A_165 = arith.constant 0 : i32
      %dma_wait3A_166 = arith.constant 0 : i32
      %dma_wait3A_167 = tpu.memref_slice %arg8[%run_scoped3A, %dma_wait3A_165, %dma_wait3A_166] : memref<2x896x16xf32, #tpu.memory_space<vmem>> -> memref<1x896x16xf32, #tpu.memory_space<vmem>>
      %dma_wait3A_168 = tpu.memref_squeeze %dma_wait3A_167 : memref<1x896x16xf32, #tpu.memory_space<vmem>> -> memref<896x16xf32, #tpu.memory_space<vmem>>
      %dma_wait3A_169 = arith.constant 0 : i32
      %dma_wait3A_170 = tpu.memref_slice %arg5[%add3A_17, %dma_wait3A_169] : memref<50176x16xf32, #tpu.memory_space<vmem_shared>> -> memref<896x16xf32, #tpu.memory_space<vmem_shared>>
      %dma_wait3A_171 = arith.constant 0 : i32
      %dma_wait3A_172 = tpu.memref_slice %arg5[%add3A_17, %dma_wait3A_171] : memref<50176x16xf32, #tpu.memory_space<vmem_shared>> -> memref<896x16xf32, #tpu.memory_space<vmem_shared>>
      %dma_wait3A_173 = arith.constant 0 : i32
      %dma_wait3A_174 = arith.constant 0 : i32
      %dma_wait3A_175 = tpu.memref_slice %arg8[%run_scoped3A, %dma_wait3A_173, %dma_wait3A_174] : memref<2x896x16xf32, #tpu.memory_space<vmem>> -> memref<1x896x16xf32, #tpu.memory_space<vmem>>
      %dma_wait3A_176 = tpu.memref_squeeze %dma_wait3A_175 : memref<1x896x16xf32, #tpu.memory_space<vmem>> -> memref<896x16xf32, #tpu.memory_space<vmem>>
      tpu.wait_dma2 semaphore(%run_scoped3A_152 : memref<!tpu.dma_semaphore, #tpu.memory_space<semaphore_mem>>) src(%dma_wait3A_176 : memref<896x16xf32, #tpu.memory_space<vmem>>) dst(%dma_wait3A_172 : memref<896x16xf32, #tpu.memory_space<vmem_shared>>)
      tpu.yield
    }) : () -> ()
    %add3A_18 = arith.constant 896 : i32
    %add3A_19 = arith.addi %mul3A_0, %add3A_18 : i32
    %run_scoped3A_20 = arith.constant 0 : i32
    "tpu.region"() ({
      %run_scoped3A_152 = tpu.sem_alloc : memref<!tpu.dma_semaphore, #tpu.memory_space<semaphore_mem>>
      %dma_start3A_153 = arith.constant 0 : i32
      %dma_start3A_154 = arith.constant 0 : i32
      %dma_start3A_155 = tpu.memref_slice %arg8[%run_scoped3A_20, %dma_start3A_153, %dma_start3A_154] : memref<2x896x16xf32, #tpu.memory_space<vmem>> -> memref<1x896x16xf32, #tpu.memory_space<vmem>>
      %dma_start3A_156 = tpu.memref_squeeze %dma_start3A_155 : memref<1x896x16xf32, #tpu.memory_space<vmem>> -> memref<896x16xf32, #tpu.memory_space<vmem>>
      %dma_start3A_157 = arith.constant 0 : i32
      %dma_start3A_158 = tpu.memref_slice %arg5[%add3A_19, %dma_start3A_157] : memref<50176x16xf32, #tpu.memory_space<vmem_shared>> -> memref<896x16xf32, #tpu.memory_space<vmem_shared>>
      %dma_start3A_159 = arith.constant 0 : i32
      %dma_start3A_160 = tpu.memref_slice %arg5[%add3A_19, %dma_start3A_159] : memref<50176x16xf32, #tpu.memory_space<vmem_shared>> -> memref<896x16xf32, #tpu.memory_space<vmem_shared>>
      %dma_start3A_161 = arith.constant 0 : i32
      %dma_start3A_162 = arith.constant 0 : i32
      %dma_start3A_163 = tpu.memref_slice %arg8[%run_scoped3A_20, %dma_start3A_161, %dma_start3A_162] : memref<2x896x16xf32, #tpu.memory_space<vmem>> -> memref<1x896x16xf32, #tpu.memory_space<vmem>>
      %dma_start3A_164 = tpu.memref_squeeze %dma_start3A_163 : memref<1x896x16xf32, #tpu.memory_space<vmem>> -> memref<896x16xf32, #tpu.memory_space<vmem>>
      tpu.enqueue_dma source(%dma_start3A_164 : memref<896x16xf32, #tpu.memory_space<vmem>>) target(%dma_start3A_160 : memref<896x16xf32, #tpu.memory_space<vmem_shared>>) target_semaphore(%run_scoped3A_152 : memref<!tpu.dma_semaphore, #tpu.memory_space<semaphore_mem>>)
      %dma_wait3A_165 = arith.constant 0 : i32
      %dma_wait3A_166 = arith.constant 0 : i32
      %dma_wait3A_167 = tpu.memref_slice %arg8[%run_scoped3A_20, %dma_wait3A_165, %dma_wait3A_166] : memref<2x896x16xf32, #tpu.memory_space<vmem>> -> memref<1x896x16xf32, #tpu.memory_space<vmem>>
      %dma_wait3A_168 = tpu.memref_squeeze %dma_wait3A_167 : memref<1x896x16xf32, #tpu.memory_space<vmem>> -> memref<896x16xf32, #tpu.memory_space<vmem>>
      %dma_wait3A_169 = arith.constant 0 : i32
      %dma_wait3A_170 = tpu.memref_slice %arg5[%add3A_19, %dma_wait3A_169] : memref<50176x16xf32, #tpu.memory_space<vmem_shared>> -> memref<896x16xf32, #tpu.memory_space<vmem_shared>>
      %dma_wait3A_171 = arith.constant 0 : i32
      %dma_wait3A_172 = tpu.memref_slice %arg5[%add3A_19, %dma_wait3A_171] : memref<50176x16xf32, #tpu.memory_space<vmem_shared>> -> memref<896x16xf32, #tpu.memory_space<vmem_shared>>
      %dma_wait3A_173 = arith.constant 0 : i32
      %dma_wait3A_174 = arith.constant 0 : i32
      %dma_wait3A_175 = tpu.memref_slice %arg8[%run_scoped3A_20, %dma_wait3A_173, %dma_wait3A_174] : memref<2x896x16xf32, #tpu.memory_space<vmem>> -> memref<1x896x16xf32, #tpu.memory_space<vmem>>
      %dma_wait3A_176 = tpu.memref_squeeze %dma_wait3A_175 : memref<1x896x16xf32, #tpu.memory_space<vmem>> -> memref<896x16xf32, #tpu.memory_space<vmem>>
      tpu.wait_dma2 semaphore(%run_scoped3A_152 : memref<!tpu.dma_semaphore, #tpu.memory_space<semaphore_mem>>) src(%dma_wait3A_176 : memref<896x16xf32, #tpu.memory_space<vmem>>) dst(%dma_wait3A_172 : memref<896x16xf32, #tpu.memory_space<vmem_shared>>)
      tpu.yield
    }) : () -> ()
    %add3A_21 = arith.constant 1792 : i32
    %add3A_22 = arith.addi %mul3A_0, %add3A_21 : i32
    %run_scoped3A_23 = arith.constant 0 : i32
    "tpu.region"() ({
      %run_scoped3A_152 = tpu.sem_alloc : memref<!tpu.dma_semaphore, #tpu.memory_space<semaphore_mem>>
      %dma_start3A_153 = arith.constant 0 : i32
      %dma_start3A_154 = arith.constant 0 : i32
      %dma_start3A_155 = tpu.memref_slice %arg8[%run_scoped3A_23, %dma_start3A_153, %dma_start3A_154] : memref<2x896x16xf32, #tpu.memory_space<vmem>> -> memref<1x896x16xf32, #tpu.memory_space<vmem>>
      %dma_start3A_156 = tpu.memref_squeeze %dma_start3A_155 : memref<1x896x16xf32, #tpu.memory_space<vmem>> -> memref<896x16xf32, #tpu.memory_space<vmem>>
      %dma_start3A_157 = arith.constant 0 : i32
      %dma_start3A_158 = tpu.memref_slice %arg5[%add3A_22, %dma_start3A_157] : memref<50176x16xf32, #tpu.memory_space<vmem_shared>> -> memref<896x16xf32, #tpu.memory_space<vmem_shared>>
      %dma_start3A_159 = arith.constant 0 : i32
      %dma_start3A_160 = tpu.memref_slice %arg5[%add3A_22, %dma_start3A_159] : memref<50176x16xf32, #tpu.memory_space<vmem_shared>> -> memref<896x16xf32, #tpu.memory_space<vmem_shared>>
      %dma_start3A_161 = arith.constant 0 : i32
      %dma_start3A_162 = arith.constant 0 : i32
      %dma_start3A_163 = tpu.memref_slice %arg8[%run_scoped3A_23, %dma_start3A_161, %dma_start3A_162] : memref<2x896x16xf32, #tpu.memory_space<vmem>> -> memref<1x896x16xf32, #tpu.memory_space<vmem>>
      %dma_start3A_164 = tpu.memref_squeeze %dma_start3A_163 : memref<1x896x16xf32, #tpu.memory_space<vmem>> -> memref<896x16xf32, #tpu.memory_space<vmem>>
      tpu.enqueue_dma source(%dma_start3A_164 : memref<896x16xf32, #tpu.memory_space<vmem>>) target(%dma_start3A_160 : memref<896x16xf32, #tpu.memory_space<vmem_shared>>) target_semaphore(%run_scoped3A_152 : memref<!tpu.dma_semaphore, #tpu.memory_space<semaphore_mem>>)
      %dma_wait3A_165 = arith.constant 0 : i32
      %dma_wait3A_166 = arith.constant 0 : i32
      %dma_wait3A_167 = tpu.memref_slice %arg8[%run_scoped3A_23, %dma_wait3A_165, %dma_wait3A_166] : memref<2x896x16xf32, #tpu.memory_space<vmem>> -> memref<1x896x16xf32, #tpu.memory_space<vmem>>
      %dma_wait3A_168 = tpu.memref_squeeze %dma_wait3A_167 : memref<1x896x16xf32, #tpu.memory_space<vmem>> -> memref<896x16xf32, #tpu.memory_space<vmem>>
      %dma_wait3A_169 = arith.constant 0 : i32
      %dma_wait3A_170 = tpu.memref_slice %arg5[%add3A_22, %dma_wait3A_169] : memref<50176x16xf32, #tpu.memory_space<vmem_shared>> -> memref<896x16xf32, #tpu.memory_space<vmem_shared>>
      %dma_wait3A_171 = arith.constant 0 : i32
      %dma_wait3A_172 = tpu.memref_slice %arg5[%add3A_22, %dma_wait3A_171] : memref<50176x16xf32, #tpu.memory_space<vmem_shared>> -> memref<896x16xf32, #tpu.memory_space<vmem_shared>>
      %dma_wait3A_173 = arith.constant 0 : i32
      %dma_wait3A_174 = arith.constant 0 : i32
      %dma_wait3A_175 = tpu.memref_slice %arg8[%run_scoped3A_23, %dma_wait3A_173, %dma_wait3A_174] : memref<2x896x16xf32, #tpu.memory_space<vmem>> -> memref<1x896x16xf32, #tpu.memory_space<vmem>>
      %dma_wait3A_176 = tpu.memref_squeeze %dma_wait3A_175 : memref<1x896x16xf32, #tpu.memory_space<vmem>> -> memref<896x16xf32, #tpu.memory_space<vmem>>
      tpu.wait_dma2 semaphore(%run_scoped3A_152 : memref<!tpu.dma_semaphore, #tpu.memory_space<semaphore_mem>>) src(%dma_wait3A_176 : memref<896x16xf32, #tpu.memory_space<vmem>>) dst(%dma_wait3A_172 : memref<896x16xf32, #tpu.memory_space<vmem_shared>>)
      tpu.yield
    }) : () -> ()
    %add3A_24 = arith.constant 2688 : i32
    %add3A_25 = arith.addi %mul3A_0, %add3A_24 : i32
    %run_scoped3A_26 = arith.constant 0 : i32
    "tpu.region"() ({
      %run_scoped3A_152 = tpu.sem_alloc : memref<!tpu.dma_semaphore, #tpu.memory_space<semaphore_mem>>
      %dma_start3A_153 = arith.constant 0 : i32
      %dma_start3A_154 = arith.constant 0 : i32
      %dma_start3A_155 = tpu.memref_slice %arg8[%run_scoped3A_26, %dma_start3A_153, %dma_start3A_154] : memref<2x896x16xf32, #tpu.memory_space<vmem>> -> memref<1x448x16xf32, #tpu.memory_space<vmem>>
      %dma_start3A_156 = tpu.memref_squeeze %dma_start3A_155 : memref<1x448x16xf32, #tpu.memory_space<vmem>> -> memref<448x16xf32, #tpu.memory_space<vmem>>
      %dma_start3A_157 = arith.constant 0 : i32
      %dma_start3A_158 = tpu.memref_slice %arg5[%add3A_25, %dma_start3A_157] : memref<50176x16xf32, #tpu.memory_space<vmem_shared>> -> memref<448x16xf32, #tpu.memory_space<vmem_shared>>
      %dma_start3A_159 = arith.constant 0 : i32
      %dma_start3A_160 = tpu.memref_slice %arg5[%add3A_25, %dma_start3A_159] : memref<50176x16xf32, #tpu.memory_space<vmem_shared>> -> memref<448x16xf32, #tpu.memory_space<vmem_shared>>
      %dma_start3A_161 = arith.constant 0 : i32
      %dma_start3A_162 = arith.constant 0 : i32
      %dma_start3A_163 = tpu.memref_slice %arg8[%run_scoped3A_26, %dma_start3A_161, %dma_start3A_162] : memref<2x896x16xf32, #tpu.memory_space<vmem>> -> memref<1x448x16xf32, #tpu.memory_space<vmem>>
      %dma_start3A_164 = tpu.memref_squeeze %dma_start3A_163 : memref<1x448x16xf32, #tpu.memory_space<vmem>> -> memref<448x16xf32, #tpu.memory_space<vmem>>
      tpu.enqueue_dma source(%dma_start3A_164 : memref<448x16xf32, #tpu.memory_space<vmem>>) target(%dma_start3A_160 : memref<448x16xf32, #tpu.memory_space<vmem_shared>>) target_semaphore(%run_scoped3A_152 : memref<!tpu.dma_semaphore, #tpu.memory_space<semaphore_mem>>)
      %dma_wait3A_165 = arith.constant 0 : i32
      %dma_wait3A_166 = arith.constant 0 : i32
      %dma_wait3A_167 = tpu.memref_slice %arg8[%run_scoped3A_26, %dma_wait3A_165, %dma_wait3A_166] : memref<2x896x16xf32, #tpu.memory_space<vmem>> -> memref<1x448x16xf32, #tpu.memory_space<vmem>>
      %dma_wait3A_168 = tpu.memref_squeeze %dma_wait3A_167 : memref<1x448x16xf32, #tpu.memory_space<vmem>> -> memref<448x16xf32, #tpu.memory_space<vmem>>
      %dma_wait3A_169 = arith.constant 0 : i32
      %dma_wait3A_170 = tpu.memref_slice %arg5[%add3A_25, %dma_wait3A_169] : memref<50176x16xf32, #tpu.memory_space<vmem_shared>> -> memref<448x16xf32, #tpu.memory_space<vmem_shared>>
      %dma_wait3A_171 = arith.constant 0 : i32
      %dma_wait3A_172 = tpu.memref_slice %arg5[%add3A_25, %dma_wait3A_171] : memref<50176x16xf32, #tpu.memory_space<vmem_shared>> -> memref<448x16xf32, #tpu.memory_space<vmem_shared>>
      %dma_wait3A_173 = arith.constant 0 : i32
      %dma_wait3A_174 = arith.constant 0 : i32
      %dma_wait3A_175 = tpu.memref_slice %arg8[%run_scoped3A_26, %dma_wait3A_173, %dma_wait3A_174] : memref<2x896x16xf32, #tpu.memory_space<vmem>> -> memref<1x448x16xf32, #tpu.memory_space<vmem>>
      %dma_wait3A_176 = tpu.memref_squeeze %dma_wait3A_175 : memref<1x448x16xf32, #tpu.memory_space<vmem>> -> memref<448x16xf32, #tpu.memory_space<vmem>>
      tpu.wait_dma2 semaphore(%run_scoped3A_152 : memref<!tpu.dma_semaphore, #tpu.memory_space<semaphore_mem>>) src(%dma_wait3A_176 : memref<448x16xf32, #tpu.memory_space<vmem>>) dst(%dma_wait3A_172 : memref<448x16xf32, #tpu.memory_space<vmem_shared>>)
      tpu.yield
    }) : () -> ()
    %barrier3A = arith.constant 0 : index
    tpu.barrier barrier_id(%barrier3A)
    %add3A_27 = arith.constant 0 : i32
    %add3A_28 = arith.addi %mul3A_8, %add3A_27 : i32
    %run_scoped3A_29 = arith.constant 0 : i32
    "tpu.region"() ({
      %run_scoped3A_152 = tpu.sem_alloc : memref<!tpu.dma_semaphore, #tpu.memory_space<semaphore_mem>>
      %dma_start3A_153 = arith.constant 0 : i32
      %dma_start3A_154 = arith.constant 0 : i32
      %dma_start3A_155 = tpu.memref_slice %arg6[%run_scoped3A_29, %dma_start3A_153, %dma_start3A_154] : memref<2x7x128xi32, #tpu.memory_space<vmem>> -> memref<1x7x128xi32, #tpu.memory_space<vmem>>
      %dma_start3A_156 = tpu.memref_squeeze %dma_start3A_155 : memref<1x7x128xi32, #tpu.memory_space<vmem>> -> memref<7x128xi32, #tpu.memory_space<vmem>>
      %dma_start3A_157 = arith.constant 0 : i32
      %dma_start3A_158 = tpu.memref_slice %arg2[%add3A_28, %dma_start3A_157] : memref<6272x128xi32, #tpu.memory_space<hbm>> -> memref<7x128xi32, #tpu.memory_space<hbm>>
      %dma_start3A_159 = arith.constant 0 : i32
      %dma_start3A_160 = arith.constant 0 : i32
      %dma_start3A_161 = tpu.memref_slice %arg6[%run_scoped3A_29, %dma_start3A_159, %dma_start3A_160] : memref<2x7x128xi32, #tpu.memory_space<vmem>> -> memref<1x7x128xi32, #tpu.memory_space<vmem>>
      %dma_start3A_162 = tpu.memref_squeeze %dma_start3A_161 : memref<1x7x128xi32, #tpu.memory_space<vmem>> -> memref<7x128xi32, #tpu.memory_space<vmem>>
      %dma_start3A_163 = arith.constant 0 : i32
      %dma_start3A_164 = tpu.memref_slice %arg2[%add3A_28, %dma_start3A_163] : memref<6272x128xi32, #tpu.memory_space<hbm>> -> memref<7x128xi32, #tpu.memory_space<hbm>>
      tpu.enqueue_dma source(%dma_start3A_164 : memref<7x128xi32, #tpu.memory_space<hbm>>) target(%dma_start3A_162 : memref<7x128xi32, #tpu.memory_space<vmem>>) target_semaphore(%run_scoped3A_152 : memref<!tpu.dma_semaphore, #tpu.memory_space<semaphore_mem>>)
      %dma_wait3A_165 = arith.constant 0 : i32
      %dma_wait3A_166 = arith.constant 0 : i32
      %dma_wait3A_167 = tpu.memref_slice %arg6[%run_scoped3A_29, %dma_wait3A_165, %dma_wait3A_166] : memref<2x7x128xi32, #tpu.memory_space<vmem>> -> memref<1x7x128xi32, #tpu.memory_space<vmem>>
      %dma_wait3A_168 = tpu.memref_squeeze %dma_wait3A_167 : memref<1x7x128xi32, #tpu.memory_space<vmem>> -> memref<7x128xi32, #tpu.memory_space<vmem>>
      %dma_wait3A_169 = arith.constant 0 : i32
      %dma_wait3A_170 = tpu.memref_slice %arg2[%add3A_28, %dma_wait3A_169] : memref<6272x128xi32, #tpu.memory_space<hbm>> -> memref<7x128xi32, #tpu.memory_space<hbm>>
      %dma_wait3A_171 = arith.constant 0 : i32
      %dma_wait3A_172 = arith.constant 0 : i32
      %dma_wait3A_173 = tpu.memref_slice %arg6[%run_scoped3A_29, %dma_wait3A_171, %dma_wait3A_172] : memref<2x7x128xi32, #tpu.memory_space<vmem>> -> memref<1x7x128xi32, #tpu.memory_space<vmem>>
      %dma_wait3A_174 = tpu.memref_squeeze %dma_wait3A_173 : memref<1x7x128xi32, #tpu.memory_space<vmem>> -> memref<7x128xi32, #tpu.memory_space<vmem>>
      %dma_wait3A_175 = arith.constant 0 : i32
      %dma_wait3A_176 = tpu.memref_slice %arg2[%add3A_28, %dma_wait3A_175] : memref<6272x128xi32, #tpu.memory_space<hbm>> -> memref<7x128xi32, #tpu.memory_space<hbm>>
      tpu.wait_dma2 semaphore(%run_scoped3A_152 : memref<!tpu.dma_semaphore, #tpu.memory_space<semaphore_mem>>) src(%dma_wait3A_176 : memref<7x128xi32, #tpu.memory_space<hbm>>) dst(%dma_wait3A_174 : memref<7x128xi32, #tpu.memory_space<vmem>>)
      tpu.yield
    }) : () -> ()
    %scan3A_30 = arith.constant 0 : i32
    %scan3A_31 = arith.constant 0 : i32
    %scan3A_32 = arith.constant 56 : i32
    %scan3A_33 = arith.addi %scan3A_31, %scan3A_32 : i32
    %scan3A_34 = arith.constant 1 : i32
    %scan3A_35 = scf.for %scan3A_152 = %scan3A_31 to %scan3A_33 step %scan3A_34 iter_args(%scan3A_153 = %scan3A_30) -> (i32)  : i32 {
      %jit3A = arith.constant 8 : i32
      %div3A = arith.divsi %scan3A_152, %jit3A : i32
      %sign3A = arith.constant 0 : i32
      %sign3A_154 = arith.cmpi sgt, %scan3A_152, %sign3A : i32
      %sign3A_155 = arith.extui %sign3A_154 : i1 to i32
      %sign3A_156 = arith.constant 0 : i32
      %sign3A_157 = arith.cmpi slt, %scan3A_152, %sign3A_156 : i32
      %sign3A_158 = arith.extui %sign3A_157 : i1 to i32
      %sign3A_159 = arith.subi %sign3A_155, %sign3A_158 : i32
      %sign3A_160 = arith.constant 0 : i32
      %sign3A_161 = arith.cmpi sgt, %jit3A, %sign3A_160 : i32
      %sign3A_162 = arith.extui %sign3A_161 : i1 to i32
      %sign3A_163 = arith.constant 0 : i32
      %sign3A_164 = arith.cmpi slt, %jit3A, %sign3A_163 : i32
      %sign3A_165 = arith.extui %sign3A_164 : i1 to i32
      %sign3A_166 = arith.subi %sign3A_162, %sign3A_165 : i32
      %ne3A = arith.cmpi ne, %sign3A_159, %sign3A_166 : i32
      %rem3A_167 = arith.remsi %scan3A_152, %jit3A : i32
      %ne3A_168 = arith.constant 0 : i32
      %ne3A_169 = arith.cmpi ne, %rem3A_167, %ne3A_168 : i32
      %and3A = arith.andi %ne3A, %ne3A_169 : i1
      %sub3A = arith.constant 1 : i32
      %sub3A_170 = arith.subi %div3A, %sub3A : i32
      %select_n3A = arith.select %and3A, %sub3A_170, %div3A : i32
      %jit3A_171 = arith.constant 8 : i32
      %eq3A = arith.constant 0 : i32
      %eq3A_172 = arith.cmpi eq, %jit3A_171, %eq3A : i32
      %jit3A_173 = arith.constant 1 : i32
      %select_n3A_174 = arith.select %eq3A_172, %jit3A_173, %jit3A_171 : i32
      %rem3A_175 = arith.remsi %scan3A_152, %select_n3A_174 : i32
      %ne3A_176 = arith.constant 0 : i32
      %ne3A_177 = arith.cmpi ne, %rem3A_175, %ne3A_176 : i32
      %lt3A = arith.constant 0 : i32
      %lt3A_178 = arith.cmpi slt, %rem3A_175, %lt3A : i32
      %lt3A_179 = arith.constant 0 : i32
      %lt3A_180 = arith.cmpi slt, %select_n3A_174, %lt3A_179 : i32
      %ne3A_181 = arith.xori %lt3A_178, %lt3A_180 : i1
      %and3A_182 = arith.andi %ne3A_181, %ne3A_177 : i1
      %add3A_183 = arith.addi %rem3A_175, %select_n3A_174 : i32
      %select_n3A_184 = arith.select %and3A_182, %add3A_183, %rem3A_175 : i32
      %mul3A_185 = arith.constant 16 : i32
      %mul3A_186 = arith.muli %select_n3A_184, %mul3A_185 : i32
      %get3A = arith.constant 0 : i32
      %get3A_187 = arith.index_cast %get3A : i32 to index
      %get3A_188 = arith.index_cast %select_n3A : i32 to index
      %get3A_189 = arith.index_cast %mul3A_186 : i32 to index
      %get3A_190 = tpu.vector_load %arg6[%get3A_187, %get3A_188, %get3A_189] {strides = array<i32>} : memref<2x7x128xi32, #tpu.memory_space<vmem>>, vector<1x1x16xi32>,
      %get3A_191 = vector.shape_cast %get3A_190 : vector<1x1x16xi32> to vector<16xi32>
      %shift_right_arithmetic3A = arith.constant 16 : i32
      %shift_right_arithmetic3A_192 = vector.broadcast %shift_right_arithmetic3A : i32 to vector<16xi32>
      %shift_right_arithmetic3A_193 = arith.shrsi %get3A_191, %shift_right_arithmetic3A_192 : vector<16xi32>
      %and3A_194 = arith.constant 65535 : i32
      %and3A_195 = vector.broadcast %and3A_194 : i32 to vector<16xi32>
      %and3A_196 = arith.andi %shift_right_arithmetic3A_193, %and3A_195 : vector<16xi32>
      %mul3A_197 = arith.constant 16 : i32
      %mul3A_198 = arith.muli %select_n3A_184, %mul3A_197 : i32
      %swap3A = arith.constant 0 : i32
      %swap3A_199 = arith.index_cast %swap3A : i32 to index
      %swap3A_200 = arith.index_cast %select_n3A : i32 to index
      %swap3A_201 = arith.index_cast %mul3A_198 : i32 to index
      %swap3A_202 = tpu.vector_load %arg7[%swap3A_199, %swap3A_200, %swap3A_201] {strides = array<i32>} : memref<2x7x128xi32, #tpu.memory_space<vmem>>, vector<1x1x16xi32>,
      %swap3A_203 = vector.shape_cast %swap3A_202 : vector<1x1x16xi32> to vector<16xi32>
      %swap3A_204 = vector.shape_cast %and3A_196 : vector<16xi32> to vector<1x1x16xi32>
      tpu.vector_store %arg7[%swap3A_199, %swap3A_200, %swap3A_201], %swap3A_204 {strides = array<i32>} : memref<2x7x128xi32, #tpu.memory_space<vmem>>, vector<1x1x16xi32>,
      %and3A_205 = arith.constant 65535 : i32
      %and3A_206 = vector.broadcast %and3A_205 : i32 to vector<16xi32>
      %and3A_207 = arith.andi %get3A_191, %and3A_206 : vector<16xi32>
      %mul3A_208 = arith.constant 8 : i32
      %mul3A_209 = vector.broadcast %mul3A_208 : i32 to vector<16xi32>
      %mul3A_210 = arith.muli %and3A_207, %mul3A_209 : vector<16xi32>
      %add3A_211 = arith.constant 0 : i32
      %add3A_212 = vector.broadcast %add3A_211 : i32 to vector<16xi32>
      %add3A_213 = arith.addi %mul3A_210, %add3A_212 : vector<16xi32>
      %mul3A_214 = arith.constant 16 : i32
      %mul3A_215 = arith.muli %select_n3A_184, %mul3A_214 : i32
      %swap3A_216 = arith.constant 0 : i32
      %swap3A_217 = arith.index_cast %swap3A_216 : i32 to index
      %swap3A_218 = arith.index_cast %select_n3A : i32 to index
      %swap3A_219 = arith.index_cast %mul3A_215 : i32 to index
      %swap3A_220 = tpu.vector_load %arg6[%swap3A_217, %swap3A_218, %swap3A_219] {strides = array<i32>} : memref<2x7x128xi32, #tpu.memory_space<vmem>>, vector<1x1x16xi32>,
      %swap3A_221 = vector.shape_cast %swap3A_220 : vector<1x1x16xi32> to vector<16xi32>
      %swap3A_222 = vector.shape_cast %add3A_213 : vector<16xi32> to vector<1x1x16xi32>
      tpu.vector_store %arg6[%swap3A_217, %swap3A_218, %swap3A_219], %swap3A_222 {strides = array<i32>} : memref<2x7x128xi32, #tpu.memory_space<vmem>>, vector<1x1x16xi32>,
      %scan3A_223 = arith.constant 0 : i32
      scf.yield %scan3A_223 : i32
    }
    %scan3A_36 = arith.constant 56 : i32
    %dma_start3A = arith.constant 0 : i32
    %dma_start3A_37 = arith.constant 0 : i32
    %dma_start3A_38 = arith.constant 0 : i32
    %dma_start3A_39 = arith.constant 0 : i32
    %dma_start3A_40 = arith.constant 0 : i32
    %dma_start3A_41 = tpu.memref_slice %arg8[%dma_start3A_38, %dma_start3A_39, %dma_start3A_40] : memref<2x896x16xf32, #tpu.memory_space<vmem>> -> memref<1x128x16xf32, #tpu.memory_space<vmem>>
    %dma_start3A_42 = tpu.memref_squeeze %dma_start3A_41 : memref<1x128x16xf32, #tpu.memory_space<vmem>> -> memref<128x16xf32, #tpu.memory_space<vmem>>
    %dma_start3A_43 = arith.constant 0 : i32
    %dma_start3A_44 = tpu.memref_slice %arg6[%dma_start3A, %dma_start3A_37, %dma_start3A_43] : memref<2x7x128xi32, #tpu.memory_space<vmem>> -> memref<1x1x128xi32, #tpu.memory_space<vmem>>
    %dma_start3A_45 = tpu.memref_squeeze %dma_start3A_44 : memref<1x1x128xi32, #tpu.memory_space<vmem>> -> memref<128xi32, #tpu.memory_space<vmem>>
    %dma_start3A_46 = arith.constant 0 : i32
    %dma_start3A_47 = arith.constant 0 : i32
    %dma_start3A_48 = tpu.memref_slice %arg3[%dma_start3A_46, %dma_start3A_47] : memref<401408x16xf32, #tpu.memory_space<hbm>> -> memref<401408x16xf32, #tpu.memory_space<hbm>>
    tpu.enqueue_indirect_dma source(%dma_start3A_48 : memref<401408x16xf32, #tpu.memory_space<hbm>>) target(%dma_start3A_42 : memref<128x16xf32, #tpu.memory_space<vmem>>) offsets(%dma_start3A_45 : memref<128xi32, #tpu.memory_space<vmem>>) semaphore(%arg9 : memref<!tpu.dma_semaphore, #tpu.memory_space<semaphore_mem>>)
    %dma_start3A_49 = arith.constant 0 : i32
    %dma_start3A_50 = arith.constant 1 : i32
    %dma_start3A_51 = arith.constant 0 : i32
    %dma_start3A_52 = arith.constant 128 : i32
    %dma_start3A_53 = arith.constant 0 : i32
    %dma_start3A_54 = tpu.memref_slice %arg8[%dma_start3A_51, %dma_start3A_52, %dma_start3A_53] : memref<2x896x16xf32, #tpu.memory_space<vmem>> -> memref<1x128x16xf32, #tpu.memory_space<vmem>>
    %dma_start3A_55 = tpu.memref_squeeze %dma_start3A_54 : memref<1x128x16xf32, #tpu.memory_space<vmem>> -> memref<128x16xf32, #tpu.memory_space<vmem>>
    %dma_start3A_56 = arith.constant 0 : i32
    %dma_start3A_57 = tpu.memref_slice %arg6[%dma_start3A_49, %dma_start3A_50, %dma_start3A_56] : memref<2x7x128xi32, #tpu.memory_space<vmem>> -> memref<1x1x128xi32, #tpu.memory_space<vmem>>
    %dma_start3A_58 = tpu.memref_squeeze %dma_start3A_57 : memref<1x1x128xi32, #tpu.memory_space<vmem>> -> memref<128xi32, #tpu.memory_space<vmem>>
    %dma_start3A_59 = arith.constant 0 : i32
    %dma_start3A_60 = arith.constant 0 : i32
    %dma_start3A_61 = tpu.memref_slice %arg3[%dma_start3A_59, %dma_start3A_60] : memref<401408x16xf32, #tpu.memory_space<hbm>> -> memref<401408x16xf32, #tpu.memory_space<hbm>>
    tpu.enqueue_indirect_dma source(%dma_start3A_61 : memref<401408x16xf32, #tpu.memory_space<hbm>>) target(%dma_start3A_55 : memref<128x16xf32, #tpu.memory_space<vmem>>) offsets(%dma_start3A_58 : memref<128xi32, #tpu.memory_space<vmem>>) semaphore(%arg9 : memref<!tpu.dma_semaphore, #tpu.memory_space<semaphore_mem>>)
    %dma_start3A_62 = arith.constant 0 : i32
    %dma_start3A_63 = arith.constant 2 : i32
    %dma_start3A_64 = arith.constant 0 : i32
    %dma_start3A_65 = arith.constant 256 : i32
    %dma_start3A_66 = arith.constant 0 : i32
    %dma_start3A_67 = tpu.memref_slice %arg8[%dma_start3A_64, %dma_start3A_65, %dma_start3A_66] : memref<2x896x16xf32, #tpu.memory_space<vmem>> -> memref<1x128x16xf32, #tpu.memory_space<vmem>>
    %dma_start3A_68 = tpu.memref_squeeze %dma_start3A_67 : memref<1x128x16xf32, #tpu.memory_space<vmem>> -> memref<128x16xf32, #tpu.memory_space<vmem>>
    %dma_start3A_69 = arith.constant 0 : i32
    %dma_start3A_70 = tpu.memref_slice %arg6[%dma_start3A_62, %dma_start3A_63, %dma_start3A_69] : memref<2x7x128xi32, #tpu.memory_space<vmem>> -> memref<1x1x128xi32, #tpu.memory_space<vmem>>
    %dma_start3A_71 = tpu.memref_squeeze %dma_start3A_70 : memref<1x1x128xi32, #tpu.memory_space<vmem>> -> memref<128xi32, #tpu.memory_space<vmem>>
    %dma_start3A_72 = arith.constant 0 : i32
    %dma_start3A_73 = arith.constant 0 : i32
    %dma_start3A_74 = tpu.memref_slice %arg3[%dma_start3A_72, %dma_start3A_73] : memref<401408x16xf32, #tpu.memory_space<hbm>> -> memref<401408x16xf32, #tpu.memory_space<hbm>>
    tpu.enqueue_indirect_dma source(%dma_start3A_74 : memref<401408x16xf32, #tpu.memory_space<hbm>>) target(%dma_start3A_68 : memref<128x16xf32, #tpu.memory_space<vmem>>) offsets(%dma_start3A_71 : memref<128xi32, #tpu.memory_space<vmem>>) semaphore(%arg9 : memref<!tpu.dma_semaphore, #tpu.memory_space<semaphore_mem>>)
    %dma_start3A_75 = arith.constant 0 : i32
    %dma_start3A_76 = arith.constant 3 : i32
    %dma_start3A_77 = arith.constant 0 : i32
    %dma_start3A_78 = arith.constant 384 : i32
    %dma_start3A_79 = arith.constant 0 : i32
    %dma_start3A_80 = tpu.memref_slice %arg8[%dma_start3A_77, %dma_start3A_78, %dma_start3A_79] : memref<2x896x16xf32, #tpu.memory_space<vmem>> -> memref<1x128x16xf32, #tpu.memory_space<vmem>>
    %dma_start3A_81 = tpu.memref_squeeze %dma_start3A_80 : memref<1x128x16xf32, #tpu.memory_space<vmem>> -> memref<128x16xf32, #tpu.memory_space<vmem>>
    %dma_start3A_82 = arith.constant 0 : i32
    %dma_start3A_83 = tpu.memref_slice %arg6[%dma_start3A_75, %dma_start3A_76, %dma_start3A_82] : memref<2x7x128xi32, #tpu.memory_space<vmem>> -> memref<1x1x128xi32, #tpu.memory_space<vmem>>
    %dma_start3A_84 = tpu.memref_squeeze %dma_start3A_83 : memref<1x1x128xi32, #tpu.memory_space<vmem>> -> memref<128xi32, #tpu.memory_space<vmem>>
    %dma_start3A_85 = arith.constant 0 : i32
    %dma_start3A_86 = arith.constant 0 : i32
    %dma_start3A_87 = tpu.memref_slice %arg3[%dma_start3A_85, %dma_start3A_86] : memref<401408x16xf32, #tpu.memory_space<hbm>> -> memref<401408x16xf32, #tpu.memory_space<hbm>>
    tpu.enqueue_indirect_dma source(%dma_start3A_87 : memref<401408x16xf32, #tpu.memory_space<hbm>>) target(%dma_start3A_81 : memref<128x16xf32, #tpu.memory_space<vmem>>) offsets(%dma_start3A_84 : memref<128xi32, #tpu.memory_space<vmem>>) semaphore(%arg9 : memref<!tpu.dma_semaphore, #tpu.memory_space<semaphore_mem>>)
    %dma_start3A_88 = arith.constant 0 : i32
    %dma_start3A_89 = arith.constant 4 : i32
    %dma_start3A_90 = arith.constant 0 : i32
    %dma_start3A_91 = arith.constant 512 : i32
    %dma_start3A_92 = arith.constant 0 : i32
    %dma_start3A_93 = tpu.memref_slice %arg8[%dma_start3A_90, %dma_start3A_91, %dma_start3A_92] : memref<2x896x16xf32, #tpu.memory_space<vmem>> -> memref<1x128x16xf32, #tpu.memory_space<vmem>>
    %dma_start3A_94 = tpu.memref_squeeze %dma_start3A_93 : memref<1x128x16xf32, #tpu.memory_space<vmem>> -> memref<128x16xf32, #tpu.memory_space<vmem>>
    %dma_start3A_95 = arith.constant 0 : i32
    %dma_start3A_96 = tpu.memref_slice %arg6[%dma_start3A_88, %dma_start3A_89, %dma_start3A_95] : memref<2x7x128xi32, #tpu.memory_space<vmem>> -> memref<1x1x128xi32, #tpu.memory_space<vmem>>
    %dma_start3A_97 = tpu.memref_squeeze %dma_start3A_96 : memref<1x1x128xi32, #tpu.memory_space<vmem>> -> memref<128xi32, #tpu.memory_space<vmem>>
    %dma_start3A_98 = arith.constant 0 : i32
    %dma_start3A_99 = arith.constant 0 : i32
    %dma_start3A_100 = tpu.memref_slice %arg3[%dma_start3A_98, %dma_start3A_99] : memref<401408x16xf32, #tpu.memory_space<hbm>> -> memref<401408x16xf32, #tpu.memory_space<hbm>>
    tpu.enqueue_indirect_dma source(%dma_start3A_100 : memref<401408x16xf32, #tpu.memory_space<hbm>>) target(%dma_start3A_94 : memref<128x16xf32, #tpu.memory_space<vmem>>) offsets(%dma_start3A_97 : memref<128xi32, #tpu.memory_space<vmem>>) semaphore(%arg9 : memref<!tpu.dma_semaphore, #tpu.memory_space<semaphore_mem>>)
    %dma_start3A_101 = arith.constant 0 : i32
    %dma_start3A_102 = arith.constant 5 : i32
    %dma_start3A_103 = arith.constant 0 : i32
    %dma_start3A_104 = arith.constant 640 : i32
    %dma_start3A_105 = arith.constant 0 : i32
    %dma_start3A_106 = tpu.memref_slice %arg8[%dma_start3A_103, %dma_start3A_104, %dma_start3A_105] : memref<2x896x16xf32, #tpu.memory_space<vmem>> -> memref<1x128x16xf32, #tpu.memory_space<vmem>>
    %dma_start3A_107 = tpu.memref_squeeze %dma_start3A_106 : memref<1x128x16xf32, #tpu.memory_space<vmem>> -> memref<128x16xf32, #tpu.memory_space<vmem>>
    %dma_start3A_108 = arith.constant 0 : i32
    %dma_start3A_109 = tpu.memref_slice %arg6[%dma_start3A_101, %dma_start3A_102, %dma_start3A_108] : memref<2x7x128xi32, #tpu.memory_space<vmem>> -> memref<1x1x128xi32, #tpu.memory_space<vmem>>
    %dma_start3A_110 = tpu.memref_squeeze %dma_start3A_109 : memref<1x1x128xi32, #tpu.memory_space<vmem>> -> memref<128xi32, #tpu.memory_space<vmem>>
    %dma_start3A_111 = arith.constant 0 : i32
    %dma_start3A_112 = arith.constant 0 : i32
    %dma_start3A_113 = tpu.memref_slice %arg3[%dma_start3A_111, %dma_start3A_112] : memref<401408x16xf32, #tpu.memory_space<hbm>> -> memref<401408x16xf32, #tpu.memory_space<hbm>>
    tpu.enqueue_indirect_dma source(%dma_start3A_113 : memref<401408x16xf32, #tpu.memory_space<hbm>>) target(%dma_start3A_107 : memref<128x16xf32, #tpu.memory_space<vmem>>) offsets(%dma_start3A_110 : memref<128xi32, #tpu.memory_space<vmem>>) semaphore(%arg9 : memref<!tpu.dma_semaphore, #tpu.memory_space<semaphore_mem>>)
    %dma_start3A_114 = arith.constant 0 : i32
    %dma_start3A_115 = arith.constant 6 : i32
    %dma_start3A_116 = arith.constant 0 : i32
    %dma_start3A_117 = arith.constant 768 : i32
    %dma_start3A_118 = arith.constant 0 : i32
    %dma_start3A_119 = tpu.memref_slice %arg8[%dma_start3A_116, %dma_start3A_117, %dma_start3A_118] : memref<2x896x16xf32, #tpu.memory_space<vmem>> -> memref<1x128x16xf32, #tpu.memory_space<vmem>>
    %dma_start3A_120 = tpu.memref_squeeze %dma_start3A_119 : memref<1x128x16xf32, #tpu.memory_space<vmem>> -> memref<128x16xf32, #tpu.memory_space<vmem>>
    %dma_start3A_121 = arith.constant 0 : i32
    %dma_start3A_122 = tpu.memref_slice %arg6[%dma_start3A_114, %dma_start3A_115, %dma_start3A_121] : memref<2x7x128xi32, #tpu.memory_space<vmem>> -> memref<1x1x128xi32, #tpu.memory_space<vmem>>
    %dma_start3A_123 = tpu.memref_squeeze %dma_start3A_122 : memref<1x1x128xi32, #tpu.memory_space<vmem>> -> memref<128xi32, #tpu.memory_space<vmem>>
    %dma_start3A_124 = arith.constant 0 : i32
    %dma_start3A_125 = arith.constant 0 : i32
    %dma_start3A_126 = tpu.memref_slice %arg3[%dma_start3A_124, %dma_start3A_125] : memref<401408x16xf32, #tpu.memory_space<hbm>> -> memref<401408x16xf32, #tpu.memory_space<hbm>>
    tpu.enqueue_indirect_dma source(%dma_start3A_126 : memref<401408x16xf32, #tpu.memory_space<hbm>>) target(%dma_start3A_120 : memref<128x16xf32, #tpu.memory_space<vmem>>) offsets(%dma_start3A_123 : memref<128xi32, #tpu.memory_space<vmem>>) semaphore(%arg9 : memref<!tpu.dma_semaphore, #tpu.memory_space<semaphore_mem>>)
    %scan3A_127 = arith.constant 0 : i32
    %scan3A_128 = arith.constant 0 : i32
    %scan3A_129 = arith.constant 28 : i32
    %scan3A_130 = arith.addi %scan3A_128, %scan3A_129 : i32
    %scan3A_131 = arith.constant 1 : i32
    %scan3A_132 = scf.for %scan3A_152 = %scan3A_128 to %scan3A_130 step %scan3A_131 iter_args(%scan3A_153 = %scan3A_127) -> (i32)  : i32 {
      %rem3A_154 = arith.constant 2 : i32
      %rem3A_155 = arith.remsi %scan3A_152, %rem3A_154 : i32
      %ge3A = arith.constant 1 : i32
      %ge3A_156 = arith.cmpi sge, %scan3A_152, %ge3A : i32
      %convert_element_type3A = arith.extui %ge3A_156 : i1 to i32
      %cond3A = arith.constant 0 : i32
      %cond3A_157 = arith.cmpi ne, %convert_element_type3A, %cond3A : i32
      scf.if %cond3A_157 {
        %sub3A = arith.constant 1 : i32
        %sub3A_256 = arith.subi %sub3A, %rem3A_155 : i32
        %dma_wait3A_257 = arith.constant 0 : i32
        %dma_wait3A_258 = arith.constant 0 : i32
        %dma_wait3A_259 = tpu.memref_slice %arg8[%sub3A_256, %dma_wait3A_257, %dma_wait3A_258] : memref<2x896x16xf32, #tpu.memory_space<vmem>> -> memref<1x896x16xf32, #tpu.memory_space<vmem>>
        %dma_wait3A_260 = tpu.memref_squeeze %dma_wait3A_259 : memref<1x896x16xf32, #tpu.memory_space<vmem>> -> memref<896x16xf32, #tpu.memory_space<vmem>>
        %dma_wait3A_261 = arith.constant 0 : i32
        %dma_wait3A_262 = arith.constant 0 : i32
        %dma_wait3A_263 = tpu.memref_slice %arg3[%dma_wait3A_261, %dma_wait3A_262] : memref<401408x16xf32, #tpu.memory_space<hbm>> -> memref<896x16xf32, #tpu.memory_space<hbm>>
        %dma_wait3A_264 = arith.constant 0 : i32
        %dma_wait3A_265 = arith.constant 0 : i32
        %dma_wait3A_266 = tpu.memref_slice %arg8[%sub3A_256, %dma_wait3A_264, %dma_wait3A_265] : memref<2x896x16xf32, #tpu.memory_space<vmem>> -> memref<1x896x16xf32, #tpu.memory_space<vmem>>
        %dma_wait3A_267 = tpu.memref_squeeze %dma_wait3A_266 : memref<1x896x16xf32, #tpu.memory_space<vmem>> -> memref<896x16xf32, #tpu.memory_space<vmem>>
        %dma_wait3A_268 = arith.constant 0 : i32
        %dma_wait3A_269 = arith.constant 0 : i32
        %dma_wait3A_270 = tpu.memref_slice %arg3[%dma_wait3A_268, %dma_wait3A_269] : memref<401408x16xf32, #tpu.memory_space<hbm>> -> memref<896x16xf32, #tpu.memory_space<hbm>>
        tpu.wait_dma2 semaphore(%arg10 : memref<!tpu.dma_semaphore, #tpu.memory_space<semaphore_mem>>) src(%dma_wait3A_270 : memref<896x16xf32, #tpu.memory_space<hbm>>) dst(%dma_wait3A_267 : memref<896x16xf32, #tpu.memory_space<vmem>>)
      } else {
      }
      %add3A_158 = arith.constant 1 : i32
      %add3A_159 = arith.addi %scan3A_152, %add3A_158 : i32
      %lt3A = arith.constant 28 : i32
      %lt3A_160 = arith.cmpi slt, %add3A_159, %lt3A : i32
      %convert_element_type3A_161 = arith.extui %lt3A_160 : i1 to i32
      %cond3A_162 = arith.constant 0 : i32
      %cond3A_163 = arith.cmpi ne, %convert_element_type3A_161, %cond3A_162 : i32
      scf.if %cond3A_163 {
        %add3A_256 = arith.constant 1 : i32
        %add3A_257 = arith.addi %scan3A_152, %add3A_256 : i32
        %sub3A = arith.constant 1 : i32
        %sub3A_258 = arith.subi %sub3A, %rem3A_155 : i32
        %mul3A_259 = arith.constant 7 : i32
        %mul3A_260 = arith.muli %add3A_257, %mul3A_259 : i32
        %add3A_261 = arith.addi %mul3A_8, %mul3A_260 : i32
        "tpu.region"() ({
          %run_scoped3A_346 = tpu.sem_alloc : memref<!tpu.dma_semaphore, #tpu.memory_space<semaphore_mem>>
          %dma_start3A_347 = arith.constant 0 : i32
          %dma_start3A_348 = arith.constant 0 : i32
          %dma_start3A_349 = tpu.memref_slice %arg6[%sub3A_258, %dma_start3A_347, %dma_start3A_348] : memref<2x7x128xi32, #tpu.memory_space<vmem>> -> memref<1x7x128xi32, #tpu.memory_space<vmem>>
          %dma_start3A_350 = tpu.memref_squeeze %dma_start3A_349 : memref<1x7x128xi32, #tpu.memory_space<vmem>> -> memref<7x128xi32, #tpu.memory_space<vmem>>
          %dma_start3A_351 = arith.constant 0 : i32
          %dma_start3A_352 = tpu.memref_slice %arg2[%add3A_261, %dma_start3A_351] : memref<6272x128xi32, #tpu.memory_space<hbm>> -> memref<7x128xi32, #tpu.memory_space<hbm>>
          %dma_start3A_353 = arith.constant 0 : i32
          %dma_start3A_354 = arith.constant 0 : i32
          %dma_start3A_355 = tpu.memref_slice %arg6[%sub3A_258, %dma_start3A_353, %dma_start3A_354] : memref<2x7x128xi32, #tpu.memory_space<vmem>> -> memref<1x7x128xi32, #tpu.memory_space<vmem>>
          %dma_start3A_356 = tpu.memref_squeeze %dma_start3A_355 : memref<1x7x128xi32, #tpu.memory_space<vmem>> -> memref<7x128xi32, #tpu.memory_space<vmem>>
          %dma_start3A_357 = arith.constant 0 : i32
          %dma_start3A_358 = tpu.memref_slice %arg2[%add3A_261, %dma_start3A_357] : memref<6272x128xi32, #tpu.memory_space<hbm>> -> memref<7x128xi32, #tpu.memory_space<hbm>>
          tpu.enqueue_dma source(%dma_start3A_358 : memref<7x128xi32, #tpu.memory_space<hbm>>) target(%dma_start3A_356 : memref<7x128xi32, #tpu.memory_space<vmem>>) target_semaphore(%run_scoped3A_346 : memref<!tpu.dma_semaphore, #tpu.memory_space<semaphore_mem>>)
          %dma_wait3A_359 = arith.constant 0 : i32
          %dma_wait3A_360 = arith.constant 0 : i32
          %dma_wait3A_361 = tpu.memref_slice %arg6[%sub3A_258, %dma_wait3A_359, %dma_wait3A_360] : memref<2x7x128xi32, #tpu.memory_space<vmem>> -> memref<1x7x128xi32, #tpu.memory_space<vmem>>
          %dma_wait3A_362 = tpu.memref_squeeze %dma_wait3A_361 : memref<1x7x128xi32, #tpu.memory_space<vmem>> -> memref<7x128xi32, #tpu.memory_space<vmem>>
          %dma_wait3A_363 = arith.constant 0 : i32
          %dma_wait3A_364 = tpu.memref_slice %arg2[%add3A_261, %dma_wait3A_363] : memref<6272x128xi32, #tpu.memory_space<hbm>> -> memref<7x128xi32, #tpu.memory_space<hbm>>
          %dma_wait3A_365 = arith.constant 0 : i32
          %dma_wait3A_366 = arith.constant 0 : i32
          %dma_wait3A_367 = tpu.memref_slice %arg6[%sub3A_258, %dma_wait3A_365, %dma_wait3A_366] : memref<2x7x128xi32, #tpu.memory_space<vmem>> -> memref<1x7x128xi32, #tpu.memory_space<vmem>>
          %dma_wait3A_368 = tpu.memref_squeeze %dma_wait3A_367 : memref<1x7x128xi32, #tpu.memory_space<vmem>> -> memref<7x128xi32, #tpu.memory_space<vmem>>
          %dma_wait3A_369 = arith.constant 0 : i32
          %dma_wait3A_370 = tpu.memref_slice %arg2[%add3A_261, %dma_wait3A_369] : memref<6272x128xi32, #tpu.memory_space<hbm>> -> memref<7x128xi32, #tpu.memory_space<hbm>>
          tpu.wait_dma2 semaphore(%run_scoped3A_346 : memref<!tpu.dma_semaphore, #tpu.memory_space<semaphore_mem>>) src(%dma_wait3A_370 : memref<7x128xi32, #tpu.memory_space<hbm>>) dst(%dma_wait3A_368 : memref<7x128xi32, #tpu.memory_space<vmem>>)
          tpu.yield
        }) : () -> ()
        %scan3A_262 = arith.constant 0 : i32
        %scan3A_263 = arith.constant 0 : i32
        %scan3A_264 = arith.constant 56 : i32
        %scan3A_265 = arith.addi %scan3A_263, %scan3A_264 : i32
        %scan3A_266 = arith.constant 1 : i32
        %scan3A_267 = scf.for %scan3A_346 = %scan3A_263 to %scan3A_265 step %scan3A_266 iter_args(%scan3A_347 = %scan3A_262) -> (i32)  : i32 {
          %jit3A = arith.constant 8 : i32
          %div3A = arith.divsi %scan3A_346, %jit3A : i32
          %sign3A = arith.constant 0 : i32
          %sign3A_348 = arith.cmpi sgt, %scan3A_346, %sign3A : i32
          %sign3A_349 = arith.extui %sign3A_348 : i1 to i32
          %sign3A_350 = arith.constant 0 : i32
          %sign3A_351 = arith.cmpi slt, %scan3A_346, %sign3A_350 : i32
          %sign3A_352 = arith.extui %sign3A_351 : i1 to i32
          %sign3A_353 = arith.subi %sign3A_349, %sign3A_352 : i32
          %sign3A_354 = arith.constant 0 : i32
          %sign3A_355 = arith.cmpi sgt, %jit3A, %sign3A_354 : i32
          %sign3A_356 = arith.extui %sign3A_355 : i1 to i32
          %sign3A_357 = arith.constant 0 : i32
          %sign3A_358 = arith.cmpi slt, %jit3A, %sign3A_357 : i32
          %sign3A_359 = arith.extui %sign3A_358 : i1 to i32
          %sign3A_360 = arith.subi %sign3A_356, %sign3A_359 : i32
          %ne3A = arith.cmpi ne, %sign3A_353, %sign3A_360 : i32
          %rem3A_361 = arith.remsi %scan3A_346, %jit3A : i32
          %ne3A_362 = arith.constant 0 : i32
          %ne3A_363 = arith.cmpi ne, %rem3A_361, %ne3A_362 : i32
          %and3A = arith.andi %ne3A, %ne3A_363 : i1
          %sub3A_364 = arith.constant 1 : i32
          %sub3A_365 = arith.subi %div3A, %sub3A_364 : i32
          %select_n3A = arith.select %and3A, %sub3A_365, %div3A : i32
          %jit3A_366 = arith.constant 8 : i32
          %eq3A = arith.constant 0 : i32
          %eq3A_367 = arith.cmpi eq, %jit3A_366, %eq3A : i32
          %jit3A_368 = arith.constant 1 : i32
          %select_n3A_369 = arith.select %eq3A_367, %jit3A_368, %jit3A_366 : i32
          %rem3A_370 = arith.remsi %scan3A_346, %select_n3A_369 : i32
          %ne3A_371 = arith.constant 0 : i32
          %ne3A_372 = arith.cmpi ne, %rem3A_370, %ne3A_371 : i32
          %lt3A_373 = arith.constant 0 : i32
          %lt3A_374 = arith.cmpi slt, %rem3A_370, %lt3A_373 : i32
          %lt3A_375 = arith.constant 0 : i32
          %lt3A_376 = arith.cmpi slt, %select_n3A_369, %lt3A_375 : i32
          %ne3A_377 = arith.xori %lt3A_374, %lt3A_376 : i1
          %and3A_378 = arith.andi %ne3A_377, %ne3A_372 : i1
          %add3A_379 = arith.addi %rem3A_370, %select_n3A_369 : i32
          %select_n3A_380 = arith.select %and3A_378, %add3A_379, %rem3A_370 : i32
          %mul3A_381 = arith.constant 16 : i32
          %mul3A_382 = arith.muli %select_n3A_380, %mul3A_381 : i32
          %get3A = arith.index_cast %sub3A_258 : i32 to index
          %get3A_383 = arith.index_cast %select_n3A : i32 to index
          %get3A_384 = arith.index_cast %mul3A_382 : i32 to index
          %get3A_385 = tpu.vector_load %arg6[%get3A, %get3A_383, %get3A_384] {strides = array<i32>} : memref<2x7x128xi32, #tpu.memory_space<vmem>>, vector<1x1x16xi32>,
          %get3A_386 = vector.shape_cast %get3A_385 : vector<1x1x16xi32> to vector<16xi32>
          %shift_right_arithmetic3A = arith.constant 16 : i32
          %shift_right_arithmetic3A_387 = vector.broadcast %shift_right_arithmetic3A : i32 to vector<16xi32>
          %shift_right_arithmetic3A_388 = arith.shrsi %get3A_386, %shift_right_arithmetic3A_387 : vector<16xi32>
          %and3A_389 = arith.constant 65535 : i32
          %and3A_390 = vector.broadcast %and3A_389 : i32 to vector<16xi32>
          %and3A_391 = arith.andi %shift_right_arithmetic3A_388, %and3A_390 : vector<16xi32>
          %mul3A_392 = arith.constant 16 : i32
          %mul3A_393 = arith.muli %select_n3A_380, %mul3A_392 : i32
          %swap3A = arith.index_cast %sub3A_258 : i32 to index
          %swap3A_394 = arith.index_cast %select_n3A : i32 to index
          %swap3A_395 = arith.index_cast %mul3A_393 : i32 to index
          %swap3A_396 = tpu.vector_load %arg7[%swap3A, %swap3A_394, %swap3A_395] {strides = array<i32>} : memref<2x7x128xi32, #tpu.memory_space<vmem>>, vector<1x1x16xi32>,
          %swap3A_397 = vector.shape_cast %swap3A_396 : vector<1x1x16xi32> to vector<16xi32>
          %swap3A_398 = vector.shape_cast %and3A_391 : vector<16xi32> to vector<1x1x16xi32>
          tpu.vector_store %arg7[%swap3A, %swap3A_394, %swap3A_395], %swap3A_398 {strides = array<i32>} : memref<2x7x128xi32, #tpu.memory_space<vmem>>, vector<1x1x16xi32>,
          %and3A_399 = arith.constant 65535 : i32
          %and3A_400 = vector.broadcast %and3A_399 : i32 to vector<16xi32>
          %and3A_401 = arith.andi %get3A_386, %and3A_400 : vector<16xi32>
          %mul3A_402 = arith.constant 8 : i32
          %mul3A_403 = vector.broadcast %mul3A_402 : i32 to vector<16xi32>
          %mul3A_404 = arith.muli %and3A_401, %mul3A_403 : vector<16xi32>
          %add3A_405 = arith.constant 0 : i32
          %add3A_406 = vector.broadcast %add3A_405 : i32 to vector<16xi32>
          %add3A_407 = arith.addi %mul3A_404, %add3A_406 : vector<16xi32>
          %mul3A_408 = arith.constant 16 : i32
          %mul3A_409 = arith.muli %select_n3A_380, %mul3A_408 : i32
          %swap3A_410 = arith.index_cast %sub3A_258 : i32 to index
          %swap3A_411 = arith.index_cast %select_n3A : i32 to index
          %swap3A_412 = arith.index_cast %mul3A_409 : i32 to index
          %swap3A_413 = tpu.vector_load %arg6[%swap3A_410, %swap3A_411, %swap3A_412] {strides = array<i32>} : memref<2x7x128xi32, #tpu.memory_space<vmem>>, vector<1x1x16xi32>,
          %swap3A_414 = vector.shape_cast %swap3A_413 : vector<1x1x16xi32> to vector<16xi32>
          %swap3A_415 = vector.shape_cast %add3A_407 : vector<16xi32> to vector<1x1x16xi32>
          tpu.vector_store %arg6[%swap3A_410, %swap3A_411, %swap3A_412], %swap3A_415 {strides = array<i32>} : memref<2x7x128xi32, #tpu.memory_space<vmem>>, vector<1x1x16xi32>,
          %scan3A_416 = arith.constant 0 : i32
          scf.yield %scan3A_416 : i32
        }
        %scan3A_268 = arith.constant 56 : i32
        %dma_start3A_269 = arith.constant 0 : i32
        %dma_start3A_270 = arith.constant 0 : i32
        %dma_start3A_271 = arith.constant 0 : i32
        %dma_start3A_272 = tpu.memref_slice %arg8[%sub3A_258, %dma_start3A_270, %dma_start3A_271] : memref<2x896x16xf32, #tpu.memory_space<vmem>> -> memref<1x128x16xf32, #tpu.memory_space<vmem>>
        %dma_start3A_273 = tpu.memref_squeeze %dma_start3A_272 : memref<1x128x16xf32, #tpu.memory_space<vmem>> -> memref<128x16xf32, #tpu.memory_space<vmem>>
        %dma_start3A_274 = arith.constant 0 : i32
        %dma_start3A_275 = tpu.memref_slice %arg6[%sub3A_258, %dma_start3A_269, %dma_start3A_274] : memref<2x7x128xi32, #tpu.memory_space<vmem>> -> memref<1x1x128xi32, #tpu.memory_space<vmem>>
        %dma_start3A_276 = tpu.memref_squeeze %dma_start3A_275 : memref<1x1x128xi32, #tpu.memory_space<vmem>> -> memref<128xi32, #tpu.memory_space<vmem>>
        %dma_start3A_277 = arith.constant 0 : i32
        %dma_start3A_278 = arith.constant 0 : i32
        %dma_start3A_279 = tpu.memref_slice %arg3[%dma_start3A_277, %dma_start3A_278] : memref<401408x16xf32, #tpu.memory_space<hbm>> -> memref<401408x16xf32, #tpu.memory_space<hbm>>
        tpu.enqueue_indirect_dma source(%dma_start3A_279 : memref<401408x16xf32, #tpu.memory_space<hbm>>) target(%dma_start3A_273 : memref<128x16xf32, #tpu.memory_space<vmem>>) offsets(%dma_start3A_276 : memref<128xi32, #tpu.memory_space<vmem>>) semaphore(%arg9 : memref<!tpu.dma_semaphore, #tpu.memory_space<semaphore_mem>>)
        %dma_start3A_280 = arith.constant 1 : i32
        %dma_start3A_281 = arith.constant 128 : i32
        %dma_start3A_282 = arith.constant 0 : i32
        %dma_start3A_283 = tpu.memref_slice %arg8[%sub3A_258, %dma_start3A_281, %dma_start3A_282] : memref<2x896x16xf32, #tpu.memory_space<vmem>> -> memref<1x128x16xf32, #tpu.memory_space<vmem>>
        %dma_start3A_284 = tpu.memref_squeeze %dma_start3A_283 : memref<1x128x16xf32, #tpu.memory_space<vmem>> -> memref<128x16xf32, #tpu.memory_space<vmem>>
        %dma_start3A_285 = arith.constant 0 : i32
        %dma_start3A_286 = tpu.memref_slice %arg6[%sub3A_258, %dma_start3A_280, %dma_start3A_285] : memref<2x7x128xi32, #tpu.memory_space<vmem>> -> memref<1x1x128xi32, #tpu.memory_space<vmem>>
        %dma_start3A_287 = tpu.memref_squeeze %dma_start3A_286 : memref<1x1x128xi32, #tpu.memory_space<vmem>> -> memref<128xi32, #tpu.memory_space<vmem>>
        %dma_start3A_288 = arith.constant 0 : i32
        %dma_start3A_289 = arith.constant 0 : i32
        %dma_start3A_290 = tpu.memref_slice %arg3[%dma_start3A_288, %dma_start3A_289] : memref<401408x16xf32, #tpu.memory_space<hbm>> -> memref<401408x16xf32, #tpu.memory_space<hbm>>
        tpu.enqueue_indirect_dma source(%dma_start3A_290 : memref<401408x16xf32, #tpu.memory_space<hbm>>) target(%dma_start3A_284 : memref<128x16xf32, #tpu.memory_space<vmem>>) offsets(%dma_start3A_287 : memref<128xi32, #tpu.memory_space<vmem>>) semaphore(%arg9 : memref<!tpu.dma_semaphore, #tpu.memory_space<semaphore_mem>>)
        %dma_start3A_291 = arith.constant 2 : i32
        %dma_start3A_292 = arith.constant 256 : i32
        %dma_start3A_293 = arith.constant 0 : i32
        %dma_start3A_294 = tpu.memref_slice %arg8[%sub3A_258, %dma_start3A_292, %dma_start3A_293] : memref<2x896x16xf32, #tpu.memory_space<vmem>> -> memref<1x128x16xf32, #tpu.memory_space<vmem>>
        %dma_start3A_295 = tpu.memref_squeeze %dma_start3A_294 : memref<1x128x16xf32, #tpu.memory_space<vmem>> -> memref<128x16xf32, #tpu.memory_space<vmem>>
        %dma_start3A_296 = arith.constant 0 : i32
        %dma_start3A_297 = tpu.memref_slice %arg6[%sub3A_258, %dma_start3A_291, %dma_start3A_296] : memref<2x7x128xi32, #tpu.memory_space<vmem>> -> memref<1x1x128xi32, #tpu.memory_space<vmem>>
        %dma_start3A_298 = tpu.memref_squeeze %dma_start3A_297 : memref<1x1x128xi32, #tpu.memory_space<vmem>> -> memref<128xi32, #tpu.memory_space<vmem>>
        %dma_start3A_299 = arith.constant 0 : i32
        %dma_start3A_300 = arith.constant 0 : i32
        %dma_start3A_301 = tpu.memref_slice %arg3[%dma_start3A_299, %dma_start3A_300] : memref<401408x16xf32, #tpu.memory_space<hbm>> -> memref<401408x16xf32, #tpu.memory_space<hbm>>
        tpu.enqueue_indirect_dma source(%dma_start3A_301 : memref<401408x16xf32, #tpu.memory_space<hbm>>) target(%dma_start3A_295 : memref<128x16xf32, #tpu.memory_space<vmem>>) offsets(%dma_start3A_298 : memref<128xi32, #tpu.memory_space<vmem>>) semaphore(%arg9 : memref<!tpu.dma_semaphore, #tpu.memory_space<semaphore_mem>>)
        %dma_start3A_302 = arith.constant 3 : i32
        %dma_start3A_303 = arith.constant 384 : i32
        %dma_start3A_304 = arith.constant 0 : i32
        %dma_start3A_305 = tpu.memref_slice %arg8[%sub3A_258, %dma_start3A_303, %dma_start3A_304] : memref<2x896x16xf32, #tpu.memory_space<vmem>> -> memref<1x128x16xf32, #tpu.memory_space<vmem>>
        %dma_start3A_306 = tpu.memref_squeeze %dma_start3A_305 : memref<1x128x16xf32, #tpu.memory_space<vmem>> -> memref<128x16xf32, #tpu.memory_space<vmem>>
        %dma_start3A_307 = arith.constant 0 : i32
        %dma_start3A_308 = tpu.memref_slice %arg6[%sub3A_258, %dma_start3A_302, %dma_start3A_307] : memref<2x7x128xi32, #tpu.memory_space<vmem>> -> memref<1x1x128xi32, #tpu.memory_space<vmem>>
        %dma_start3A_309 = tpu.memref_squeeze %dma_start3A_308 : memref<1x1x128xi32, #tpu.memory_space<vmem>> -> memref<128xi32, #tpu.memory_space<vmem>>
        %dma_start3A_310 = arith.constant 0 : i32
        %dma_start3A_311 = arith.constant 0 : i32
        %dma_start3A_312 = tpu.memref_slice %arg3[%dma_start3A_310, %dma_start3A_311] : memref<401408x16xf32, #tpu.memory_space<hbm>> -> memref<401408x16xf32, #tpu.memory_space<hbm>>
        tpu.enqueue_indirect_dma source(%dma_start3A_312 : memref<401408x16xf32, #tpu.memory_space<hbm>>) target(%dma_start3A_306 : memref<128x16xf32, #tpu.memory_space<vmem>>) offsets(%dma_start3A_309 : memref<128xi32, #tpu.memory_space<vmem>>) semaphore(%arg9 : memref<!tpu.dma_semaphore, #tpu.memory_space<semaphore_mem>>)
        %dma_start3A_313 = arith.constant 4 : i32
        %dma_start3A_314 = arith.constant 512 : i32
        %dma_start3A_315 = arith.constant 0 : i32
        %dma_start3A_316 = tpu.memref_slice %arg8[%sub3A_258, %dma_start3A_314, %dma_start3A_315] : memref<2x896x16xf32, #tpu.memory_space<vmem>> -> memref<1x128x16xf32, #tpu.memory_space<vmem>>
        %dma_start3A_317 = tpu.memref_squeeze %dma_start3A_316 : memref<1x128x16xf32, #tpu.memory_space<vmem>> -> memref<128x16xf32, #tpu.memory_space<vmem>>
        %dma_start3A_318 = arith.constant 0 : i32
        %dma_start3A_319 = tpu.memref_slice %arg6[%sub3A_258, %dma_start3A_313, %dma_start3A_318] : memref<2x7x128xi32, #tpu.memory_space<vmem>> -> memref<1x1x128xi32, #tpu.memory_space<vmem>>
        %dma_start3A_320 = tpu.memref_squeeze %dma_start3A_319 : memref<1x1x128xi32, #tpu.memory_space<vmem>> -> memref<128xi32, #tpu.memory_space<vmem>>
        %dma_start3A_321 = arith.constant 0 : i32
        %dma_start3A_322 = arith.constant 0 : i32
        %dma_start3A_323 = tpu.memref_slice %arg3[%dma_start3A_321, %dma_start3A_322] : memref<401408x16xf32, #tpu.memory_space<hbm>> -> memref<401408x16xf32, #tpu.memory_space<hbm>>
        tpu.enqueue_indirect_dma source(%dma_start3A_323 : memref<401408x16xf32, #tpu.memory_space<hbm>>) target(%dma_start3A_317 : memref<128x16xf32, #tpu.memory_space<vmem>>) offsets(%dma_start3A_320 : memref<128xi32, #tpu.memory_space<vmem>>) semaphore(%arg9 : memref<!tpu.dma_semaphore, #tpu.memory_space<semaphore_mem>>)
        %dma_start3A_324 = arith.constant 5 : i32
        %dma_start3A_325 = arith.constant 640 : i32
        %dma_start3A_326 = arith.constant 0 : i32
        %dma_start3A_327 = tpu.memref_slice %arg8[%sub3A_258, %dma_start3A_325, %dma_start3A_326] : memref<2x896x16xf32, #tpu.memory_space<vmem>> -> memref<1x128x16xf32, #tpu.memory_space<vmem>>
        %dma_start3A_328 = tpu.memref_squeeze %dma_start3A_327 : memref<1x128x16xf32, #tpu.memory_space<vmem>> -> memref<128x16xf32, #tpu.memory_space<vmem>>
        %dma_start3A_329 = arith.constant 0 : i32
        %dma_start3A_330 = tpu.memref_slice %arg6[%sub3A_258, %dma_start3A_324, %dma_start3A_329] : memref<2x7x128xi32, #tpu.memory_space<vmem>> -> memref<1x1x128xi32, #tpu.memory_space<vmem>>
        %dma_start3A_331 = tpu.memref_squeeze %dma_start3A_330 : memref<1x1x128xi32, #tpu.memory_space<vmem>> -> memref<128xi32, #tpu.memory_space<vmem>>
        %dma_start3A_332 = arith.constant 0 : i32
        %dma_start3A_333 = arith.constant 0 : i32
        %dma_start3A_334 = tpu.memref_slice %arg3[%dma_start3A_332, %dma_start3A_333] : memref<401408x16xf32, #tpu.memory_space<hbm>> -> memref<401408x16xf32, #tpu.memory_space<hbm>>
        tpu.enqueue_indirect_dma source(%dma_start3A_334 : memref<401408x16xf32, #tpu.memory_space<hbm>>) target(%dma_start3A_328 : memref<128x16xf32, #tpu.memory_space<vmem>>) offsets(%dma_start3A_331 : memref<128xi32, #tpu.memory_space<vmem>>) semaphore(%arg9 : memref<!tpu.dma_semaphore, #tpu.memory_space<semaphore_mem>>)
        %dma_start3A_335 = arith.constant 6 : i32
        %dma_start3A_336 = arith.constant 768 : i32
        %dma_start3A_337 = arith.constant 0 : i32
        %dma_start3A_338 = tpu.memref_slice %arg8[%sub3A_258, %dma_start3A_336, %dma_start3A_337] : memref<2x896x16xf32, #tpu.memory_space<vmem>> -> memref<1x128x16xf32, #tpu.memory_space<vmem>>
        %dma_start3A_339 = tpu.memref_squeeze %dma_start3A_338 : memref<1x128x16xf32, #tpu.memory_space<vmem>> -> memref<128x16xf32, #tpu.memory_space<vmem>>
        %dma_start3A_340 = arith.constant 0 : i32
        %dma_start3A_341 = tpu.memref_slice %arg6[%sub3A_258, %dma_start3A_335, %dma_start3A_340] : memref<2x7x128xi32, #tpu.memory_space<vmem>> -> memref<1x1x128xi32, #tpu.memory_space<vmem>>
        %dma_start3A_342 = tpu.memref_squeeze %dma_start3A_341 : memref<1x1x128xi32, #tpu.memory_space<vmem>> -> memref<128xi32, #tpu.memory_space<vmem>>
        %dma_start3A_343 = arith.constant 0 : i32
        %dma_start3A_344 = arith.constant 0 : i32
        %dma_start3A_345 = tpu.memref_slice %arg3[%dma_start3A_343, %dma_start3A_344] : memref<401408x16xf32, #tpu.memory_space<hbm>> -> memref<401408x16xf32, #tpu.memory_space<hbm>>
        tpu.enqueue_indirect_dma source(%dma_start3A_345 : memref<401408x16xf32, #tpu.memory_space<hbm>>) target(%dma_start3A_339 : memref<128x16xf32, #tpu.memory_space<vmem>>) offsets(%dma_start3A_342 : memref<128xi32, #tpu.memory_space<vmem>>) semaphore(%arg9 : memref<!tpu.dma_semaphore, #tpu.memory_space<semaphore_mem>>)
      } else {
      }
      %dma_wait3A_164 = arith.constant 0 : i32
      %dma_wait3A_165 = arith.constant 0 : i32
      %dma_wait3A_166 = tpu.memref_slice %arg8[%rem3A_155, %dma_wait3A_164, %dma_wait3A_165] : memref<2x896x16xf32, #tpu.memory_space<vmem>> -> memref<1x896x16xf32, #tpu.memory_space<vmem>>
      %dma_wait3A_167 = tpu.memref_squeeze %dma_wait3A_166 : memref<1x896x16xf32, #tpu.memory_space<vmem>> -> memref<896x16xf32, #tpu.memory_space<vmem>>
      %dma_wait3A_168 = arith.constant 0 : i32
      %dma_wait3A_169 = arith.constant 0 : i32
      %dma_wait3A_170 = tpu.memref_slice %arg3[%dma_wait3A_168, %dma_wait3A_169] : memref<401408x16xf32, #tpu.memory_space<hbm>> -> memref<896x16xf32, #tpu.memory_space<hbm>>
      %dma_wait3A_171 = arith.constant 0 : i32
      %dma_wait3A_172 = arith.constant 0 : i32
      %dma_wait3A_173 = tpu.memref_slice %arg8[%rem3A_155, %dma_wait3A_171, %dma_wait3A_172] : memref<2x896x16xf32, #tpu.memory_space<vmem>> -> memref<1x896x16xf32, #tpu.memory_space<vmem>>
      %dma_wait3A_174 = tpu.memref_squeeze %dma_wait3A_173 : memref<1x896x16xf32, #tpu.memory_space<vmem>> -> memref<896x16xf32, #tpu.memory_space<vmem>>
      %dma_wait3A_175 = arith.constant 0 : i32
      %dma_wait3A_176 = arith.constant 0 : i32
      %dma_wait3A_177 = tpu.memref_slice %arg3[%dma_wait3A_175, %dma_wait3A_176] : memref<401408x16xf32, #tpu.memory_space<hbm>> -> memref<896x16xf32, #tpu.memory_space<hbm>>
      tpu.wait_dma2 semaphore(%arg9 : memref<!tpu.dma_semaphore, #tpu.memory_space<semaphore_mem>>) src(%dma_wait3A_177 : memref<896x16xf32, #tpu.memory_space<hbm>>) dst(%dma_wait3A_174 : memref<896x16xf32, #tpu.memory_space<vmem>>)
      %dma_start3A_178 = arith.constant 0 : i32
      %dma_start3A_179 = arith.constant 0 : i32
      %dma_start3A_180 = arith.constant 0 : i32
      %dma_start3A_181 = tpu.memref_slice %arg8[%rem3A_155, %dma_start3A_179, %dma_start3A_180] : memref<2x896x16xf32, #tpu.memory_space<vmem>> -> memref<1x128x16xf32, #tpu.memory_space<vmem>>
      %dma_start3A_182 = tpu.memref_squeeze %dma_start3A_181 : memref<1x128x16xf32, #tpu.memory_space<vmem>> -> memref<128x16xf32, #tpu.memory_space<vmem>>
      %dma_start3A_183 = arith.constant 0 : i32
      %dma_start3A_184 = tpu.memref_slice %arg7[%rem3A_155, %dma_start3A_178, %dma_start3A_183] : memref<2x7x128xi32, #tpu.memory_space<vmem>> -> memref<1x1x128xi32, #tpu.memory_space<vmem>>
      %dma_start3A_185 = tpu.memref_squeeze %dma_start3A_184 : memref<1x1x128xi32, #tpu.memory_space<vmem>> -> memref<128xi32, #tpu.memory_space<vmem>>
      %dma_start3A_186 = arith.constant 0 : i32
      %dma_start3A_187 = arith.constant 0 : i32
      %dma_start3A_188 = tpu.memref_slice %arg5[%dma_start3A_186, %dma_start3A_187] : memref<50176x16xf32, #tpu.memory_space<vmem_shared>> -> memref<50176x16xf32, #tpu.memory_space<vmem_shared>>
      tpu.enqueue_indirect_dma source(%dma_start3A_182 : memref<128x16xf32, #tpu.memory_space<vmem>>) target(%dma_start3A_188 : memref<50176x16xf32, #tpu.memory_space<vmem_shared>>) offsets(%dma_start3A_185 : memref<128xi32, #tpu.memory_space<vmem>>) semaphore(%arg10 : memref<!tpu.dma_semaphore, #tpu.memory_space<semaphore_mem>>) {add = true}
      %dma_start3A_189 = arith.constant 1 : i32
      %dma_start3A_190 = arith.constant 128 : i32
      %dma_start3A_191 = arith.constant 0 : i32
      %dma_start3A_192 = tpu.memref_slice %arg8[%rem3A_155, %dma_start3A_190, %dma_start3A_191] : memref<2x896x16xf32, #tpu.memory_space<vmem>> -> memref<1x128x16xf32, #tpu.memory_space<vmem>>
      %dma_start3A_193 = tpu.memref_squeeze %dma_start3A_192 : memref<1x128x16xf32, #tpu.memory_space<vmem>> -> memref<128x16xf32, #tpu.memory_space<vmem>>
      %dma_start3A_194 = arith.constant 0 : i32
      %dma_start3A_195 = tpu.memref_slice %arg7[%rem3A_155, %dma_start3A_189, %dma_start3A_194] : memref<2x7x128xi32, #tpu.memory_space<vmem>> -> memref<1x1x128xi32, #tpu.memory_space<vmem>>
      %dma_start3A_196 = tpu.memref_squeeze %dma_start3A_195 : memref<1x1x128xi32, #tpu.memory_space<vmem>> -> memref<128xi32, #tpu.memory_space<vmem>>
      %dma_start3A_197 = arith.constant 0 : i32
      %dma_start3A_198 = arith.constant 0 : i32
      %dma_start3A_199 = tpu.memref_slice %arg5[%dma_start3A_197, %dma_start3A_198] : memref<50176x16xf32, #tpu.memory_space<vmem_shared>> -> memref<50176x16xf32, #tpu.memory_space<vmem_shared>>
      tpu.enqueue_indirect_dma source(%dma_start3A_193 : memref<128x16xf32, #tpu.memory_space<vmem>>) target(%dma_start3A_199 : memref<50176x16xf32, #tpu.memory_space<vmem_shared>>) offsets(%dma_start3A_196 : memref<128xi32, #tpu.memory_space<vmem>>) semaphore(%arg10 : memref<!tpu.dma_semaphore, #tpu.memory_space<semaphore_mem>>) {add = true}
      %dma_start3A_200 = arith.constant 2 : i32
      %dma_start3A_201 = arith.constant 256 : i32
      %dma_start3A_202 = arith.constant 0 : i32
      %dma_start3A_203 = tpu.memref_slice %arg8[%rem3A_155, %dma_start3A_201, %dma_start3A_202] : memref<2x896x16xf32, #tpu.memory_space<vmem>> -> memref<1x128x16xf32, #tpu.memory_space<vmem>>
      %dma_start3A_204 = tpu.memref_squeeze %dma_start3A_203 : memref<1x128x16xf32, #tpu.memory_space<vmem>> -> memref<128x16xf32, #tpu.memory_space<vmem>>
      %dma_start3A_205 = arith.constant 0 : i32
      %dma_start3A_206 = tpu.memref_slice %arg7[%rem3A_155, %dma_start3A_200, %dma_start3A_205] : memref<2x7x128xi32, #tpu.memory_space<vmem>> -> memref<1x1x128xi32, #tpu.memory_space<vmem>>
      %dma_start3A_207 = tpu.memref_squeeze %dma_start3A_206 : memref<1x1x128xi32, #tpu.memory_space<vmem>> -> memref<128xi32, #tpu.memory_space<vmem>>
      %dma_start3A_208 = arith.constant 0 : i32
      %dma_start3A_209 = arith.constant 0 : i32
      %dma_start3A_210 = tpu.memref_slice %arg5[%dma_start3A_208, %dma_start3A_209] : memref<50176x16xf32, #tpu.memory_space<vmem_shared>> -> memref<50176x16xf32, #tpu.memory_space<vmem_shared>>
      tpu.enqueue_indirect_dma source(%dma_start3A_204 : memref<128x16xf32, #tpu.memory_space<vmem>>) target(%dma_start3A_210 : memref<50176x16xf32, #tpu.memory_space<vmem_shared>>) offsets(%dma_start3A_207 : memref<128xi32, #tpu.memory_space<vmem>>) semaphore(%arg10 : memref<!tpu.dma_semaphore, #tpu.memory_space<semaphore_mem>>) {add = true}
      %dma_start3A_211 = arith.constant 3 : i32
      %dma_start3A_212 = arith.constant 384 : i32
      %dma_start3A_213 = arith.constant 0 : i32
      %dma_start3A_214 = tpu.memref_slice %arg8[%rem3A_155, %dma_start3A_212, %dma_start3A_213] : memref<2x896x16xf32, #tpu.memory_space<vmem>> -> memref<1x128x16xf32, #tpu.memory_space<vmem>>
      %dma_start3A_215 = tpu.memref_squeeze %dma_start3A_214 : memref<1x128x16xf32, #tpu.memory_space<vmem>> -> memref<128x16xf32, #tpu.memory_space<vmem>>
      %dma_start3A_216 = arith.constant 0 : i32
      %dma_start3A_217 = tpu.memref_slice %arg7[%rem3A_155, %dma_start3A_211, %dma_start3A_216] : memref<2x7x128xi32, #tpu.memory_space<vmem>> -> memref<1x1x128xi32, #tpu.memory_space<vmem>>
      %dma_start3A_218 = tpu.memref_squeeze %dma_start3A_217 : memref<1x1x128xi32, #tpu.memory_space<vmem>> -> memref<128xi32, #tpu.memory_space<vmem>>
      %dma_start3A_219 = arith.constant 0 : i32
      %dma_start3A_220 = arith.constant 0 : i32
      %dma_start3A_221 = tpu.memref_slice %arg5[%dma_start3A_219, %dma_start3A_220] : memref<50176x16xf32, #tpu.memory_space<vmem_shared>> -> memref<50176x16xf32, #tpu.memory_space<vmem_shared>>
      tpu.enqueue_indirect_dma source(%dma_start3A_215 : memref<128x16xf32, #tpu.memory_space<vmem>>) target(%dma_start3A_221 : memref<50176x16xf32, #tpu.memory_space<vmem_shared>>) offsets(%dma_start3A_218 : memref<128xi32, #tpu.memory_space<vmem>>) semaphore(%arg10 : memref<!tpu.dma_semaphore, #tpu.memory_space<semaphore_mem>>) {add = true}
      %dma_start3A_222 = arith.constant 4 : i32
      %dma_start3A_223 = arith.constant 512 : i32
      %dma_start3A_224 = arith.constant 0 : i32
      %dma_start3A_225 = tpu.memref_slice %arg8[%rem3A_155, %dma_start3A_223, %dma_start3A_224] : memref<2x896x16xf32, #tpu.memory_space<vmem>> -> memref<1x128x16xf32, #tpu.memory_space<vmem>>
      %dma_start3A_226 = tpu.memref_squeeze %dma_start3A_225 : memref<1x128x16xf32, #tpu.memory_space<vmem>> -> memref<128x16xf32, #tpu.memory_space<vmem>>
      %dma_start3A_227 = arith.constant 0 : i32
      %dma_start3A_228 = tpu.memref_slice %arg7[%rem3A_155, %dma_start3A_222, %dma_start3A_227] : memref<2x7x128xi32, #tpu.memory_space<vmem>> -> memref<1x1x128xi32, #tpu.memory_space<vmem>>
      %dma_start3A_229 = tpu.memref_squeeze %dma_start3A_228 : memref<1x1x128xi32, #tpu.memory_space<vmem>> -> memref<128xi32, #tpu.memory_space<vmem>>
      %dma_start3A_230 = arith.constant 0 : i32
      %dma_start3A_231 = arith.constant 0 : i32
      %dma_start3A_232 = tpu.memref_slice %arg5[%dma_start3A_230, %dma_start3A_231] : memref<50176x16xf32, #tpu.memory_space<vmem_shared>> -> memref<50176x16xf32, #tpu.memory_space<vmem_shared>>
      tpu.enqueue_indirect_dma source(%dma_start3A_226 : memref<128x16xf32, #tpu.memory_space<vmem>>) target(%dma_start3A_232 : memref<50176x16xf32, #tpu.memory_space<vmem_shared>>) offsets(%dma_start3A_229 : memref<128xi32, #tpu.memory_space<vmem>>) semaphore(%arg10 : memref<!tpu.dma_semaphore, #tpu.memory_space<semaphore_mem>>) {add = true}
      %dma_start3A_233 = arith.constant 5 : i32
      %dma_start3A_234 = arith.constant 640 : i32
      %dma_start3A_235 = arith.constant 0 : i32
      %dma_start3A_236 = tpu.memref_slice %arg8[%rem3A_155, %dma_start3A_234, %dma_start3A_235] : memref<2x896x16xf32, #tpu.memory_space<vmem>> -> memref<1x128x16xf32, #tpu.memory_space<vmem>>
      %dma_start3A_237 = tpu.memref_squeeze %dma_start3A_236 : memref<1x128x16xf32, #tpu.memory_space<vmem>> -> memref<128x16xf32, #tpu.memory_space<vmem>>
      %dma_start3A_238 = arith.constant 0 : i32
      %dma_start3A_239 = tpu.memref_slice %arg7[%rem3A_155, %dma_start3A_233, %dma_start3A_238] : memref<2x7x128xi32, #tpu.memory_space<vmem>> -> memref<1x1x128xi32, #tpu.memory_space<vmem>>
      %dma_start3A_240 = tpu.memref_squeeze %dma_start3A_239 : memref<1x1x128xi32, #tpu.memory_space<vmem>> -> memref<128xi32, #tpu.memory_space<vmem>>
      %dma_start3A_241 = arith.constant 0 : i32
      %dma_start3A_242 = arith.constant 0 : i32
      %dma_start3A_243 = tpu.memref_slice %arg5[%dma_start3A_241, %dma_start3A_242] : memref<50176x16xf32, #tpu.memory_space<vmem_shared>> -> memref<50176x16xf32, #tpu.memory_space<vmem_shared>>
      tpu.enqueue_indirect_dma source(%dma_start3A_237 : memref<128x16xf32, #tpu.memory_space<vmem>>) target(%dma_start3A_243 : memref<50176x16xf32, #tpu.memory_space<vmem_shared>>) offsets(%dma_start3A_240 : memref<128xi32, #tpu.memory_space<vmem>>) semaphore(%arg10 : memref<!tpu.dma_semaphore, #tpu.memory_space<semaphore_mem>>) {add = true}
      %dma_start3A_244 = arith.constant 6 : i32
      %dma_start3A_245 = arith.constant 768 : i32
      %dma_start3A_246 = arith.constant 0 : i32
      %dma_start3A_247 = tpu.memref_slice %arg8[%rem3A_155, %dma_start3A_245, %dma_start3A_246] : memref<2x896x16xf32, #tpu.memory_space<vmem>> -> memref<1x128x16xf32, #tpu.memory_space<vmem>>
      %dma_start3A_248 = tpu.memref_squeeze %dma_start3A_247 : memref<1x128x16xf32, #tpu.memory_space<vmem>> -> memref<128x16xf32, #tpu.memory_space<vmem>>
      %dma_start3A_249 = arith.constant 0 : i32
      %dma_start3A_250 = tpu.memref_slice %arg7[%rem3A_155, %dma_start3A_244, %dma_start3A_249] : memref<2x7x128xi32, #tpu.memory_space<vmem>> -> memref<1x1x128xi32, #tpu.memory_space<vmem>>
      %dma_start3A_251 = tpu.memref_squeeze %dma_start3A_250 : memref<1x1x128xi32, #tpu.memory_space<vmem>> -> memref<128xi32, #tpu.memory_space<vmem>>
      %dma_start3A_252 = arith.constant 0 : i32
      %dma_start3A_253 = arith.constant 0 : i32
      %dma_start3A_254 = tpu.memref_slice %arg5[%dma_start3A_252, %dma_start3A_253] : memref<50176x16xf32, #tpu.memory_space<vmem_shared>> -> memref<50176x16xf32, #tpu.memory_space<vmem_shared>>
      tpu.enqueue_indirect_dma source(%dma_start3A_248 : memref<128x16xf32, #tpu.memory_space<vmem>>) target(%dma_start3A_254 : memref<50176x16xf32, #tpu.memory_space<vmem_shared>>) offsets(%dma_start3A_251 : memref<128xi32, #tpu.memory_space<vmem>>) semaphore(%arg10 : memref<!tpu.dma_semaphore, #tpu.memory_space<semaphore_mem>>) {add = true}
      %scan3A_255 = arith.constant 0 : i32
      scf.yield %scan3A_255 : i32
    }
    %scan3A_133 = arith.constant 28 : i32
    %rem3A = arith.constant 27 : i32
    %rem3A_134 = arith.constant 2 : i32
    %rem3A_135 = arith.remsi %rem3A, %rem3A_134 : i32
    %dma_wait3A = arith.constant 0 : i32
    %dma_wait3A_136 = arith.constant 0 : i32
    %dma_wait3A_137 = tpu.memref_slice %arg8[%rem3A_135, %dma_wait3A, %dma_wait3A_136] : memref<2x896x16xf32, #tpu.memory_space<vmem>> -> memref<1x896x16xf32, #tpu.memory_space<vmem>>
    %dma_wait3A_138 = tpu.memref_squeeze %dma_wait3A_137 : memref<1x896x16xf32, #tpu.memory_space<vmem>> -> memref<896x16xf32, #tpu.memory_space<vmem>>
    %dma_wait3A_139 = arith.constant 0 : i32
    %dma_wait3A_140 = arith.constant 0 : i32
    %dma_wait3A_141 = tpu.memref_slice %arg3[%dma_wait3A_139, %dma_wait3A_140] : memref<401408x16xf32, #tpu.memory_space<hbm>> -> memref<896x16xf32, #tpu.memory_space<hbm>>
    %dma_wait3A_142 = arith.constant 0 : i32
    %dma_wait3A_143 = arith.constant 0 : i32
    %dma_wait3A_144 = tpu.memref_slice %arg8[%rem3A_135, %dma_wait3A_142, %dma_wait3A_143] : memref<2x896x16xf32, #tpu.memory_space<vmem>> -> memref<1x896x16xf32, #tpu.memory_space<vmem>>
    %dma_wait3A_145 = tpu.memref_squeeze %dma_wait3A_144 : memref<1x896x16xf32, #tpu.memory_space<vmem>> -> memref<896x16xf32, #tpu.memory_space<vmem>>
    %dma_wait3A_146 = arith.constant 0 : i32
    %dma_wait3A_147 = arith.constant 0 : i32
    %dma_wait3A_148 = tpu.memref_slice %arg3[%dma_wait3A_146, %dma_wait3A_147] : memref<401408x16xf32, #tpu.memory_space<hbm>> -> memref<896x16xf32, #tpu.memory_space<hbm>>
    tpu.wait_dma2 semaphore(%arg10 : memref<!tpu.dma_semaphore, #tpu.memory_space<semaphore_mem>>) src(%dma_wait3A_148 : memref<896x16xf32, #tpu.memory_space<hbm>>) dst(%dma_wait3A_145 : memref<896x16xf32, #tpu.memory_space<vmem>>)
    %barrier3A_149 = arith.constant 0 : index
    tpu.barrier barrier_id(%barrier3A_149)
    %mul3A_150 = arith.constant 16 : i32
    %mul3A_151 = arith.muli %arg0, %mul3A_150 : i32
    "tpu.region"() ({
      %run_scoped3A_152 = tpu.sem_alloc : memref<!tpu.dma_semaphore, #tpu.memory_space<semaphore_mem>>
      %dma_start3A_153 = tpu.memref_slice %arg4[%mul3A_0, %mul3A_151] : memref<50176x128xf32, #tpu.memory_space<hbm>> -> memref<3136x16xf32, #tpu.memory_space<hbm>>
      %dma_start3A_154 = arith.constant 0 : i32
      %dma_start3A_155 = tpu.memref_slice %arg5[%mul3A_0, %dma_start3A_154] : memref<50176x16xf32, #tpu.memory_space<vmem_shared>> -> memref<3136x16xf32, #tpu.memory_space<vmem_shared>>
      tpu.enqueue_dma source(%dma_start3A_155 : memref<3136x16xf32, #tpu.memory_space<vmem_shared>>) target(%dma_start3A_153 : memref<3136x16xf32, #tpu.memory_space<hbm>>) target_semaphore(%run_scoped3A_152 : memref<!tpu.dma_semaphore, #tpu.memory_space<semaphore_mem>>)
      %dma_wait3A_156 = tpu.memref_slice %arg4[%mul3A_0, %mul3A_151] : memref<50176x128xf32, #tpu.memory_space<hbm>> -> memref<3136x16xf32, #tpu.memory_space<hbm>>
      %dma_wait3A_157 = arith.constant 0 : i32
      %dma_wait3A_158 = tpu.memref_slice %arg5[%mul3A_0, %dma_wait3A_157] : memref<50176x16xf32, #tpu.memory_space<vmem_shared>> -> memref<3136x16xf32, #tpu.memory_space<vmem_shared>>
      tpu.wait_dma2 semaphore(%run_scoped3A_152 : memref<!tpu.dma_semaphore, #tpu.memory_space<semaphore_mem>>) src(%dma_wait3A_158 : memref<3136x16xf32, #tpu.memory_space<vmem_shared>>) dst(%dma_wait3A_156 : memref<3136x16xf32, #tpu.memory_space<hbm>>)
      tpu.yield
    }) : () -> ()
    return
  }
}

module attributes {stable_mosaic.version = 14 : i64} {
  func.func @body(%arg0: i32, %arg1: memref<1024x128xf32, #tpu.memory_space<vmem>>, %arg2: memref<1024x16xf32, #tpu.memory_space<vmem>>, %arg3: memref<1024x128xf32, #tpu.memory_space<vmem>>) attributes {dimension_semantics = [#tpu.dimension_semantics<arbitrary>], iteration_bounds = array<i64: 49>, scalar_prefetch = 0 : i64, scratch_operands = 0 : i64, tpu.core_type = #tpu.core_type<tc>, window_params = [{transform_indices = @transform_0, window_bounds = array<i64: 1024, 128>}, {transform_indices = @transform_1, window_bounds = array<i64: 1024, 16>}, {transform_indices = @transform_2, window_bounds = array<i64: 1024, 128>}]} {
    %get3A = arith.constant 0 : index
    %get3A_0 = arith.constant 0 : index
    %get3A_1 = vector.load %arg1[%get3A, %get3A_0] : memref<1024x128xf32, #tpu.memory_space<vmem>>, vector<1024x1xf32>
    %get3A_2 = arith.constant 0 : index
    %get3A_3 = arith.constant 16 : index
    %get3A_4 = vector.load %arg1[%get3A_2, %get3A_3] : memref<1024x128xf32, #tpu.memory_space<vmem>>, vector<1024x1xf32>
    %add3A = arith.addf %get3A_1, %get3A_4 : vector<1024x1xf32>
    %add3A_5 = arith.constant 1.000000e+00 : f32
    %add3A_6 = vector.broadcast %add3A_5 : f32 to vector<1024x1xf32>
    %add3A_7 = arith.addf %add3A, %add3A_6 : vector<1024x1xf32>
    %rsqrt3A = math.rsqrt %add3A_7 : vector<1024x1xf32>
    %get3A_8 = arith.constant 0 : index
    %get3A_9 = arith.constant 0 : index
    %get3A_10 = vector.load %arg2[%get3A_8, %get3A_9] : memref<1024x16xf32, #tpu.memory_space<vmem>>, vector<1024x16xf32>
    %mul3A = vector.broadcast %rsqrt3A : vector<1024x1xf32> to vector<1024x16xf32>
    %mul3A_11 = arith.mulf %mul3A, %get3A_10 : vector<1024x16xf32>
    %broadcast_in_dim3A = vector.shape_cast %rsqrt3A : vector<1024x1xf32> to vector<1024x1xf32>
    %broadcast_in_dim3A_12 = vector.broadcast %broadcast_in_dim3A : vector<1024x1xf32> to vector<1024x112xf32>
    %concatenate3A = tpu.concatenate %mul3A_11, %broadcast_in_dim3A_12 in 1 : vector<1024x16xf32>, vector<1024x112xf32> -> vector<1024x128xf32>
    %swap3A = arith.constant 0 : index
    %swap3A_13 = arith.constant 0 : index
    %swap3A_14 = vector.load %arg3[%swap3A, %swap3A_13] : memref<1024x128xf32, #tpu.memory_space<vmem>>, vector<1024x128xf32>
    tpu.vector_store %arg3[%swap3A, %swap3A_13], %concatenate3A {strides = array<i32>} : memref<1024x128xf32, #tpu.memory_space<vmem>>, vector<1024x128xf32>,
    return
  }
  func.func @transform_0(%arg0: i32) -> (i32, i32) {
    %c0_i32 = arith.constant 0 : i32
    %c0_i32_0 = arith.constant 0 : i32
    return %arg0, %c0_i32 : i32, i32
  }
  func.func @transform_1(%arg0: i32) -> (i32, i32) {
    %c0_i32 = arith.constant 0 : i32
    %c0_i32_0 = arith.constant 0 : i32
    return %arg0, %c0_i32 : i32, i32
  }
  func.func @transform_2(%arg0: i32) -> (i32, i32) {
    %c0_i32 = arith.constant 0 : i32
    %c0_i32_0 = arith.constant 0 : i32
    return %arg0, %c0_i32 : i32, i32
  }
}

module attributes {stable_mosaic.version = 14 : i64} {
  func.func @body(%arg0: i32, %arg1: memref<1024x128xf32, #tpu.memory_space<vmem>>, %arg2: memref<1024x128xf32, #tpu.memory_space<vmem>>, %arg3: memref<16x64xf32, #tpu.memory_space<vmem>>, %arg4: memref<1x64xf32, #tpu.memory_space<vmem>>, %arg5: memref<1024x128xf32, #tpu.memory_space<vmem>>) attributes {dimension_semantics = [#tpu.dimension_semantics<arbitrary>], iteration_bounds = array<i64: 49>, scalar_prefetch = 0 : i64, scratch_operands = 0 : i64, tpu.core_type = #tpu.core_type<tc>, window_params = [{transform_indices = @transform_0, window_bounds = array<i64: 1024, 128>}, {transform_indices = @transform_1, window_bounds = array<i64: 1024, 128>}, {pipeline_mode = #tpu.pipeline_mode<synchronous>, transform_indices = @transform_2, window_bounds = array<i64: 16, 64>}, {pipeline_mode = #tpu.pipeline_mode<synchronous>, transform_indices = @transform_3, window_bounds = array<i64: 1, 64>}, {transform_indices = @transform_4, window_bounds = array<i64: 1024, 128>}]} {
    %get3A = arith.constant 0 : index
    %get3A_0 = arith.constant 16 : index
    %get3A_1 = vector.load %arg2[%get3A, %get3A_0] : memref<1024x128xf32, #tpu.memory_space<vmem>>, vector<1024x1xf32>
    %get3A_2 = arith.constant 0 : index
    %get3A_3 = arith.constant 0 : index
    %get3A_4 = vector.load %arg1[%get3A_2, %get3A_3] : memref<1024x128xf32, #tpu.memory_space<vmem>>, vector<1024x16xf32>
    %get3A_5 = arith.constant 0 : index
    %get3A_6 = arith.constant 16 : index
    %get3A_7 = vector.load %arg1[%get3A_5, %get3A_6] : memref<1024x128xf32, #tpu.memory_space<vmem>>, vector<1024x16xf32>
    %add3A = arith.addf %get3A_4, %get3A_7 : vector<1024x16xf32>
    %get3A_8 = arith.constant 0 : index
    %get3A_9 = arith.constant 0 : index
    %get3A_10 = vector.load %arg2[%get3A_8, %get3A_9] : memref<1024x128xf32, #tpu.memory_space<vmem>>, vector<1024x16xf32>
    %add3A_11 = arith.addf %add3A, %get3A_10 : vector<1024x16xf32>
    %mul3A = vector.broadcast %get3A_1 : vector<1024x1xf32> to vector<1024x16xf32>
    %mul3A_12 = arith.mulf %mul3A, %add3A_11 : vector<1024x16xf32>
    %get3A_13 = arith.constant 0 : index
    %get3A_14 = arith.constant 0 : index
    %get3A_15 = vector.load %arg3[%get3A_13, %get3A_14] : memref<16x64xf32, #tpu.memory_space<vmem>>, vector<16x64xf32>
    %dot_general3A = arith.constant dense<0.000000e+00> : vector<1024x64xf32>
    %dot_general3A_16 = tpu.matmul %mul3A_12, %get3A_15, %dot_general3A {dimension_numbers = #tpu.dot_dimension_numbers<[1], [0], [0], [1], [0, 0, 1, 1], [], []>, transpose_lhs_hint = false} : vector<1024x16xf32>, vector<16x64xf32>, vector<1024x64xf32> -> vector<1024x64xf32>
    %get3A_17 = arith.constant 0 : index
    %get3A_18 = arith.constant 0 : index
    %get3A_19 = vector.load %arg4[%get3A_17, %get3A_18] : memref<1x64xf32, #tpu.memory_space<vmem>>, vector<1x64xf32>
    %add3A_20 = vector.broadcast %get3A_19 : vector<1x64xf32> to vector<1024x64xf32>
    %add3A_21 = arith.addf %dot_general3A_16, %add3A_20 : vector<1024x64xf32>
    %max3A = arith.constant 0.000000e+00 : f32
    %max3A_22 = vector.broadcast %max3A : f32 to vector<1024x64xf32>
    %max3A_23 = arith.maximumf %add3A_21, %max3A_22 : vector<1024x64xf32>
    %mul3A_24 = vector.broadcast %get3A_1 : vector<1024x1xf32> to vector<1024x64xf32>
    %mul3A_25 = arith.mulf %mul3A_24, %max3A_23 : vector<1024x64xf32>
    %broadcast_in_dim3A = vector.shape_cast %get3A_1 : vector<1024x1xf32> to vector<1024x1xf32>
    %broadcast_in_dim3A_26 = vector.broadcast %broadcast_in_dim3A : vector<1024x1xf32> to vector<1024x64xf32>
    %concatenate3A = tpu.concatenate %mul3A_25, %broadcast_in_dim3A_26 in 1 : vector<1024x64xf32>, vector<1024x64xf32> -> vector<1024x128xf32>
    %swap3A = arith.constant 0 : index
    %swap3A_27 = arith.constant 0 : index
    %swap3A_28 = vector.load %arg5[%swap3A, %swap3A_27] : memref<1024x128xf32, #tpu.memory_space<vmem>>, vector<1024x128xf32>
    tpu.vector_store %arg5[%swap3A, %swap3A_27], %concatenate3A {strides = array<i32>} : memref<1024x128xf32, #tpu.memory_space<vmem>>, vector<1024x128xf32>,
    return
  }
  func.func @transform_0(%arg0: i32) -> (i32, i32) {
    %c0_i32 = arith.constant 0 : i32
    %c0_i32_0 = arith.constant 0 : i32
    return %arg0, %c0_i32 : i32, i32
  }
  func.func @transform_1(%arg0: i32) -> (i32, i32) {
    %c0_i32 = arith.constant 0 : i32
    %c0_i32_0 = arith.constant 0 : i32
    return %arg0, %c0_i32 : i32, i32
  }
  func.func @transform_2(%arg0: i32) -> (i32, i32) {
    %c0_i32 = arith.constant 0 : i32
    %c0_i32_0 = arith.constant 0 : i32
    %c0_i32_1 = arith.constant 0 : i32
    return %c0_i32, %c0_i32_0 : i32, i32
  }
  func.func @transform_3(%arg0: i32) -> (i32, i32) {
    %c0_i32 = arith.constant 0 : i32
    %c0_i32_0 = arith.constant 0 : i32
    %c0_i32_1 = arith.constant 0 : i32
    return %c0_i32, %c0_i32_0 : i32, i32
  }
  func.func @transform_4(%arg0: i32) -> (i32, i32) {
    %c0_i32 = arith.constant 0 : i32
    %c0_i32_0 = arith.constant 0 : i32
    return %arg0, %c0_i32 : i32, i32
  }
}

module attributes {stable_mosaic.version = 14 : i64} {
  func.func @body(%arg0: i32, %arg1: memref<1024x128xf32, #tpu.memory_space<vmem>>, %arg2: memref<1024x128xf32, #tpu.memory_space<vmem>>, %arg3: memref<64x128xf32, #tpu.memory_space<vmem>>, %arg4: memref<1x128xf32, #tpu.memory_space<vmem>>, %arg5: memref<1024x128xf32, #tpu.memory_space<vmem>>) attributes {dimension_semantics = [#tpu.dimension_semantics<arbitrary>], iteration_bounds = array<i64: 49>, scalar_prefetch = 0 : i64, scratch_operands = 0 : i64, tpu.core_type = #tpu.core_type<tc>, window_params = [{transform_indices = @transform_0, window_bounds = array<i64: 1024, 128>}, {transform_indices = @transform_1, window_bounds = array<i64: 1024, 128>}, {pipeline_mode = #tpu.pipeline_mode<synchronous>, transform_indices = @transform_2, window_bounds = array<i64: 64, 128>}, {pipeline_mode = #tpu.pipeline_mode<synchronous>, transform_indices = @transform_3, window_bounds = array<i64: 1, 128>}, {transform_indices = @transform_4, window_bounds = array<i64: 1024, 128>}]} {
    %get3A = arith.constant 0 : index
    %get3A_0 = arith.constant 64 : index
    %get3A_1 = vector.load %arg2[%get3A, %get3A_0] : memref<1024x128xf32, #tpu.memory_space<vmem>>, vector<1024x1xf32>
    %get3A_2 = arith.constant 0 : index
    %get3A_3 = arith.constant 0 : index
    %get3A_4 = vector.load %arg1[%get3A_2, %get3A_3] : memref<1024x128xf32, #tpu.memory_space<vmem>>, vector<1024x64xf32>
    %get3A_5 = arith.constant 0 : index
    %get3A_6 = arith.constant 0 : index
    %get3A_7 = vector.load %arg2[%get3A_5, %get3A_6] : memref<1024x128xf32, #tpu.memory_space<vmem>>, vector<1024x64xf32>
    %add3A = arith.addf %get3A_4, %get3A_7 : vector<1024x64xf32>
    %mul3A = vector.broadcast %get3A_1 : vector<1024x1xf32> to vector<1024x64xf32>
    %mul3A_8 = arith.mulf %mul3A, %add3A : vector<1024x64xf32>
    %get3A_9 = arith.constant 0 : index
    %get3A_10 = arith.constant 0 : index
    %get3A_11 = vector.load %arg3[%get3A_9, %get3A_10] : memref<64x128xf32, #tpu.memory_space<vmem>>, vector<64x128xf32>
    %dot_general3A = arith.constant dense<0.000000e+00> : vector<1024x128xf32>
    %dot_general3A_12 = tpu.matmul %mul3A_8, %get3A_11, %dot_general3A {dimension_numbers = #tpu.dot_dimension_numbers<[1], [0], [0], [1], [0, 0, 1, 1], [], []>, transpose_lhs_hint = false} : vector<1024x64xf32>, vector<64x128xf32>, vector<1024x128xf32> -> vector<1024x128xf32>
    %get3A_13 = arith.constant 0 : index
    %get3A_14 = arith.constant 0 : index
    %get3A_15 = vector.load %arg4[%get3A_13, %get3A_14] : memref<1x128xf32, #tpu.memory_space<vmem>>, vector<1x128xf32>
    %add3A_16 = vector.broadcast %get3A_15 : vector<1x128xf32> to vector<1024x128xf32>
    %add3A_17 = arith.addf %dot_general3A_12, %add3A_16 : vector<1024x128xf32>
    %max3A = arith.constant 0.000000e+00 : f32
    %max3A_18 = vector.broadcast %max3A : f32 to vector<1024x128xf32>
    %max3A_19 = arith.maximumf %add3A_17, %max3A_18 : vector<1024x128xf32>
    %mul3A_20 = vector.broadcast %get3A_1 : vector<1024x1xf32> to vector<1024x128xf32>
    %mul3A_21 = arith.mulf %mul3A_20, %max3A_19 : vector<1024x128xf32>
    %swap3A = arith.constant 0 : index
    %swap3A_22 = arith.constant 0 : index
    %swap3A_23 = vector.load %arg5[%swap3A, %swap3A_22] : memref<1024x128xf32, #tpu.memory_space<vmem>>, vector<1024x128xf32>
    tpu.vector_store %arg5[%swap3A, %swap3A_22], %mul3A_21 {strides = array<i32>} : memref<1024x128xf32, #tpu.memory_space<vmem>>, vector<1024x128xf32>,
    return
  }
  func.func @transform_0(%arg0: i32) -> (i32, i32) {
    %c0_i32 = arith.constant 0 : i32
    %c0_i32_0 = arith.constant 0 : i32
    return %arg0, %c0_i32 : i32, i32
  }
  func.func @transform_1(%arg0: i32) -> (i32, i32) {
    %c0_i32 = arith.constant 0 : i32
    %c0_i32_0 = arith.constant 0 : i32
    return %arg0, %c0_i32 : i32, i32
  }
  func.func @transform_2(%arg0: i32) -> (i32, i32) {
    %c0_i32 = arith.constant 0 : i32
    %c0_i32_0 = arith.constant 0 : i32
    %c0_i32_1 = arith.constant 0 : i32
    return %c0_i32, %c0_i32_0 : i32, i32
  }
  func.func @transform_3(%arg0: i32) -> (i32, i32) {
    %c0_i32 = arith.constant 0 : i32
    %c0_i32_0 = arith.constant 0 : i32
    %c0_i32_1 = arith.constant 0 : i32
    return %c0_i32, %c0_i32_0 : i32, i32
  }
  func.func @transform_4(%arg0: i32) -> (i32, i32) {
    %c0_i32 = arith.constant 0 : i32
    %c0_i32_0 = arith.constant 0 : i32
    return %arg0, %c0_i32 : i32, i32
  }
}

module attributes {stable_mosaic.version = 14 : i64} {
  func.func @body(%arg0: i32, %arg1: memref<1024x128xf32, #tpu.memory_space<vmem>>, %arg2: memref<1024x128xf32, #tpu.memory_space<vmem>>, %arg3: memref<1024x128xf32, #tpu.memory_space<vmem>>, %arg4: memref<128x128xf32, #tpu.memory_space<vmem>>, %arg5: memref<1x128xf32, #tpu.memory_space<vmem>>, %arg6: memref<128x64xf32, #tpu.memory_space<vmem>>, %arg7: memref<1x64xf32, #tpu.memory_space<vmem>>, %arg8: memref<64x8xf32, #tpu.memory_space<vmem>>, %arg9: memref<1x8xf32, #tpu.memory_space<vmem>>, %arg10: memref<1024x8xf32, #tpu.memory_space<vmem>>) attributes {dimension_semantics = [#tpu.dimension_semantics<arbitrary>], iteration_bounds = array<i64: 49>, scalar_prefetch = 0 : i64, scratch_operands = 0 : i64, tpu.core_type = #tpu.core_type<tc>, window_params = [{transform_indices = @transform_0, window_bounds = array<i64: 1024, 128>}, {transform_indices = @transform_1, window_bounds = array<i64: 1024, 128>}, {transform_indices = @transform_2, window_bounds = array<i64: 1024, 128>}, {pipeline_mode = #tpu.pipeline_mode<synchronous>, transform_indices = @transform_3, window_bounds = array<i64: 128, 128>}, {pipeline_mode = #tpu.pipeline_mode<synchronous>, transform_indices = @transform_4, window_bounds = array<i64: 1, 128>}, {pipeline_mode = #tpu.pipeline_mode<synchronous>, transform_indices = @transform_5, window_bounds = array<i64: 128, 64>}, {pipeline_mode = #tpu.pipeline_mode<synchronous>, transform_indices = @transform_6, window_bounds = array<i64: 1, 64>}, {pipeline_mode = #tpu.pipeline_mode<synchronous>, transform_indices = @transform_7, window_bounds = array<i64: 64, 8>}, {pipeline_mode = #tpu.pipeline_mode<synchronous>, transform_indices = @transform_8, window_bounds = array<i64: 1, 8>}, {transform_indices = @transform_9, window_bounds = array<i64: 1024, 8>}]} {
    %get3A = arith.constant 0 : index
    %get3A_0 = arith.constant 64 : index
    %get3A_1 = vector.load %arg1[%get3A, %get3A_0] : memref<1024x128xf32, #tpu.memory_space<vmem>>, vector<1024x1xf32>
    %get3A_2 = arith.constant 0 : index
    %get3A_3 = arith.constant 0 : index
    %get3A_4 = vector.load %arg2[%get3A_2, %get3A_3] : memref<1024x128xf32, #tpu.memory_space<vmem>>, vector<1024x128xf32>
    %get3A_5 = arith.constant 0 : index
    %get3A_6 = arith.constant 0 : index
    %get3A_7 = vector.load %arg3[%get3A_5, %get3A_6] : memref<1024x128xf32, #tpu.memory_space<vmem>>, vector<1024x128xf32>
    %add3A = arith.addf %get3A_4, %get3A_7 : vector<1024x128xf32>
    %mul3A = vector.broadcast %get3A_1 : vector<1024x1xf32> to vector<1024x128xf32>
    %mul3A_8 = arith.mulf %mul3A, %add3A : vector<1024x128xf32>
    %get3A_9 = arith.constant 0 : index
    %get3A_10 = arith.constant 0 : index
    %get3A_11 = vector.load %arg4[%get3A_9, %get3A_10] : memref<128x128xf32, #tpu.memory_space<vmem>>, vector<128x128xf32>
    %dot_general3A = arith.constant dense<0.000000e+00> : vector<1024x128xf32>
    %dot_general3A_12 = tpu.matmul %mul3A_8, %get3A_11, %dot_general3A {dimension_numbers = #tpu.dot_dimension_numbers<[1], [0], [0], [1], [0, 0, 1, 1], [], []>, transpose_lhs_hint = false} : vector<1024x128xf32>, vector<128x128xf32>, vector<1024x128xf32> -> vector<1024x128xf32>
    %get3A_13 = arith.constant 0 : index
    %get3A_14 = arith.constant 0 : index
    %get3A_15 = vector.load %arg5[%get3A_13, %get3A_14] : memref<1x128xf32, #tpu.memory_space<vmem>>, vector<1x128xf32>
    %add3A_16 = vector.broadcast %get3A_15 : vector<1x128xf32> to vector<1024x128xf32>
    %add3A_17 = arith.addf %dot_general3A_12, %add3A_16 : vector<1024x128xf32>
    %max3A = arith.constant 0.000000e+00 : f32
    %max3A_18 = vector.broadcast %max3A : f32 to vector<1024x128xf32>
    %max3A_19 = arith.maximumf %add3A_17, %max3A_18 : vector<1024x128xf32>
    %get3A_20 = arith.constant 0 : index
    %get3A_21 = arith.constant 0 : index
    %get3A_22 = vector.load %arg6[%get3A_20, %get3A_21] : memref<128x64xf32, #tpu.memory_space<vmem>>, vector<128x64xf32>
    %dot_general3A_23 = arith.constant dense<0.000000e+00> : vector<1024x64xf32>
    %dot_general3A_24 = tpu.matmul %max3A_19, %get3A_22, %dot_general3A_23 {dimension_numbers = #tpu.dot_dimension_numbers<[1], [0], [0], [1], [0, 0, 1, 1], [], []>, transpose_lhs_hint = false} : vector<1024x128xf32>, vector<128x64xf32>, vector<1024x64xf32> -> vector<1024x64xf32>
    %get3A_25 = arith.constant 0 : index
    %get3A_26 = arith.constant 0 : index
    %get3A_27 = vector.load %arg7[%get3A_25, %get3A_26] : memref<1x64xf32, #tpu.memory_space<vmem>>, vector<1x64xf32>
    %add3A_28 = vector.broadcast %get3A_27 : vector<1x64xf32> to vector<1024x64xf32>
    %add3A_29 = arith.addf %dot_general3A_24, %add3A_28 : vector<1024x64xf32>
    %max3A_30 = arith.constant 0.000000e+00 : f32
    %max3A_31 = vector.broadcast %max3A_30 : f32 to vector<1024x64xf32>
    %max3A_32 = arith.maximumf %add3A_29, %max3A_31 : vector<1024x64xf32>
    %get3A_33 = arith.constant 0 : index
    %get3A_34 = arith.constant 0 : index
    %get3A_35 = vector.load %arg8[%get3A_33, %get3A_34] : memref<64x8xf32, #tpu.memory_space<vmem>>, vector<64x8xf32>
    %dot_general3A_36 = arith.constant dense<0.000000e+00> : vector<1024x8xf32>
    %dot_general3A_37 = tpu.matmul %max3A_32, %get3A_35, %dot_general3A_36 {dimension_numbers = #tpu.dot_dimension_numbers<[1], [0], [0], [1], [0, 0, 1, 1], [], []>, transpose_lhs_hint = false} : vector<1024x64xf32>, vector<64x8xf32>, vector<1024x8xf32> -> vector<1024x8xf32>
    %get3A_38 = arith.constant 0 : index
    %get3A_39 = arith.constant 0 : index
    %get3A_40 = vector.load %arg9[%get3A_38, %get3A_39] : memref<1x8xf32, #tpu.memory_space<vmem>>, vector<1x8xf32>
    %add3A_41 = vector.broadcast %get3A_40 : vector<1x8xf32> to vector<1024x8xf32>
    %add3A_42 = arith.addf %dot_general3A_37, %add3A_41 : vector<1024x8xf32>
    %swap3A = arith.constant 0 : index
    %swap3A_43 = arith.constant 0 : index
    %swap3A_44 = vector.load %arg10[%swap3A, %swap3A_43] : memref<1024x8xf32, #tpu.memory_space<vmem>>, vector<1024x8xf32>
    tpu.vector_store %arg10[%swap3A, %swap3A_43], %add3A_42 {strides = array<i32>} : memref<1024x8xf32, #tpu.memory_space<vmem>>, vector<1024x8xf32>,
    return
  }
  func.func @transform_0(%arg0: i32) -> (i32, i32) {
    %c0_i32 = arith.constant 0 : i32
    %c0_i32_0 = arith.constant 0 : i32
    return %arg0, %c0_i32 : i32, i32
  }
  func.func @transform_1(%arg0: i32) -> (i32, i32) {
    %c0_i32 = arith.constant 0 : i32
    %c0_i32_0 = arith.constant 0 : i32
    return %arg0, %c0_i32 : i32, i32
  }
  func.func @transform_2(%arg0: i32) -> (i32, i32) {
    %c0_i32 = arith.constant 0 : i32
    %c0_i32_0 = arith.constant 0 : i32
    return %arg0, %c0_i32 : i32, i32
  }
  func.func @transform_3(%arg0: i32) -> (i32, i32) {
    %c0_i32 = arith.constant 0 : i32
    %c0_i32_0 = arith.constant 0 : i32
    %c0_i32_1 = arith.constant 0 : i32
    return %c0_i32, %c0_i32_0 : i32, i32
  }
  func.func @transform_4(%arg0: i32) -> (i32, i32) {
    %c0_i32 = arith.constant 0 : i32
    %c0_i32_0 = arith.constant 0 : i32
    %c0_i32_1 = arith.constant 0 : i32
    return %c0_i32, %c0_i32_0 : i32, i32
  }
  func.func @transform_5(%arg0: i32) -> (i32, i32) {
    %c0_i32 = arith.constant 0 : i32
    %c0_i32_0 = arith.constant 0 : i32
    %c0_i32_1 = arith.constant 0 : i32
    return %c0_i32, %c0_i32_0 : i32, i32
  }
  func.func @transform_6(%arg0: i32) -> (i32, i32) {
    %c0_i32 = arith.constant 0 : i32
    %c0_i32_0 = arith.constant 0 : i32
    %c0_i32_1 = arith.constant 0 : i32
    return %c0_i32, %c0_i32_0 : i32, i32
  }
  func.func @transform_7(%arg0: i32) -> (i32, i32) {
    %c0_i32 = arith.constant 0 : i32
    %c0_i32_0 = arith.constant 0 : i32
    %c0_i32_1 = arith.constant 0 : i32
    return %c0_i32, %c0_i32_0 : i32, i32
  }
  func.func @transform_8(%arg0: i32) -> (i32, i32) {
    %c0_i32 = arith.constant 0 : i32
    %c0_i32_0 = arith.constant 0 : i32
    %c0_i32_1 = arith.constant 0 : i32
    return %c0_i32, %c0_i32_0 : i32, i32
  }
  func.func @transform_9(%arg0: i32) -> (i32, i32) {
    %c0_i32 = arith.constant 0 : i32
    %c0_i32_0 = arith.constant 0 : i32
    return %arg0, %c0_i32 : i32, i32
  }
}

</mosaic_0001>

<sc_bundles>
// kernel: kernel.10.cloned.1.call-start
scs
__scs_entry_jumppad:
0x0: {  	(pc) =	sbr.rel $0x88, $3  }
0x1: {  	(tag) =	ssettag $0x0;
	lr =	simm.s32 $0x1  }
0x2: {  	[smem:$0x3F95] =	sst lr;
	_ =	strace $0xD0000000  }
0x3: {  	_ = 	snop  }
0x4: {  	_ = 	snop  }
0x5: {  	_ = 	snop  }
0x6: {  	_ = 	snop  }
0x7: {  	_ = 	snop  }
__scs_overlays_trampoline_lowered:
0x8: {  	[smem:$0x3FA4] =	sst s0  }
0x9: {  	[smem:$0x3FA5] =	sst s1  }
0xa: {  	[smem:$0x3FA6] =	sst s2  }
0xb: {  	[smem:$0x3FA7] =	sst s3  }
0xc: {  	[smem:$0x3FA8] =	sst s4  }
0xd: {  	[smem:$0x3FA9] =	sst s5  }
0xe: {  	[smem:$0x3FAA] =	sst s6  }
0xf: {  	[smem:$0x3FAB] =	sst s7  }
0x10: {  	[smem:$0x3FAC] =	sst s8  }
0x11: {  	[smem:$0x3FAD] =	sst s9;
	s0 =	simm.s32 @!p0 $0x0  }
0x12: {  	s1 =	sld [smem:$0x3F93];
	s0 =	simm.s32 @p0 $0x1  }
0x13: {  	[smem:$0x3FAE] =	sst s0;
	s0 =	simm.s32 @!p1 $0x0  }
0x14: {  	s2 =	sld [smem:$0x3F92];
	s0 =	simm.s32 @p1 $0x1  }
0x15: {  	[smem:$0x3FAF] =	sst s0;
	s0 =	simm.s32 @!p2 $0x0  }
0x16: {  	s3 =	sld [smem:$0x3FDB];
	s0 =	simm.s32 @p2 $0x1  }
0x17: {  	s4 =	simm.s32 $0x1BF5;
	[smem:$0x3FB1] =	sst s0  }
0x18: {  	s0 =	sld [smem:$0x3F94];
	_ =	swait.ge [sflag:s4], $0x0  }
0x19: {  	s7 =	sld [smem:$0x3F95]  }
0x1a: {  	s8 =	sadd.s32 $0xFFFFE003, lr  }
0x1b: {  	s9 =	sadd.s32 $0xFFFFFEF7, lr;
	s5 =	simm.s32 $0xFFFFFFFF;
	p2 =	slt.u32 s8, $0xFFFFF086  }
0x1c: {  	p1 =	slt.u32 s9, $0xF7A;
	s5 =	simm.s32 @!p2 $0x0  }
0x1d: {  	s5 =	simm.s32 @p1 $0x1;
	p0 =	seq.s32 s7, s2  }
0x1e: {  	s7 =	smul.u32 @!p0 $0xF7A, s2;
	p2 =	seq.s32 @!p0 s5, $0x0  }
0x1f: {  	s9 =	smul.u32 $0xF7A, s1;
	s8 =	simm.s32 @!p0 $0x1BF5;
	p2 =	por !p2, p0  }
0x20: {  	[sflag:s8] =	ssyncset.s32 @!p0 $0xFFFFF086;
	s6 =	sadd.s32 @!p0 s3, s7;
	s7 =	simm.s32 @!p0 $0x108  }
0x21: {  	s3 =	sadd.s32 s3, s9;
	s6 =	sadd.s32 @!p0 $0x88, s6;
	s7 =	simm.s32 @p2 $0x1082  }
0x22: {  	[simem:s7], [sflag:s8] =	dma.local @!p0 [hbm:s6], $0xF7A  }
0x23: {  	s9 =	sor.u32 $0xD0000000, s2;
	s6 =	simm.s32 $0x108;
	_ =	swait.ge @!p0 [sflag:s8], $0x0  }
0x24: {  	s3 =	sadd.s32 $0x88, s3;
	s6 =	simm.s32 @!p1 $0x1082;
	[sflag:s4] =	ssyncset.s32 $0xFFFFF086  }
0x25: {  	[simem:s6], [sflag:s4] =	dma.local [hbm:s3], $0xF7A  }
0x26: {  	[smem:$0x3F95] =	sst s1;
	(tag) =	ssettag s2;
	_ =	strace s9  }
0x27: {  	s1 =	sld [smem:$0x3FA5]  }
0x28: {  	s2 =	sld [smem:$0x3FA6]  }
0x29: {  	s4 =	sld [smem:$0x3FA8]  }
0x2a: {  	p0 =	seq.s32 s5, $0x0;
	s5 =	sld [smem:$0x3FA9]  }
0x2b: {  	s6 =	sld [smem:$0x3FAA]  }
0x2c: {  	s7 =	sld [smem:$0x3FAB]  }
0x2d: {  	s3 =	simm.s32 $0x108;
	s8 =	sld [smem:$0x3FAC]  }
0x2e: {  	s3 =	simm.s32 @!p0 $0x1082;
	s9 =	sld [smem:$0x3FAD]  }
0x2f: {  	lr =	sadd.s32 s0, s3;
	s0 =	sld [smem:$0x3FA4]  }
0x30: {  	s3 =	sld [smem:$0x3FA7]  }
0x31: {  	[smem:$0x3FB0] =	sst s10  }
0x32: {  	s10 =	sld [smem:$0x3FAE];
	_ =	sdelay $0x3  }
0x33: {  	p0 =	seq.s32 s10, $0x1;
	s10 =	sld [smem:$0x3FB0];
	_ =	sdelay $0x3  }
0x34: {  	[smem:$0x3FB0] =	sst s10  }
0x35: {  	s10 =	sld [smem:$0x3FAF];
	_ =	sdelay $0x3  }
0x36: {  	p1 =	seq.s32 s10, $0x1;
	s10 =	sld [smem:$0x3FB0];
	_ =	sdelay $0x3  }
0x37: {  	[smem:$0x3FB0] =	sst s10  }
0x38: {  	s10 =	sld [smem:$0x3FB1]  }
0x39: {  	_ = 	snop;
	(pc) =	sbr.ind lr, $3  }
0x3a: {  	_ = 	snop  }
0x3b: {  	_ = 	snop  }
0x3c: {  	p2 =	seq.s32 s10, $0x1;
	s10 =	sld [smem:$0x3FB0]  }
0x3d: {  	_ =	shalt  }
0x3e: {  	_ =	shalt  }
0x3f: {  	_ =	shalt  }
0x40: {  	_ =	shalt  }
0x41: {  	_ =	shalt  }
0x42: {  	_ =	shalt  }
0x43: {  	_ =	shalt  }
0x44: {  	_ =	shalt  }
0x45: {  	_ =	shalt  }
0x46: {  	_ =	shalt  }
0x47: {  	_ =	shalt  }
0x48: {  	_ =	shalt  }
0x49: {  	_ =	shalt  }
0x4a: {  	_ =	shalt  }
0x4b: {  	_ =	shalt  }
0x4c: {  	_ =	shalt  }
0x4d: {  	_ =	shalt  }
0x4e: {  	_ =	shalt  }
0x4f: {  	_ =	shalt  }
0x50: {  	_ =	shalt  }
0x51: {  	_ =	shalt  }
0x52: {  	_ =	shalt  }
0x53: {  	_ =	shalt  }
0x54: {  	_ =	shalt  }
0x55: {  	_ =	shalt  }
0x56: {  	_ =	shalt  }
0x57: {  	_ =	shalt  }
0x58: {  	_ =	shalt  }
0x59: {  	_ =	shalt  }
0x5a: {  	_ =	shalt  }
0x5b: {  	_ =	shalt  }
0x5c: {  	_ =	shalt  }
0x5d: {  	_ =	shalt  }
0x5e: {  	_ =	shalt  }
0x5f: {  	_ =	shalt  }
0x60: {  	_ =	shalt  }
0x61: {  	_ =	shalt  }
0x62: {  	_ =	shalt  }
0x63: {  	_ =	shalt  }
0x64: {  	_ =	shalt  }
0x65: {  	_ =	shalt  }
0x66: {  	_ =	shalt  }
0x67: {  	_ =	shalt  }
0x68: {  	_ =	shalt  }
0x69: {  	_ =	shalt  }
0x6a: {  	_ =	shalt  }
0x6b: {  	_ =	shalt  }
0x6c: {  	_ =	shalt  }
0x6d: {  	_ =	shalt  }
0x6e: {  	_ =	shalt  }
0x6f: {  	_ =	shalt  }
0x70: {  	_ =	shalt  }
0x71: {  	_ =	shalt  }
0x72: {  	_ =	shalt  }
0x73: {  	_ =	shalt  }
0x74: {  	_ =	shalt  }
0x75: {  	_ =	shalt  }
0x76: {  	_ =	shalt  }
0x77: {  	_ =	shalt  }
0x78: {  	_ =	shalt  }
0x79: {  	_ =	shalt  }
0x7a: {  	_ =	shalt  }
0x7b: {  	_ =	shalt  }
0x7c: {  	_ =	shalt  }
0x7d: {  	_ =	shalt  }
0x7e: {  	_ =	shalt  }
0x7f: {  	_ =	shalt  }
0x80: {  	_ =	shalt  }
0x81: {  	_ =	shalt  }
0x82: {  	_ =	shalt  }
0x83: {  	_ =	shalt  }
0x84: {  	_ =	shalt  }
0x85: {  	_ =	shalt  }
0x86: {  	_ =	shalt  }
0x87: {  	_ =	shalt  }
.Lfunc_end0:
.L_simem_size_0:
called_computation_lowered:
.L_overlay_start_0:
0x88: {  	s2 =	sld [smem:$0x3FD9]  }
0x89: {  	s3 =	sld [smem:$0x3FFE];
	_ =	sdelay $0x1  }
0x8a: {  	s1 =	srdreg.scid  }
0x8b: {  	s0 =	sand.u32 $0x1, s1  }
0x8c: {  	s16 =	sshll.u32 s0, $0xA;
	s2 =	sadd.s32 s3, s2  }
0x8d: {  	s2 =	sadd.s32 s2, s16  }
0x8e: {  	[smem:$0x3FBC] =	sst s2  }
0x8f: {  	_ = 	snop  }
0x90: {  	(tm) =	ssettm $0x1  }
0x91: {  	s17 =	sld [smem:$0x3FFB];
	_ =	sdelay $0x3  }
0x92: {  	_ =	strace s17  }
0x93: {  	s2 =	sld [smem:$0x3FFC];
	_ =	sdelay $0x3  }
0x94: {  	_ =	strace s2  }
0x95: {  	s2 =	sld [smem:$0x3FFD];
	_ =	sdelay $0x3  }
0x96: {  	_ =	strace s2  }
0x97: {  	_ =	strace $0x8FFFFFFF  }
0x98: {  	s18 =	sld [smem:$0x3FDB];
	_ =	sdelay $0x1  }
0x99: {  	s19 =	simm.s32 $_scs_section_size  }
0x9a: {  	s4 =	simm.s32 $_size__tile_overlayer_lowered;
	s5 =	simm.s32 $_tile_overlayer_lowered  }
0x9b: {  	s22 =	simm.s32 $0x1BFF;
	s21 =	sshll.u32 s5, $0x1;
	s2 =	sadd.s32 s19, s18  }
0x9c: {  	s6 =	simm.s32 $0x0;
	s20 =	sshll.u32 s4, $0x1;
	s4 =	sadd.s32 s21, s2  }
0x9d: {  	[timem:s6], [sflag:s22] =	dma.local [hbm:s4], s20  }
0x9e: {  	_ =	swait.ge [sflag:s22], s20  }
0x9f: {  	s3 =	ssub.s32 $0x0, s20;
	[sflag:s22] =	ssyncset.done $0x0  }
0xa0: {  	[sflag:s22] =	ssyncadd.s32 s3;
	_ =	sdelay $0x1  }
0xa1: {  	s23 =	simm.s32 $0x1B8B  }
0xa2: {  	_ =	swait.ge [sflag:s23], $0x1  }
0xa3: {  	[sflag:s23] =	ssyncset.done $0x0  }
0xa4: {  	s25 =	simm.s32 $0x1B8E;
	s24 =	sld [smem:$0x3FFE];
	[sflag:s23] =	ssyncadd.s32 $0xFFFFFFFF  }
0xa5: {  	s26 =	simm.s32 $execute0_lowered;
	[smem:$0x3FD2] =	sst s25  }
0xa6: {  	s4 =	sshll.u32 s26, $0x1;
	_ =	strace $0x80000046;
	[dreg:$0x1] =	wrdreg $0xFFFFFFFF  }
0xa7: {  	s28 =	simm.s32 $_size_execute0_lowered;
	s2 =	sadd.s32 s2, s4;
	[dreg:$0x0] =	wrdreg $0x0  }
0xa8: {  	s4 =	sshll.u32 s28, $0x1;
	[dreg:$0x2] =	wrdreg s2  }
0xa9: {  	[dreg:$0x3] =	wrdreg s4  }
0xaa: {  	[dreg:$0x4] =	wrdreg $0xC0  }
0xab: {  	_ =	task [dreg:s6], $0x5FFFF  }
0xac: {  	[dreg:$0x1] =	wrdreg $0xFFFFFFFF  }
0xad: {  	[dreg:$0x0] =	wrdreg $0x60  }
0xae: {  	[dreg:$0x2] =	wrdreg s24  }
0xaf: {  	[dreg:$0x3] =	wrdreg $0x0  }
0xb0: {  	[dreg:$0x4] =	wrdreg $0x9  }
0xb1: {  	_ =	task.clear_ibuf [dreg:s6], $0x5FFFF;
	_ =	strace $0x90000046  }
0xb2: {  	s29 =	simm.s32 $0x9;
	_ =	strace $0x80000048  }
0xb3: {  	_ =	swait.ge [sflag:s29], $0x1  }
0xb4: {  	[sflag:s29] =	ssyncadd.s32 $0xFFFFFFFF  }
0xb5: {  	_ =	strace $0x90000048  }
0xb6: {  	_ =	sfence  }
0xb7: {  	s30 =	sld [smem:$0x0];
	_ =	sdelay $0x2  }
0xb8: {  	s31 =	sshll.u32 s1, $0xD;
	s1 =	sshrl.u32 s1, $0x2  }
0xb9: {  	s3 =	sand.u32 $0x4000, s31;
	s1 =	sadd.s32 s1, s30  }
0xba: {  	s0 =	sor.u32 s3, s0;
	s1 =	sshll.u32 s1, $0x11  }
0xbb: {  	s0 =	sor.u32 s1, s0  }
0xbc: {  	s0 =	sadd.s32 $0x8F2B, s0  }
0xbd: {  	[sflag:s0] =	ssyncadd.remote.s32 $0x1  }
0xbe: {  	_ =	sfence.sel $0xFFFF  }
0xbf: {  	[dreg:$0x0] =	wrdreg $0xFFFFFFFF;
	(pc) =	sbr.abs _section_cstart, $3  }
0xc0: {  	[dreg:$0x1] =	wrdreg $0xFFFFFFFF  }
0xc1: {  	_ =	task.clear_ibuf [dreg:s6], $0x2FFFF;
	_ =	strace $0x9FFFFFFF  }
0xc2: {  	(tm) =	ssettm $0x7FFFFFFF  }
0xc3: {  	_ =	shalt  }
tec
execute0_lowered:
.L_overlay_start_1:
0x0: {  	(tag) =	ssettag $0x1  }
0x1: {  	s5 =	rddreg [dreg:$0x0]  }
0x2: {  	s2 =	rddreg [dreg:$0x1];
	s4 =	srdreg.scid  }
0x3: {  	s1 =	stileid.u32;
	s3 =	simm.s32 $0x0;
	s13 =	simm.s32 $0xCB00  }
0x4: {  	s14 =	simm.s32 $0x2;
	s15 =	simm.s32 $0xC400;
	s16 =	simm.s32 $0x80  }
0x5: {  	s17 =	simm.s32 $0xD300;
	s18 =	simm.s32 $0xDB00;
	s19 =	simm.s32 $0xE300  }
0x6: {  	s20 =	simm.s32 $0xEB00;
	s21 =	simm.s32 $0xF300;
	s22 =	simm.s32 $0xFB00  }
0x7: {  	s23 =	simm.s32 $0x1;
	s24 =	simm.s32 $0x10;
	s6 =	sand.u32 $0x1, s4  }
0x8: {  	s30 =	smul.u32 $0x62000, s1;
	[smem:$0x7FF] =	sst s3;
	s4 =	sadd.s32 $0x1C00, s5  }
0x9: {  	s9 =	smul.u32 $0x31000, s1;
	s7 =	sshll.u32 s6, $0x4;
	_ =	strace $0x80000047  }
0xa: {  	s6 =	ssub.s32 $0x2, s6;
	s8 =	sor.u32 s7, s30;
	s7 =	sor.u32 s1, s7  }
.Ltmp0:
0xb: {  	s31 =	sshrl.u32 s6, $0x1;
	s9 =	sshrl.u32 s9, $0x2;
	(pc) =	sbr.rel .LBB2_1-.Ltmp0, $4  }
0xc: {  	s8 =	sshrl.u32 s8, $0x3;
	s12 =	ssub.s32 s6, s31;
	s10 =	smul.u32 $0xC40, s7  }
0xd: {  	s6 =	sadd.s32 s9, s2;
	s11 =	sadd.s32 s8, s5;
	s5 =	smul.u32 $0xC4, s7  }
0xe: {  	s7 =	sadd.s32 $0x3800, s6;
	s8 =	sadd.s32 $0x7000, s6;
	s9 =	sadd.s32 $0xA800, s6  }
0xf: {  	v0 =	vimm.f32 $0.0e+00;
	v1 =	vimm.f32 $1.000000000e+00;
	s12 =	smax.u32 s12, $0x1;
	s10 =	sadd.s32 s4, s10;
	s11 =	sadd.s32 $0x1A400, s11  }
.LBB2_12:
0x10: {  	_ =	swait.ge [sflag:s23], $0x3800  }
0x11: {  	s0 =	sshll.u32 s1, $0x6;
	s3 =	sadd.s32 $0x1, s3;
	[sflag:s23] =	ssyncset.done $0x0  }
0x12: {  	s25 =	sshrl.u32 s6, $0x3;
	p0 =	sne.s32 s3, s12;
	[sflag:s23] =	ssyncadd.s32 $0xFFFFC800  }
.Ltmp1:
0x13: {  	s0 =	sor.u32 $0x1C02, s0;
	[bflag:$0x0] =	sbarrier.arrive $0xFFFF;
	(pc) =	sbr.rel @!p0 .LBB2_13-.Ltmp1, $4  }
0x14: {  	[hbm:s11@s24], [sflag:s0] =	dma.strided [spmem:s25@s14], $0x1880, s23, $0x2   }
0x15: {  	_ =	swait.ge [sflag:s14], $0x1880  }
0x16: {  	[sflag:s14] =	ssyncset.done $0x0  }
0x17: {  	[sflag:s14] =	ssyncadd.s32 $0xFFFFE780  }
.LBB2_1:
0x18: {  	s25 =	simm.s32 $0x40;
	s26 =	simm.s32 $0x0  }
.LBB2_2:
0x19: {  	p0 =	sne.s32 s25, $0xDFC0;
	[tilespmem:s26+$0xCB00] =	vst v0;
	s26 =	smov.u32 s25;
	s25 =	sadd.s32 $0x40, s25  }
.Ltmp2:
0x1a: {  	(pc) =	sbr.rel @p0 .LBB2_2-.Ltmp2, $2  }
0x1b: {  	_ =	sdelay $0x2  }
0x1c: {  	s26 =	sshra.s32 s26, $0x2  }
0x1d: {  	[tilespmem:s26+$0xCB00] =	vst v0  }
0x1e: {  	[spmem:s6] =	stream.linear.scatter [tilespmem:s13], [sflag:$0x2], $0x3800, $0x38;
	[tilespmem:$0x13B00] =	vst v63  }
0x1f: {  	_ =	swait.ge [sflag:s14], $0x3800  }
0x20: {  	[sflag:s14] =	ssyncset.done $0x0  }
0x21: {  	[sflag:s14] =	ssyncadd.s32 $0xFFFFC800  }
0x22: {  	[spmem:s7] =	stream.linear.scatter [tilespmem:s13], [sflag:$0x2], $0x3800, $0x38;
	[tilespmem:$0x13B00] =	vst v63  }
0x23: {  	_ =	swait.ge [sflag:s14], $0x3800  }
0x24: {  	[sflag:s14] =	ssyncset.done $0x0  }
0x25: {  	[sflag:s14] =	ssyncadd.s32 $0xFFFFC800  }
0x26: {  	[spmem:s8] =	stream.linear.scatter [tilespmem:s13], [sflag:$0x2], $0x3800, $0x38;
	[tilespmem:$0x13B00] =	vst v63  }
0x27: {  	_ =	swait.ge [sflag:s14], $0x3800  }
0x28: {  	[sflag:s14] =	ssyncset.done $0x0  }
0x29: {  	[sflag:s14] =	ssyncadd.s32 $0xFFFFC800  }
0x2a: {  	[spmem:s9] =	stream.linear.scatter [tilespmem:s13], [sflag:$0x2], $0x1C00, $0x38;
	[tilespmem:$0x13B00] =	vst v63  }
0x2b: {  	_ =	swait.ge [sflag:s14], $0x1C00  }
0x2c: {  	[sflag:s14] =	ssyncset.done $0x0  }
0x2d: {  	s25 =	simm.s32 $0x40;
	s26 =	simm.s32 $0x0;
	[sflag:s14] =	ssyncadd.s32 $0xFFFFE400  }
.LBB2_4:
0x2e: {  	p0 =	sne.s32 s25, $0xDFC0;
	[tilespmem:s26+$0xCB00] =	vst v1;
	s26 =	smov.u32 s25;
	s25 =	sadd.s32 $0x40, s25  }
.Ltmp3:
0x2f: {  	(pc) =	sbr.rel @p0 .LBB2_4-.Ltmp3, $2  }
0x30: {  	_ =	sdelay $0x2  }
0x31: {  	s26 =	sshra.s32 s26, $0x2  }
0x32: {  	[tilespmem:s26+$0xCB00] =	vst v1  }
0x33: {  	s25 =	simm.s32 $0x0;
	[bflag:$0x0] =	sbarrier.arrive $0xFFFF  }
0x34: {  	[tilespmem:s15], [sflag:$0x2] =	stream.linear.gather [hbm4b:s10+s25], $0x380, $0x38;
	[tilespmem:$0x13B00] =	vst v63  }
0x35: {  	s31 =	sand.u32 $0xE00, s25;
	_ =	swait.ge [sflag:s14], $0x380  }
0x36: {  	s28 =	sand.u32 $0x70, s25;
	s26 =	sshrl.u32 s31, $0x2;
	[sflag:s14] =	ssyncset.done $0x0  }
0x37: {  	s26 =	sor.u32 s28, s26;
	[sflag:s14] =	ssyncadd.s32 $0xFFFFFC80  }
0x38: {  	v2 =	vld [tilespmem:s26+$0xC400];
	_ =	sdelay $0x2  }
0x39: {  	s29 =	simm.s32 $0x40  }
0x3a: {  	s30 =	sand.u32 $0xE00, s29;
	s29 =	simm.s32 $0x80;
	s28 =	simm.s32 $0x10  }
.LBB2_6:
0x3b: {  	p0 =	sne.s32 s29, $0xDC0;
	s31 =	sand.u32 $0x70, s28;
	s30 =	sshrl.u32 s30, $0x2;
	v2 =	vshrl.u32 v2, $0x10  }
0x3c: {  	[tilespmem:s26+$0xC400] =	vst v2;
	s26 =	sor.u32 s31, s30  }
.Ltmp4:
0x3d: {  	v2 =	vld [tilespmem:s26+$0xC400];
	(pc) =	sbr.rel @p0 .LBB2_6-.Ltmp4, $2  }
0x3e: {  	_ =	sdelay $0x2  }
0x3f: {  	s28 =	sadd.s32 $0x10, s28;
	s30 =	sand.u32 $0xE00, s29;
	s29 =	sadd.s32 $0x40, s29  }
0x40: {  	s28 =	sand.u32 $0x70, s28;
	s29 =	sshrl.u32 s30, $0x2;
	v2 =	vshrl.u32 v2, $0x10  }
0x41: {  	s28 =	sor.u32 s28, s29;
	[tilespmem:s26+$0xC400] =	vst v2  }
0x42: {  	v2 =	vld [tilespmem:s28+$0xC400];
	_ =	sdelay $0x4  }
0x43: {  	v2 =	vshrl.u32 v2, $0x10  }
0x44: {  	[tilespmem:s28+$0xC400] =	vst v2  }
.LBB2_8:
0x45: {  	s26 =	sand.u32 $0x1, s25  }
0x46: {  	s28 =	smul.u32 $0xE00, s26;
	_ =	sdelay $0x1  }
0x47: {  	s28 =	sshrl.u32 s28, $0x2  }
0x48: {  	s29 =	sor.u32 $0xC400, s28  }
0x49: {  	[spmem:s2] =	stream.indirect.scatter.add.f32 [tilespmem:s13], [sflag:$0x1], $0x10, s29, s16, $0xb8;
	[tilespmem:$0x13B00] =	vst v63  }
0x4a: {  	s30 =	sadd.s32 $0xC480, s28  }
0x4b: {  	[spmem:s2] =	stream.indirect.scatter.add.f32 [tilespmem:s17], [sflag:$0x1], $0x10, s30, s16, $0xb8;
	[tilespmem:$0x13B00] =	vst v63  }
0x4c: {  	s31 =	sadd.s32 $0xC500, s28  }
0x4d: {  	[spmem:s2] =	stream.indirect.scatter.add.f32 [tilespmem:s18], [sflag:$0x1], $0x10, s31, s16, $0xb8;
	[tilespmem:$0x13B00] =	vst v63  }
0x4e: {  	s0 =	sadd.s32 $0xC580, s28  }
0x4f: {  	[spmem:s2] =	stream.indirect.scatter.add.f32 [tilespmem:s19], [sflag:$0x1], $0x10, s0, s16, $0xb8;
	[tilespmem:$0x13B00] =	vst v63  }
0x50: {  	p0 =	seq.s32 s25, $0x0;
	s30 =	sadd.s32 $0xC600, s28  }
0x51: {  	[spmem:s2] =	stream.indirect.scatter.add.f32 [tilespmem:s20], [sflag:$0x1], $0x10, s30, s16, $0xb8;
	[tilespmem:$0x13B00] =	vst v63  }
0x52: {  	p1 =	seq.s32 @!p0 s25, $0x1B;
	s31 =	sadd.s32 $0xC680, s28  }
0x53: {  	[spmem:s2] =	stream.indirect.scatter.add.f32 [tilespmem:s21], [sflag:$0x1], $0x10, s31, s16, $0xb8;
	[tilespmem:$0x13B00] =	vst v63  }
0x54: {  	p1 =	por p0, !p1;
	s28 =	sadd.s32 $0xC700, s28  }
0x55: {  	[spmem:s2] =	stream.indirect.scatter.add.f32 [tilespmem:s22], [sflag:$0x1], $0x10, s28, s16, $0xb8;
	[tilespmem:$0x13B00] =	vst v63  }
.Ltmp5:
0x56: {  	_ = 	snop;
	(pc) =	sbr.rel @!p1 .LBB2_12-.Ltmp5, $4  }
0x57: {  	s28 =	simm.s32 @!p0 $0x1  }
0x58: {  	_ =	swait.ge @!p0 [sflag:s28], $0x3800  }
0x59: {  	[sflag:s28] =	ssyncset.done @!p0 $0x0  }
0x5a: {  	[sflag:s28] =	ssyncadd.s32 @!p0 $0xFFFFC800  }
0x5b: {  	s25 =	sadd.s32 @!p0 $0x1, s25  }
0x5c: {  	s25 =	simm.s32 @p0 $0x1  }
0x5d: {  	s28 =	smul.u32 $0x7, s25  }
0x5e: {  	s26 =	sxor.u32 $0x1, s26  }
0x5f: {  	s26 =	smul.u32 $0xE00, s26;
	s28 =	sadd.s32 s5, s28  }
0x60: {  	s28 =	sshll.u32 s28, $0x4  }
0x61: {  	s26 =	sshrl.u32 s26, $0x2;
	s28 =	sand.u32 $0x1FFFFFF0, s28  }
0x62: {  	s26 =	sor.u32 $0xC400, s26;
	s29 =	sadd.s32 s4, s28;
	s28 =	simm.s32 $0x0  }
0x63: {  	[tilespmem:s26], [sflag:$0x2] =	stream.linear.gather [hbm4b:s29+s28], $0x380, $0x38;
	[tilespmem:$0x13B00] =	vst v63  }
0x64: {  	s29 =	sand.u32 $0xE00, s28  }
0x65: {  	_ =	swait.ge [sflag:s14], $0x380;
	s29 =	sshrl.u32 s29, $0x2  }
0x66: {  	s30 =	sand.u32 $0x70, s28;
	[sflag:s14] =	ssyncset.done $0x0;
	s29 =	sadd.s32 s29, s26  }
0x67: {  	[sflag:s14] =	ssyncadd.s32 $0xFFFFFC80;
	s29 =	sadd.s32 s30, s29  }
0x68: {  	v2 =	vld [tilespmem:s29+$0x0];
	_ =	sdelay $0x1  }
0x69: {  	s31 =	simm.s32 $0x40  }
0x6a: {  	s31 =	sand.u32 $0xE00, s31;
	s30 =	simm.s32 $0x80  }
.LBB2_10:
0x6b: {  	p0 =	seq.s32 s30, $0xDC0;
	s31 =	sshrl.u32 s31, $0x2;
	s28 =	sadd.s32 $0x10, s28  }
0x6c: {  	s0 =	sand.u32 $0x70, s28;
	s31 =	sadd.s32 s31, s26;
	v2 =	vshrl.u32 v2, $0x10  }
.Ltmp6:
0x6d: {  	[tilespmem:s29+$0x0] =	vst v2;
	s29 =	sadd.s32 s0, s31;
	(pc) =	sbr.rel @!p0 .LBB2_10-.Ltmp6, $2  }
0x6e: {  	v2 =	vld [tilespmem:s29+$0x0];
	_ =	sdelay $0x2  }
0x6f: {  	s31 =	sand.u32 $0xE00, s30;
	s30 =	sadd.s32 $0x40, s30  }
0x70: {  	s0 =	sshrl.u32 s31, $0x2;
	s28 =	sadd.s32 $0x10, s28  }
0x71: {  	s28 =	sand.u32 $0x70, s28;
	s0 =	sadd.s32 s0, s26;
	v2 =	vshrl.u32 v2, $0x10  }
0x72: {  	s0 =	sadd.s32 s28, s0;
	[tilespmem:s29+$0x0] =	vst v2  }
0x73: {  	v2 =	vld [tilespmem:s0+$0x0];
	_ =	sdelay $0x1  }
.Ltmp7:
0x74: {  	_ = 	snop;
	(pc) =	sbr.rel .LBB2_8-.Ltmp7, $3  }
0x75: {  	_ =	sdelay $0x1  }
0x76: {  	v2 =	vshrl.u32 v2, $0x10  }
0x77: {  	[tilespmem:s0+$0x0] =	vst v2  }
.LBB2_13:
0x78: {  	_ =	sfence.sel $0x180000  }
0x79: {  	[bflag:$0x0] =	sbarrier.arrive $0xFFFF  }
0x7a: {  	_ =	strace $0x90000047  }
0x7b: {  	[bflag:$0x2] =	sbarrier.arrive $0xFFFF  }
0x7c: {  	p0 =	sne.s32 s1, $0x0;
	s0 =	rddreg [dreg:$0x2]  }
0x7d: {  	s0 =	sadd.s32 @!p0 $0x100000, s0  }
0x7e: {  	[sflag:s0] =	ssyncadd.tile.s32 @!p0 $0x1;
	_ =	shalt  }
.Lfunc_end2:
_tile_overlayer_lowered:
.L_overlay_start_2:
0x7f: {  	(tag) =	ssettag $0x2  }
0x80: {  	s0 =	rddreg [dreg:$0x0];
	s2 =	stileid.u32  }
0x81: {  	s1 =	rddreg [dreg:$0x1];
	p0 =	sne.s32 s2, $0x0  }
0x82: {  	s3 =	rddreg [dreg:$0x2];
	[bflag:$0x3] =	sbarrier.arrive $0xFFFF;
	s2 =	simm.s32 @!p0 $0x1C02  }
0x83: {  	[timem:s3], [sflag:s2] =	dma.local @!p0 [hbm:s0], s1  }
0x84: {  	s0 =	simm.s32 @!p0 $0x2  }
0x85: {  	_ =	swait.ge @!p0 [sflag:s0], s1  }
0x86: {  	s1 =	ssub.s32 @!p0 $0x0, s1;
	[sflag:s0] =	ssyncset.done @!p0 $0x0  }
0x87: {  	[sflag:s0] =	ssyncadd.s32 @!p0 s1  }
0x88: {  	[bflag:$0x3] =	sbarrier.arrive $0xFFFF  }
0x89: {  	_ =	shalt  }

// kernel: kernel.13.cloned.1.call-start
scs
__scs_entry_jumppad:
0x0: {  	(pc) =	sbr.rel $0x88, $3  }
0x1: {  	(tag) =	ssettag $0x0;
	lr =	simm.s32 $0x1  }
0x2: {  	[smem:$0x3F95] =	sst lr;
	_ =	strace $0xD0000000  }
0x3: {  	_ = 	snop  }
0x4: {  	_ = 	snop  }
0x5: {  	_ = 	snop  }
0x6: {  	_ = 	snop  }
0x7: {  	_ = 	snop  }
__scs_overlays_trampoline_lowered:
0x8: {  	[smem:$0x3FA4] =	sst s0  }
0x9: {  	[smem:$0x3FA5] =	sst s1  }
0xa: {  	[smem:$0x3FA6] =	sst s2  }
0xb: {  	[smem:$0x3FA7] =	sst s3  }
0xc: {  	[smem:$0x3FA8] =	sst s4  }
0xd: {  	[smem:$0x3FA9] =	sst s5  }
0xe: {  	[smem:$0x3FAA] =	sst s6  }
0xf: {  	[smem:$0x3FAB] =	sst s7  }
0x10: {  	[smem:$0x3FAC] =	sst s8  }
0x11: {  	[smem:$0x3FAD] =	sst s9;
	s0 =	simm.s32 @!p0 $0x0  }
0x12: {  	s1 =	sld [smem:$0x3F93];
	s0 =	simm.s32 @p0 $0x1  }
0x13: {  	[smem:$0x3FAE] =	sst s0;
	s0 =	simm.s32 @!p1 $0x0  }
0x14: {  	s2 =	sld [smem:$0x3F92];
	s0 =	simm.s32 @p1 $0x1  }
0x15: {  	[smem:$0x3FAF] =	sst s0;
	s0 =	simm.s32 @!p2 $0x0  }
0x16: {  	s3 =	sld [smem:$0x3FDB];
	s0 =	simm.s32 @p2 $0x1  }
0x17: {  	s4 =	simm.s32 $0x1BF5;
	[smem:$0x3FB1] =	sst s0  }
0x18: {  	s0 =	sld [smem:$0x3F94];
	_ =	swait.ge [sflag:s4], $0x0  }
0x19: {  	s7 =	sld [smem:$0x3F95]  }
0x1a: {  	s8 =	sadd.s32 $0xFFFFE003, lr  }
0x1b: {  	s9 =	sadd.s32 $0xFFFFFEF7, lr;
	s5 =	simm.s32 $0xFFFFFFFF;
	p2 =	slt.u32 s8, $0xFFFFF086  }
0x1c: {  	p1 =	slt.u32 s9, $0xF7A;
	s5 =	simm.s32 @!p2 $0x0  }
0x1d: {  	s5 =	simm.s32 @p1 $0x1;
	p0 =	seq.s32 s7, s2  }
0x1e: {  	s7 =	smul.u32 @!p0 $0xF7A, s2;
	p2 =	seq.s32 @!p0 s5, $0x0  }
0x1f: {  	s9 =	smul.u32 $0xF7A, s1;
	s8 =	simm.s32 @!p0 $0x1BF5;
	p2 =	por !p2, p0  }
0x20: {  	[sflag:s8] =	ssyncset.s32 @!p0 $0xFFFFF086;
	s6 =	sadd.s32 @!p0 s3, s7;
	s7 =	simm.s32 @!p0 $0x108  }
0x21: {  	s3 =	sadd.s32 s3, s9;
	s6 =	sadd.s32 @!p0 $0x88, s6;
	s7 =	simm.s32 @p2 $0x1082  }
0x22: {  	[simem:s7], [sflag:s8] =	dma.local @!p0 [hbm:s6], $0xF7A  }
0x23: {  	s9 =	sor.u32 $0xD0000000, s2;
	s6 =	simm.s32 $0x108;
	_ =	swait.ge @!p0 [sflag:s8], $0x0  }
0x24: {  	s3 =	sadd.s32 $0x88, s3;
	s6 =	simm.s32 @!p1 $0x1082;
	[sflag:s4] =	ssyncset.s32 $0xFFFFF086  }
0x25: {  	[simem:s6], [sflag:s4] =	dma.local [hbm:s3], $0xF7A  }
0x26: {  	[smem:$0x3F95] =	sst s1;
	(tag) =	ssettag s2;
	_ =	strace s9  }
0x27: {  	s1 =	sld [smem:$0x3FA5]  }
0x28: {  	s2 =	sld [smem:$0x3FA6]  }
0x29: {  	s4 =	sld [smem:$0x3FA8]  }
0x2a: {  	p0 =	seq.s32 s5, $0x0;
	s5 =	sld [smem:$0x3FA9]  }
0x2b: {  	s6 =	sld [smem:$0x3FAA]  }
0x2c: {  	s7 =	sld [smem:$0x3FAB]  }
0x2d: {  	s3 =	simm.s32 $0x108;
	s8 =	sld [smem:$0x3FAC]  }
0x2e: {  	s3 =	simm.s32 @!p0 $0x1082;
	s9 =	sld [smem:$0x3FAD]  }
0x2f: {  	lr =	sadd.s32 s0, s3;
	s0 =	sld [smem:$0x3FA4]  }
0x30: {  	s3 =	sld [smem:$0x3FA7]  }
0x31: {  	[smem:$0x3FB0] =	sst s10  }
0x32: {  	s10 =	sld [smem:$0x3FAE];
	_ =	sdelay $0x3  }
0x33: {  	p0 =	seq.s32 s10, $0x1;
	s10 =	sld [smem:$0x3FB0];
	_ =	sdelay $0x3  }
0x34: {  	[smem:$0x3FB0] =	sst s10  }
0x35: {  	s10 =	sld [smem:$0x3FAF];
	_ =	sdelay $0x3  }
0x36: {  	p1 =	seq.s32 s10, $0x1;
	s10 =	sld [smem:$0x3FB0];
	_ =	sdelay $0x3  }
0x37: {  	[smem:$0x3FB0] =	sst s10  }
0x38: {  	s10 =	sld [smem:$0x3FB1]  }
0x39: {  	_ = 	snop;
	(pc) =	sbr.ind lr, $3  }
0x3a: {  	_ = 	snop  }
0x3b: {  	_ = 	snop  }
0x3c: {  	p2 =	seq.s32 s10, $0x1;
	s10 =	sld [smem:$0x3FB0]  }
0x3d: {  	_ =	shalt  }
0x3e: {  	_ =	shalt  }
0x3f: {  	_ =	shalt  }
0x40: {  	_ =	shalt  }
0x41: {  	_ =	shalt  }
0x42: {  	_ =	shalt  }
0x43: {  	_ =	shalt  }
0x44: {  	_ =	shalt  }
0x45: {  	_ =	shalt  }
0x46: {  	_ =	shalt  }
0x47: {  	_ =	shalt  }
0x48: {  	_ =	shalt  }
0x49: {  	_ =	shalt  }
0x4a: {  	_ =	shalt  }
0x4b: {  	_ =	shalt  }
0x4c: {  	_ =	shalt  }
0x4d: {  	_ =	shalt  }
0x4e: {  	_ =	shalt  }
0x4f: {  	_ =	shalt  }
0x50: {  	_ =	shalt  }
0x51: {  	_ =	shalt  }
0x52: {  	_ =	shalt  }
0x53: {  	_ =	shalt  }
0x54: {  	_ =	shalt  }
0x55: {  	_ =	shalt  }
0x56: {  	_ =	shalt  }
0x57: {  	_ =	shalt  }
0x58: {  	_ =	shalt  }
0x59: {  	_ =	shalt  }
0x5a: {  	_ =	shalt  }
0x5b: {  	_ =	shalt  }
0x5c: {  	_ =	shalt  }
0x5d: {  	_ =	shalt  }
0x5e: {  	_ =	shalt  }
0x5f: {  	_ =	shalt  }
0x60: {  	_ =	shalt  }
0x61: {  	_ =	shalt  }
0x62: {  	_ =	shalt  }
0x63: {  	_ =	shalt  }
0x64: {  	_ =	shalt  }
0x65: {  	_ =	shalt  }
0x66: {  	_ =	shalt  }
0x67: {  	_ =	shalt  }
0x68: {  	_ =	shalt  }
0x69: {  	_ =	shalt  }
0x6a: {  	_ =	shalt  }
0x6b: {  	_ =	shalt  }
0x6c: {  	_ =	shalt  }
0x6d: {  	_ =	shalt  }
0x6e: {  	_ =	shalt  }
0x6f: {  	_ =	shalt  }
0x70: {  	_ =	shalt  }
0x71: {  	_ =	shalt  }
0x72: {  	_ =	shalt  }
0x73: {  	_ =	shalt  }
0x74: {  	_ =	shalt  }
0x75: {  	_ =	shalt  }
0x76: {  	_ =	shalt  }
0x77: {  	_ =	shalt  }
0x78: {  	_ =	shalt  }
0x79: {  	_ =	shalt  }
0x7a: {  	_ =	shalt  }
0x7b: {  	_ =	shalt  }
0x7c: {  	_ =	shalt  }
0x7d: {  	_ =	shalt  }
0x7e: {  	_ =	shalt  }
0x7f: {  	_ =	shalt  }
0x80: {  	_ =	shalt  }
0x81: {  	_ =	shalt  }
0x82: {  	_ =	shalt  }
0x83: {  	_ =	shalt  }
0x84: {  	_ =	shalt  }
0x85: {  	_ =	shalt  }
0x86: {  	_ =	shalt  }
0x87: {  	_ =	shalt  }
.Lfunc_end0:
.L_simem_size_0:
called_computation.1_lowered:
.L_overlay_start_0:
0x88: {  	s2 =	sld [smem:$0x3FD9]  }
0x89: {  	s3 =	sld [smem:$0x3FFE];
	_ =	sdelay $0x1  }
0x8a: {  	s1 =	srdreg.scid  }
0x8b: {  	s0 =	sand.u32 $0x1, s1  }
0x8c: {  	s16 =	sshll.u32 s0, $0xA;
	s2 =	sadd.s32 s3, s2  }
0x8d: {  	s2 =	sadd.s32 s2, s16  }
0x8e: {  	[smem:$0x3FBC] =	sst s2  }
0x8f: {  	_ = 	snop  }
0x90: {  	(tm) =	ssettm $0x1  }
0x91: {  	s17 =	sld [smem:$0x3FFB];
	_ =	sdelay $0x3  }
0x92: {  	_ =	strace s17  }
0x93: {  	s2 =	sld [smem:$0x3FFC];
	_ =	sdelay $0x3  }
0x94: {  	_ =	strace s2  }
0x95: {  	s2 =	sld [smem:$0x3FFD];
	_ =	sdelay $0x3  }
0x96: {  	_ =	strace s2  }
0x97: {  	_ =	strace $0x8FFFFFFF  }
0x98: {  	s18 =	sld [smem:$0x3FDB];
	_ =	sdelay $0x1  }
0x99: {  	s19 =	simm.s32 $_scs_section_size  }
0x9a: {  	s4 =	simm.s32 $_size__tile_overlayer_lowered;
	s5 =	simm.s32 $_tile_overlayer_lowered  }
0x9b: {  	s22 =	simm.s32 $0x1BFF;
	s21 =	sshll.u32 s5, $0x1;
	s2 =	sadd.s32 s19, s18  }
0x9c: {  	s6 =	simm.s32 $0x0;
	s20 =	sshll.u32 s4, $0x1;
	s4 =	sadd.s32 s21, s2  }
0x9d: {  	[timem:s6], [sflag:s22] =	dma.local [hbm:s4], s20  }
0x9e: {  	_ =	swait.ge [sflag:s22], s20  }
0x9f: {  	s3 =	ssub.s32 $0x0, s20;
	[sflag:s22] =	ssyncset.done $0x0  }
0xa0: {  	[sflag:s22] =	ssyncadd.s32 s3;
	_ =	sdelay $0x1  }
0xa1: {  	s23 =	simm.s32 $0x1B8B  }
0xa2: {  	_ =	swait.ge [sflag:s23], $0x1  }
0xa3: {  	[sflag:s23] =	ssyncset.done $0x0  }
0xa4: {  	s25 =	simm.s32 $0x1B8E;
	s24 =	sld [smem:$0x3FFE];
	[sflag:s23] =	ssyncadd.s32 $0xFFFFFFFF  }
0xa5: {  	s26 =	simm.s32 $execute0_lowered;
	[smem:$0x3FD2] =	sst s25  }
0xa6: {  	s4 =	sshll.u32 s26, $0x1;
	_ =	strace $0x80000049;
	[dreg:$0x1] =	wrdreg $0xFFFFFFFF  }
0xa7: {  	s28 =	simm.s32 $_size_execute0_lowered;
	s2 =	sadd.s32 s2, s4;
	[dreg:$0x0] =	wrdreg $0x0  }
0xa8: {  	s4 =	sshll.u32 s28, $0x1;
	[dreg:$0x2] =	wrdreg s2  }
0xa9: {  	[dreg:$0x3] =	wrdreg s4  }
0xaa: {  	[dreg:$0x4] =	wrdreg $0xC0  }
0xab: {  	_ =	task [dreg:s6], $0x5FFFF  }
0xac: {  	[dreg:$0x1] =	wrdreg $0xFFFFFFFF  }
0xad: {  	[dreg:$0x0] =	wrdreg $0x60  }
0xae: {  	[dreg:$0x2] =	wrdreg s24  }
0xaf: {  	[dreg:$0x3] =	wrdreg $0x0  }
0xb0: {  	[dreg:$0x4] =	wrdreg $0x9  }
0xb1: {  	_ =	task.clear_ibuf [dreg:s6], $0x5FFFF;
	_ =	strace $0x90000049  }
0xb2: {  	s29 =	simm.s32 $0x9;
	_ =	strace $0x8000004B  }
0xb3: {  	_ =	swait.ge [sflag:s29], $0x1  }
0xb4: {  	[sflag:s29] =	ssyncadd.s32 $0xFFFFFFFF  }
0xb5: {  	_ =	strace $0x9000004B  }
0xb6: {  	_ =	sfence  }
0xb7: {  	s30 =	sld [smem:$0x0];
	_ =	sdelay $0x2  }
0xb8: {  	s31 =	sshll.u32 s1, $0xD;
	s1 =	sshrl.u32 s1, $0x2  }
0xb9: {  	s3 =	sand.u32 $0x4000, s31;
	s1 =	sadd.s32 s1, s30  }
0xba: {  	s0 =	sor.u32 s3, s0;
	s1 =	sshll.u32 s1, $0x11  }
0xbb: {  	s0 =	sor.u32 s1, s0  }
0xbc: {  	s0 =	sadd.s32 $0x8F2B, s0  }
0xbd: {  	[sflag:s0] =	ssyncadd.remote.s32 $0x1  }
0xbe: {  	_ =	sfence.sel $0xFFFF  }
0xbf: {  	[dreg:$0x0] =	wrdreg $0xFFFFFFFF;
	(pc) =	sbr.abs _section_cstart, $3  }
0xc0: {  	[dreg:$0x1] =	wrdreg $0xFFFFFFFF  }
0xc1: {  	_ =	task.clear_ibuf [dreg:s6], $0x2FFFF;
	_ =	strace $0x9FFFFFFF  }
0xc2: {  	(tm) =	ssettm $0x7FFFFFFF  }
0xc3: {  	_ =	shalt  }
tec
execute0_lowered:
.L_overlay_start_1:
0x0: {  	(tag) =	ssettag $0x1  }
0x1: {  	s0 =	rddreg [dreg:$0x0];
	s1 =	srdreg.scid  }
0x2: {  	s9 =	stileid.u32;
	s2 =	rddreg [dreg:$0x1];
	s3 =	simm.s32 $0x0  }
0x3: {  	s14 =	simm.s32 $0xD200;
	s15 =	simm.s32 $0x3;
	s16 =	simm.s32 $0xC400  }
0x4: {  	s17 =	simm.s32 $0x80;
	s28 =	simm.s32 $0xFA00;
	s29 =	simm.s32 $0xC700  }
0x5: {  	s30 =	simm.s32 $0x10200;
	s31 =	simm.s32 $0x1;
	s4 =	smul.u32 $0x62000, s9  }
0x6: {  	s1 =	sand.u32 $0x1, s1;
	[smem:$0x7FF] =	sst s3;
	s8 =	smul.u32 $0x31000, s9  }
0x7: {  	s5 =	sadd.s32 $0x1A2400, s0;
	s6 =	sshll.u32 s1, $0x4;
	_ =	strace $0x8000004A  }
0x8: {  	s1 =	ssub.s32 $0x2, s1;
	s4 =	sor.u32 s6, s4;
	s24 =	sor.u32 s9, s6  }
0x9: {  	s25 =	sshrl.u32 s8, $0x2;
	s26 =	sshrl.u32 s1, $0x1;
	s7 =	sshrl.u32 s4, $0x3  }
.Ltmp0:
0xa: {  	s4 =	sadd.s32 $0x1C00, s0;
	s6 =	sadd.s32 s25, s2;
	(pc) =	sbr.rel .LBB2_1-.Ltmp0, $4  }
0xb: {  	s11 =	smul.u32 $0xC40, s24;
	s1 =	ssub.s32 s1, s26;
	s0 =	sadd.s32 s7, s0  }
0xc: {  	s7 =	smul.u32 $0xC4, s24;
	s8 =	sadd.s32 $0x3800, s6;
	s9 =	sadd.s32 $0x7000, s6  }
0xd: {  	s10 =	sadd.s32 $0xA800, s6;
	s13 =	smax.u32 s1, $0x1;
	s1 =	simm.s32 $0x2  }
0xe: {  	v0 =	vimm.f32 $0.0e+00;
	s11 =	sadd.s32 s4, s11;
	s12 =	sadd.s32 $0x1A400, s0;
	s0 =	simm.s32 $0x10  }
.LBB2_11:
0xf: {  	_ =	swait.ge [sflag:s1], $0x3800;
	s18 =	stileid.u32  }
0x10: {  	s19 =	sshrl.u32 s6, $0x3;
	s3 =	sadd.s32 $0x1, s3;
	[sflag:s1] =	ssyncset.done $0x0  }
0x11: {  	s18 =	sshll.u32 s18, $0x6;
	p0 =	sne.s32 s3, s13;
	[sflag:s1] =	ssyncadd.s32 $0xFFFFC800  }
.Ltmp1:
0x12: {  	s18 =	sor.u32 $0x1C03, s18;
	[bflag:$0x0] =	sbarrier.arrive $0xFFFF;
	(pc) =	sbr.rel @!p0 .LBB2_12-.Ltmp1, $4  }
0x13: {  	[hbm:s12@s0], [sflag:s18] =	dma.strided [spmem:s19@s1], $0x1880, s31, $0x2   }
0x14: {  	_ =	swait.ge [sflag:s15], $0x1880  }
0x15: {  	[sflag:s15] =	ssyncset.done $0x0  }
0x16: {  	[sflag:s15] =	ssyncadd.s32 $0xFFFFE780  }
.LBB2_1:
0x17: {  	s18 =	simm.s32 $0x40;
	s19 =	simm.s32 $0x0  }
.LBB2_2:
0x18: {  	p0 =	sne.s32 s18, $0xDFC0;
	[tilespmem:s19+$0xD200] =	vst v0;
	s19 =	smov.u32 s18;
	s18 =	sadd.s32 $0x40, s18  }
.Ltmp2:
0x19: {  	(pc) =	sbr.rel @p0 .LBB2_2-.Ltmp2, $2  }
0x1a: {  	_ =	sdelay $0x2  }
0x1b: {  	s19 =	sshra.s32 s19, $0x2  }
0x1c: {  	[tilespmem:s19+$0xD200] =	vst v0  }
0x1d: {  	[spmem:s6] =	stream.linear.scatter [tilespmem:s14], [sflag:$0x3], $0x3800, $0x38;
	[tilespmem:$0x14200] =	vst v63  }
0x1e: {  	_ =	swait.ge [sflag:s15], $0x3800  }
0x1f: {  	[sflag:s15] =	ssyncset.done $0x0  }
0x20: {  	[sflag:s15] =	ssyncadd.s32 $0xFFFFC800  }
0x21: {  	[spmem:s8] =	stream.linear.scatter [tilespmem:s14], [sflag:$0x3], $0x3800, $0x38;
	[tilespmem:$0x14200] =	vst v63  }
0x22: {  	_ =	swait.ge [sflag:s15], $0x3800  }
0x23: {  	[sflag:s15] =	ssyncset.done $0x0  }
0x24: {  	[sflag:s15] =	ssyncadd.s32 $0xFFFFC800  }
0x25: {  	[spmem:s9] =	stream.linear.scatter [tilespmem:s14], [sflag:$0x3], $0x3800, $0x38;
	[tilespmem:$0x14200] =	vst v63  }
0x26: {  	_ =	swait.ge [sflag:s15], $0x3800  }
0x27: {  	[sflag:s15] =	ssyncset.done $0x0  }
0x28: {  	[sflag:s15] =	ssyncadd.s32 $0xFFFFC800  }
0x29: {  	[spmem:s10] =	stream.linear.scatter [tilespmem:s14], [sflag:$0x3], $0x1C00, $0x38;
	[tilespmem:$0x14200] =	vst v63  }
0x2a: {  	_ =	swait.ge [sflag:s15], $0x1C00  }
0x2b: {  	[sflag:s15] =	ssyncset.done $0x0  }
0x2c: {  	[sflag:s15] =	ssyncadd.s32 $0xFFFFE400  }
0x2d: {  	s18 =	simm.s32 $0x0;
	[bflag:$0x0] =	sbarrier.arrive $0xFFFF  }
0x2e: {  	[tilespmem:s16], [sflag:$0x3] =	stream.linear.gather [hbm4b:s11+s18], $0x380, $0x38;
	[tilespmem:$0x14200] =	vst v63  }
0x2f: {  	_ =	swait.ge [sflag:s15], $0x380  }
0x30: {  	[sflag:s15] =	ssyncset.done $0x0  }
0x31: {  	s19 =	simm.s32 $0x40;
	s18 =	simm.s32 $0x0;
	[sflag:s15] =	ssyncadd.s32 $0xFFFFFC80  }
.LBB2_4:
0x32: {  	p0 =	sne.s32 s19, $0xDC0;
	v1 =	vld [tilespmem:s18+$0xC400];
	_ =	sdelay $0x2  }
.Ltmp3:
0x33: {  	(pc) =	sbr.rel @p0 .LBB2_4-.Ltmp3, $4  }
0x34: {  	_ = 	snop  }
0x35: {  	v2 =	vshrl.u32 v1, $0x10;
	v1 =	vshll.u32 v1, $0x3  }
0x36: {  	[tilespmem:s18+$0xCB00] =	vst v2;
	v1 =	vand.u32 $0x7FFF8, v1  }
0x37: {  	[tilespmem:s18+$0xC400] =	vst v1;
	s18 =	sshra.s32 s19, $0x2;
	s19 =	sadd.s32 $0x40, s19  }
0x38: {  	v1 =	vld [tilespmem:s18+$0xC400];
	_ =	sdelay $0x4  }
0x39: {  	v2 =	vshrl.u32 v1, $0x10;
	v1 =	vshll.u32 v1, $0x3  }
0x3a: {  	[tilespmem:s18+$0xCB00] =	vst v2;
	v1 =	vand.u32 $0x7FFF8, v1  }
0x3b: {  	[tilespmem:s18+$0xC400] =	vst v1  }
0x3c: {  	[tilespmem:s14], [sflag:$0x1] =	stream.indirect.gather [hbm4b:s5+s17], $0x10, s16, s17, $0xb8;
	[tilespmem:$0x14200] =	vst v63  }
0x3d: {  	s26 =	simm.s32 $0xC480;
	s19 =	simm.s32 $0xDA00  }
0x3e: {  	[tilespmem:s19], [sflag:$0x1] =	stream.indirect.gather [hbm4b:s5+s17], $0x10, s26, s17, $0xb8;
	[tilespmem:$0x14200] =	vst v63  }
0x3f: {  	s20 =	simm.s32 $0xC500;
	s21 =	simm.s32 $0xE200  }
0x40: {  	[tilespmem:s21], [sflag:$0x1] =	stream.indirect.gather [hbm4b:s5+s17], $0x10, s20, s17, $0xb8;
	[tilespmem:$0x14200] =	vst v63  }
0x41: {  	s22 =	simm.s32 $0xC580;
	s23 =	simm.s32 $0xEA00  }
0x42: {  	[tilespmem:s23], [sflag:$0x1] =	stream.indirect.gather [hbm4b:s5+s17], $0x10, s22, s17, $0xb8;
	[tilespmem:$0x14200] =	vst v63  }
0x43: {  	s24 =	simm.s32 $0xC600;
	s25 =	simm.s32 $0xF200  }
0x44: {  	[tilespmem:s25], [sflag:$0x1] =	stream.indirect.gather [hbm4b:s5+s17], $0x10, s24, s17, $0xb8;
	[tilespmem:$0x14200] =	vst v63  }
.Ltmp4:
0x45: {  	_ = 	snop;
	(pc) =	sbr.rel .LBB2_6-.Ltmp4, $4  }
0x46: {  	s26 =	simm.s32 $0xC680  }
0x47: {  	[tilespmem:s28], [sflag:$0x1] =	stream.indirect.gather [hbm4b:s5+s17], $0x10, s26, s17, $0xb8;
	[tilespmem:$0x14200] =	vst v63  }
0x48: {  	s20 =	simm.s32 $0x0  }
0x49: {  	[tilespmem:s30], [sflag:$0x1] =	stream.indirect.gather [hbm4b:s5+s17], $0x10, s29, s17, $0xb8;
	[tilespmem:$0x14200] =	vst v63  }
.LBB2_10:
0x4a: {  	s20 =	smul.u32 $0xE000, s19  }
0x4b: {  	s24 =	smul.u32 $0xE00, s19  }
0x4c: {  	_ =	swait.ge [sflag:s31], $0x3800  }
0x4d: {  	[sflag:s31] =	ssyncset.done $0x0;
	s20 =	sshrl.u32 s20, $0x2;
	s19 =	sshrl.u32 s24, $0x2  }
0x4e: {  	[sflag:s31] =	ssyncadd.s32 $0xFFFFC800;
	s21 =	sadd.s32 $0xD200, s20;
	s22 =	sadd.s32 $0xCB00, s19  }
0x4f: {  	[spmem:s2] =	stream.indirect.scatter.add.f32 [tilespmem:s21], [sflag:$0x2], $0x10, s22, s17, $0xb8;
	[tilespmem:$0x14200] =	vst v63  }
0x50: {  	s25 =	sadd.s32 $0xDA00, s20;
	s26 =	sadd.s32 $0xCB80, s19  }
0x51: {  	[spmem:s2] =	stream.indirect.scatter.add.f32 [tilespmem:s25], [sflag:$0x2], $0x10, s26, s17, $0xb8;
	[tilespmem:$0x14200] =	vst v63  }
0x52: {  	s23 =	sadd.s32 $0xE200, s20;
	s24 =	sor.u32 $0xCC00, s19  }
0x53: {  	[spmem:s2] =	stream.indirect.scatter.add.f32 [tilespmem:s23], [sflag:$0x2], $0x10, s24, s17, $0xb8;
	[tilespmem:$0x14200] =	vst v63  }
0x54: {  	s25 =	sadd.s32 $0xEA00, s20;
	s26 =	sadd.s32 $0xCC80, s19  }
0x55: {  	[spmem:s2] =	stream.indirect.scatter.add.f32 [tilespmem:s25], [sflag:$0x2], $0x10, s26, s17, $0xb8;
	[tilespmem:$0x14200] =	vst v63  }
0x56: {  	p0 =	slt.u32 s18, $0x1C;
	s23 =	sadd.s32 $0xF200, s20;
	s24 =	sadd.s32 $0xCD00, s19  }
0x57: {  	[spmem:s2] =	stream.indirect.scatter.add.f32 [tilespmem:s23], [sflag:$0x2], $0x10, s24, s17, $0xb8;
	[tilespmem:$0x14200] =	vst v63  }
.Ltmp5:
0x58: {  	s25 =	sadd.s32 $0xFA00, s20;
	s26 =	sadd.s32 $0xCD80, s19;
	(pc) =	sbr.rel @!p0 .LBB2_11-.Ltmp5, $4  }
0x59: {  	[spmem:s2] =	stream.indirect.scatter.add.f32 [tilespmem:s25], [sflag:$0x2], $0x10, s26, s17, $0xb8;
	[tilespmem:$0x14200] =	vst v63  }
0x5a: {  	s20 =	sor.u32 $0x10200, s20;
	s19 =	sadd.s32 $0xCE00, s19  }
0x5b: {  	[spmem:s2] =	stream.indirect.scatter.add.f32 [tilespmem:s20], [sflag:$0x2], $0x10, s19, s17, $0xb8;
	[tilespmem:$0x14200] =	vst v63  }
0x5c: {  	s20 =	smov.u32 s18  }
.LBB2_6:
0x5d: {  	p0 =	seq.s32 s20, $0x0  }
0x5e: {  	p1 =	seq.s32 @!p0 s20, $0x1B  }
0x5f: {  	p1 =	por p0, !p1  }
.Ltmp6:
0x60: {  	_ = 	snop;
	(pc) =	sbr.rel @!p1 .LBB2_10-.Ltmp6, $4  }
0x61: {  	s18 =	simm.s32 @!p0 $0x2  }
0x62: {  	_ =	swait.ge @!p0 [sflag:s18], $0x3800  }
0x63: {  	[sflag:s18] =	ssyncset.done @!p0 $0x0  }
0x64: {  	s19 =	sand.u32 $0x1, s20;
	[sflag:s18] =	ssyncadd.s32 @!p0 $0xFFFFC800;
	s18 =	simm.s32 @!p0 $0x1C  }
0x65: {  	s18 =	sadd.s32 @!p0 $0x1, s20  }
0x66: {  	s18 =	simm.s32 @p0 $0x1  }
0x67: {  	s25 =	smul.u32 $0x7, s18;
	_ =	sdelay $0x1  }
0x68: {  	s22 =	sxor.u32 $0x1, s19;
	s21 =	sadd.s32 s7, s25  }
0x69: {  	s20 =	smul.u32 $0x380, s22;
	s21 =	sshll.u32 s21, $0x4  }
0x6a: {  	s23 =	sand.u32 $0x1FFFFFF0, s21  }
0x6b: {  	s24 =	simm.s32 $0x0;
	s21 =	sor.u32 $0xC400, s20;
	s23 =	sadd.s32 s4, s23  }
0x6c: {  	[tilespmem:s21], [sflag:$0x3] =	stream.linear.gather [hbm4b:s23+s24], $0x380, $0x38;
	[tilespmem:$0x14200] =	vst v63  }
0x6d: {  	s26 =	sand.u32 $0x380, s24;
	_ =	swait.ge [sflag:s15], $0x380  }
0x6e: {  	s24 =	sand.u32 $0x70, s24;
	s23 =	sadd.s32 s20, s26;
	[sflag:s15] =	ssyncset.done $0x0  }
0x6f: {  	s23 =	sor.u32 s24, s23;
	[sflag:s15] =	ssyncadd.s32 $0xFFFFFC80  }
0x70: {  	v2 =	vld [tilespmem:s23+$0xC400];
	_ =	sdelay $0x3  }
0x71: {  	s25 =	simm.s32 $0x10  }
0x72: {  	s26 =	sand.u32 $0x380, s25;
	s24 =	simm.s32 $0x20;
	v1 =	vshrl.u32 v2, $0x10;
	v2 =	vshll.u32 v2, $0x3  }
.LBB2_8:
0x73: {  	p0 =	sne.s32 s24, $0x370;
	s25 =	sand.u32 $0x70, s25;
	s26 =	sadd.s32 s20, s26;
	[tilespmem:s23+$0xCB00] =	vst v1;
	v1 =	vand.u32 $0x7FFF8, v2  }
0x74: {  	[tilespmem:s23+$0xC400] =	vst v1;
	s23 =	sor.u32 s25, s26;
	s25 =	smov.u32 s24  }
0x75: {  	v2 =	vld [tilespmem:s23+$0xC400]  }
.Ltmp7:
0x76: {  	(pc) =	sbr.rel @p0 .LBB2_8-.Ltmp7, $2  }
0x77: {  	_ =	sdelay $0x2  }
0x78: {  	s24 =	sadd.s32 $0x10, s24;
	s26 =	sand.u32 $0x380, s25;
	v1 =	vshrl.u32 v2, $0x10;
	v2 =	vshll.u32 v2, $0x3  }
0x79: {  	s24 =	sand.u32 $0x70, s25;
	s26 =	sadd.s32 s20, s26;
	[tilespmem:s23+$0xCB00] =	vst v1;
	v1 =	vand.u32 $0x7FFF8, v2  }
0x7a: {  	s24 =	sor.u32 s24, s26;
	[tilespmem:s23+$0xC400] =	vst v1  }
0x7b: {  	v1 =	vld [tilespmem:s24+$0xC400];
	_ =	sdelay $0x3  }
0x7c: {  	s22 =	smul.u32 $0xE000, s22  }
0x7d: {  	v2 =	vshrl.u32 v1, $0x10;
	v1 =	vshll.u32 v1, $0x3  }
0x7e: {  	s22 =	sshrl.u32 s22, $0x2;
	[tilespmem:s24+$0xCB00] =	vst v2;
	v1 =	vand.u32 $0x7FFF8, v1  }
0x7f: {  	s26 =	sadd.s32 $0xD200, s22;
	[tilespmem:s24+$0xC400] =	vst v1  }
0x80: {  	[tilespmem:s26], [sflag:$0x1] =	stream.indirect.gather [hbm4b:s5+s17], $0x10, s21, s17, $0xb8;
	[tilespmem:$0x14200] =	vst v63  }
0x81: {  	s23 =	sadd.s32 $0xDA00, s22;
	s24 =	sadd.s32 $0xC480, s20  }
0x82: {  	[tilespmem:s23], [sflag:$0x1] =	stream.indirect.gather [hbm4b:s5+s17], $0x10, s24, s17, $0xb8;
	[tilespmem:$0x14200] =	vst v63  }
0x83: {  	s25 =	sadd.s32 $0xE200, s22;
	s26 =	sadd.s32 $0xC500, s20  }
0x84: {  	[tilespmem:s25], [sflag:$0x1] =	stream.indirect.gather [hbm4b:s5+s17], $0x10, s26, s17, $0xb8;
	[tilespmem:$0x14200] =	vst v63  }
0x85: {  	s23 =	sadd.s32 $0xEA00, s22;
	s24 =	sadd.s32 $0xC580, s20  }
0x86: {  	[tilespmem:s23], [sflag:$0x1] =	stream.indirect.gather [hbm4b:s5+s17], $0x10, s24, s17, $0xb8;
	[tilespmem:$0x14200] =	vst v63  }
0x87: {  	s25 =	sadd.s32 $0xF200, s22;
	s26 =	sadd.s32 $0xC600, s20  }
0x88: {  	[tilespmem:s25], [sflag:$0x1] =	stream.indirect.gather [hbm4b:s5+s17], $0x10, s26, s17, $0xb8;
	[tilespmem:$0x14200] =	vst v63  }
.Ltmp8:
0x89: {  	_ = 	snop;
	(pc) =	sbr.rel .LBB2_10-.Ltmp8, $4  }
0x8a: {  	s23 =	sadd.s32 $0xFA00, s22;
	s24 =	sadd.s32 $0xC680, s20  }
0x8b: {  	[tilespmem:s23], [sflag:$0x1] =	stream.indirect.gather [hbm4b:s5+s17], $0x10, s24, s17, $0xb8;
	[tilespmem:$0x14200] =	vst v63  }
0x8c: {  	s25 =	sor.u32 $0x10200, s22;
	s26 =	sadd.s32 $0xC700, s20  }
0x8d: {  	[tilespmem:s25], [sflag:$0x1] =	stream.indirect.gather [hbm4b:s5+s17], $0x10, s26, s17, $0xb8;
	[tilespmem:$0x14200] =	vst v63  }
.LBB2_12:
0x8e: {  	_ =	sfence.sel $0x180000  }
0x8f: {  	[bflag:$0x0] =	sbarrier.arrive $0xFFFF  }
0x90: {  	_ =	strace $0x9000004A  }
0x91: {  	s0 =	stileid.u32;
	[bflag:$0x2] =	sbarrier.arrive $0xFFFF  }
0x92: {  	p0 =	sne.s32 s0, $0x0;
	s0 =	rddreg [dreg:$0x2]  }
0x93: {  	s0 =	sadd.s32 @!p0 $0x100000, s0  }
0x94: {  	[sflag:s0] =	ssyncadd.tile.s32 @!p0 $0x1;
	_ =	shalt  }
.Lfunc_end2:
_tile_overlayer_lowered:
.L_overlay_start_2:
0x95: {  	(tag) =	ssettag $0x2  }
0x96: {  	s0 =	rddreg [dreg:$0x0];
	s2 =	stileid.u32  }
0x97: {  	s1 =	rddreg [dreg:$0x1];
	p0 =	sne.s32 s2, $0x0  }
0x98: {  	s3 =	rddreg [dreg:$0x2];
	[bflag:$0x3] =	sbarrier.arrive $0xFFFF;
	s2 =	simm.s32 @!p0 $0x1C03  }
0x99: {  	[timem:s3], [sflag:s2] =	dma.local @!p0 [hbm:s0], s1  }
0x9a: {  	s0 =	simm.s32 @!p0 $0x3  }
0x9b: {  	_ =	swait.ge @!p0 [sflag:s0], s1  }
0x9c: {  	s1 =	ssub.s32 @!p0 $0x0, s1;
	[sflag:s0] =	ssyncset.done @!p0 $0x0  }
0x9d: {  	[sflag:s0] =	ssyncadd.s32 @!p0 s1  }
0x9e: {  	[bflag:$0x3] =	sbarrier.arrive $0xFFFF  }
0x9f: {  	_ =	shalt  }

// kernel: kernel.16.cloned.1.call-start
scs
__scs_entry_jumppad:
0x0: {  	(pc) =	sbr.rel $0x88, $3  }
0x1: {  	(tag) =	ssettag $0x0;
	lr =	simm.s32 $0x1  }
0x2: {  	[smem:$0x3F95] =	sst lr;
	_ =	strace $0xD0000000  }
0x3: {  	_ = 	snop  }
0x4: {  	_ = 	snop  }
0x5: {  	_ = 	snop  }
0x6: {  	_ = 	snop  }
0x7: {  	_ = 	snop  }
__scs_overlays_trampoline_lowered:
0x8: {  	[smem:$0x3FA4] =	sst s0  }
0x9: {  	[smem:$0x3FA5] =	sst s1  }
0xa: {  	[smem:$0x3FA6] =	sst s2  }
0xb: {  	[smem:$0x3FA7] =	sst s3  }
0xc: {  	[smem:$0x3FA8] =	sst s4  }
0xd: {  	[smem:$0x3FA9] =	sst s5  }
0xe: {  	[smem:$0x3FAA] =	sst s6  }
0xf: {  	[smem:$0x3FAB] =	sst s7  }
0x10: {  	[smem:$0x3FAC] =	sst s8  }
0x11: {  	[smem:$0x3FAD] =	sst s9;
	s0 =	simm.s32 @!p0 $0x0  }
0x12: {  	s1 =	sld [smem:$0x3F93];
	s0 =	simm.s32 @p0 $0x1  }
0x13: {  	[smem:$0x3FAE] =	sst s0;
	s0 =	simm.s32 @!p1 $0x0  }
0x14: {  	s2 =	sld [smem:$0x3F92];
	s0 =	simm.s32 @p1 $0x1  }
0x15: {  	[smem:$0x3FAF] =	sst s0;
	s0 =	simm.s32 @!p2 $0x0  }
0x16: {  	s3 =	sld [smem:$0x3FDB];
	s0 =	simm.s32 @p2 $0x1  }
0x17: {  	s4 =	simm.s32 $0x1BF5;
	[smem:$0x3FB1] =	sst s0  }
0x18: {  	s0 =	sld [smem:$0x3F94];
	_ =	swait.ge [sflag:s4], $0x0  }
0x19: {  	s7 =	sld [smem:$0x3F95]  }
0x1a: {  	s8 =	sadd.s32 $0xFFFFE003, lr  }
0x1b: {  	s9 =	sadd.s32 $0xFFFFFEF7, lr;
	s5 =	simm.s32 $0xFFFFFFFF;
	p2 =	slt.u32 s8, $0xFFFFF086  }
0x1c: {  	p1 =	slt.u32 s9, $0xF7A;
	s5 =	simm.s32 @!p2 $0x0  }
0x1d: {  	s5 =	simm.s32 @p1 $0x1;
	p0 =	seq.s32 s7, s2  }
0x1e: {  	s7 =	smul.u32 @!p0 $0xF7A, s2;
	p2 =	seq.s32 @!p0 s5, $0x0  }
0x1f: {  	s9 =	smul.u32 $0xF7A, s1;
	s8 =	simm.s32 @!p0 $0x1BF5;
	p2 =	por !p2, p0  }
0x20: {  	[sflag:s8] =	ssyncset.s32 @!p0 $0xFFFFF086;
	s6 =	sadd.s32 @!p0 s3, s7;
	s7 =	simm.s32 @!p0 $0x108  }
0x21: {  	s3 =	sadd.s32 s3, s9;
	s6 =	sadd.s32 @!p0 $0x88, s6;
	s7 =	simm.s32 @p2 $0x1082  }
0x22: {  	[simem:s7], [sflag:s8] =	dma.local @!p0 [hbm:s6], $0xF7A  }
0x23: {  	s9 =	sor.u32 $0xD0000000, s2;
	s6 =	simm.s32 $0x108;
	_ =	swait.ge @!p0 [sflag:s8], $0x0  }
0x24: {  	s3 =	sadd.s32 $0x88, s3;
	s6 =	simm.s32 @!p1 $0x1082;
	[sflag:s4] =	ssyncset.s32 $0xFFFFF086  }
0x25: {  	[simem:s6], [sflag:s4] =	dma.local [hbm:s3], $0xF7A  }
0x26: {  	[smem:$0x3F95] =	sst s1;
	(tag) =	ssettag s2;
	_ =	strace s9  }
0x27: {  	s1 =	sld [smem:$0x3FA5]  }
0x28: {  	s2 =	sld [smem:$0x3FA6]  }
0x29: {  	s4 =	sld [smem:$0x3FA8]  }
0x2a: {  	p0 =	seq.s32 s5, $0x0;
	s5 =	sld [smem:$0x3FA9]  }
0x2b: {  	s6 =	sld [smem:$0x3FAA]  }
0x2c: {  	s7 =	sld [smem:$0x3FAB]  }
0x2d: {  	s3 =	simm.s32 $0x108;
	s8 =	sld [smem:$0x3FAC]  }
0x2e: {  	s3 =	simm.s32 @!p0 $0x1082;
	s9 =	sld [smem:$0x3FAD]  }
0x2f: {  	lr =	sadd.s32 s0, s3;
	s0 =	sld [smem:$0x3FA4]  }
0x30: {  	s3 =	sld [smem:$0x3FA7]  }
0x31: {  	[smem:$0x3FB0] =	sst s10  }
0x32: {  	s10 =	sld [smem:$0x3FAE];
	_ =	sdelay $0x3  }
0x33: {  	p0 =	seq.s32 s10, $0x1;
	s10 =	sld [smem:$0x3FB0];
	_ =	sdelay $0x3  }
0x34: {  	[smem:$0x3FB0] =	sst s10  }
0x35: {  	s10 =	sld [smem:$0x3FAF];
	_ =	sdelay $0x3  }
0x36: {  	p1 =	seq.s32 s10, $0x1;
	s10 =	sld [smem:$0x3FB0];
	_ =	sdelay $0x3  }
0x37: {  	[smem:$0x3FB0] =	sst s10  }
0x38: {  	s10 =	sld [smem:$0x3FB1]  }
0x39: {  	_ = 	snop;
	(pc) =	sbr.ind lr, $3  }
0x3a: {  	_ = 	snop  }
0x3b: {  	_ = 	snop  }
0x3c: {  	p2 =	seq.s32 s10, $0x1;
	s10 =	sld [smem:$0x3FB0]  }
0x3d: {  	_ =	shalt  }
0x3e: {  	_ =	shalt  }
0x3f: {  	_ =	shalt  }
0x40: {  	_ =	shalt  }
0x41: {  	_ =	shalt  }
0x42: {  	_ =	shalt  }
0x43: {  	_ =	shalt  }
0x44: {  	_ =	shalt  }
0x45: {  	_ =	shalt  }
0x46: {  	_ =	shalt  }
0x47: {  	_ =	shalt  }
0x48: {  	_ =	shalt  }
0x49: {  	_ =	shalt  }
0x4a: {  	_ =	shalt  }
0x4b: {  	_ =	shalt  }
0x4c: {  	_ =	shalt  }
0x4d: {  	_ =	shalt  }
0x4e: {  	_ =	shalt  }
0x4f: {  	_ =	shalt  }
0x50: {  	_ =	shalt  }
0x51: {  	_ =	shalt  }
0x52: {  	_ =	shalt  }
0x53: {  	_ =	shalt  }
0x54: {  	_ =	shalt  }
0x55: {  	_ =	shalt  }
0x56: {  	_ =	shalt  }
0x57: {  	_ =	shalt  }
0x58: {  	_ =	shalt  }
0x59: {  	_ =	shalt  }
0x5a: {  	_ =	shalt  }
0x5b: {  	_ =	shalt  }
0x5c: {  	_ =	shalt  }
0x5d: {  	_ =	shalt  }
0x5e: {  	_ =	shalt  }
0x5f: {  	_ =	shalt  }
0x60: {  	_ =	shalt  }
0x61: {  	_ =	shalt  }
0x62: {  	_ =	shalt  }
0x63: {  	_ =	shalt  }
0x64: {  	_ =	shalt  }
0x65: {  	_ =	shalt  }
0x66: {  	_ =	shalt  }
0x67: {  	_ =	shalt  }
0x68: {  	_ =	shalt  }
0x69: {  	_ =	shalt  }
0x6a: {  	_ =	shalt  }
0x6b: {  	_ =	shalt  }
0x6c: {  	_ =	shalt  }
0x6d: {  	_ =	shalt  }
0x6e: {  	_ =	shalt  }
0x6f: {  	_ =	shalt  }
0x70: {  	_ =	shalt  }
0x71: {  	_ =	shalt  }
0x72: {  	_ =	shalt  }
0x73: {  	_ =	shalt  }
0x74: {  	_ =	shalt  }
0x75: {  	_ =	shalt  }
0x76: {  	_ =	shalt  }
0x77: {  	_ =	shalt  }
0x78: {  	_ =	shalt  }
0x79: {  	_ =	shalt  }
0x7a: {  	_ =	shalt  }
0x7b: {  	_ =	shalt  }
0x7c: {  	_ =	shalt  }
0x7d: {  	_ =	shalt  }
0x7e: {  	_ =	shalt  }
0x7f: {  	_ =	shalt  }
0x80: {  	_ =	shalt  }
0x81: {  	_ =	shalt  }
0x82: {  	_ =	shalt  }
0x83: {  	_ =	shalt  }
0x84: {  	_ =	shalt  }
0x85: {  	_ =	shalt  }
0x86: {  	_ =	shalt  }
0x87: {  	_ =	shalt  }
.Lfunc_end0:
.L_simem_size_0:
called_computation.2_lowered:
.L_overlay_start_0:
0x88: {  	s2 =	sld [smem:$0x3FD9]  }
0x89: {  	s3 =	sld [smem:$0x3FFE];
	_ =	sdelay $0x1  }
0x8a: {  	s1 =	srdreg.scid  }
0x8b: {  	s0 =	sand.u32 $0x1, s1  }
0x8c: {  	s16 =	sshll.u32 s0, $0xA;
	s2 =	sadd.s32 s3, s2  }
0x8d: {  	s2 =	sadd.s32 s2, s16  }
0x8e: {  	[smem:$0x3FBC] =	sst s2  }
0x8f: {  	_ = 	snop  }
0x90: {  	(tm) =	ssettm $0x1  }
0x91: {  	s17 =	sld [smem:$0x3FFB];
	_ =	sdelay $0x3  }
0x92: {  	_ =	strace s17  }
0x93: {  	s2 =	sld [smem:$0x3FFC];
	_ =	sdelay $0x3  }
0x94: {  	_ =	strace s2  }
0x95: {  	s2 =	sld [smem:$0x3FFD];
	_ =	sdelay $0x3  }
0x96: {  	_ =	strace s2  }
0x97: {  	_ =	strace $0x8FFFFFFF  }
0x98: {  	s18 =	sld [smem:$0x3FDB];
	_ =	sdelay $0x1  }
0x99: {  	s19 =	simm.s32 $_scs_section_size  }
0x9a: {  	s4 =	simm.s32 $_size__tile_overlayer_lowered;
	s5 =	simm.s32 $_tile_overlayer_lowered  }
0x9b: {  	s22 =	simm.s32 $0x1BFF;
	s21 =	sshll.u32 s5, $0x1;
	s2 =	sadd.s32 s19, s18  }
0x9c: {  	s6 =	simm.s32 $0x0;
	s20 =	sshll.u32 s4, $0x1;
	s4 =	sadd.s32 s21, s2  }
0x9d: {  	[timem:s6], [sflag:s22] =	dma.local [hbm:s4], s20  }
0x9e: {  	_ =	swait.ge [sflag:s22], s20  }
0x9f: {  	s3 =	ssub.s32 $0x0, s20;
	[sflag:s22] =	ssyncset.done $0x0  }
0xa0: {  	[sflag:s22] =	ssyncadd.s32 s3;
	_ =	sdelay $0x1  }
0xa1: {  	s23 =	simm.s32 $0x1B8B  }
0xa2: {  	_ =	swait.ge [sflag:s23], $0x1  }
0xa3: {  	[sflag:s23] =	ssyncset.done $0x0  }
0xa4: {  	s25 =	simm.s32 $0x1B8E;
	s24 =	sld [smem:$0x3FFE];
	[sflag:s23] =	ssyncadd.s32 $0xFFFFFFFF  }
0xa5: {  	s26 =	simm.s32 $execute0_lowered;
	[smem:$0x3FD2] =	sst s25  }
0xa6: {  	s4 =	sshll.u32 s26, $0x1;
	_ =	strace $0x8000004C;
	[dreg:$0x1] =	wrdreg $0xFFFFFFFF  }
0xa7: {  	s28 =	simm.s32 $_size_execute0_lowered;
	s2 =	sadd.s32 s2, s4;
	[dreg:$0x0] =	wrdreg $0x0  }
0xa8: {  	s4 =	sshll.u32 s28, $0x1;
	[dreg:$0x2] =	wrdreg s2  }
0xa9: {  	[dreg:$0x3] =	wrdreg s4  }
0xaa: {  	[dreg:$0x4] =	wrdreg $0xC0  }
0xab: {  	_ =	task [dreg:s6], $0x5FFFF  }
0xac: {  	[dreg:$0x1] =	wrdreg $0xFFFFFFFF  }
0xad: {  	[dreg:$0x0] =	wrdreg $0x60  }
0xae: {  	[dreg:$0x2] =	wrdreg s24  }
0xaf: {  	[dreg:$0x3] =	wrdreg $0x0  }
0xb0: {  	[dreg:$0x4] =	wrdreg $0x9  }
0xb1: {  	_ =	task.clear_ibuf [dreg:s6], $0x5FFFF;
	_ =	strace $0x9000004C  }
0xb2: {  	s29 =	simm.s32 $0x9;
	_ =	strace $0x8000004E  }
0xb3: {  	_ =	swait.ge [sflag:s29], $0x1  }
0xb4: {  	[sflag:s29] =	ssyncadd.s32 $0xFFFFFFFF  }
0xb5: {  	_ =	strace $0x9000004E  }
0xb6: {  	_ =	sfence  }
0xb7: {  	s30 =	sld [smem:$0x0];
	_ =	sdelay $0x2  }
0xb8: {  	s31 =	sshll.u32 s1, $0xD;
	s1 =	sshrl.u32 s1, $0x2  }
0xb9: {  	s3 =	sand.u32 $0x4000, s31;
	s1 =	sadd.s32 s1, s30  }
0xba: {  	s0 =	sor.u32 s3, s0;
	s1 =	sshll.u32 s1, $0x11  }
0xbb: {  	s0 =	sor.u32 s1, s0  }
0xbc: {  	s0 =	sadd.s32 $0x8F2B, s0  }
0xbd: {  	[sflag:s0] =	ssyncadd.remote.s32 $0x1  }
0xbe: {  	_ =	sfence.sel $0xFFFF  }
0xbf: {  	[dreg:$0x0] =	wrdreg $0xFFFFFFFF;
	(pc) =	sbr.abs _section_cstart, $3  }
0xc0: {  	[dreg:$0x1] =	wrdreg $0xFFFFFFFF  }
0xc1: {  	_ =	task.clear_ibuf [dreg:s6], $0x2FFFF;
	_ =	strace $0x9FFFFFFF  }
0xc2: {  	(tm) =	ssettm $0x7FFFFFFF  }
0xc3: {  	_ =	shalt  }
tec
execute0_lowered:
.L_overlay_start_1:
0x0: {  	(tag) =	ssettag $0x1  }
0x1: {  	s0 =	rddreg [dreg:$0x0]  }
0x2: {  	s1 =	rddreg [dreg:$0x1];
	s2 =	simm.s32 $0x0;
	s21 =	srdreg.scid  }
0x3: {  	s10 =	stileid.u32;
	s30 =	simm.s32 $0x1;
	s31 =	simm.s32 $0x2  }
0x4: {  	s28 =	simm.s32 $0x0;
	[smem:$0x7FF] =	sst s2;
	s3 =	smul.u32 $0x62000, s10  }
0x5: {  	s2 =	sand.u32 $0x1, s21;
	s4 =	sadd.s32 $0x1C00, s0;
	s29 =	smul.u32 $0x1880, s10  }
0x6: {  	s5 =	sadd.s32 $0xDE400, s0;
	s20 =	smul.u32 $0xC400, s10;
	s6 =	sshll.u32 s2, $0x5  }
0x7: {  	_ =	strace $0x8000004D;
	s7 =	ssub.s32 $0x2, s2;
	s6 =	sor.u32 s6, s3  }
0x8: {  	s3 =	sshrl.u32 s3, $0x2;
	s9 =	sshrl.u32 s7, $0x1;
	s19 =	sadd.s32 s4, s29  }
0x9: {  	s8 =	sshrl.u32 s6, $0x3;
	s6 =	sadd.s32 s3, s1;
	s22 =	ssub.s32 s7, s9  }
0xa: {  	s0 =	sadd.s32 s8, s0;
	s23 =	sadd.s32 $0x2000, s6;
	s24 =	sadd.s32 $0x4000, s6  }
0xb: {  	s25 =	sadd.s32 $0x6000, s6;
	s26 =	sadd.s32 $0x8000, s6;
	s11 =	sadd.s32 $0xA000, s6  }
0xc: {  	s12 =	sadd.s32 $0xC000, s6;
	s13 =	sadd.s32 $0xE000, s6;
	s14 =	sadd.s32 $0x10000, s6  }
.Ltmp0:
0xd: {  	s15 =	sadd.s32 $0x12000, s6;
	[dreg:$0x3] =	wrdreg s23;
	(pc) =	sbr.rel .LBB2_1-.Ltmp0, $4  }
0xe: {  	s16 =	sadd.s32 $0x14000, s6;
	s17 =	sadd.s32 $0x16000, s6;
	[dreg:$0x4] =	wrdreg s24  }
0xf: {  	s18 =	sadd.s32 $0x18000, s6;
	s22 =	smax.u32 s22, $0x1;
	[dreg:$0x5] =	wrdreg s25  }
0x10: {  	[dreg:$0x6] =	wrdreg s26;
	s21 =	sadd.s32 $0x1A400, s0;
	s23 =	simm.s32 $0x18C00  }
0x11: {  	v1 =	vimm.f32 $0.0e+00;
	v0 =	vmov s2;
	s24 =	simm.s32 $0x3;
	s25 =	simm.s32 $0x18800;
	s26 =	simm.s32 $0x80  }
.LBB2_11:
0x12: {  	_ =	swait.ge [sflag:s31], $0x2000  }
0x13: {  	s0 =	stileid.u32;
	s2 =	sshrl.u32 s6, $0x3;
	s3 =	simm.s32 $0x10  }
0x14: {  	s7 =	simm.s32 $0x4;
	s28 =	sadd.s32 $0x1, s28;
	[sflag:s31] =	ssyncset.done $0x0  }
0x15: {  	s0 =	sshll.u32 s0, $0x6;
	p0 =	sne.s32 s28, s22;
	[sflag:s31] =	ssyncadd.s32 $0xFFFFE000  }
.Ltmp1:
0x16: {  	s0 =	sor.u32 $0x1C03, s0;
	[bflag:$0x0] =	sbarrier.arrive $0xFFFF;
	(pc) =	sbr.rel @!p0 .LBB2_12-.Ltmp1, $4  }
0x17: {  	[hbm:s21@s3], [sflag:s0] =	dma.strided [spmem:s2@s7], $0x3100, s30, $0x4   }
0x18: {  	_ =	swait.ge [sflag:s24], $0x3100  }
0x19: {  	[sflag:s24] =	ssyncset.done $0x0  }
0x1a: {  	[sflag:s24] =	ssyncadd.s32 $0xFFFFCF00  }
.LBB2_1:
0x1b: {  	s2 =	simm.s32 $0x0  }
0x1c: {  	s0 =	sand.u32 $0x7F80, s2  }
0x1d: {  	s2 =	sand.u32 $0x10, s2;
	s3 =	sshrl.u32 s0, $0x2  }
0x1e: {  	s0 =	simm.s32 $0x40;
	s3 =	sor.u32 s2, s3;
	s2 =	simm.s32 $0x0  }
.LBB2_2:
0x1f: {  	p0 =	sne.s32 s0, $0x7FC0  }
0x20: {  	[tilespmem:s3+$0x18C00] =	vst v1;
	s2 =	sadd.s32 $0x10, s2;
	s3 =	smov.u32 s0;
	s0 =	sadd.s32 $0x40, s0  }
.Ltmp2:
0x21: {  	(pc) =	sbr.rel @p0 .LBB2_2-.Ltmp2, $4  }
0x22: {  	_ = 	snop  }
0x23: {  	s3 =	sand.u32 $0x7F80, s3  }
0x24: {  	s7 =	sand.u32 $0x10, s2;
	s3 =	sshrl.u32 s3, $0x2  }
0x25: {  	s3 =	sor.u32 s7, s3  }
0x26: {  	[tilespmem:s3+$0x18C00] =	vst v1  }
0x27: {  	[spmem:s6] =	stream.linear.scatter [tilespmem:s23], [sflag:$0x3], $0x2000, $0x38;
	[tilespmem:$0x1CC00] =	vst v63  }
0x28: {  	_ =	swait.ge [sflag:s24], $0x2000  }
0x29: {  	[sflag:s24] =	ssyncset.done $0x0  }
0x2a: {  	s0 =	rddreg [dreg:$0x3];
	[sflag:s24] =	ssyncadd.s32 $0xFFFFE000  }
0x2b: {  	[spmem:s0] =	stream.linear.scatter [tilespmem:s23], [sflag:$0x3], $0x2000, $0x38;
	[tilespmem:$0x1CC00] =	vst v63  }
0x2c: {  	_ =	swait.ge [sflag:s24], $0x2000  }
0x2d: {  	[sflag:s24] =	ssyncset.done $0x0  }
0x2e: {  	s8 =	rddreg [dreg:$0x4];
	[sflag:s24] =	ssyncadd.s32 $0xFFFFE000  }
0x2f: {  	[spmem:s8] =	stream.linear.scatter [tilespmem:s23], [sflag:$0x3], $0x2000, $0x38;
	[tilespmem:$0x1CC00] =	vst v63  }
0x30: {  	_ =	swait.ge [sflag:s24], $0x2000  }
0x31: {  	[sflag:s24] =	ssyncset.done $0x0  }
0x32: {  	s9 =	rddreg [dreg:$0x5];
	[sflag:s24] =	ssyncadd.s32 $0xFFFFE000  }
0x33: {  	[spmem:s9] =	stream.linear.scatter [tilespmem:s23], [sflag:$0x3], $0x2000, $0x38;
	[tilespmem:$0x1CC00] =	vst v63  }
0x34: {  	_ =	swait.ge [sflag:s24], $0x2000  }
0x35: {  	[sflag:s24] =	ssyncset.done $0x0  }
0x36: {  	s10 =	rddreg [dreg:$0x6];
	[sflag:s24] =	ssyncadd.s32 $0xFFFFE000  }
0x37: {  	[spmem:s10] =	stream.linear.scatter [tilespmem:s23], [sflag:$0x3], $0x2000, $0x38;
	[tilespmem:$0x1CC00] =	vst v63  }
0x38: {  	_ =	swait.ge [sflag:s24], $0x2000  }
0x39: {  	[sflag:s24] =	ssyncset.done $0x0  }
0x3a: {  	[sflag:s24] =	ssyncadd.s32 $0xFFFFE000  }
0x3b: {  	[spmem:s11] =	stream.linear.scatter [tilespmem:s23], [sflag:$0x3], $0x2000, $0x38;
	[tilespmem:$0x1CC00] =	vst v63  }
0x3c: {  	_ =	swait.ge [sflag:s24], $0x2000  }
0x3d: {  	[sflag:s24] =	ssyncset.done $0x0  }
0x3e: {  	[sflag:s24] =	ssyncadd.s32 $0xFFFFE000  }
0x3f: {  	[spmem:s12] =	stream.linear.scatter [tilespmem:s23], [sflag:$0x3], $0x2000, $0x38;
	[tilespmem:$0x1CC00] =	vst v63  }
0x40: {  	_ =	swait.ge [sflag:s24], $0x2000  }
0x41: {  	[sflag:s24] =	ssyncset.done $0x0  }
0x42: {  	[sflag:s24] =	ssyncadd.s32 $0xFFFFE000  }
0x43: {  	[spmem:s13] =	stream.linear.scatter [tilespmem:s23], [sflag:$0x3], $0x2000, $0x38;
	[tilespmem:$0x1CC00] =	vst v63  }
0x44: {  	_ =	swait.ge [sflag:s24], $0x2000  }
0x45: {  	[sflag:s24] =	ssyncset.done $0x0  }
0x46: {  	[sflag:s24] =	ssyncadd.s32 $0xFFFFE000  }
0x47: {  	[spmem:s14] =	stream.linear.scatter [tilespmem:s23], [sflag:$0x3], $0x2000, $0x38;
	[tilespmem:$0x1CC00] =	vst v63  }
0x48: {  	_ =	swait.ge [sflag:s24], $0x2000  }
0x49: {  	[sflag:s24] =	ssyncset.done $0x0  }
0x4a: {  	[sflag:s24] =	ssyncadd.s32 $0xFFFFE000  }
0x4b: {  	[spmem:s15] =	stream.linear.scatter [tilespmem:s23], [sflag:$0x3], $0x2000, $0x38;
	[tilespmem:$0x1CC00] =	vst v63  }
0x4c: {  	_ =	swait.ge [sflag:s24], $0x2000  }
0x4d: {  	[sflag:s24] =	ssyncset.done $0x0  }
0x4e: {  	[sflag:s24] =	ssyncadd.s32 $0xFFFFE000  }
0x4f: {  	[spmem:s16] =	stream.linear.scatter [tilespmem:s23], [sflag:$0x3], $0x2000, $0x38;
	[tilespmem:$0x1CC00] =	vst v63  }
0x50: {  	_ =	swait.ge [sflag:s24], $0x2000  }
0x51: {  	[sflag:s24] =	ssyncset.done $0x0  }
0x52: {  	[sflag:s24] =	ssyncadd.s32 $0xFFFFE000  }
0x53: {  	[spmem:s17] =	stream.linear.scatter [tilespmem:s23], [sflag:$0x3], $0x2000, $0x38;
	[tilespmem:$0x1CC00] =	vst v63  }
0x54: {  	_ =	swait.ge [sflag:s24], $0x2000  }
0x55: {  	[sflag:s24] =	ssyncset.done $0x0  }
0x56: {  	[sflag:s24] =	ssyncadd.s32 $0xFFFFE000  }
0x57: {  	[spmem:s18] =	stream.linear.scatter [tilespmem:s23], [sflag:$0x3], $0x800, $0x38;
	[tilespmem:$0x1CC00] =	vst v63  }
0x58: {  	_ =	swait.ge [sflag:s24], $0x800  }
0x59: {  	[sflag:s24] =	ssyncset.done $0x0  }
0x5a: {  	[sflag:s24] =	ssyncadd.s32 $0xFFFFF800  }
0x5b: {  	s29 =	simm.s32 $0x0;
	[bflag:$0x0] =	sbarrier.arrive $0xFFFF  }
0x5c: {  	[tilespmem:s25], [sflag:$0x3] =	stream.linear.gather [hbm4b:s19+s29], $0x100, $0x38;
	[tilespmem:$0x1CC00] =	vst v63  }
0x5d: {  	_ =	swait.ge [sflag:s24], $0x100  }
0x5e: {  	[sflag:s24] =	ssyncset.done $0x0  }
0x5f: {  	s2 =	simm.s32 $0x40;
	s0 =	simm.s32 $0x0;
	[sflag:s24] =	ssyncadd.s32 $0xFFFFFF00  }
.LBB2_4:
0x60: {  	p0 =	sne.s32 s2, $0x3C0;
	v2 =	vld [tilespmem:s0+$0x18800];
	_ =	sdelay $0x3  }
.Ltmp3:
0x61: {  	(pc) =	sbr.rel @p0 .LBB2_4-.Ltmp3, $4  }
0x62: {  	v3 =	vshrl.u32 v2, $0x10;
	v2 =	vshll.u32 v2, $0x2  }
0x63: {  	[tilespmem:s0+$0x18A00] =	vst v3;
	v2 =	vand.u32 $0x3FFFC, v2  }
0x64: {  	v2 =	vor.u32 v0, v2  }
0x65: {  	[tilespmem:s0+$0x18800] =	vst v2;
	s0 =	sshra.s32 s2, $0x2;
	s2 =	sadd.s32 $0x40, s2  }
0x66: {  	v2 =	vld [tilespmem:s0+$0x18800];
	_ =	sdelay $0x4  }
0x67: {  	v3 =	vshll.u32 v2, $0x2  }
0x68: {  	v2 =	vshrl.u32 v2, $0x10;
	v3 =	vand.u32 $0x3FFFC, v3  }
0x69: {  	[tilespmem:s0+$0x18A00] =	vst v2;
	v2 =	vor.u32 v0, v3  }
.Ltmp4:
0x6a: {  	[tilespmem:s0+$0x18800] =	vst v2;
	(pc) =	sbr.rel .LBB2_6-.Ltmp4, $4  }
0x6b: {  	[tilespmem:s23], [sflag:$0x1] =	stream.indirect.gather [hbm4b:s5+s26], $0x20, s25, s26, $0xb8;
	[tilespmem:$0x1CC00] =	vst v63  }
0x6c: {  	s29 =	simm.s32 $0x18880;
	s2 =	simm.s32 $0x19C00  }
0x6d: {  	[tilespmem:s2], [sflag:$0x1] =	stream.indirect.gather [hbm4b:s5+s26], $0x20, s29, s26, $0xb8;
	[tilespmem:$0x1CC00] =	vst v63  }
0x6e: {  	s2 =	simm.s32 $0x0  }
.LBB2_10:
0x6f: {  	_ =	swait.ge [sflag:s30], $0x2000;
	s2 =	sshll.u32 s0, $0xD;
	s10 =	sshll.u32 s0, $0x8  }
0x70: {  	p0 =	slt.u32 s29, $0xC4;
	[sflag:s30] =	ssyncset.done $0x0;
	s3 =	sor.u32 $0x18C00, s2  }
.Ltmp5:
0x71: {  	s7 =	sor.u32 $0x18A00, s10;
	[sflag:s30] =	ssyncadd.s32 $0xFFFFE000;
	(pc) =	sbr.rel @!p0 .LBB2_11-.Ltmp5, $4  }
0x72: {  	[spmem:s1] =	stream.indirect.scatter.add.f32 [tilespmem:s3], [sflag:$0x2], $0x20, s7, s26, $0xb8;
	[tilespmem:$0x1CC00] =	vst v63  }
0x73: {  	s2 =	sor.u32 $0x19C00, s2;
	s0 =	sor.u32 $0x18A80, s10  }
0x74: {  	[spmem:s1] =	stream.indirect.scatter.add.f32 [tilespmem:s2], [sflag:$0x2], $0x20, s0, s26, $0xb8;
	[tilespmem:$0x1CC00] =	vst v63  }
0x75: {  	s2 =	smov.u32 s29  }
.LBB2_6:
0x76: {  	p0 =	seq.s32 s2, $0x0  }
0x77: {  	p1 =	seq.s32 @!p0 s2, $0xC3  }
0x78: {  	p1 =	por p0, !p1  }
.Ltmp6:
0x79: {  	_ = 	snop;
	(pc) =	sbr.rel @!p1 .LBB2_10-.Ltmp6, $4  }
0x7a: {  	s3 =	simm.s32 @!p0 $0x2  }
0x7b: {  	_ =	swait.ge @!p0 [sflag:s3], $0x2000  }
0x7c: {  	[sflag:s3] =	ssyncset.done @!p0 $0x0  }
0x7d: {  	s0 =	sand.u32 $0x1, s2;
	s29 =	simm.s32 @!p0 $0xC4;
	[sflag:s3] =	ssyncadd.s32 @!p0 $0xFFFFE000  }
0x7e: {  	s29 =	sadd.s32 @!p0 $0x1, s2  }
0x7f: {  	s29 =	simm.s32 @p0 $0x1  }
0x80: {  	s3 =	sxor.u32 $0x1, s0;
	s7 =	sshll.u32 s29, $0x8  }
0x81: {  	s2 =	sshll.u32 s3, $0x8;
	s8 =	sadd.s32 s20, s7  }
0x82: {  	s7 =	sor.u32 $0x18800, s2;
	s8 =	sshrl.u32 s8, $0x3  }
0x83: {  	s9 =	simm.s32 $0x0;
	v2 =	vmov s7;
	s8 =	sadd.s32 s4, s8  }
0x84: {  	[tilespmem:s7], [sflag:$0x3] =	stream.linear.gather [hbm4b:s8+s9], $0x100, $0x38;
	[tilespmem:$0x1CC00] =	vst v63  }
0x85: {  	_ =	swait.ge [sflag:s24], $0x100  }
0x86: {  	[sflag:s24] =	ssyncset.done $0x0  }
0x87: {  	s8 =	simm.s32 $0x0;
	[sflag:s24] =	ssyncadd.s32 $0xFFFFFF00  }
0x88: {  	v4 =	vld.idx.msk [tilespmem:v2+s8+$0x0 ss:$0x1], $0xffff  }
0x89: {  	s10 =	sor.u32 $0x18A00, s2  }
0x8a: {  	v3 =	vmov s10;
	_ =	sdelay $0x2  }
0x8b: {  	v5 =	vshll.u32 v4, $0x2  }
0x8c: {  	v4 =	vshrl.u32 v4, $0x10;
	v5 =	vand.u32 $0x3FFFC, v5  }
0x8d: {  	s10 =	simm.s32 $0x80;
	s9 =	simm.s32 $0x40;
	[tilespmem:v3+s8+$0x0 ss:$0x1] =	vst.idx.msk $0xffff, v4;
	v4 =	vor.u32 v0, v5  }
.LBB2_8:
0x8e: {  	p0 =	sne.s32 s10, $0x3C0  }
0x8f: {  	[tilespmem:v2+s8+$0x0 ss:$0x1] =	vst.idx.msk $0xffff, v4;
	s8 =	sshra.s32 s9, $0x2;
	s9 =	smov.u32 s10;
	s10 =	sadd.s32 $0x40, s10  }
0x90: {  	v4 =	vld.idx.msk [tilespmem:v2+s8+$0x0 ss:$0x1], $0xffff;
	_ =	sdelay $0x3  }
.Ltmp7:
0x91: {  	(pc) =	sbr.rel @p0 .LBB2_8-.Ltmp7, $4  }
0x92: {  	_ = 	snop  }
0x93: {  	v5 =	vshrl.u32 v4, $0x10;
	v4 =	vshll.u32 v4, $0x2  }
0x94: {  	v4 =	vand.u32 $0x3FFFC, v4;
	[tilespmem:v3+s8+$0x0 ss:$0x1] =	vst.idx.msk $0xffff, v5  }
0x95: {  	v4 =	vor.u32 v0, v4  }
0x96: {  	_ =	sdelay $0x3  }
0x97: {  	s9 =	sshra.s32 s9, $0x2;
	[tilespmem:v2+s8+$0x0 ss:$0x1] =	vst.idx.msk $0xffff, v4  }
0x98: {  	v4 =	vld.idx.msk [tilespmem:v2+s9+$0x0 ss:$0x1], $0xffff;
	_ =	sdelay $0x4  }
0x99: {  	v5 =	vshll.u32 v4, $0x2  }
0x9a: {  	v4 =	vshrl.u32 v4, $0x10;
	v5 =	vand.u32 $0x3FFFC, v5  }
.Ltmp8:
0x9b: {  	s3 =	sshll.u32 s3, $0xD;
	[tilespmem:v3+s9+$0x0 ss:$0x1] =	vst.idx.msk $0xffff, v4;
	v3 =	vor.u32 v0, v5;
	(pc) =	sbr.rel .LBB2_10-.Ltmp8, $4  }
0x9c: {  	s10 =	sor.u32 $0x18C00, s3;
	[tilespmem:v2+s9+$0x0 ss:$0x1] =	vst.idx.msk $0xffff, v3  }
0x9d: {  	[tilespmem:s10], [sflag:$0x1] =	stream.indirect.gather [hbm4b:s5+s26], $0x20, s7, s26, $0xb8;
	[tilespmem:$0x1CC00] =	vst v63  }
0x9e: {  	s2 =	sadd.s32 $0x18880, s2;
	s3 =	sor.u32 $0x19C00, s3  }
0x9f: {  	[tilespmem:s3], [sflag:$0x1] =	stream.indirect.gather [hbm4b:s5+s26], $0x20, s2, s26, $0xb8;
	[tilespmem:$0x1CC00] =	vst v63  }
.LBB2_12:
0xa0: {  	_ =	sfence.sel $0x180000  }
0xa1: {  	[bflag:$0x0] =	sbarrier.arrive $0xFFFF  }
0xa2: {  	_ =	strace $0x9000004D  }
0xa3: {  	s0 =	stileid.u32;
	[bflag:$0x2] =	sbarrier.arrive $0xFFFF  }
0xa4: {  	p0 =	sne.s32 s0, $0x0;
	s0 =	rddreg [dreg:$0x2]  }
0xa5: {  	s0 =	sadd.s32 @!p0 $0x100000, s0  }
0xa6: {  	[sflag:s0] =	ssyncadd.tile.s32 @!p0 $0x1;
	_ =	shalt  }
.Lfunc_end2:
_tile_overlayer_lowered:
.L_overlay_start_2:
0xa7: {  	(tag) =	ssettag $0x2  }
0xa8: {  	s0 =	rddreg [dreg:$0x0];
	s2 =	stileid.u32  }
0xa9: {  	s1 =	rddreg [dreg:$0x1];
	p0 =	sne.s32 s2, $0x0  }
0xaa: {  	s3 =	rddreg [dreg:$0x2];
	[bflag:$0x3] =	sbarrier.arrive $0xFFFF;
	s2 =	simm.s32 @!p0 $0x1C03  }
0xab: {  	[timem:s3], [sflag:s2] =	dma.local @!p0 [hbm:s0], s1  }
0xac: {  	s0 =	simm.s32 @!p0 $0x3  }
0xad: {  	_ =	swait.ge @!p0 [sflag:s0], s1  }
0xae: {  	s1 =	ssub.s32 @!p0 $0x0, s1;
	[sflag:s0] =	ssyncset.done @!p0 $0x0  }
0xaf: {  	[sflag:s0] =	ssyncadd.s32 @!p0 s1  }
0xb0: {  	[bflag:$0x3] =	sbarrier.arrive $0xFFFF  }
0xb1: {  	_ =	shalt  }

// kernel: kernel.19.cloned.1.call-start
scs
__scs_entry_jumppad:
0x0: {  	(pc) =	sbr.rel $0x88, $3  }
0x1: {  	(tag) =	ssettag $0x0;
	lr =	simm.s32 $0x1  }
0x2: {  	[smem:$0x3F95] =	sst lr;
	_ =	strace $0xD0000000  }
0x3: {  	_ = 	snop  }
0x4: {  	_ = 	snop  }
0x5: {  	_ = 	snop  }
0x6: {  	_ = 	snop  }
0x7: {  	_ = 	snop  }
__scs_overlays_trampoline_lowered:
0x8: {  	[smem:$0x3FA4] =	sst s0  }
0x9: {  	[smem:$0x3FA5] =	sst s1  }
0xa: {  	[smem:$0x3FA6] =	sst s2  }
0xb: {  	[smem:$0x3FA7] =	sst s3  }
0xc: {  	[smem:$0x3FA8] =	sst s4  }
0xd: {  	[smem:$0x3FA9] =	sst s5  }
0xe: {  	[smem:$0x3FAA] =	sst s6  }
0xf: {  	[smem:$0x3FAB] =	sst s7  }
0x10: {  	[smem:$0x3FAC] =	sst s8  }
0x11: {  	[smem:$0x3FAD] =	sst s9;
	s0 =	simm.s32 @!p0 $0x0  }
0x12: {  	s1 =	sld [smem:$0x3F93];
	s0 =	simm.s32 @p0 $0x1  }
0x13: {  	[smem:$0x3FAE] =	sst s0;
	s0 =	simm.s32 @!p1 $0x0  }
0x14: {  	s2 =	sld [smem:$0x3F92];
	s0 =	simm.s32 @p1 $0x1  }
0x15: {  	[smem:$0x3FAF] =	sst s0;
	s0 =	simm.s32 @!p2 $0x0  }
0x16: {  	s3 =	sld [smem:$0x3FDB];
	s0 =	simm.s32 @p2 $0x1  }
0x17: {  	s4 =	simm.s32 $0x1BF5;
	[smem:$0x3FB1] =	sst s0  }
0x18: {  	s0 =	sld [smem:$0x3F94];
	_ =	swait.ge [sflag:s4], $0x0  }
0x19: {  	s7 =	sld [smem:$0x3F95]  }
0x1a: {  	s8 =	sadd.s32 $0xFFFFE003, lr  }
0x1b: {  	s9 =	sadd.s32 $0xFFFFFEF7, lr;
	s5 =	simm.s32 $0xFFFFFFFF;
	p2 =	slt.u32 s8, $0xFFFFF086  }
0x1c: {  	p1 =	slt.u32 s9, $0xF7A;
	s5 =	simm.s32 @!p2 $0x0  }
0x1d: {  	s5 =	simm.s32 @p1 $0x1;
	p0 =	seq.s32 s7, s2  }
0x1e: {  	s7 =	smul.u32 @!p0 $0xF7A, s2;
	p2 =	seq.s32 @!p0 s5, $0x0  }
0x1f: {  	s9 =	smul.u32 $0xF7A, s1;
	s8 =	simm.s32 @!p0 $0x1BF5;
	p2 =	por !p2, p0  }
0x20: {  	[sflag:s8] =	ssyncset.s32 @!p0 $0xFFFFF086;
	s6 =	sadd.s32 @!p0 s3, s7;
	s7 =	simm.s32 @!p0 $0x108  }
0x21: {  	s3 =	sadd.s32 s3, s9;
	s6 =	sadd.s32 @!p0 $0x88, s6;
	s7 =	simm.s32 @p2 $0x1082  }
0x22: {  	[simem:s7], [sflag:s8] =	dma.local @!p0 [hbm:s6], $0xF7A  }
0x23: {  	s9 =	sor.u32 $0xD0000000, s2;
	s6 =	simm.s32 $0x108;
	_ =	swait.ge @!p0 [sflag:s8], $0x0  }
0x24: {  	s3 =	sadd.s32 $0x88, s3;
	s6 =	simm.s32 @!p1 $0x1082;
	[sflag:s4] =	ssyncset.s32 $0xFFFFF086  }
0x25: {  	[simem:s6], [sflag:s4] =	dma.local [hbm:s3], $0xF7A  }
0x26: {  	[smem:$0x3F95] =	sst s1;
	(tag) =	ssettag s2;
	_ =	strace s9  }
0x27: {  	s1 =	sld [smem:$0x3FA5]  }
0x28: {  	s2 =	sld [smem:$0x3FA6]  }
0x29: {  	s4 =	sld [smem:$0x3FA8]  }
0x2a: {  	p0 =	seq.s32 s5, $0x0;
	s5 =	sld [smem:$0x3FA9]  }
0x2b: {  	s6 =	sld [smem:$0x3FAA]  }
0x2c: {  	s7 =	sld [smem:$0x3FAB]  }
0x2d: {  	s3 =	simm.s32 $0x108;
	s8 =	sld [smem:$0x3FAC]  }
0x2e: {  	s3 =	simm.s32 @!p0 $0x1082;
	s9 =	sld [smem:$0x3FAD]  }
0x2f: {  	lr =	sadd.s32 s0, s3;
	s0 =	sld [smem:$0x3FA4]  }
0x30: {  	s3 =	sld [smem:$0x3FA7]  }
0x31: {  	[smem:$0x3FB0] =	sst s10  }
0x32: {  	s10 =	sld [smem:$0x3FAE];
	_ =	sdelay $0x3  }
0x33: {  	p0 =	seq.s32 s10, $0x1;
	s10 =	sld [smem:$0x3FB0];
	_ =	sdelay $0x3  }
0x34: {  	[smem:$0x3FB0] =	sst s10  }
0x35: {  	s10 =	sld [smem:$0x3FAF];
	_ =	sdelay $0x3  }
0x36: {  	p1 =	seq.s32 s10, $0x1;
	s10 =	sld [smem:$0x3FB0];
	_ =	sdelay $0x3  }
0x37: {  	[smem:$0x3FB0] =	sst s10  }
0x38: {  	s10 =	sld [smem:$0x3FB1]  }
0x39: {  	_ = 	snop;
	(pc) =	sbr.ind lr, $3  }
0x3a: {  	_ = 	snop  }
0x3b: {  	_ = 	snop  }
0x3c: {  	p2 =	seq.s32 s10, $0x1;
	s10 =	sld [smem:$0x3FB0]  }
0x3d: {  	_ =	shalt  }
0x3e: {  	_ =	shalt  }
0x3f: {  	_ =	shalt  }
0x40: {  	_ =	shalt  }
0x41: {  	_ =	shalt  }
0x42: {  	_ =	shalt  }
0x43: {  	_ =	shalt  }
0x44: {  	_ =	shalt  }
0x45: {  	_ =	shalt  }
0x46: {  	_ =	shalt  }
0x47: {  	_ =	shalt  }
0x48: {  	_ =	shalt  }
0x49: {  	_ =	shalt  }
0x4a: {  	_ =	shalt  }
0x4b: {  	_ =	shalt  }
0x4c: {  	_ =	shalt  }
0x4d: {  	_ =	shalt  }
0x4e: {  	_ =	shalt  }
0x4f: {  	_ =	shalt  }
0x50: {  	_ =	shalt  }
0x51: {  	_ =	shalt  }
0x52: {  	_ =	shalt  }
0x53: {  	_ =	shalt  }
0x54: {  	_ =	shalt  }
0x55: {  	_ =	shalt  }
0x56: {  	_ =	shalt  }
0x57: {  	_ =	shalt  }
0x58: {  	_ =	shalt  }
0x59: {  	_ =	shalt  }
0x5a: {  	_ =	shalt  }
0x5b: {  	_ =	shalt  }
0x5c: {  	_ =	shalt  }
0x5d: {  	_ =	shalt  }
0x5e: {  	_ =	shalt  }
0x5f: {  	_ =	shalt  }
0x60: {  	_ =	shalt  }
0x61: {  	_ =	shalt  }
0x62: {  	_ =	shalt  }
0x63: {  	_ =	shalt  }
0x64: {  	_ =	shalt  }
0x65: {  	_ =	shalt  }
0x66: {  	_ =	shalt  }
0x67: {  	_ =	shalt  }
0x68: {  	_ =	shalt  }
0x69: {  	_ =	shalt  }
0x6a: {  	_ =	shalt  }
0x6b: {  	_ =	shalt  }
0x6c: {  	_ =	shalt  }
0x6d: {  	_ =	shalt  }
0x6e: {  	_ =	shalt  }
0x6f: {  	_ =	shalt  }
0x70: {  	_ =	shalt  }
0x71: {  	_ =	shalt  }
0x72: {  	_ =	shalt  }
0x73: {  	_ =	shalt  }
0x74: {  	_ =	shalt  }
0x75: {  	_ =	shalt  }
0x76: {  	_ =	shalt  }
0x77: {  	_ =	shalt  }
0x78: {  	_ =	shalt  }
0x79: {  	_ =	shalt  }
0x7a: {  	_ =	shalt  }
0x7b: {  	_ =	shalt  }
0x7c: {  	_ =	shalt  }
0x7d: {  	_ =	shalt  }
0x7e: {  	_ =	shalt  }
0x7f: {  	_ =	shalt  }
0x80: {  	_ =	shalt  }
0x81: {  	_ =	shalt  }
0x82: {  	_ =	shalt  }
0x83: {  	_ =	shalt  }
0x84: {  	_ =	shalt  }
0x85: {  	_ =	shalt  }
0x86: {  	_ =	shalt  }
0x87: {  	_ =	shalt  }
.Lfunc_end0:
.L_simem_size_0:
called_computation.3_lowered:
.L_overlay_start_0:
0x88: {  	s2 =	sld [smem:$0x3FD9]  }
0x89: {  	s3 =	sld [smem:$0x3FFE];
	_ =	sdelay $0x1  }
0x8a: {  	s1 =	srdreg.scid  }
0x8b: {  	s0 =	sand.u32 $0x1, s1  }
0x8c: {  	s16 =	sshll.u32 s0, $0xA;
	s2 =	sadd.s32 s3, s2  }
0x8d: {  	s2 =	sadd.s32 s2, s16  }
0x8e: {  	[smem:$0x3FBC] =	sst s2  }
0x8f: {  	_ = 	snop  }
0x90: {  	(tm) =	ssettm $0x1  }
0x91: {  	s17 =	sld [smem:$0x3FFB];
	_ =	sdelay $0x3  }
0x92: {  	_ =	strace s17  }
0x93: {  	s2 =	sld [smem:$0x3FFC];
	_ =	sdelay $0x3  }
0x94: {  	_ =	strace s2  }
0x95: {  	s2 =	sld [smem:$0x3FFD];
	_ =	sdelay $0x3  }
0x96: {  	_ =	strace s2  }
0x97: {  	_ =	strace $0x8FFFFFFF  }
0x98: {  	s18 =	sld [smem:$0x3FDB];
	_ =	sdelay $0x1  }
0x99: {  	s19 =	simm.s32 $_scs_section_size  }
0x9a: {  	s4 =	simm.s32 $_size__tile_overlayer_lowered;
	s5 =	simm.s32 $_tile_overlayer_lowered  }
0x9b: {  	s22 =	simm.s32 $0x1BFF;
	s21 =	sshll.u32 s5, $0x1;
	s2 =	sadd.s32 s19, s18  }
0x9c: {  	s6 =	simm.s32 $0x0;
	s20 =	sshll.u32 s4, $0x1;
	s4 =	sadd.s32 s21, s2  }
0x9d: {  	[timem:s6], [sflag:s22] =	dma.local [hbm:s4], s20  }
0x9e: {  	_ =	swait.ge [sflag:s22], s20  }
0x9f: {  	s3 =	ssub.s32 $0x0, s20;
	[sflag:s22] =	ssyncset.done $0x0  }
0xa0: {  	[sflag:s22] =	ssyncadd.s32 s3;
	_ =	sdelay $0x1  }
0xa1: {  	s23 =	simm.s32 $0x1B8B  }
0xa2: {  	_ =	swait.ge [sflag:s23], $0x1  }
0xa3: {  	[sflag:s23] =	ssyncset.done $0x0  }
0xa4: {  	s25 =	simm.s32 $0x1B8E;
	s24 =	sld [smem:$0x3FFE];
	[sflag:s23] =	ssyncadd.s32 $0xFFFFFFFF  }
0xa5: {  	s26 =	simm.s32 $execute0_lowered;
	[smem:$0x3FD2] =	sst s25  }
0xa6: {  	s4 =	sshll.u32 s26, $0x1;
	_ =	strace $0x8000004F;
	[dreg:$0x1] =	wrdreg $0xFFFFFFFF  }
0xa7: {  	s28 =	simm.s32 $_size_execute0_lowered;
	s2 =	sadd.s32 s2, s4;
	[dreg:$0x0] =	wrdreg $0x0  }
0xa8: {  	s4 =	sshll.u32 s28, $0x1;
	[dreg:$0x2] =	wrdreg s2  }
0xa9: {  	[dreg:$0x3] =	wrdreg s4  }
0xaa: {  	[dreg:$0x4] =	wrdreg $0xC0  }
0xab: {  	_ =	task [dreg:s6], $0x5FFFF  }
0xac: {  	[dreg:$0x1] =	wrdreg $0xFFFFFFFF  }
0xad: {  	[dreg:$0x0] =	wrdreg $0x60  }
0xae: {  	[dreg:$0x2] =	wrdreg s24  }
0xaf: {  	[dreg:$0x3] =	wrdreg $0x0  }
0xb0: {  	[dreg:$0x4] =	wrdreg $0x9  }
0xb1: {  	_ =	task.clear_ibuf [dreg:s6], $0x5FFFF;
	_ =	strace $0x9000004F  }
0xb2: {  	s29 =	simm.s32 $0x9;
	_ =	strace $0x80000051  }
0xb3: {  	_ =	swait.ge [sflag:s29], $0x1  }
0xb4: {  	[sflag:s29] =	ssyncadd.s32 $0xFFFFFFFF  }
0xb5: {  	_ =	strace $0x90000051  }
0xb6: {  	_ =	sfence  }
0xb7: {  	s30 =	sld [smem:$0x0];
	_ =	sdelay $0x2  }
0xb8: {  	s31 =	sshll.u32 s1, $0xD;
	s1 =	sshrl.u32 s1, $0x2  }
0xb9: {  	s3 =	sand.u32 $0x4000, s31;
	s1 =	sadd.s32 s1, s30  }
0xba: {  	s0 =	sor.u32 s3, s0;
	s1 =	sshll.u32 s1, $0x11  }
0xbb: {  	s0 =	sor.u32 s1, s0  }
0xbc: {  	s0 =	sadd.s32 $0x8F2B, s0  }
0xbd: {  	[sflag:s0] =	ssyncadd.remote.s32 $0x1  }
0xbe: {  	_ =	sfence.sel $0xFFFF  }
0xbf: {  	[dreg:$0x0] =	wrdreg $0xFFFFFFFF;
	(pc) =	sbr.abs _section_cstart, $3  }
0xc0: {  	[dreg:$0x1] =	wrdreg $0xFFFFFFFF  }
0xc1: {  	_ =	task.clear_ibuf [dreg:s6], $0x2FFFF;
	_ =	strace $0x9FFFFFFF  }
0xc2: {  	(tm) =	ssettm $0x7FFFFFFF  }
0xc3: {  	_ =	shalt  }
tec
execute0_lowered:
.L_overlay_start_1:
0x0: {  	(tag) =	ssettag $0x1  }
0x1: {  	s0 =	rddreg [dreg:$0x0]  }
0x2: {  	s1 =	rddreg [dreg:$0x1];
	s2 =	simm.s32 $0x0;
	s18 =	srdreg.scid  }
0x3: {  	s20 =	stileid.u32;
	s24 =	simm.s32 $0x18C00;
	s25 =	simm.s32 $0x3  }
0x4: {  	s26 =	simm.s32 $0x18800;
	s28 =	simm.s32 $0x80;
	s31 =	simm.s32 $0x1  }
0x5: {  	[smem:$0x7FF] =	sst s2;
	s2 =	sand.u32 $0x1, s18;
	s3 =	smul.u32 $0x62000, s20  }
0x6: {  	s4 =	sadd.s32 $0x1C00, s0;
	s5 =	sadd.s32 $0x1A2400, s0;
	s0 =	sadd.s32 $0x1A400, s0  }
0x7: {  	s10 =	smul.u32 $0x1880, s20;
	_ =	strace $0x80000050;
	s6 =	ssub.s32 $0x2, s2  }
0x8: {  	s9 =	sshll.u32 s2, $0x1;
	s23 =	sshllo.u32 s2, $0x1;
	s2 =	sshll.u32 s2, $0x6  }
0x9: {  	s7 =	sshrl.u32 s6, $0x1;
	s8 =	sshrl.u32 s3, $0x2;
	s18 =	sshll.u32 s23, $0x5  }
0xa: {  	s2 =	sor.u32 s2, s3;
	s7 =	ssub.s32 s6, s7;
	s6 =	sadd.s32 s8, s1  }
0xb: {  	s3 =	sor.u32 s3, s18;
	s2 =	sshrl.u32 s2, $0x3;
	s30 =	sadd.s32 $0x2000, s6  }
0xc: {  	s8 =	sadd.s32 $0x4000, s6;
	s19 =	sadd.s32 $0x6000, s6;
	s21 =	sadd.s32 $0x8000, s6  }
0xd: {  	s22 =	sadd.s32 $0xA000, s6;
	s12 =	sadd.s32 $0xC000, s6;
	s13 =	sadd.s32 $0xE000, s6  }
0xe: {  	s14 =	sadd.s32 $0x10000, s6;
	s15 =	sadd.s32 $0x12000, s6;
	[dreg:$0x3] =	wrdreg s8  }
0xf: {  	s16 =	sadd.s32 $0x14000, s6;
	s17 =	sadd.s32 $0x16000, s6;
	[dreg:$0x4] =	wrdreg s19  }
.Ltmp0:
0x10: {  	s18 =	sadd.s32 $0x18000, s6;
	[dreg:$0x5] =	wrdreg s21;
	(pc) =	sbr.rel .LBB2_1-.Ltmp0, $4  }
0x11: {  	s3 =	sshrl.u32 s3, $0x3;
	s2 =	sadd.s32 s0, s2;
	[dreg:$0x6] =	wrdreg s22  }
0x12: {  	s29 =	smax.u32 s7, $0x1;
	s19 =	sadd.s32 s4, s10;
	[dreg:$0x7] =	wrdreg s2  }
0x13: {  	s0 =	sadd.s32 s0, s3;
	s22 =	smul.u32 $0xC400, s20;
	[dreg:$0x9] =	wrdreg s29  }
0x14: {  	v2 =	vimm.f32 $0.0e+00;
	v0 =	vmov s9;
	v1 =	vmov s23;
	s20 =	simm.s32 $0x0;
	[dreg:$0x8] =	wrdreg s0;
	s0 =	simm.s32 $0x2  }
.LBB2_21:
0x15: {  	_ =	swait.ge [sflag:s0], $0x2000  }
0x16: {  	[sflag:s0] =	ssyncset.done $0x0  }
0x17: {  	[sflag:s0] =	ssyncadd.s32 $0xFFFFE000  }
0x18: {  	[bflag:$0x0] =	sbarrier.arrive $0xFFFF  }
0x19: {  	s3 =	simm.s32 $0x10;
	s7 =	simm.s32 $0x4;
	s2 =	rddreg [dreg:$0x8]  }
0x1a: {  	[hbm:s2@s3], [sflag:s29] =	dma.strided [spmem:s21@s7], $0x3100, s31, $0x4   }
0x1b: {  	_ =	swait.ge [sflag:s25], $0x3100  }
0x1c: {  	s20 =	sadd.s32 $0x1, s20;
	s29 =	rddreg [dreg:$0x9]  }
0x1d: {  	p0 =	sne.s32 s20, s29  }
.Ltmp1:
0x1e: {  	_ = 	snop;
	(pc) =	sbr.rel @!p0 .LBB2_22-.Ltmp1, $3  }
0x1f: {  	_ =	sdelay $0x1  }
0x20: {  	[sflag:s25] =	ssyncset.done $0x0  }
0x21: {  	s30 =	smov.u32 s11;
	[sflag:s25] =	ssyncadd.s32 $0xFFFFCF00  }
.LBB2_1:
0x22: {  	s3 =	simm.s32 $0x0  }
0x23: {  	s2 =	sand.u32 $0x7F80, s3  }
0x24: {  	s3 =	sand.u32 $0x10, s3;
	s7 =	sshrl.u32 s2, $0x2  }
0x25: {  	s2 =	simm.s32 $0x40;
	s7 =	sor.u32 s3, s7;
	s3 =	simm.s32 $0x0  }
.LBB2_2:
0x26: {  	p0 =	sne.s32 s2, $0x7FC0  }
0x27: {  	[tilespmem:s7+$0x18C00] =	vst v2;
	s3 =	sadd.s32 $0x10, s3;
	s7 =	smov.u32 s2;
	s2 =	sadd.s32 $0x40, s2  }
.Ltmp2:
0x28: {  	(pc) =	sbr.rel @p0 .LBB2_2-.Ltmp2, $4  }
0x29: {  	_ = 	snop  }
0x2a: {  	s7 =	sand.u32 $0x7F80, s7  }
0x2b: {  	s8 =	sand.u32 $0x10, s3;
	s7 =	sshrl.u32 s7, $0x2  }
0x2c: {  	s7 =	sor.u32 s8, s7  }
0x2d: {  	[tilespmem:s7+$0x18C00] =	vst v2  }
0x2e: {  	[spmem:s6] =	stream.linear.scatter [tilespmem:s24], [sflag:$0x3], $0x2000, $0x38;
	[tilespmem:$0x1CC00] =	vst v63  }
0x2f: {  	_ =	swait.ge [sflag:s25], $0x2000  }
0x30: {  	[sflag:s25] =	ssyncset.done $0x0  }
0x31: {  	[sflag:s25] =	ssyncadd.s32 $0xFFFFE000  }
0x32: {  	[spmem:s30] =	stream.linear.scatter [tilespmem:s24], [sflag:$0x3], $0x2000, $0x38;
	[tilespmem:$0x1CC00] =	vst v63  }
0x33: {  	_ =	swait.ge [sflag:s25], $0x2000  }
0x34: {  	[sflag:s25] =	ssyncset.done $0x0  }
0x35: {  	s2 =	rddreg [dreg:$0x3];
	[sflag:s25] =	ssyncadd.s32 $0xFFFFE000  }
0x36: {  	[spmem:s2] =	stream.linear.scatter [tilespmem:s24], [sflag:$0x3], $0x2000, $0x38;
	[tilespmem:$0x1CC00] =	vst v63  }
0x37: {  	_ =	swait.ge [sflag:s25], $0x2000  }
0x38: {  	[sflag:s25] =	ssyncset.done $0x0  }
0x39: {  	s11 =	rddreg [dreg:$0x4];
	[sflag:s25] =	ssyncadd.s32 $0xFFFFE000  }
0x3a: {  	[spmem:s11] =	stream.linear.scatter [tilespmem:s24], [sflag:$0x3], $0x2000, $0x38;
	[tilespmem:$0x1CC00] =	vst v63  }
0x3b: {  	_ =	swait.ge [sflag:s25], $0x2000  }
0x3c: {  	[sflag:s25] =	ssyncset.done $0x0  }
0x3d: {  	s21 =	rddreg [dreg:$0x5];
	[sflag:s25] =	ssyncadd.s32 $0xFFFFE000  }
0x3e: {  	[spmem:s21] =	stream.linear.scatter [tilespmem:s24], [sflag:$0x3], $0x2000, $0x38;
	[tilespmem:$0x1CC00] =	vst v63  }
0x3f: {  	_ =	swait.ge [sflag:s25], $0x2000  }
0x40: {  	[sflag:s25] =	ssyncset.done $0x0  }
0x41: {  	s23 =	rddreg [dreg:$0x6];
	[sflag:s25] =	ssyncadd.s32 $0xFFFFE000  }
0x42: {  	[spmem:s23] =	stream.linear.scatter [tilespmem:s24], [sflag:$0x3], $0x2000, $0x38;
	[tilespmem:$0x1CC00] =	vst v63  }
0x43: {  	_ =	swait.ge [sflag:s25], $0x2000  }
0x44: {  	[sflag:s25] =	ssyncset.done $0x0  }
0x45: {  	[sflag:s25] =	ssyncadd.s32 $0xFFFFE000  }
0x46: {  	[spmem:s12] =	stream.linear.scatter [tilespmem:s24], [sflag:$0x3], $0x2000, $0x38;
	[tilespmem:$0x1CC00] =	vst v63  }
0x47: {  	_ =	swait.ge [sflag:s25], $0x2000  }
0x48: {  	[sflag:s25] =	ssyncset.done $0x0  }
0x49: {  	[sflag:s25] =	ssyncadd.s32 $0xFFFFE000  }
0x4a: {  	[spmem:s13] =	stream.linear.scatter [tilespmem:s24], [sflag:$0x3], $0x2000, $0x38;
	[tilespmem:$0x1CC00] =	vst v63  }
0x4b: {  	_ =	swait.ge [sflag:s25], $0x2000  }
0x4c: {  	[sflag:s25] =	ssyncset.done $0x0  }
0x4d: {  	[sflag:s25] =	ssyncadd.s32 $0xFFFFE000  }
0x4e: {  	[spmem:s14] =	stream.linear.scatter [tilespmem:s24], [sflag:$0x3], $0x2000, $0x38;
	[tilespmem:$0x1CC00] =	vst v63  }
0x4f: {  	_ =	swait.ge [sflag:s25], $0x2000  }
0x50: {  	[sflag:s25] =	ssyncset.done $0x0  }
0x51: {  	[sflag:s25] =	ssyncadd.s32 $0xFFFFE000  }
0x52: {  	[spmem:s15] =	stream.linear.scatter [tilespmem:s24], [sflag:$0x3], $0x2000, $0x38;
	[tilespmem:$0x1CC00] =	vst v63  }
0x53: {  	_ =	swait.ge [sflag:s25], $0x2000  }
0x54: {  	[sflag:s25] =	ssyncset.done $0x0  }
0x55: {  	[sflag:s25] =	ssyncadd.s32 $0xFFFFE000  }
0x56: {  	[spmem:s16] =	stream.linear.scatter [tilespmem:s24], [sflag:$0x3], $0x2000, $0x38;
	[tilespmem:$0x1CC00] =	vst v63  }
0x57: {  	_ =	swait.ge [sflag:s25], $0x2000  }
0x58: {  	[sflag:s25] =	ssyncset.done $0x0  }
0x59: {  	[sflag:s25] =	ssyncadd.s32 $0xFFFFE000  }
0x5a: {  	[spmem:s17] =	stream.linear.scatter [tilespmem:s24], [sflag:$0x3], $0x2000, $0x38;
	[tilespmem:$0x1CC00] =	vst v63  }
0x5b: {  	_ =	swait.ge [sflag:s25], $0x2000  }
0x5c: {  	[sflag:s25] =	ssyncset.done $0x0  }
0x5d: {  	[sflag:s25] =	ssyncadd.s32 $0xFFFFE000  }
0x5e: {  	[spmem:s18] =	stream.linear.scatter [tilespmem:s24], [sflag:$0x3], $0x800, $0x38;
	[tilespmem:$0x1CC00] =	vst v63  }
0x5f: {  	_ =	swait.ge [sflag:s25], $0x800  }
0x60: {  	[sflag:s25] =	ssyncset.done $0x0  }
0x61: {  	[sflag:s25] =	ssyncadd.s32 $0xFFFFF800  }
0x62: {  	s29 =	simm.s32 $0x0;
	[bflag:$0x0] =	sbarrier.arrive $0xFFFF  }
0x63: {  	[tilespmem:s26], [sflag:$0x3] =	stream.linear.gather [hbm4b:s19+s29], $0x100, $0x38;
	[tilespmem:$0x1CC00] =	vst v63  }
0x64: {  	_ =	swait.ge [sflag:s25], $0x100  }
0x65: {  	[sflag:s25] =	ssyncset.done $0x0  }
0x66: {  	s3 =	simm.s32 $0x40;
	s2 =	simm.s32 $0x0;
	[sflag:s25] =	ssyncadd.s32 $0xFFFFFF00  }
.LBB2_4:
0x67: {  	p0 =	sne.s32 s3, $0x3C0;
	v3 =	vld [tilespmem:s2+$0x18800];
	_ =	sdelay $0x3  }
.Ltmp3:
0x68: {  	(pc) =	sbr.rel @p0 .LBB2_4-.Ltmp3, $4  }
0x69: {  	v4 =	vshrl.u32 v3, $0x10;
	v3 =	vshll.u32 v3, $0x2  }
0x6a: {  	[tilespmem:s2+$0x18A00] =	vst v4;
	v3 =	vand.u32 $0x3FFFC, v3  }
0x6b: {  	v3 =	vor.u32 v0, v3  }
0x6c: {  	[tilespmem:s2+$0x18800] =	vst v3;
	s2 =	sshra.s32 s3, $0x2;
	s3 =	sadd.s32 $0x40, s3  }
0x6d: {  	v3 =	vld [tilespmem:s2+$0x18800];
	_ =	sdelay $0x4  }
0x6e: {  	v4 =	vshll.u32 v3, $0x2  }
0x6f: {  	v3 =	vshrl.u32 v3, $0x10;
	v4 =	vand.u32 $0x3FFFC, v4  }
.Ltmp4:
0x70: {  	[tilespmem:s2+$0x18A00] =	vst v3;
	v3 =	vor.u32 v0, v4;
	(pc) =	sbr.rel .LBB2_6-.Ltmp4, $4  }
0x71: {  	[tilespmem:s2+$0x18800] =	vst v3  }
0x72: {  	[tilespmem:s24], [sflag:$0x1] =	stream.indirect.gather [hbm4b:s5+s28], $0x20, s26, s28, $0xb8;
	[tilespmem:$0x1CC00] =	vst v63  }
0x73: {  	s29 =	simm.s32 $0x18880;
	s3 =	simm.s32 $0x19C00;
	s2 =	simm.s32 $0x0  }
0x74: {  	[tilespmem:s3], [sflag:$0x1] =	stream.indirect.gather [hbm4b:s5+s28], $0x20, s29, s28, $0xb8;
	[tilespmem:$0x1CC00] =	vst v63  }
.LBB2_10:
0x75: {  	_ =	swait.ge [sflag:s31], $0x2000;
	s2 =	sshll.u32 s29, $0xD;
	s3 =	sshll.u32 s29, $0x8  }
0x76: {  	p0 =	slt.u32 s21, $0xC4;
	[sflag:s31] =	ssyncset.done $0x0;
	s7 =	sor.u32 $0x18C00, s2  }
.Ltmp5:
0x77: {  	s8 =	sor.u32 $0x18A00, s3;
	[sflag:s31] =	ssyncadd.s32 $0xFFFFE000;
	(pc) =	sbr.rel @!p0 .LBB2_11-.Ltmp5, $4  }
0x78: {  	[spmem:s1] =	stream.indirect.scatter.add.f32 [tilespmem:s7], [sflag:$0x2], $0x20, s8, s28, $0xb8;
	[tilespmem:$0x1CC00] =	vst v63  }
0x79: {  	s2 =	sor.u32 $0x19C00, s2;
	s3 =	sor.u32 $0x18A80, s3  }
0x7a: {  	[spmem:s1] =	stream.indirect.scatter.add.f32 [tilespmem:s2], [sflag:$0x2], $0x20, s3, s28, $0xb8;
	[tilespmem:$0x1CC00] =	vst v63  }
0x7b: {  	s2 =	smov.u32 s21  }
.LBB2_6:
0x7c: {  	p0 =	seq.s32 s2, $0x0  }
0x7d: {  	p1 =	seq.s32 @!p0 s2, $0xC3  }
0x7e: {  	p1 =	por p0, !p1  }
.Ltmp6:
0x7f: {  	_ = 	snop;
	(pc) =	sbr.rel @!p1 .LBB2_10-.Ltmp6, $4  }
0x80: {  	s3 =	simm.s32 @!p0 $0x2  }
0x81: {  	_ =	swait.ge @!p0 [sflag:s3], $0x2000  }
0x82: {  	[sflag:s3] =	ssyncset.done @!p0 $0x0  }
0x83: {  	s29 =	sand.u32 $0x1, s2;
	s21 =	simm.s32 @!p0 $0xC4;
	[sflag:s3] =	ssyncadd.s32 @!p0 $0xFFFFE000  }
0x84: {  	s21 =	sadd.s32 @!p0 $0x1, s2  }
0x85: {  	s21 =	simm.s32 @p0 $0x1  }
0x86: {  	s2 =	sxor.u32 $0x1, s29;
	s3 =	sshll.u32 s21, $0x8  }
0x87: {  	s23 =	sshll.u32 s2, $0x8;
	s7 =	sadd.s32 s22, s3  }
0x88: {  	s3 =	sor.u32 $0x18800, s23;
	s7 =	sshrl.u32 s7, $0x3  }
0x89: {  	s8 =	simm.s32 $0x0;
	v3 =	vmov s3;
	s7 =	sadd.s32 s4, s7  }
0x8a: {  	[tilespmem:s3], [sflag:$0x3] =	stream.linear.gather [hbm4b:s7+s8], $0x100, $0x38;
	[tilespmem:$0x1CC00] =	vst v63  }
0x8b: {  	_ =	swait.ge [sflag:s25], $0x100  }
0x8c: {  	[sflag:s25] =	ssyncset.done $0x0  }
0x8d: {  	s7 =	simm.s32 $0x0;
	[sflag:s25] =	ssyncadd.s32 $0xFFFFFF00  }
0x8e: {  	v5 =	vld.idx.msk [tilespmem:v3+s7+$0x0 ss:$0x1], $0xffff  }
0x8f: {  	s11 =	sor.u32 $0x18A00, s23  }
0x90: {  	v4 =	vmov s11;
	_ =	sdelay $0x2  }
0x91: {  	v6 =	vshll.u32 v5, $0x2  }
0x92: {  	v5 =	vshrl.u32 v5, $0x10;
	v6 =	vand.u32 $0x3FFFC, v6  }
0x93: {  	s9 =	simm.s32 $0x80;
	s8 =	simm.s32 $0x40;
	[tilespmem:v4+s7+$0x0 ss:$0x1] =	vst.idx.msk $0xffff, v5;
	v5 =	vor.u32 v0, v6  }
.LBB2_8:
0x94: {  	p0 =	sne.s32 s9, $0x3C0  }
0x95: {  	[tilespmem:v3+s7+$0x0 ss:$0x1] =	vst.idx.msk $0xffff, v5;
	s7 =	sshra.s32 s8, $0x2;
	s8 =	smov.u32 s9;
	s9 =	sadd.s32 $0x40, s9  }
0x96: {  	v5 =	vld.idx.msk [tilespmem:v3+s7+$0x0 ss:$0x1], $0xffff;
	_ =	sdelay $0x3  }
.Ltmp7:
0x97: {  	(pc) =	sbr.rel @p0 .LBB2_8-.Ltmp7, $4  }
0x98: {  	_ = 	snop  }
0x99: {  	v6 =	vshrl.u32 v5, $0x10;
	v5 =	vshll.u32 v5, $0x2  }
0x9a: {  	v5 =	vand.u32 $0x3FFFC, v5;
	[tilespmem:v4+s7+$0x0 ss:$0x1] =	vst.idx.msk $0xffff, v6  }
0x9b: {  	v5 =	vor.u32 v0, v5  }
0x9c: {  	_ =	sdelay $0x3  }
0x9d: {  	s8 =	sshra.s32 s8, $0x2;
	[tilespmem:v3+s7+$0x0 ss:$0x1] =	vst.idx.msk $0xffff, v5  }
0x9e: {  	v5 =	vld.idx.msk [tilespmem:v3+s8+$0x0 ss:$0x1], $0xffff;
	_ =	sdelay $0x4  }
0x9f: {  	v6 =	vshll.u32 v5, $0x2  }
0xa0: {  	v5 =	vshrl.u32 v5, $0x10;
	v6 =	vand.u32 $0x3FFFC, v6  }
.Ltmp8:
0xa1: {  	s2 =	sshll.u32 s2, $0xD;
	[tilespmem:v4+s8+$0x0 ss:$0x1] =	vst.idx.msk $0xffff, v5;
	v63 =	vor.u32 v0, v6;
	(pc) =	sbr.rel .LBB2_10-.Ltmp8, $4  }
0xa2: {  	s11 =	sor.u32 $0x18C00, s2;
	[tilespmem:v3+s8+$0x0 ss:$0x1] =	vst.idx.msk $0xffff, v63  }
0xa3: {  	[tilespmem:s11], [sflag:$0x1] =	stream.indirect.gather [hbm4b:s5+s28], $0x20, s3, s28, $0xb8;
	[tilespmem:$0x1CC00] =	vst v63  }
0xa4: {  	s23 =	sadd.s32 $0x18880, s23;
	s2 =	sor.u32 $0x19C00, s2  }
0xa5: {  	[tilespmem:s2], [sflag:$0x1] =	stream.indirect.gather [hbm4b:s5+s28], $0x20, s23, s28, $0xb8;
	[tilespmem:$0x1CC00] =	vst v63  }
.LBB2_11:
0xa6: {  	_ =	swait.ge [sflag:s0], $0x2000  }
0xa7: {  	s2 =	stileid.u32;
	[sflag:s0] =	ssyncset.done $0x0  }
0xa8: {  	s21 =	sshrl.u32 s6, $0x3;
	s3 =	simm.s32 $0x10;
	[sflag:s0] =	ssyncadd.s32 $0xFFFFE000  }
0xa9: {  	s7 =	simm.s32 $0x4;
	s2 =	sshll.u32 s2, $0x6;
	[bflag:$0x0] =	sbarrier.arrive $0xFFFF  }
0xaa: {  	s29 =	sor.u32 $0x1C03, s2;
	s2 =	simm.s32 $0x0;
	s10 =	rddreg [dreg:$0x7]  }
0xab: {  	[hbm:s10@s3], [sflag:s29] =	dma.strided [spmem:s21@s7], $0x3100, s31, $0x4   }
0xac: {  	s11 =	sand.u32 $0x7F80, s2;
	_ =	swait.ge [sflag:s25], $0x3100  }
0xad: {  	s23 =	sand.u32 $0x10, s2;
	s8 =	sshrl.u32 s11, $0x2;
	[sflag:s25] =	ssyncset.done $0x0  }
0xae: {  	s3 =	simm.s32 $0x40;
	s7 =	sor.u32 s23, s8;
	[sflag:s25] =	ssyncadd.s32 $0xFFFFCF00  }
.LBB2_12:
0xaf: {  	p0 =	sne.s32 s3, $0x7FC0  }
0xb0: {  	[tilespmem:s7+$0x18C00] =	vst v2;
	s2 =	sadd.s32 $0x10, s2;
	s7 =	smov.u32 s3;
	s3 =	sadd.s32 $0x40, s3  }
.Ltmp9:
0xb1: {  	(pc) =	sbr.rel @p0 .LBB2_12-.Ltmp9, $4  }
0xb2: {  	_ = 	snop  }
0xb3: {  	s7 =	sand.u32 $0x7F80, s7  }
0xb4: {  	s8 =	sand.u32 $0x10, s2;
	s7 =	sshrl.u32 s7, $0x2  }
0xb5: {  	s7 =	sor.u32 s8, s7  }
0xb6: {  	[tilespmem:s7+$0x18C00] =	vst v2  }
0xb7: {  	[spmem:s6] =	stream.linear.scatter [tilespmem:s24], [sflag:$0x3], $0x2000, $0x38;
	[tilespmem:$0x1CC00] =	vst v63  }
0xb8: {  	_ =	swait.ge [sflag:s25], $0x2000  }
0xb9: {  	[sflag:s25] =	ssyncset.done $0x0  }
0xba: {  	[sflag:s25] =	ssyncadd.s32 $0xFFFFE000  }
0xbb: {  	[spmem:s30] =	stream.linear.scatter [tilespmem:s24], [sflag:$0x3], $0x2000, $0x38;
	[tilespmem:$0x1CC00] =	vst v63  }
0xbc: {  	_ =	swait.ge [sflag:s25], $0x2000  }
0xbd: {  	[sflag:s25] =	ssyncset.done $0x0  }
0xbe: {  	s2 =	rddreg [dreg:$0x3];
	[sflag:s25] =	ssyncadd.s32 $0xFFFFE000  }
0xbf: {  	[spmem:s2] =	stream.linear.scatter [tilespmem:s24], [sflag:$0x3], $0x2000, $0x38;
	[tilespmem:$0x1CC00] =	vst v63  }
0xc0: {  	_ =	swait.ge [sflag:s25], $0x2000  }
0xc1: {  	[sflag:s25] =	ssyncset.done $0x0  }
0xc2: {  	s9 =	rddreg [dreg:$0x4];
	[sflag:s25] =	ssyncadd.s32 $0xFFFFE000  }
0xc3: {  	[spmem:s9] =	stream.linear.scatter [tilespmem:s24], [sflag:$0x3], $0x2000, $0x38;
	[tilespmem:$0x1CC00] =	vst v63  }
0xc4: {  	_ =	swait.ge [sflag:s25], $0x2000  }
0xc5: {  	[sflag:s25] =	ssyncset.done $0x0  }
0xc6: {  	s10 =	rddreg [dreg:$0x5];
	[sflag:s25] =	ssyncadd.s32 $0xFFFFE000  }
0xc7: {  	[spmem:s10] =	stream.linear.scatter [tilespmem:s24], [sflag:$0x3], $0x2000, $0x38;
	[tilespmem:$0x1CC00] =	vst v63  }
0xc8: {  	_ =	swait.ge [sflag:s25], $0x2000  }
0xc9: {  	[sflag:s25] =	ssyncset.done $0x0  }
0xca: {  	s23 =	rddreg [dreg:$0x6];
	[sflag:s25] =	ssyncadd.s32 $0xFFFFE000  }
0xcb: {  	[spmem:s23] =	stream.linear.scatter [tilespmem:s24], [sflag:$0x3], $0x2000, $0x38;
	[tilespmem:$0x1CC00] =	vst v63  }
0xcc: {  	_ =	swait.ge [sflag:s25], $0x2000  }
0xcd: {  	[sflag:s25] =	ssyncset.done $0x0  }
0xce: {  	[sflag:s25] =	ssyncadd.s32 $0xFFFFE000  }
0xcf: {  	[spmem:s12] =	stream.linear.scatter [tilespmem:s24], [sflag:$0x3], $0x2000, $0x38;
	[tilespmem:$0x1CC00] =	vst v63  }
0xd0: {  	_ =	swait.ge [sflag:s25], $0x2000  }
0xd1: {  	[sflag:s25] =	ssyncset.done $0x0  }
0xd2: {  	[sflag:s25] =	ssyncadd.s32 $0xFFFFE000  }
0xd3: {  	[spmem:s13] =	stream.linear.scatter [tilespmem:s24], [sflag:$0x3], $0x2000, $0x38;
	[tilespmem:$0x1CC00] =	vst v63  }
0xd4: {  	_ =	swait.ge [sflag:s25], $0x2000  }
0xd5: {  	[sflag:s25] =	ssyncset.done $0x0  }
0xd6: {  	[sflag:s25] =	ssyncadd.s32 $0xFFFFE000  }
0xd7: {  	[spmem:s14] =	stream.linear.scatter [tilespmem:s24], [sflag:$0x3], $0x2000, $0x38;
	[tilespmem:$0x1CC00] =	vst v63  }
0xd8: {  	_ =	swait.ge [sflag:s25], $0x2000  }
0xd9: {  	[sflag:s25] =	ssyncset.done $0x0  }
0xda: {  	[sflag:s25] =	ssyncadd.s32 $0xFFFFE000  }
0xdb: {  	[spmem:s15] =	stream.linear.scatter [tilespmem:s24], [sflag:$0x3], $0x2000, $0x38;
	[tilespmem:$0x1CC00] =	vst v63  }
0xdc: {  	_ =	swait.ge [sflag:s25], $0x2000  }
0xdd: {  	[sflag:s25] =	ssyncset.done $0x0  }
0xde: {  	[sflag:s25] =	ssyncadd.s32 $0xFFFFE000  }
0xdf: {  	[spmem:s16] =	stream.linear.scatter [tilespmem:s24], [sflag:$0x3], $0x2000, $0x38;
	[tilespmem:$0x1CC00] =	vst v63  }
0xe0: {  	_ =	swait.ge [sflag:s25], $0x2000  }
0xe1: {  	[sflag:s25] =	ssyncset.done $0x0  }
0xe2: {  	[sflag:s25] =	ssyncadd.s32 $0xFFFFE000  }
0xe3: {  	[spmem:s17] =	stream.linear.scatter [tilespmem:s24], [sflag:$0x3], $0x2000, $0x38;
	[tilespmem:$0x1CC00] =	vst v63  }
0xe4: {  	_ =	swait.ge [sflag:s25], $0x2000  }
0xe5: {  	[sflag:s25] =	ssyncset.done $0x0  }
0xe6: {  	[sflag:s25] =	ssyncadd.s32 $0xFFFFE000  }
0xe7: {  	[spmem:s18] =	stream.linear.scatter [tilespmem:s24], [sflag:$0x3], $0x800, $0x38;
	[tilespmem:$0x1CC00] =	vst v63  }
0xe8: {  	_ =	swait.ge [sflag:s25], $0x800  }
0xe9: {  	[sflag:s25] =	ssyncset.done $0x0  }
0xea: {  	[sflag:s25] =	ssyncadd.s32 $0xFFFFF800  }
0xeb: {  	s11 =	smov.u32 s30;
	s30 =	simm.s32 $0x0;
	[bflag:$0x0] =	sbarrier.arrive $0xFFFF  }
0xec: {  	[tilespmem:s26], [sflag:$0x3] =	stream.linear.gather [hbm4b:s19+s30], $0x100, $0x38;
	[tilespmem:$0x1CC00] =	vst v63  }
0xed: {  	_ =	swait.ge [sflag:s25], $0x100  }
0xee: {  	[sflag:s25] =	ssyncset.done $0x0  }
0xef: {  	s3 =	simm.s32 $0x40;
	s2 =	simm.s32 $0x0;
	[sflag:s25] =	ssyncadd.s32 $0xFFFFFF00  }
.LBB2_14:
0xf0: {  	p0 =	sne.s32 s3, $0x3C0;
	v3 =	vld [tilespmem:s2+$0x18800];
	_ =	sdelay $0x3  }
.Ltmp10:
0xf1: {  	(pc) =	sbr.rel @p0 .LBB2_14-.Ltmp10, $4  }
0xf2: {  	v4 =	vshrl.u32 v3, $0x10;
	v3 =	vshll.u32 v3, $0x2  }
0xf3: {  	[tilespmem:s2+$0x18A00] =	vst v4;
	v3 =	vand.u32 $0x3FFFC, v3  }
0xf4: {  	v3 =	vor.u32 v1, v3  }
0xf5: {  	[tilespmem:s2+$0x18800] =	vst v3;
	s2 =	sshra.s32 s3, $0x2;
	s3 =	sadd.s32 $0x40, s3  }
0xf6: {  	v3 =	vld [tilespmem:s2+$0x18800];
	_ =	sdelay $0x4  }
0xf7: {  	v4 =	vshll.u32 v3, $0x2  }
0xf8: {  	v3 =	vshrl.u32 v3, $0x10;
	v4 =	vand.u32 $0x3FFFC, v4  }
.Ltmp11:
0xf9: {  	[tilespmem:s2+$0x18A00] =	vst v3;
	v3 =	vor.u32 v1, v4;
	(pc) =	sbr.rel .LBB2_16-.Ltmp11, $4  }
0xfa: {  	[tilespmem:s2+$0x18800] =	vst v3  }
0xfb: {  	[tilespmem:s24], [sflag:$0x1] =	stream.indirect.gather [hbm4b:s5+s28], $0x20, s26, s28, $0xb8;
	[tilespmem:$0x1CC00] =	vst v63  }
0xfc: {  	s30 =	simm.s32 $0x18880;
	s3 =	simm.s32 $0x19C00;
	s2 =	simm.s32 $0x0  }
0xfd: {  	[tilespmem:s3], [sflag:$0x1] =	stream.indirect.gather [hbm4b:s5+s28], $0x20, s30, s28, $0xb8;
	[tilespmem:$0x1CC00] =	vst v63  }
.LBB2_20:
0xfe: {  	_ =	swait.ge [sflag:s31], $0x2000;
	s2 =	sshll.u32 s23, $0xD;
	s3 =	sshll.u32 s23, $0x8  }
0xff: {  	p0 =	slt.u32 s30, $0xC4;
	[sflag:s31] =	ssyncset.done $0x0;
	s7 =	sor.u32 $0x18C00, s2  }
.Ltmp12:
0x100: {  	s8 =	sor.u32 $0x18A00, s3;
	[sflag:s31] =	ssyncadd.s32 $0xFFFFE000;
	(pc) =	sbr.rel @!p0 .LBB2_21-.Ltmp12, $4  }
0x101: {  	[spmem:s1] =	stream.indirect.scatter.add.f32 [tilespmem:s7], [sflag:$0x2], $0x20, s8, s28, $0xb8;
	[tilespmem:$0x1CC00] =	vst v63  }
0x102: {  	s2 =	sor.u32 $0x19C00, s2;
	s3 =	sor.u32 $0x18A80, s3  }
0x103: {  	[spmem:s1] =	stream.indirect.scatter.add.f32 [tilespmem:s2], [sflag:$0x2], $0x20, s3, s28, $0xb8;
	[tilespmem:$0x1CC00] =	vst v63  }
0x104: {  	s2 =	smov.u32 s30  }
.LBB2_16:
0x105: {  	p0 =	seq.s32 s2, $0x0  }
0x106: {  	p1 =	seq.s32 @!p0 s2, $0xC3  }
0x107: {  	p1 =	por p0, !p1  }
.Ltmp13:
0x108: {  	_ = 	snop;
	(pc) =	sbr.rel @!p1 .LBB2_20-.Ltmp13, $4  }
0x109: {  	s3 =	simm.s32 @!p0 $0x2  }
0x10a: {  	_ =	swait.ge @!p0 [sflag:s3], $0x2000  }
0x10b: {  	[sflag:s3] =	ssyncset.done @!p0 $0x0  }
0x10c: {  	s23 =	sand.u32 $0x1, s2;
	s30 =	simm.s32 @!p0 $0xC4;
	[sflag:s3] =	ssyncadd.s32 @!p0 $0xFFFFE000  }
0x10d: {  	s30 =	sadd.s32 @!p0 $0x1, s2  }
0x10e: {  	s30 =	simm.s32 @p0 $0x1  }
0x10f: {  	s3 =	sxor.u32 $0x1, s23;
	s7 =	sshll.u32 s30, $0x8  }
0x110: {  	s2 =	sshll.u32 s3, $0x8;
	s8 =	sadd.s32 s22, s7  }
0x111: {  	s7 =	sor.u32 $0x18800, s2;
	s8 =	sshrl.u32 s8, $0x3  }
0x112: {  	s9 =	simm.s32 $0x0;
	v3 =	vmov s7;
	s8 =	sadd.s32 s4, s8  }
0x113: {  	[tilespmem:s7], [sflag:$0x3] =	stream.linear.gather [hbm4b:s8+s9], $0x100, $0x38;
	[tilespmem:$0x1CC00] =	vst v63  }
0x114: {  	_ =	swait.ge [sflag:s25], $0x100  }
0x115: {  	[sflag:s25] =	ssyncset.done $0x0  }
0x116: {  	s8 =	simm.s32 $0x0;
	[sflag:s25] =	ssyncadd.s32 $0xFFFFFF00  }
0x117: {  	v5 =	vld.idx.msk [tilespmem:v3+s8+$0x0 ss:$0x1], $0xffff  }
0x118: {  	s10 =	sor.u32 $0x18A00, s2  }
0x119: {  	v4 =	vmov s10;
	_ =	sdelay $0x2  }
0x11a: {  	v6 =	vshll.u32 v5, $0x2  }
0x11b: {  	v5 =	vshrl.u32 v5, $0x10;
	v6 =	vand.u32 $0x3FFFC, v6  }
0x11c: {  	s10 =	simm.s32 $0x80;
	s9 =	simm.s32 $0x40;
	[tilespmem:v4+s8+$0x0 ss:$0x1] =	vst.idx.msk $0xffff, v5;
	v5 =	vor.u32 v1, v6  }
.LBB2_18:
0x11d: {  	p0 =	sne.s32 s10, $0x3C0  }
0x11e: {  	[tilespmem:v3+s8+$0x0 ss:$0x1] =	vst.idx.msk $0xffff, v5;
	s8 =	sshra.s32 s9, $0x2;
	s9 =	smov.u32 s10;
	s10 =	sadd.s32 $0x40, s10  }
0x11f: {  	v5 =	vld.idx.msk [tilespmem:v3+s8+$0x0 ss:$0x1], $0xffff;
	_ =	sdelay $0x3  }
.Ltmp14:
0x120: {  	(pc) =	sbr.rel @p0 .LBB2_18-.Ltmp14, $4  }
0x121: {  	_ = 	snop  }
0x122: {  	v6 =	vshrl.u32 v5, $0x10;
	v5 =	vshll.u32 v5, $0x2  }
0x123: {  	v5 =	vand.u32 $0x3FFFC, v5;
	[tilespmem:v4+s8+$0x0 ss:$0x1] =	vst.idx.msk $0xffff, v6  }
0x124: {  	v5 =	vor.u32 v1, v5  }
0x125: {  	_ =	sdelay $0x3  }
0x126: {  	s9 =	sshra.s32 s9, $0x2;
	[tilespmem:v3+s8+$0x0 ss:$0x1] =	vst.idx.msk $0xffff, v5  }
0x127: {  	v5 =	vld.idx.msk [tilespmem:v3+s9+$0x0 ss:$0x1], $0xffff;
	_ =	sdelay $0x4  }
0x128: {  	v6 =	vshll.u32 v5, $0x2  }
0x129: {  	v5 =	vshrl.u32 v5, $0x10;
	v6 =	vand.u32 $0x3FFFC, v6  }
.Ltmp15:
0x12a: {  	s3 =	sshll.u32 s3, $0xD;
	[tilespmem:v4+s9+$0x0 ss:$0x1] =	vst.idx.msk $0xffff, v5;
	v63 =	vor.u32 v1, v6;
	(pc) =	sbr.rel .LBB2_20-.Ltmp15, $4  }
0x12b: {  	s10 =	sor.u32 $0x18C00, s3;
	[tilespmem:v3+s9+$0x0 ss:$0x1] =	vst.idx.msk $0xffff, v63  }
0x12c: {  	[tilespmem:s10], [sflag:$0x1] =	stream.indirect.gather [hbm4b:s5+s28], $0x20, s7, s28, $0xb8;
	[tilespmem:$0x1CC00] =	vst v63  }
0x12d: {  	s2 =	sadd.s32 $0x18880, s2;
	s3 =	sor.u32 $0x19C00, s3  }
0x12e: {  	[tilespmem:s3], [sflag:$0x1] =	stream.indirect.gather [hbm4b:s5+s28], $0x20, s2, s28, $0xb8;
	[tilespmem:$0x1CC00] =	vst v63  }
.LBB2_22:
0x12f: {  	_ =	sfence.sel $0x180000  }
0x130: {  	[bflag:$0x0] =	sbarrier.arrive $0xFFFF  }
0x131: {  	_ =	strace $0x90000050  }
0x132: {  	s0 =	stileid.u32;
	[bflag:$0x2] =	sbarrier.arrive $0xFFFF  }
0x133: {  	p0 =	sne.s32 s0, $0x0;
	s0 =	rddreg [dreg:$0x2]  }
0x134: {  	s0 =	sadd.s32 @!p0 $0x100000, s0  }
0x135: {  	[sflag:s0] =	ssyncadd.tile.s32 @!p0 $0x1;
	_ =	shalt  }
.Lfunc_end2:
_tile_overlayer_lowered:
.L_overlay_start_2:
0x136: {  	(tag) =	ssettag $0x2  }
0x137: {  	s0 =	rddreg [dreg:$0x0];
	s2 =	stileid.u32  }
0x138: {  	s1 =	rddreg [dreg:$0x1];
	p0 =	sne.s32 s2, $0x0  }
0x139: {  	s3 =	rddreg [dreg:$0x2];
	[bflag:$0x3] =	sbarrier.arrive $0xFFFF;
	s2 =	simm.s32 @!p0 $0x1C03  }
0x13a: {  	[timem:s3], [sflag:s2] =	dma.local @!p0 [hbm:s0], s1  }
0x13b: {  	s0 =	simm.s32 @!p0 $0x3  }
0x13c: {  	_ =	swait.ge @!p0 [sflag:s0], s1  }
0x13d: {  	s1 =	ssub.s32 @!p0 $0x0, s1;
	[sflag:s0] =	ssyncset.done @!p0 $0x0  }
0x13e: {  	[sflag:s0] =	ssyncadd.s32 @!p0 s1  }
0x13f: {  	[bflag:$0x3] =	sbarrier.arrive $0xFFFF  }
0x140: {  	_ =	shalt  }

</sc_bundles>
